<compile_context>
chip_gen: v7x
topology: tpu7x:2x2x1
jax: 0.10.2.dev20260603
libtpu: 0.0.44.dev20260713+nightly
codegen_flags: <defaults>
</compile_context>

<pallas_src>
import functools
import jax
import jax.numpy as jnp
from jax import lax
from jax.experimental import pallas as pl
from jax.experimental.pallas import tpu as pltpu
from jax.experimental.pallas import tpu_sc as plsc

_N_NODES = 100000
_E = 6400000
_NC = 2
_NS = 16
_L = 16
_NW = _NC * _NS
_EPW = _E // _NW
_C1 = 8000
_NCH1 = _EPW // _C1
_C2 = 4000
_NCH2 = _EPW // _C2
_SLC = 6272
_NPAD = _SLC * _NS
_CSL = 3136
_U = 10

_mesh = plsc.VectorSubcoreMesh(
    core_axis_name="c", subcore_axis_name="s", num_cores=_NC, num_subcores=_NS
)


def _sigmoid(x):
  return 1.0 / (1.0 + jnp.exp(-x))


@functools.partial(
    pl.kernel,
    out_type=(jax.ShapeDtypeStruct((_NPAD,), jnp.float32),
              jax.ShapeDtypeStruct((_NPAD,), jnp.float32),
              jax.ShapeDtypeStruct((_E,), jnp.float32)),
    mesh=_mesh,
    compiler_params=pltpu.CompilerParams(needs_layout_passes=False),
    scratch_types=[
        pltpu.VMEM_SHARED((_NPAD,), jnp.float32),
        pltpu.VMEM((_C1,), jnp.int32),
        pltpu.VMEM((_C1,), jnp.int32),
        pltpu.VMEM((_C1,), jnp.int32),
        pltpu.VMEM((_C1,), jnp.float32),
        pltpu.VMEM((_C1,), jnp.float32),
        pltpu.VMEM((_C1,), jnp.float32),
        pltpu.SemaphoreType.DMA,
        pltpu.SemaphoreType.DMA,
        pltpu.SemaphoreType.DMA,
        pltpu.SemaphoreType.DMA,
        pltpu.SemaphoreType.DMA,
        pltpu.SemaphoreType.DMA,
    ],
)
def _deg_kernel(z_hbm, ei_hbm, p0_hbm, p1_hbm, w_hbm, deg_sh, row0, row1,
                row2, zw0, zw1, zw2, zsem, rsem, ssem0, ssem1, wsem0, wsem1):
  cid = lax.axis_index("c")
  sid = lax.axis_index("s")
  wid = cid * _NS + sid
  rows = (row0, row1, row2)
  zws = (zw0, zw1, zw2)
  ssems = (ssem0, ssem1)
  wsems = (wsem0, wsem1)
  base = wid * _EPW

  def _sigmoid_chunk(zw):
    @plsc.parallel_loop(0, _C1, _L, unroll=_U)
    def _vec(s):
      zw[pl.ds(s, _L)] = _sigmoid(zw[pl.ds(s, _L)])

  def _pref_in(j, slot):
    pltpu.async_copy(z_hbm.at[pl.ds(base + j * _C1, _C1)], zws[slot], zsem)
    pltpu.async_copy(ei_hbm.at[pl.ds(base + j * _C1, _C1)], rows[slot], rsem)

  def _wait_in(j, slot):
    pltpu.make_async_copy(
        z_hbm.at[pl.ds(base + j * _C1, _C1)], zws[slot], zsem).wait()
    pltpu.make_async_copy(
        ei_hbm.at[pl.ds(base + j * _C1, _C1)], rows[slot], rsem).wait()

  def _scatter(j, slot, par):
    pltpu.async_copy(zws[slot], deg_sh.at[rows[slot]], ssems[par], add=True)
    pltpu.async_copy(zws[slot], w_hbm.at[pl.ds(base + j * _C1, _C1)],
                     wsems[par])

  def _wait_scatter(j, slot, par):
    pltpu.make_async_copy(
        zws[slot], deg_sh.at[rows[slot]], ssems[par]).wait()
    pltpu.make_async_copy(
        zws[slot], w_hbm.at[pl.ds(base + j * _C1, _C1)], wsems[par]).wait()

  @plsc.parallel_loop(0, _SLC, _L, unroll=8)
  def _zero(s):
    zw0[pl.ds(s, _L)] = jnp.zeros((_L,), jnp.float32)
  pltpu.sync_copy(zw0.at[pl.ds(0, _SLC)],
                  deg_sh.at[pl.ds(sid * _SLC, _SLC)])
  plsc.subcore_barrier()

  pltpu.sync_copy(ei_hbm.at[pl.ds(base, _C1)], row0)
  pltpu.sync_copy(z_hbm.at[pl.ds(base, _C1)], zw0)
  _pref_in(1, 1)
  _sigmoid_chunk(zw0)
  _scatter(0, 0, 0)

  def _group(t, carry):
    g = 1 + 6 * t
    for p in range(6):
      jd = g + p
      slot = (1 + p) % 3
      par = (1 + p) % 2
      _wait_in(jd, slot)

      @pl.when(jd >= 2)
      def _():
        _wait_scatter(jd - 2, (slot + 1) % 3, par)

      @pl.when(jd + 1 < _NCH1)
      def _():
        _pref_in(jd + 1, (slot + 1) % 3)

      _sigmoid_chunk(zws[slot])
      _scatter(jd, slot, par)
    return carry
  lax.fori_loop(0, (_NCH1 - 1) // 6, _group, 0)

  _wait_scatter(_NCH1 - 2, (_NCH1 - 2) % 3, (_NCH1 - 2) % 2)
  _wait_scatter(_NCH1 - 1, (_NCH1 - 1) % 3, (_NCH1 - 1) % 2)
  plsc.subcore_barrier()

  @pl.when(cid == 0)
  def _():
    pltpu.sync_copy(deg_sh.at[pl.ds(sid * _SLC, _SLC)],
                    p0_hbm.at[pl.ds(sid * _SLC, _SLC)])

  @pl.when(cid == 1)
  def _():
    pltpu.sync_copy(deg_sh.at[pl.ds(sid * _SLC, _SLC)],
                    p1_hbm.at[pl.ds(sid * _SLC, _SLC)])


@functools.partial(
    pl.kernel,
    out_type=jax.ShapeDtypeStruct((_E,), jnp.float32),
    mesh=_mesh,
    compiler_params=pltpu.CompilerParams(needs_layout_passes=False),
    scratch_types=[
        pltpu.VMEM((_NPAD,), jnp.float32),
        pltpu.VMEM((_C2,), jnp.int32),
        pltpu.VMEM((_C2,), jnp.int32),
        pltpu.VMEM((_C2,), jnp.int32),
        pltpu.VMEM((_C2,), jnp.float32),
        pltpu.VMEM((_C2,), jnp.float32),
        pltpu.VMEM((_C2,), jnp.float32),
        pltpu.SemaphoreType.DMA,
        pltpu.SemaphoreType.DMA,
        pltpu.SemaphoreType.DMA,
        pltpu.SemaphoreType.DMA,
    ],
)
def _norm_kernel(w_hbm, ei_hbm, p0_hbm, p1_hbm, out_hbm, deg_v, row0, row1,
                 row2, zo0, zo1, zo2, zsem, rsem, osem0, osem1):
  cid = lax.axis_index("c")
  sid = lax.axis_index("s")
  wid = cid * _NS + sid
  rows = (row0, row1, row2)
  zos = (zo0, zo1, zo2)
  osems = (osem0, osem1)
  base = wid * _EPW

  pltpu.sync_copy(p0_hbm, deg_v)
  zbufs = (zo0, zo1)
  pltpu.async_copy(p1_hbm.at[pl.ds(0, _CSL)], zo0.at[pl.ds(0, _CSL)], zsem)

  def _combine(t, carry):
    for p in range(2):
      s = 2 * t + p
      buf = zbufs[p]
      sem = (zsem, rsem)[p]
      pltpu.make_async_copy(p1_hbm.at[pl.ds(s * _CSL, _CSL)],
                            buf.at[pl.ds(0, _CSL)], sem).wait()

      @pl.when(s + 1 < _NPAD // _CSL)
      def _():
        pltpu.async_copy(p1_hbm.at[pl.ds((s + 1) * _CSL, _CSL)],
                         zbufs[1 - p].at[pl.ds(0, _CSL)], (zsem, rsem)[1 - p])

      @plsc.parallel_loop(0, _CSL, _L, unroll=7)
      def _vec(i):
        d = deg_v[pl.ds(s * _CSL + i, _L)] + buf[pl.ds(i, _L)]
        deg_v[pl.ds(s * _CSL + i, _L)] = jnp.maximum(d, 1e-12)
    return carry
  lax.fori_loop(0, _NPAD // _CSL // 2, _combine, 0)

  def _norm_chunk(zo, row):
    @plsc.parallel_loop(0, _C2, _L, unroll=25)
    def _vec(s):
      idx = row[pl.ds(s, _L)]
      d = plsc.load_gather(deg_v, [idx])
      zo[pl.ds(s, _L)] = zo[pl.ds(s, _L)] / d

  def _pref_in(j, slot):
    pltpu.async_copy(w_hbm.at[pl.ds(base + j * _C2, _C2)], zos[slot], zsem)
    pltpu.async_copy(ei_hbm.at[pl.ds(base + j * _C2, _C2)], rows[slot], rsem)

  def _wait_in(j, slot):
    pltpu.make_async_copy(
        w_hbm.at[pl.ds(base + j * _C2, _C2)], zos[slot], zsem).wait()
    pltpu.make_async_copy(
        ei_hbm.at[pl.ds(base + j * _C2, _C2)], rows[slot], rsem).wait()

  def _out(j, slot, par):
    pltpu.async_copy(zos[slot], out_hbm.at[pl.ds(base + j * _C2, _C2)],
                     osems[par])

  def _wait_out(j, slot, par):
    pltpu.make_async_copy(
        zos[slot], out_hbm.at[pl.ds(base + j * _C2, _C2)], osems[par]).wait()

  pltpu.sync_copy(ei_hbm.at[pl.ds(base, _C2)], row0)
  pltpu.sync_copy(w_hbm.at[pl.ds(base, _C2)], zo0)
  pltpu.sync_copy(ei_hbm.at[pl.ds(base + _C2, _C2)], row1)
  pltpu.sync_copy(w_hbm.at[pl.ds(base + _C2, _C2)], zo1)
  _pref_in(2, 2)
  _norm_chunk(zo0, row0)
  _out(0, 0, 0)
  _norm_chunk(zo1, row1)
  _out(1, 1, 1)

  def _group(t, carry):
    g = 2 + 6 * t
    for p in range(6):
      jd = g + p
      slot = (2 + p) % 3
      par = p % 2
      _wait_in(jd, slot)
      _wait_out(jd - 2, (slot + 1) % 3, par)

      @pl.when(jd + 1 < _NCH2)
      def _():
        _pref_in(jd + 1, (slot + 1) % 3)

      _norm_chunk(zos[slot], rows[slot])
      _out(jd, slot, par)
    return carry
  lax.fori_loop(0, (_NCH2 - 2) // 6, _group, 0)

  _wait_out(_NCH2 - 2, (_NCH2 - 2) % 3, (_NCH2 - 2) % 2)
  _wait_out(_NCH2 - 1, (_NCH2 - 1) % 3, (_NCH2 - 1) % 2)


def kernel(z, edge_index):
  ei_flat = edge_index.reshape(-1)
  p0, p1, w = _deg_kernel(z, ei_flat)
  return _norm_kernel(w, ei_flat, p0, p1)

# --- scband reference (transcript-rebuilt; emitter-appended) ---
"""Pipeline reference for scband-differentiable-social-mask-10737418240850 (READ-ONLY COPY).

The authoritative reference and input builder live on the scoring server;
editing this copy changes nothing except your own understanding.
"""

import jax, jax.numpy as jnp
import numpy as np

NUM_NODES = 100000
E = 6400000
T = 1.0

def setup_inputs(seed: int = 0) -> dict:
    key = jax.random.key(seed)
    k1, k2 = jax.random.split(key)
    edge_index = jax.random.randint(k1, (2, E), 0, NUM_NODES, dtype=jnp.int32)
    z = jax.random.normal(k2, (E,), dtype=jnp.float32)
    return {"z": z, "edge_index": edge_index}

def reference(z, edge_index):
    # gate_values: S = sigmoid(z / t)
    w = jax.nn.sigmoid(z / T)
    # row_normalized_adjacency: S_hat = D^{-1} S
    row = edge_index[0]
    deg = jax.ops.segment_sum(w, row, num_segments=NUM_NODES)
    deg = jnp.clip(deg, 1e-12, None)
    w_hat = w / deg[row]
    return w_hat

if __name__ == "__main__":
    import jax
    _d = setup_inputs()
    print(jax.jit(kernel)(*tuple(_d.values())))

</pallas_src>

<mosaic_0001>
#map = affine_map<(d0, d1) -> (0)>
module attributes {stable_mosaic.version = 14 : i64} {
  func.func @_deg_kernel(%arg0: i32, %arg1: i32, %arg2: memref<6400000xf32, #tpu.memory_space<hbm>>, %arg3: memref<12800000xi32, #tpu.memory_space<hbm>>, %arg4: memref<100352xf32, #tpu.memory_space<hbm>>, %arg5: memref<100352xf32, #tpu.memory_space<hbm>>, %arg6: memref<6400000xf32, #tpu.memory_space<hbm>>, %arg7: memref<100352xf32, #tpu.memory_space<vmem_shared>>, %arg8: memref<8000xi32, #tpu.memory_space<vmem>>, %arg9: memref<8000xi32, #tpu.memory_space<vmem>>, %arg10: memref<8000xi32, #tpu.memory_space<vmem>>, %arg11: memref<8000xf32, #tpu.memory_space<vmem>>, %arg12: memref<8000xf32, #tpu.memory_space<vmem>>, %arg13: memref<8000xf32, #tpu.memory_space<vmem>>, %arg14: memref<!tpu.dma_semaphore, #tpu.memory_space<semaphore_mem>>, %arg15: memref<!tpu.dma_semaphore, #tpu.memory_space<semaphore_mem>>, %arg16: memref<!tpu.dma_semaphore, #tpu.memory_space<semaphore_mem>>, %arg17: memref<!tpu.dma_semaphore, #tpu.memory_space<semaphore_mem>>, %arg18: memref<!tpu.dma_semaphore, #tpu.memory_space<semaphore_mem>>, %arg19: memref<!tpu.dma_semaphore, #tpu.memory_space<semaphore_mem>>) attributes {dimension_semantics = [#tpu.dimension_semantics<core_parallel>, #tpu.dimension_semantics<subcore_parallel>], iteration_bounds = array<i64: 2, 16>, scalar_prefetch = 0 : i64, scratch_operands = 13 : i64, tpu.core_type = #tpu.core_type<sc_vector_subcore>, window_params = [{transform_indices = #map}, {transform_indices = #map}, {transform_indices = #map}, {transform_indices = #map}, {transform_indices = #map}]} {
    %mul3A = arith.constant 16 : i32
    %mul3A_0 = arith.muli %arg0, %mul3A : i32
    %add3A = arith.addi %mul3A_0, %arg1 : i32
    %mul3A_1 = arith.constant 200000 : i32
    %mul3A_2 = arith.muli %add3A, %mul3A_1 : i32
    %parallel_loop3A = arith.constant 0 : i32
    %parallel_loop3A_3 = arith.constant 6272 : i32
    %parallel_loop3A_4 = arith.constant 16 : i32
    scf.for %parallel_loop3A_47 = %parallel_loop3A to %parallel_loop3A_3 step %parallel_loop3A_4  : i32 {
      %parallel_loop3A_48 = arith.constant 0.000000e+00 : f32
      %parallel_loop3A_49 = vector.broadcast %parallel_loop3A_48 : f32 to vector<16xf32>
      %parallel_loop3A_50 = arith.index_cast %parallel_loop3A_47 : i32 to index
      %parallel_loop3A_51 = tpu.vector_load %arg11[%parallel_loop3A_50] {strides = array<i32>} : memref<8000xf32, #tpu.memory_space<vmem>>, vector<16xf32>,
      tpu.vector_store %arg11[%parallel_loop3A_50], %parallel_loop3A_49 {strides = array<i32>} : memref<8000xf32, #tpu.memory_space<vmem>>, vector<16xf32>,
    } {sc.loop_unroll_factor = 8 : i64, sc.parallel_access}
    %mul3A_5 = arith.constant 6272 : i32
    %mul3A_6 = arith.muli %arg1, %mul3A_5 : i32
    "tpu.region"() ({
      %run_scoped3A = tpu.sem_alloc : memref<!tpu.dma_semaphore, #tpu.memory_space<semaphore_mem>>
      %dma_start3A_47 = arith.constant 0 : i32
      %dma_start3A_48 = tpu.memref_slice %arg11[%dma_start3A_47] : memref<8000xf32, #tpu.memory_space<vmem>> -> memref<6272xf32, #tpu.memory_space<vmem>>
      %dma_start3A_49 = tpu.memref_slice %arg7[%mul3A_6] : memref<100352xf32, #tpu.memory_space<vmem_shared>> -> memref<6272xf32, #tpu.memory_space<vmem_shared>>
      %dma_start3A_50 = tpu.memref_slice %arg7[%mul3A_6] : memref<100352xf32, #tpu.memory_space<vmem_shared>> -> memref<6272xf32, #tpu.memory_space<vmem_shared>>
      %dma_start3A_51 = arith.constant 0 : i32
      %dma_start3A_52 = tpu.memref_slice %arg11[%dma_start3A_51] : memref<8000xf32, #tpu.memory_space<vmem>> -> memref<6272xf32, #tpu.memory_space<vmem>>
      tpu.enqueue_dma source(%dma_start3A_52 : memref<6272xf32, #tpu.memory_space<vmem>>) target(%dma_start3A_50 : memref<6272xf32, #tpu.memory_space<vmem_shared>>) target_semaphore(%run_scoped3A : memref<!tpu.dma_semaphore, #tpu.memory_space<semaphore_mem>>)
      %dma_wait3A_53 = arith.constant 0 : i32
      %dma_wait3A_54 = tpu.memref_slice %arg11[%dma_wait3A_53] : memref<8000xf32, #tpu.memory_space<vmem>> -> memref<6272xf32, #tpu.memory_space<vmem>>
      %dma_wait3A_55 = tpu.memref_slice %arg7[%mul3A_6] : memref<100352xf32, #tpu.memory_space<vmem_shared>> -> memref<6272xf32, #tpu.memory_space<vmem_shared>>
      %dma_wait3A_56 = tpu.memref_slice %arg7[%mul3A_6] : memref<100352xf32, #tpu.memory_space<vmem_shared>> -> memref<6272xf32, #tpu.memory_space<vmem_shared>>
      %dma_wait3A_57 = arith.constant 0 : i32
      %dma_wait3A_58 = tpu.memref_slice %arg11[%dma_wait3A_57] : memref<8000xf32, #tpu.memory_space<vmem>> -> memref<6272xf32, #tpu.memory_space<vmem>>
      tpu.wait_dma2 semaphore(%run_scoped3A : memref<!tpu.dma_semaphore, #tpu.memory_space<semaphore_mem>>) src(%dma_wait3A_58 : memref<6272xf32, #tpu.memory_space<vmem>>) dst(%dma_wait3A_56 : memref<6272xf32, #tpu.memory_space<vmem_shared>>)
      tpu.yield
    }) : () -> ()
    %barrier3A = arith.constant 0 : index
    tpu.barrier barrier_id(%barrier3A)
    "tpu.region"() ({
      %run_scoped3A = tpu.sem_alloc : memref<!tpu.dma_semaphore, #tpu.memory_space<semaphore_mem>>
      %dma_start3A_47 = tpu.memref_slice %arg3[%mul3A_2] : memref<12800000xi32, #tpu.memory_space<hbm>> -> memref<8000xi32, #tpu.memory_space<hbm>>
      %dma_start3A_48 = tpu.memref_slice %arg3[%mul3A_2] : memref<12800000xi32, #tpu.memory_space<hbm>> -> memref<8000xi32, #tpu.memory_space<hbm>>
      tpu.enqueue_dma source(%dma_start3A_48 : memref<8000xi32, #tpu.memory_space<hbm>>) target(%arg8 : memref<8000xi32, #tpu.memory_space<vmem>>) target_semaphore(%run_scoped3A : memref<!tpu.dma_semaphore, #tpu.memory_space<semaphore_mem>>)
      %dma_wait3A_49 = tpu.memref_slice %arg3[%mul3A_2] : memref<12800000xi32, #tpu.memory_space<hbm>> -> memref<8000xi32, #tpu.memory_space<hbm>>
      %dma_wait3A_50 = tpu.memref_slice %arg3[%mul3A_2] : memref<12800000xi32, #tpu.memory_space<hbm>> -> memref<8000xi32, #tpu.memory_space<hbm>>
      tpu.wait_dma2 semaphore(%run_scoped3A : memref<!tpu.dma_semaphore, #tpu.memory_space<semaphore_mem>>) src(%dma_wait3A_50 : memref<8000xi32, #tpu.memory_space<hbm>>) dst(%arg8 : memref<8000xi32, #tpu.memory_space<vmem>>)
      tpu.yield
    }) : () -> ()
    "tpu.region"() ({
      %run_scoped3A = tpu.sem_alloc : memref<!tpu.dma_semaphore, #tpu.memory_space<semaphore_mem>>
      %dma_start3A_47 = tpu.memref_slice %arg2[%mul3A_2] : memref<6400000xf32, #tpu.memory_space<hbm>> -> memref<8000xf32, #tpu.memory_space<hbm>>
      %dma_start3A_48 = tpu.memref_slice %arg2[%mul3A_2] : memref<6400000xf32, #tpu.memory_space<hbm>> -> memref<8000xf32, #tpu.memory_space<hbm>>
      tpu.enqueue_dma source(%dma_start3A_48 : memref<8000xf32, #tpu.memory_space<hbm>>) target(%arg11 : memref<8000xf32, #tpu.memory_space<vmem>>) target_semaphore(%run_scoped3A : memref<!tpu.dma_semaphore, #tpu.memory_space<semaphore_mem>>)
      %dma_wait3A_49 = tpu.memref_slice %arg2[%mul3A_2] : memref<6400000xf32, #tpu.memory_space<hbm>> -> memref<8000xf32, #tpu.memory_space<hbm>>
      %dma_wait3A_50 = tpu.memref_slice %arg2[%mul3A_2] : memref<6400000xf32, #tpu.memory_space<hbm>> -> memref<8000xf32, #tpu.memory_space<hbm>>
      tpu.wait_dma2 semaphore(%run_scoped3A : memref<!tpu.dma_semaphore, #tpu.memory_space<semaphore_mem>>) src(%dma_wait3A_50 : memref<8000xf32, #tpu.memory_space<hbm>>) dst(%arg11 : memref<8000xf32, #tpu.memory_space<vmem>>)
      tpu.yield
    }) : () -> ()
    %add3A_7 = arith.constant 8000 : i32
    %add3A_8 = arith.addi %mul3A_2, %add3A_7 : i32
    %dma_start3A = tpu.memref_slice %arg2[%add3A_8] : memref<6400000xf32, #tpu.memory_space<hbm>> -> memref<8000xf32, #tpu.memory_space<hbm>>
    %dma_start3A_9 = tpu.memref_slice %arg2[%add3A_8] : memref<6400000xf32, #tpu.memory_space<hbm>> -> memref<8000xf32, #tpu.memory_space<hbm>>
    tpu.enqueue_dma source(%dma_start3A_9 : memref<8000xf32, #tpu.memory_space<hbm>>) target(%arg12 : memref<8000xf32, #tpu.memory_space<vmem>>) target_semaphore(%arg14 : memref<!tpu.dma_semaphore, #tpu.memory_space<semaphore_mem>>)
    %add3A_10 = arith.constant 8000 : i32
    %add3A_11 = arith.addi %mul3A_2, %add3A_10 : i32
    %dma_start3A_12 = tpu.memref_slice %arg3[%add3A_11] : memref<12800000xi32, #tpu.memory_space<hbm>> -> memref<8000xi32, #tpu.memory_space<hbm>>
    %dma_start3A_13 = tpu.memref_slice %arg3[%add3A_11] : memref<12800000xi32, #tpu.memory_space<hbm>> -> memref<8000xi32, #tpu.memory_space<hbm>>
    tpu.enqueue_dma source(%dma_start3A_13 : memref<8000xi32, #tpu.memory_space<hbm>>) target(%arg9 : memref<8000xi32, #tpu.memory_space<vmem>>) target_semaphore(%arg15 : memref<!tpu.dma_semaphore, #tpu.memory_space<semaphore_mem>>)
    %parallel_loop3A_14 = arith.constant 0 : i32
    %parallel_loop3A_15 = arith.constant 8000 : i32
    %parallel_loop3A_16 = arith.constant 16 : i32
    scf.for %parallel_loop3A_47 = %parallel_loop3A_14 to %parallel_loop3A_15 step %parallel_loop3A_16  : i32 {
      %parallel_loop3A_48 = arith.index_cast %parallel_loop3A_47 : i32 to index
      %parallel_loop3A_49 = tpu.vector_load %arg11[%parallel_loop3A_48] {strides = array<i32>} : memref<8000xf32, #tpu.memory_space<vmem>>, vector<16xf32>,
      %parallel_loop3A_50 = arith.constant 0.000000e+00 : f32
      %parallel_loop3A_51 = vector.broadcast %parallel_loop3A_50 : f32 to vector<16xf32>
      %parallel_loop3A_52 = arith.subf %parallel_loop3A_51, %parallel_loop3A_49 : vector<16xf32>
      %parallel_loop3A_53 = math.exp %parallel_loop3A_52 : vector<16xf32>
      %parallel_loop3A_54 = arith.constant 1.000000e+00 : f32
      %parallel_loop3A_55 = vector.broadcast %parallel_loop3A_54 : f32 to vector<16xf32>
      %parallel_loop3A_56 = arith.addf %parallel_loop3A_55, %parallel_loop3A_53 : vector<16xf32>
      %parallel_loop3A_57 = arith.constant 1.000000e+00 : f32
      %parallel_loop3A_58 = vector.broadcast %parallel_loop3A_57 : f32 to vector<16xf32>
      %parallel_loop3A_59 = arith.divf %parallel_loop3A_58, %parallel_loop3A_56 : vector<16xf32>
      %parallel_loop3A_60 = arith.index_cast %parallel_loop3A_47 : i32 to index
      %parallel_loop3A_61 = tpu.vector_load %arg11[%parallel_loop3A_60] {strides = array<i32>} : memref<8000xf32, #tpu.memory_space<vmem>>, vector<16xf32>,
      tpu.vector_store %arg11[%parallel_loop3A_60], %parallel_loop3A_59 {strides = array<i32>} : memref<8000xf32, #tpu.memory_space<vmem>>, vector<16xf32>,
    } {sc.loop_unroll_factor = 10 : i64, sc.parallel_access}
    %dma_start3A_17 = arith.constant 0 : i32
    %dma_start3A_18 = tpu.memref_slice %arg7[%dma_start3A_17] : memref<100352xf32, #tpu.memory_space<vmem_shared>> -> memref<100352xf32, #tpu.memory_space<vmem_shared>>
    tpu.enqueue_indirect_dma source(%arg11 : memref<8000xf32, #tpu.memory_space<vmem>>) target(%dma_start3A_18 : memref<100352xf32, #tpu.memory_space<vmem_shared>>) offsets(%arg8 : memref<8000xi32, #tpu.memory_space<vmem>>) semaphore(%arg16 : memref<!tpu.dma_semaphore, #tpu.memory_space<semaphore_mem>>) {add = true}
    %add3A_19 = arith.constant 0 : i32
    %add3A_20 = arith.addi %mul3A_2, %add3A_19 : i32
    %dma_start3A_21 = tpu.memref_slice %arg6[%add3A_20] : memref<6400000xf32, #tpu.memory_space<hbm>> -> memref<8000xf32, #tpu.memory_space<hbm>>
    %dma_start3A_22 = tpu.memref_slice %arg6[%add3A_20] : memref<6400000xf32, #tpu.memory_space<hbm>> -> memref<8000xf32, #tpu.memory_space<hbm>>
    tpu.enqueue_dma source(%arg11 : memref<8000xf32, #tpu.memory_space<vmem>>) target(%dma_start3A_22 : memref<8000xf32, #tpu.memory_space<hbm>>) target_semaphore(%arg18 : memref<!tpu.dma_semaphore, #tpu.memory_space<semaphore_mem>>)
    %scan3A = arith.constant 0 : i32
    %scan3A_23 = arith.constant 0 : i32
    %scan3A_24 = arith.constant 4 : i32
    %scan3A_25 = arith.addi %scan3A_23, %scan3A_24 : i32
    %scan3A_26 = arith.constant 1 : i32
    scf.for %scan3A_47 = %scan3A_23 to %scan3A_25 step %scan3A_26  : i32 {
      %mul3A_48 = arith.constant 6 : i32
      %mul3A_49 = arith.muli %mul3A_48, %scan3A_47 : i32
      %add3A_50 = arith.constant 1 : i32
      %add3A_51 = arith.addi %add3A_50, %mul3A_49 : i32
      %add3A_52 = arith.constant 0 : i32
      %add3A_53 = arith.addi %add3A_51, %add3A_52 : i32
      %mul3A_54 = arith.constant 8000 : i32
      %mul3A_55 = arith.muli %add3A_53, %mul3A_54 : i32
      %add3A_56 = arith.addi %mul3A_2, %mul3A_55 : i32
      %dma_wait3A_57 = tpu.memref_slice %arg2[%add3A_56] : memref<6400000xf32, #tpu.memory_space<hbm>> -> memref<8000xf32, #tpu.memory_space<hbm>>
      %dma_wait3A_58 = tpu.memref_slice %arg2[%add3A_56] : memref<6400000xf32, #tpu.memory_space<hbm>> -> memref<8000xf32, #tpu.memory_space<hbm>>
      tpu.wait_dma2 semaphore(%arg14 : memref<!tpu.dma_semaphore, #tpu.memory_space<semaphore_mem>>) src(%dma_wait3A_58 : memref<8000xf32, #tpu.memory_space<hbm>>) dst(%arg12 : memref<8000xf32, #tpu.memory_space<vmem>>)
      %mul3A_59 = arith.constant 8000 : i32
      %mul3A_60 = arith.muli %add3A_53, %mul3A_59 : i32
      %add3A_61 = arith.addi %mul3A_2, %mul3A_60 : i32
      %dma_wait3A_62 = tpu.memref_slice %arg3[%add3A_61] : memref<12800000xi32, #tpu.memory_space<hbm>> -> memref<8000xi32, #tpu.memory_space<hbm>>
      %dma_wait3A_63 = tpu.memref_slice %arg3[%add3A_61] : memref<12800000xi32, #tpu.memory_space<hbm>> -> memref<8000xi32, #tpu.memory_space<hbm>>
      tpu.wait_dma2 semaphore(%arg15 : memref<!tpu.dma_semaphore, #tpu.memory_space<semaphore_mem>>) src(%dma_wait3A_63 : memref<8000xi32, #tpu.memory_space<hbm>>) dst(%arg9 : memref<8000xi32, #tpu.memory_space<vmem>>)
      %ge3A = arith.constant 2 : i32
      %ge3A_64 = arith.cmpi sge, %add3A_53, %ge3A : i32
      %convert_element_type3A_65 = arith.extui %ge3A_64 : i1 to i32
      %cond3A_66 = arith.constant 0 : i32
      %cond3A_67 = arith.cmpi ne, %convert_element_type3A_65, %cond3A_66 : i32
      scf.if %cond3A_67 {
        %sub3A = arith.constant 2 : i32
        %sub3A_254 = arith.subi %add3A_53, %sub3A : i32
        %dma_wait3A_255 = arith.constant 0 : i32
        %dma_wait3A_256 = tpu.memref_slice %arg7[%dma_wait3A_255] : memref<100352xf32, #tpu.memory_space<vmem_shared>> -> memref<100352xf32, #tpu.memory_space<vmem_shared>>
        tpu.wait_indirect_dma semaphore(%arg17 : memref<!tpu.dma_semaphore, #tpu.memory_space<semaphore_mem>>) src(%arg13 : memref<8000xf32, #tpu.memory_space<vmem>>) dst(%dma_wait3A_256 : memref<100352xf32, #tpu.memory_space<vmem_shared>>)
        %mul3A_257 = arith.constant 8000 : i32
        %mul3A_258 = arith.muli %sub3A_254, %mul3A_257 : i32
        %add3A_259 = arith.addi %mul3A_2, %mul3A_258 : i32
        %dma_wait3A_260 = tpu.memref_slice %arg6[%add3A_259] : memref<6400000xf32, #tpu.memory_space<hbm>> -> memref<8000xf32, #tpu.memory_space<hbm>>
        %dma_wait3A_261 = tpu.memref_slice %arg6[%add3A_259] : memref<6400000xf32, #tpu.memory_space<hbm>> -> memref<8000xf32, #tpu.memory_space<hbm>>
        tpu.wait_dma2 semaphore(%arg19 : memref<!tpu.dma_semaphore, #tpu.memory_space<semaphore_mem>>) src(%arg13 : memref<8000xf32, #tpu.memory_space<vmem>>) dst(%dma_wait3A_261 : memref<8000xf32, #tpu.memory_space<hbm>>)
      } else {
      }
      %add3A_68 = arith.constant 1 : i32
      %add3A_69 = arith.addi %add3A_53, %add3A_68 : i32
      %lt3A = arith.constant 25 : i32
      %lt3A_70 = arith.cmpi slt, %add3A_69, %lt3A : i32
      %convert_element_type3A_71 = arith.extui %lt3A_70 : i1 to i32
      %cond3A_72 = arith.constant 0 : i32
      %cond3A_73 = arith.cmpi ne, %convert_element_type3A_71, %cond3A_72 : i32
      scf.if %cond3A_73 {
        %add3A_254 = arith.constant 1 : i32
        %add3A_255 = arith.addi %add3A_53, %add3A_254 : i32
        %mul3A_256 = arith.constant 8000 : i32
        %mul3A_257 = arith.muli %add3A_255, %mul3A_256 : i32
        %add3A_258 = arith.addi %mul3A_2, %mul3A_257 : i32
        %dma_start3A_259 = tpu.memref_slice %arg2[%add3A_258] : memref<6400000xf32, #tpu.memory_space<hbm>> -> memref<8000xf32, #tpu.memory_space<hbm>>
        %dma_start3A_260 = tpu.memref_slice %arg2[%add3A_258] : memref<6400000xf32, #tpu.memory_space<hbm>> -> memref<8000xf32, #tpu.memory_space<hbm>>
        tpu.enqueue_dma source(%dma_start3A_260 : memref<8000xf32, #tpu.memory_space<hbm>>) target(%arg13 : memref<8000xf32, #tpu.memory_space<vmem>>) target_semaphore(%arg14 : memref<!tpu.dma_semaphore, #tpu.memory_space<semaphore_mem>>)
        %mul3A_261 = arith.constant 8000 : i32
        %mul3A_262 = arith.muli %add3A_255, %mul3A_261 : i32
        %add3A_263 = arith.addi %mul3A_2, %mul3A_262 : i32
        %dma_start3A_264 = tpu.memref_slice %arg3[%add3A_263] : memref<12800000xi32, #tpu.memory_space<hbm>> -> memref<8000xi32, #tpu.memory_space<hbm>>
        %dma_start3A_265 = tpu.memref_slice %arg3[%add3A_263] : memref<12800000xi32, #tpu.memory_space<hbm>> -> memref<8000xi32, #tpu.memory_space<hbm>>
        tpu.enqueue_dma source(%dma_start3A_265 : memref<8000xi32, #tpu.memory_space<hbm>>) target(%arg10 : memref<8000xi32, #tpu.memory_space<vmem>>) target_semaphore(%arg15 : memref<!tpu.dma_semaphore, #tpu.memory_space<semaphore_mem>>)
      } else {
      }
      %parallel_loop3A_74 = arith.constant 0 : i32
      %parallel_loop3A_75 = arith.constant 8000 : i32
      %parallel_loop3A_76 = arith.constant 16 : i32
      scf.for %parallel_loop3A_254 = %parallel_loop3A_74 to %parallel_loop3A_75 step %parallel_loop3A_76  : i32 {
        %parallel_loop3A_255 = arith.index_cast %parallel_loop3A_254 : i32 to index
        %parallel_loop3A_256 = tpu.vector_load %arg12[%parallel_loop3A_255] {strides = array<i32>} : memref<8000xf32, #tpu.memory_space<vmem>>, vector<16xf32>,
        %parallel_loop3A_257 = arith.constant 0.000000e+00 : f32
        %parallel_loop3A_258 = vector.broadcast %parallel_loop3A_257 : f32 to vector<16xf32>
        %parallel_loop3A_259 = arith.subf %parallel_loop3A_258, %parallel_loop3A_256 : vector<16xf32>
        %parallel_loop3A_260 = math.exp %parallel_loop3A_259 : vector<16xf32>
        %parallel_loop3A_261 = arith.constant 1.000000e+00 : f32
        %parallel_loop3A_262 = vector.broadcast %parallel_loop3A_261 : f32 to vector<16xf32>
        %parallel_loop3A_263 = arith.addf %parallel_loop3A_262, %parallel_loop3A_260 : vector<16xf32>
        %parallel_loop3A_264 = arith.constant 1.000000e+00 : f32
        %parallel_loop3A_265 = vector.broadcast %parallel_loop3A_264 : f32 to vector<16xf32>
        %parallel_loop3A_266 = arith.divf %parallel_loop3A_265, %parallel_loop3A_263 : vector<16xf32>
        %parallel_loop3A_267 = arith.index_cast %parallel_loop3A_254 : i32 to index
        %parallel_loop3A_268 = tpu.vector_load %arg12[%parallel_loop3A_267] {strides = array<i32>} : memref<8000xf32, #tpu.memory_space<vmem>>, vector<16xf32>,
        tpu.vector_store %arg12[%parallel_loop3A_267], %parallel_loop3A_266 {strides = array<i32>} : memref<8000xf32, #tpu.memory_space<vmem>>, vector<16xf32>,
      } {sc.loop_unroll_factor = 10 : i64, sc.parallel_access}
      %dma_start3A_77 = arith.constant 0 : i32
      %dma_start3A_78 = tpu.memref_slice %arg7[%dma_start3A_77] : memref<100352xf32, #tpu.memory_space<vmem_shared>> -> memref<100352xf32, #tpu.memory_space<vmem_shared>>
      tpu.enqueue_indirect_dma source(%arg12 : memref<8000xf32, #tpu.memory_space<vmem>>) target(%dma_start3A_78 : memref<100352xf32, #tpu.memory_space<vmem_shared>>) offsets(%arg9 : memref<8000xi32, #tpu.memory_space<vmem>>) semaphore(%arg17 : memref<!tpu.dma_semaphore, #tpu.memory_space<semaphore_mem>>) {add = true}
      %mul3A_79 = arith.constant 8000 : i32
      %mul3A_80 = arith.muli %add3A_53, %mul3A_79 : i32
      %add3A_81 = arith.addi %mul3A_2, %mul3A_80 : i32
      %dma_start3A_82 = tpu.memref_slice %arg6[%add3A_81] : memref<6400000xf32, #tpu.memory_space<hbm>> -> memref<8000xf32, #tpu.memory_space<hbm>>
      %dma_start3A_83 = tpu.memref_slice %arg6[%add3A_81] : memref<6400000xf32, #tpu.memory_space<hbm>> -> memref<8000xf32, #tpu.memory_space<hbm>>
      tpu.enqueue_dma source(%arg12 : memref<8000xf32, #tpu.memory_space<vmem>>) target(%dma_start3A_83 : memref<8000xf32, #tpu.memory_space<hbm>>) target_semaphore(%arg19 : memref<!tpu.dma_semaphore, #tpu.memory_space<semaphore_mem>>)
      %add3A_84 = arith.constant 1 : i32
      %add3A_85 = arith.addi %add3A_51, %add3A_84 : i32
      %mul3A_86 = arith.constant 8000 : i32
      %mul3A_87 = arith.muli %add3A_85, %mul3A_86 : i32
      %add3A_88 = arith.addi %mul3A_2, %mul3A_87 : i32
      %dma_wait3A_89 = tpu.memref_slice %arg2[%add3A_88] : memref<6400000xf32, #tpu.memory_space<hbm>> -> memref<8000xf32, #tpu.memory_space<hbm>>
      %dma_wait3A_90 = tpu.memref_slice %arg2[%add3A_88] : memref<6400000xf32, #tpu.memory_space<hbm>> -> memref<8000xf32, #tpu.memory_space<hbm>>
      tpu.wait_dma2 semaphore(%arg14 : memref<!tpu.dma_semaphore, #tpu.memory_space<semaphore_mem>>) src(%dma_wait3A_90 : memref<8000xf32, #tpu.memory_space<hbm>>) dst(%arg13 : memref<8000xf32, #tpu.memory_space<vmem>>)
      %mul3A_91 = arith.constant 8000 : i32
      %mul3A_92 = arith.muli %add3A_85, %mul3A_91 : i32
      %add3A_93 = arith.addi %mul3A_2, %mul3A_92 : i32
      %dma_wait3A_94 = tpu.memref_slice %arg3[%add3A_93] : memref<12800000xi32, #tpu.memory_space<hbm>> -> memref<8000xi32, #tpu.memory_space<hbm>>
      %dma_wait3A_95 = tpu.memref_slice %arg3[%add3A_93] : memref<12800000xi32, #tpu.memory_space<hbm>> -> memref<8000xi32, #tpu.memory_space<hbm>>
      tpu.wait_dma2 semaphore(%arg15 : memref<!tpu.dma_semaphore, #tpu.memory_space<semaphore_mem>>) src(%dma_wait3A_95 : memref<8000xi32, #tpu.memory_space<hbm>>) dst(%arg10 : memref<8000xi32, #tpu.memory_space<vmem>>)
      %ge3A_96 = arith.constant 2 : i32
      %ge3A_97 = arith.cmpi sge, %add3A_85, %ge3A_96 : i32
      %convert_element_type3A_98 = arith.extui %ge3A_97 : i1 to i32
      %cond3A_99 = arith.constant 0 : i32
      %cond3A_100 = arith.cmpi ne, %convert_element_type3A_98, %cond3A_99 : i32
      scf.if %cond3A_100 {
        %sub3A = arith.constant 2 : i32
        %sub3A_254 = arith.subi %add3A_85, %sub3A : i32
        %dma_wait3A_255 = arith.constant 0 : i32
        %dma_wait3A_256 = tpu.memref_slice %arg7[%dma_wait3A_255] : memref<100352xf32, #tpu.memory_space<vmem_shared>> -> memref<100352xf32, #tpu.memory_space<vmem_shared>>
        tpu.wait_indirect_dma semaphore(%arg16 : memref<!tpu.dma_semaphore, #tpu.memory_space<semaphore_mem>>) src(%arg11 : memref<8000xf32, #tpu.memory_space<vmem>>) dst(%dma_wait3A_256 : memref<100352xf32, #tpu.memory_space<vmem_shared>>)
        %mul3A_257 = arith.constant 8000 : i32
        %mul3A_258 = arith.muli %sub3A_254, %mul3A_257 : i32
        %add3A_259 = arith.addi %mul3A_2, %mul3A_258 : i32
        %dma_wait3A_260 = tpu.memref_slice %arg6[%add3A_259] : memref<6400000xf32, #tpu.memory_space<hbm>> -> memref<8000xf32, #tpu.memory_space<hbm>>
        %dma_wait3A_261 = tpu.memref_slice %arg6[%add3A_259] : memref<6400000xf32, #tpu.memory_space<hbm>> -> memref<8000xf32, #tpu.memory_space<hbm>>
        tpu.wait_dma2 semaphore(%arg18 : memref<!tpu.dma_semaphore, #tpu.memory_space<semaphore_mem>>) src(%arg11 : memref<8000xf32, #tpu.memory_space<vmem>>) dst(%dma_wait3A_261 : memref<8000xf32, #tpu.memory_space<hbm>>)
      } else {
      }
      %add3A_101 = arith.constant 1 : i32
      %add3A_102 = arith.addi %add3A_85, %add3A_101 : i32
      %lt3A_103 = arith.constant 25 : i32
      %lt3A_104 = arith.cmpi slt, %add3A_102, %lt3A_103 : i32
      %convert_element_type3A_105 = arith.extui %lt3A_104 : i1 to i32
      %cond3A_106 = arith.constant 0 : i32
      %cond3A_107 = arith.cmpi ne, %convert_element_type3A_105, %cond3A_106 : i32
      scf.if %cond3A_107 {
        %add3A_254 = arith.constant 1 : i32
        %add3A_255 = arith.addi %add3A_85, %add3A_254 : i32
        %mul3A_256 = arith.constant 8000 : i32
        %mul3A_257 = arith.muli %add3A_255, %mul3A_256 : i32
        %add3A_258 = arith.addi %mul3A_2, %mul3A_257 : i32
        %dma_start3A_259 = tpu.memref_slice %arg2[%add3A_258] : memref<6400000xf32, #tpu.memory_space<hbm>> -> memref<8000xf32, #tpu.memory_space<hbm>>
        %dma_start3A_260 = tpu.memref_slice %arg2[%add3A_258] : memref<6400000xf32, #tpu.memory_space<hbm>> -> memref<8000xf32, #tpu.memory_space<hbm>>
        tpu.enqueue_dma source(%dma_start3A_260 : memref<8000xf32, #tpu.memory_space<hbm>>) target(%arg11 : memref<8000xf32, #tpu.memory_space<vmem>>) target_semaphore(%arg14 : memref<!tpu.dma_semaphore, #tpu.memory_space<semaphore_mem>>)
        %mul3A_261 = arith.constant 8000 : i32
        %mul3A_262 = arith.muli %add3A_255, %mul3A_261 : i32
        %add3A_263 = arith.addi %mul3A_2, %mul3A_262 : i32
        %dma_start3A_264 = tpu.memref_slice %arg3[%add3A_263] : memref<12800000xi32, #tpu.memory_space<hbm>> -> memref<8000xi32, #tpu.memory_space<hbm>>
        %dma_start3A_265 = tpu.memref_slice %arg3[%add3A_263] : memref<12800000xi32, #tpu.memory_space<hbm>> -> memref<8000xi32, #tpu.memory_space<hbm>>
        tpu.enqueue_dma source(%dma_start3A_265 : memref<8000xi32, #tpu.memory_space<hbm>>) target(%arg8 : memref<8000xi32, #tpu.memory_space<vmem>>) target_semaphore(%arg15 : memref<!tpu.dma_semaphore, #tpu.memory_space<semaphore_mem>>)
      } else {
      }
      %parallel_loop3A_108 = arith.constant 0 : i32
      %parallel_loop3A_109 = arith.constant 8000 : i32
      %parallel_loop3A_110 = arith.constant 16 : i32
      scf.for %parallel_loop3A_254 = %parallel_loop3A_108 to %parallel_loop3A_109 step %parallel_loop3A_110  : i32 {
        %parallel_loop3A_255 = arith.index_cast %parallel_loop3A_254 : i32 to index
        %parallel_loop3A_256 = tpu.vector_load %arg13[%parallel_loop3A_255] {strides = array<i32>} : memref<8000xf32, #tpu.memory_space<vmem>>, vector<16xf32>,
        %parallel_loop3A_257 = arith.constant 0.000000e+00 : f32
        %parallel_loop3A_258 = vector.broadcast %parallel_loop3A_257 : f32 to vector<16xf32>
        %parallel_loop3A_259 = arith.subf %parallel_loop3A_258, %parallel_loop3A_256 : vector<16xf32>
        %parallel_loop3A_260 = math.exp %parallel_loop3A_259 : vector<16xf32>
        %parallel_loop3A_261 = arith.constant 1.000000e+00 : f32
        %parallel_loop3A_262 = vector.broadcast %parallel_loop3A_261 : f32 to vector<16xf32>
        %parallel_loop3A_263 = arith.addf %parallel_loop3A_262, %parallel_loop3A_260 : vector<16xf32>
        %parallel_loop3A_264 = arith.constant 1.000000e+00 : f32
        %parallel_loop3A_265 = vector.broadcast %parallel_loop3A_264 : f32 to vector<16xf32>
        %parallel_loop3A_266 = arith.divf %parallel_loop3A_265, %parallel_loop3A_263 : vector<16xf32>
        %parallel_loop3A_267 = arith.index_cast %parallel_loop3A_254 : i32 to index
        %parallel_loop3A_268 = tpu.vector_load %arg13[%parallel_loop3A_267] {strides = array<i32>} : memref<8000xf32, #tpu.memory_space<vmem>>, vector<16xf32>,
        tpu.vector_store %arg13[%parallel_loop3A_267], %parallel_loop3A_266 {strides = array<i32>} : memref<8000xf32, #tpu.memory_space<vmem>>, vector<16xf32>,
      } {sc.loop_unroll_factor = 10 : i64, sc.parallel_access}
      %dma_start3A_111 = arith.constant 0 : i32
      %dma_start3A_112 = tpu.memref_slice %arg7[%dma_start3A_111] : memref<100352xf32, #tpu.memory_space<vmem_shared>> -> memref<100352xf32, #tpu.memory_space<vmem_shared>>
      tpu.enqueue_indirect_dma source(%arg13 : memref<8000xf32, #tpu.memory_space<vmem>>) target(%dma_start3A_112 : memref<100352xf32, #tpu.memory_space<vmem_shared>>) offsets(%arg10 : memref<8000xi32, #tpu.memory_space<vmem>>) semaphore(%arg16 : memref<!tpu.dma_semaphore, #tpu.memory_space<semaphore_mem>>) {add = true}
      %mul3A_113 = arith.constant 8000 : i32
      %mul3A_114 = arith.muli %add3A_85, %mul3A_113 : i32
      %add3A_115 = arith.addi %mul3A_2, %mul3A_114 : i32
      %dma_start3A_116 = tpu.memref_slice %arg6[%add3A_115] : memref<6400000xf32, #tpu.memory_space<hbm>> -> memref<8000xf32, #tpu.memory_space<hbm>>
      %dma_start3A_117 = tpu.memref_slice %arg6[%add3A_115] : memref<6400000xf32, #tpu.memory_space<hbm>> -> memref<8000xf32, #tpu.memory_space<hbm>>
      tpu.enqueue_dma source(%arg13 : memref<8000xf32, #tpu.memory_space<vmem>>) target(%dma_start3A_117 : memref<8000xf32, #tpu.memory_space<hbm>>) target_semaphore(%arg18 : memref<!tpu.dma_semaphore, #tpu.memory_space<semaphore_mem>>)
      %add3A_118 = arith.constant 2 : i32
      %add3A_119 = arith.addi %add3A_51, %add3A_118 : i32
      %mul3A_120 = arith.constant 8000 : i32
      %mul3A_121 = arith.muli %add3A_119, %mul3A_120 : i32
      %add3A_122 = arith.addi %mul3A_2, %mul3A_121 : i32
      %dma_wait3A_123 = tpu.memref_slice %arg2[%add3A_122] : memref<6400000xf32, #tpu.memory_space<hbm>> -> memref<8000xf32, #tpu.memory_space<hbm>>
      %dma_wait3A_124 = tpu.memref_slice %arg2[%add3A_122] : memref<6400000xf32, #tpu.memory_space<hbm>> -> memref<8000xf32, #tpu.memory_space<hbm>>
      tpu.wait_dma2 semaphore(%arg14 : memref<!tpu.dma_semaphore, #tpu.memory_space<semaphore_mem>>) src(%dma_wait3A_124 : memref<8000xf32, #tpu.memory_space<hbm>>) dst(%arg11 : memref<8000xf32, #tpu.memory_space<vmem>>)
      %mul3A_125 = arith.constant 8000 : i32
      %mul3A_126 = arith.muli %add3A_119, %mul3A_125 : i32
      %add3A_127 = arith.addi %mul3A_2, %mul3A_126 : i32
      %dma_wait3A_128 = tpu.memref_slice %arg3[%add3A_127] : memref<12800000xi32, #tpu.memory_space<hbm>> -> memref<8000xi32, #tpu.memory_space<hbm>>
      %dma_wait3A_129 = tpu.memref_slice %arg3[%add3A_127] : memref<12800000xi32, #tpu.memory_space<hbm>> -> memref<8000xi32, #tpu.memory_space<hbm>>
      tpu.wait_dma2 semaphore(%arg15 : memref<!tpu.dma_semaphore, #tpu.memory_space<semaphore_mem>>) src(%dma_wait3A_129 : memref<8000xi32, #tpu.memory_space<hbm>>) dst(%arg8 : memref<8000xi32, #tpu.memory_space<vmem>>)
      %ge3A_130 = arith.constant 2 : i32
      %ge3A_131 = arith.cmpi sge, %add3A_119, %ge3A_130 : i32
      %convert_element_type3A_132 = arith.extui %ge3A_131 : i1 to i32
      %cond3A_133 = arith.constant 0 : i32
      %cond3A_134 = arith.cmpi ne, %convert_element_type3A_132, %cond3A_133 : i32
      scf.if %cond3A_134 {
        %sub3A = arith.constant 2 : i32
        %sub3A_254 = arith.subi %add3A_119, %sub3A : i32
        %dma_wait3A_255 = arith.constant 0 : i32
        %dma_wait3A_256 = tpu.memref_slice %arg7[%dma_wait3A_255] : memref<100352xf32, #tpu.memory_space<vmem_shared>> -> memref<100352xf32, #tpu.memory_space<vmem_shared>>
        tpu.wait_indirect_dma semaphore(%arg17 : memref<!tpu.dma_semaphore, #tpu.memory_space<semaphore_mem>>) src(%arg12 : memref<8000xf32, #tpu.memory_space<vmem>>) dst(%dma_wait3A_256 : memref<100352xf32, #tpu.memory_space<vmem_shared>>)
        %mul3A_257 = arith.constant 8000 : i32
        %mul3A_258 = arith.muli %sub3A_254, %mul3A_257 : i32
        %add3A_259 = arith.addi %mul3A_2, %mul3A_258 : i32
        %dma_wait3A_260 = tpu.memref_slice %arg6[%add3A_259] : memref<6400000xf32, #tpu.memory_space<hbm>> -> memref<8000xf32, #tpu.memory_space<hbm>>
        %dma_wait3A_261 = tpu.memref_slice %arg6[%add3A_259] : memref<6400000xf32, #tpu.memory_space<hbm>> -> memref<8000xf32, #tpu.memory_space<hbm>>
        tpu.wait_dma2 semaphore(%arg19 : memref<!tpu.dma_semaphore, #tpu.memory_space<semaphore_mem>>) src(%arg12 : memref<8000xf32, #tpu.memory_space<vmem>>) dst(%dma_wait3A_261 : memref<8000xf32, #tpu.memory_space<hbm>>)
      } else {
      }
      %add3A_135 = arith.constant 1 : i32
      %add3A_136 = arith.addi %add3A_119, %add3A_135 : i32
      %lt3A_137 = arith.constant 25 : i32
      %lt3A_138 = arith.cmpi slt, %add3A_136, %lt3A_137 : i32
      %convert_element_type3A_139 = arith.extui %lt3A_138 : i1 to i32
      %cond3A_140 = arith.constant 0 : i32
      %cond3A_141 = arith.cmpi ne, %convert_element_type3A_139, %cond3A_140 : i32
      scf.if %cond3A_141 {
        %add3A_254 = arith.constant 1 : i32
        %add3A_255 = arith.addi %add3A_119, %add3A_254 : i32
        %mul3A_256 = arith.constant 8000 : i32
        %mul3A_257 = arith.muli %add3A_255, %mul3A_256 : i32
        %add3A_258 = arith.addi %mul3A_2, %mul3A_257 : i32
        %dma_start3A_259 = tpu.memref_slice %arg2[%add3A_258] : memref<6400000xf32, #tpu.memory_space<hbm>> -> memref<8000xf32, #tpu.memory_space<hbm>>
        %dma_start3A_260 = tpu.memref_slice %arg2[%add3A_258] : memref<6400000xf32, #tpu.memory_space<hbm>> -> memref<8000xf32, #tpu.memory_space<hbm>>
        tpu.enqueue_dma source(%dma_start3A_260 : memref<8000xf32, #tpu.memory_space<hbm>>) target(%arg12 : memref<8000xf32, #tpu.memory_space<vmem>>) target_semaphore(%arg14 : memref<!tpu.dma_semaphore, #tpu.memory_space<semaphore_mem>>)
        %mul3A_261 = arith.constant 8000 : i32
        %mul3A_262 = arith.muli %add3A_255, %mul3A_261 : i32
        %add3A_263 = arith.addi %mul3A_2, %mul3A_262 : i32
        %dma_start3A_264 = tpu.memref_slice %arg3[%add3A_263] : memref<12800000xi32, #tpu.memory_space<hbm>> -> memref<8000xi32, #tpu.memory_space<hbm>>
        %dma_start3A_265 = tpu.memref_slice %arg3[%add3A_263] : memref<12800000xi32, #tpu.memory_space<hbm>> -> memref<8000xi32, #tpu.memory_space<hbm>>
        tpu.enqueue_dma source(%dma_start3A_265 : memref<8000xi32, #tpu.memory_space<hbm>>) target(%arg9 : memref<8000xi32, #tpu.memory_space<vmem>>) target_semaphore(%arg15 : memref<!tpu.dma_semaphore, #tpu.memory_space<semaphore_mem>>)
      } else {
      }
      %parallel_loop3A_142 = arith.constant 0 : i32
      %parallel_loop3A_143 = arith.constant 8000 : i32
      %parallel_loop3A_144 = arith.constant 16 : i32
      scf.for %parallel_loop3A_254 = %parallel_loop3A_142 to %parallel_loop3A_143 step %parallel_loop3A_144  : i32 {
        %parallel_loop3A_255 = arith.index_cast %parallel_loop3A_254 : i32 to index
        %parallel_loop3A_256 = tpu.vector_load %arg11[%parallel_loop3A_255] {strides = array<i32>} : memref<8000xf32, #tpu.memory_space<vmem>>, vector<16xf32>,
        %parallel_loop3A_257 = arith.constant 0.000000e+00 : f32
        %parallel_loop3A_258 = vector.broadcast %parallel_loop3A_257 : f32 to vector<16xf32>
        %parallel_loop3A_259 = arith.subf %parallel_loop3A_258, %parallel_loop3A_256 : vector<16xf32>
        %parallel_loop3A_260 = math.exp %parallel_loop3A_259 : vector<16xf32>
        %parallel_loop3A_261 = arith.constant 1.000000e+00 : f32
        %parallel_loop3A_262 = vector.broadcast %parallel_loop3A_261 : f32 to vector<16xf32>
        %parallel_loop3A_263 = arith.addf %parallel_loop3A_262, %parallel_loop3A_260 : vector<16xf32>
        %parallel_loop3A_264 = arith.constant 1.000000e+00 : f32
        %parallel_loop3A_265 = vector.broadcast %parallel_loop3A_264 : f32 to vector<16xf32>
        %parallel_loop3A_266 = arith.divf %parallel_loop3A_265, %parallel_loop3A_263 : vector<16xf32>
        %parallel_loop3A_267 = arith.index_cast %parallel_loop3A_254 : i32 to index
        %parallel_loop3A_268 = tpu.vector_load %arg11[%parallel_loop3A_267] {strides = array<i32>} : memref<8000xf32, #tpu.memory_space<vmem>>, vector<16xf32>,
        tpu.vector_store %arg11[%parallel_loop3A_267], %parallel_loop3A_266 {strides = array<i32>} : memref<8000xf32, #tpu.memory_space<vmem>>, vector<16xf32>,
      } {sc.loop_unroll_factor = 10 : i64, sc.parallel_access}
      %dma_start3A_145 = arith.constant 0 : i32
      %dma_start3A_146 = tpu.memref_slice %arg7[%dma_start3A_145] : memref<100352xf32, #tpu.memory_space<vmem_shared>> -> memref<100352xf32, #tpu.memory_space<vmem_shared>>
      tpu.enqueue_indirect_dma source(%arg11 : memref<8000xf32, #tpu.memory_space<vmem>>) target(%dma_start3A_146 : memref<100352xf32, #tpu.memory_space<vmem_shared>>) offsets(%arg8 : memref<8000xi32, #tpu.memory_space<vmem>>) semaphore(%arg17 : memref<!tpu.dma_semaphore, #tpu.memory_space<semaphore_mem>>) {add = true}
      %mul3A_147 = arith.constant 8000 : i32
      %mul3A_148 = arith.muli %add3A_119, %mul3A_147 : i32
      %add3A_149 = arith.addi %mul3A_2, %mul3A_148 : i32
      %dma_start3A_150 = tpu.memref_slice %arg6[%add3A_149] : memref<6400000xf32, #tpu.memory_space<hbm>> -> memref<8000xf32, #tpu.memory_space<hbm>>
      %dma_start3A_151 = tpu.memref_slice %arg6[%add3A_149] : memref<6400000xf32, #tpu.memory_space<hbm>> -> memref<8000xf32, #tpu.memory_space<hbm>>
      tpu.enqueue_dma source(%arg11 : memref<8000xf32, #tpu.memory_space<vmem>>) target(%dma_start3A_151 : memref<8000xf32, #tpu.memory_space<hbm>>) target_semaphore(%arg19 : memref<!tpu.dma_semaphore, #tpu.memory_space<semaphore_mem>>)
      %add3A_152 = arith.constant 3 : i32
      %add3A_153 = arith.addi %add3A_51, %add3A_152 : i32
      %mul3A_154 = arith.constant 8000 : i32
      %mul3A_155 = arith.muli %add3A_153, %mul3A_154 : i32
      %add3A_156 = arith.addi %mul3A_2, %mul3A_155 : i32
      %dma_wait3A_157 = tpu.memref_slice %arg2[%add3A_156] : memref<6400000xf32, #tpu.memory_space<hbm>> -> memref<8000xf32, #tpu.memory_space<hbm>>
      %dma_wait3A_158 = tpu.memref_slice %arg2[%add3A_156] : memref<6400000xf32, #tpu.memory_space<hbm>> -> memref<8000xf32, #tpu.memory_space<hbm>>
      tpu.wait_dma2 semaphore(%arg14 : memref<!tpu.dma_semaphore, #tpu.memory_space<semaphore_mem>>) src(%dma_wait3A_158 : memref<8000xf32, #tpu.memory_space<hbm>>) dst(%arg12 : memref<8000xf32, #tpu.memory_space<vmem>>)
      %mul3A_159 = arith.constant 8000 : i32
      %mul3A_160 = arith.muli %add3A_153, %mul3A_159 : i32
      %add3A_161 = arith.addi %mul3A_2, %mul3A_160 : i32
      %dma_wait3A_162 = tpu.memref_slice %arg3[%add3A_161] : memref<12800000xi32, #tpu.memory_space<hbm>> -> memref<8000xi32, #tpu.memory_space<hbm>>
      %dma_wait3A_163 = tpu.memref_slice %arg3[%add3A_161] : memref<12800000xi32, #tpu.memory_space<hbm>> -> memref<8000xi32, #tpu.memory_space<hbm>>
      tpu.wait_dma2 semaphore(%arg15 : memref<!tpu.dma_semaphore, #tpu.memory_space<semaphore_mem>>) src(%dma_wait3A_163 : memref<8000xi32, #tpu.memory_space<hbm>>) dst(%arg9 : memref<8000xi32, #tpu.memory_space<vmem>>)
      %ge3A_164 = arith.constant 2 : i32
      %ge3A_165 = arith.cmpi sge, %add3A_153, %ge3A_164 : i32
      %convert_element_type3A_166 = arith.extui %ge3A_165 : i1 to i32
      %cond3A_167 = arith.constant 0 : i32
      %cond3A_168 = arith.cmpi ne, %convert_element_type3A_166, %cond3A_167 : i32
      scf.if %cond3A_168 {
        %sub3A = arith.constant 2 : i32
        %sub3A_254 = arith.subi %add3A_153, %sub3A : i32
        %dma_wait3A_255 = arith.constant 0 : i32
        %dma_wait3A_256 = tpu.memref_slice %arg7[%dma_wait3A_255] : memref<100352xf32, #tpu.memory_space<vmem_shared>> -> memref<100352xf32, #tpu.memory_space<vmem_shared>>
        tpu.wait_indirect_dma semaphore(%arg16 : memref<!tpu.dma_semaphore, #tpu.memory_space<semaphore_mem>>) src(%arg13 : memref<8000xf32, #tpu.memory_space<vmem>>) dst(%dma_wait3A_256 : memref<100352xf32, #tpu.memory_space<vmem_shared>>)
        %mul3A_257 = arith.constant 8000 : i32
        %mul3A_258 = arith.muli %sub3A_254, %mul3A_257 : i32
        %add3A_259 = arith.addi %mul3A_2, %mul3A_258 : i32
        %dma_wait3A_260 = tpu.memref_slice %arg6[%add3A_259] : memref<6400000xf32, #tpu.memory_space<hbm>> -> memref<8000xf32, #tpu.memory_space<hbm>>
        %dma_wait3A_261 = tpu.memref_slice %arg6[%add3A_259] : memref<6400000xf32, #tpu.memory_space<hbm>> -> memref<8000xf32, #tpu.memory_space<hbm>>
        tpu.wait_dma2 semaphore(%arg18 : memref<!tpu.dma_semaphore, #tpu.memory_space<semaphore_mem>>) src(%arg13 : memref<8000xf32, #tpu.memory_space<vmem>>) dst(%dma_wait3A_261 : memref<8000xf32, #tpu.memory_space<hbm>>)
      } else {
      }
      %add3A_169 = arith.constant 1 : i32
      %add3A_170 = arith.addi %add3A_153, %add3A_169 : i32
      %lt3A_171 = arith.constant 25 : i32
      %lt3A_172 = arith.cmpi slt, %add3A_170, %lt3A_171 : i32
      %convert_element_type3A_173 = arith.extui %lt3A_172 : i1 to i32
      %cond3A_174 = arith.constant 0 : i32
      %cond3A_175 = arith.cmpi ne, %convert_element_type3A_173, %cond3A_174 : i32
      scf.if %cond3A_175 {
        %add3A_254 = arith.constant 1 : i32
        %add3A_255 = arith.addi %add3A_153, %add3A_254 : i32
        %mul3A_256 = arith.constant 8000 : i32
        %mul3A_257 = arith.muli %add3A_255, %mul3A_256 : i32
        %add3A_258 = arith.addi %mul3A_2, %mul3A_257 : i32
        %dma_start3A_259 = tpu.memref_slice %arg2[%add3A_258] : memref<6400000xf32, #tpu.memory_space<hbm>> -> memref<8000xf32, #tpu.memory_space<hbm>>
        %dma_start3A_260 = tpu.memref_slice %arg2[%add3A_258] : memref<6400000xf32, #tpu.memory_space<hbm>> -> memref<8000xf32, #tpu.memory_space<hbm>>
        tpu.enqueue_dma source(%dma_start3A_260 : memref<8000xf32, #tpu.memory_space<hbm>>) target(%arg13 : memref<8000xf32, #tpu.memory_space<vmem>>) target_semaphore(%arg14 : memref<!tpu.dma_semaphore, #tpu.memory_space<semaphore_mem>>)
        %mul3A_261 = arith.constant 8000 : i32
        %mul3A_262 = arith.muli %add3A_255, %mul3A_261 : i32
        %add3A_263 = arith.addi %mul3A_2, %mul3A_262 : i32
        %dma_start3A_264 = tpu.memref_slice %arg3[%add3A_263] : memref<12800000xi32, #tpu.memory_space<hbm>> -> memref<8000xi32, #tpu.memory_space<hbm>>
        %dma_start3A_265 = tpu.memref_slice %arg3[%add3A_263] : memref<12800000xi32, #tpu.memory_space<hbm>> -> memref<8000xi32, #tpu.memory_space<hbm>>
        tpu.enqueue_dma source(%dma_start3A_265 : memref<8000xi32, #tpu.memory_space<hbm>>) target(%arg10 : memref<8000xi32, #tpu.memory_space<vmem>>) target_semaphore(%arg15 : memref<!tpu.dma_semaphore, #tpu.memory_space<semaphore_mem>>)
      } else {
      }
      %parallel_loop3A_176 = arith.constant 0 : i32
      %parallel_loop3A_177 = arith.constant 8000 : i32
      %parallel_loop3A_178 = arith.constant 16 : i32
      scf.for %parallel_loop3A_254 = %parallel_loop3A_176 to %parallel_loop3A_177 step %parallel_loop3A_178  : i32 {
        %parallel_loop3A_255 = arith.index_cast %parallel_loop3A_254 : i32 to index
        %parallel_loop3A_256 = tpu.vector_load %arg12[%parallel_loop3A_255] {strides = array<i32>} : memref<8000xf32, #tpu.memory_space<vmem>>, vector<16xf32>,
        %parallel_loop3A_257 = arith.constant 0.000000e+00 : f32
        %parallel_loop3A_258 = vector.broadcast %parallel_loop3A_257 : f32 to vector<16xf32>
        %parallel_loop3A_259 = arith.subf %parallel_loop3A_258, %parallel_loop3A_256 : vector<16xf32>
        %parallel_loop3A_260 = math.exp %parallel_loop3A_259 : vector<16xf32>
        %parallel_loop3A_261 = arith.constant 1.000000e+00 : f32
        %parallel_loop3A_262 = vector.broadcast %parallel_loop3A_261 : f32 to vector<16xf32>
        %parallel_loop3A_263 = arith.addf %parallel_loop3A_262, %parallel_loop3A_260 : vector<16xf32>
        %parallel_loop3A_264 = arith.constant 1.000000e+00 : f32
        %parallel_loop3A_265 = vector.broadcast %parallel_loop3A_264 : f32 to vector<16xf32>
        %parallel_loop3A_266 = arith.divf %parallel_loop3A_265, %parallel_loop3A_263 : vector<16xf32>
        %parallel_loop3A_267 = arith.index_cast %parallel_loop3A_254 : i32 to index
        %parallel_loop3A_268 = tpu.vector_load %arg12[%parallel_loop3A_267] {strides = array<i32>} : memref<8000xf32, #tpu.memory_space<vmem>>, vector<16xf32>,
        tpu.vector_store %arg12[%parallel_loop3A_267], %parallel_loop3A_266 {strides = array<i32>} : memref<8000xf32, #tpu.memory_space<vmem>>, vector<16xf32>,
      } {sc.loop_unroll_factor = 10 : i64, sc.parallel_access}
      %dma_start3A_179 = arith.constant 0 : i32
      %dma_start3A_180 = tpu.memref_slice %arg7[%dma_start3A_179] : memref<100352xf32, #tpu.memory_space<vmem_shared>> -> memref<100352xf32, #tpu.memory_space<vmem_shared>>
      tpu.enqueue_indirect_dma source(%arg12 : memref<8000xf32, #tpu.memory_space<vmem>>) target(%dma_start3A_180 : memref<100352xf32, #tpu.memory_space<vmem_shared>>) offsets(%arg9 : memref<8000xi32, #tpu.memory_space<vmem>>) semaphore(%arg16 : memref<!tpu.dma_semaphore, #tpu.memory_space<semaphore_mem>>) {add = true}
      %mul3A_181 = arith.constant 8000 : i32
      %mul3A_182 = arith.muli %add3A_153, %mul3A_181 : i32
      %add3A_183 = arith.addi %mul3A_2, %mul3A_182 : i32
      %dma_start3A_184 = tpu.memref_slice %arg6[%add3A_183] : memref<6400000xf32, #tpu.memory_space<hbm>> -> memref<8000xf32, #tpu.memory_space<hbm>>
      %dma_start3A_185 = tpu.memref_slice %arg6[%add3A_183] : memref<6400000xf32, #tpu.memory_space<hbm>> -> memref<8000xf32, #tpu.memory_space<hbm>>
      tpu.enqueue_dma source(%arg12 : memref<8000xf32, #tpu.memory_space<vmem>>) target(%dma_start3A_185 : memref<8000xf32, #tpu.memory_space<hbm>>) target_semaphore(%arg18 : memref<!tpu.dma_semaphore, #tpu.memory_space<semaphore_mem>>)
      %add3A_186 = arith.constant 4 : i32
      %add3A_187 = arith.addi %add3A_51, %add3A_186 : i32
      %mul3A_188 = arith.constant 8000 : i32
      %mul3A_189 = arith.muli %add3A_187, %mul3A_188 : i32
      %add3A_190 = arith.addi %mul3A_2, %mul3A_189 : i32
      %dma_wait3A_191 = tpu.memref_slice %arg2[%add3A_190] : memref<6400000xf32, #tpu.memory_space<hbm>> -> memref<8000xf32, #tpu.memory_space<hbm>>
      %dma_wait3A_192 = tpu.memref_slice %arg2[%add3A_190] : memref<6400000xf32, #tpu.memory_space<hbm>> -> memref<8000xf32, #tpu.memory_space<hbm>>
      tpu.wait_dma2 semaphore(%arg14 : memref<!tpu.dma_semaphore, #tpu.memory_space<semaphore_mem>>) src(%dma_wait3A_192 : memref<8000xf32, #tpu.memory_space<hbm>>) dst(%arg13 : memref<8000xf32, #tpu.memory_space<vmem>>)
      %mul3A_193 = arith.constant 8000 : i32
      %mul3A_194 = arith.muli %add3A_187, %mul3A_193 : i32
      %add3A_195 = arith.addi %mul3A_2, %mul3A_194 : i32
      %dma_wait3A_196 = tpu.memref_slice %arg3[%add3A_195] : memref<12800000xi32, #tpu.memory_space<hbm>> -> memref<8000xi32, #tpu.memory_space<hbm>>
      %dma_wait3A_197 = tpu.memref_slice %arg3[%add3A_195] : memref<12800000xi32, #tpu.memory_space<hbm>> -> memref<8000xi32, #tpu.memory_space<hbm>>
      tpu.wait_dma2 semaphore(%arg15 : memref<!tpu.dma_semaphore, #tpu.memory_space<semaphore_mem>>) src(%dma_wait3A_197 : memref<8000xi32, #tpu.memory_space<hbm>>) dst(%arg10 : memref<8000xi32, #tpu.memory_space<vmem>>)
      %ge3A_198 = arith.constant 2 : i32
      %ge3A_199 = arith.cmpi sge, %add3A_187, %ge3A_198 : i32
      %convert_element_type3A_200 = arith.extui %ge3A_199 : i1 to i32
      %cond3A_201 = arith.constant 0 : i32
      %cond3A_202 = arith.cmpi ne, %convert_element_type3A_200, %cond3A_201 : i32
      scf.if %cond3A_202 {
        %sub3A = arith.constant 2 : i32
        %sub3A_254 = arith.subi %add3A_187, %sub3A : i32
        %dma_wait3A_255 = arith.constant 0 : i32
        %dma_wait3A_256 = tpu.memref_slice %arg7[%dma_wait3A_255] : memref<100352xf32, #tpu.memory_space<vmem_shared>> -> memref<100352xf32, #tpu.memory_space<vmem_shared>>
        tpu.wait_indirect_dma semaphore(%arg17 : memref<!tpu.dma_semaphore, #tpu.memory_space<semaphore_mem>>) src(%arg11 : memref<8000xf32, #tpu.memory_space<vmem>>) dst(%dma_wait3A_256 : memref<100352xf32, #tpu.memory_space<vmem_shared>>)
        %mul3A_257 = arith.constant 8000 : i32
        %mul3A_258 = arith.muli %sub3A_254, %mul3A_257 : i32
        %add3A_259 = arith.addi %mul3A_2, %mul3A_258 : i32
        %dma_wait3A_260 = tpu.memref_slice %arg6[%add3A_259] : memref<6400000xf32, #tpu.memory_space<hbm>> -> memref<8000xf32, #tpu.memory_space<hbm>>
        %dma_wait3A_261 = tpu.memref_slice %arg6[%add3A_259] : memref<6400000xf32, #tpu.memory_space<hbm>> -> memref<8000xf32, #tpu.memory_space<hbm>>
        tpu.wait_dma2 semaphore(%arg19 : memref<!tpu.dma_semaphore, #tpu.memory_space<semaphore_mem>>) src(%arg11 : memref<8000xf32, #tpu.memory_space<vmem>>) dst(%dma_wait3A_261 : memref<8000xf32, #tpu.memory_space<hbm>>)
      } else {
      }
      %add3A_203 = arith.constant 1 : i32
      %add3A_204 = arith.addi %add3A_187, %add3A_203 : i32
      %lt3A_205 = arith.constant 25 : i32
      %lt3A_206 = arith.cmpi slt, %add3A_204, %lt3A_205 : i32
      %convert_element_type3A_207 = arith.extui %lt3A_206 : i1 to i32
      %cond3A_208 = arith.constant 0 : i32
      %cond3A_209 = arith.cmpi ne, %convert_element_type3A_207, %cond3A_208 : i32
      scf.if %cond3A_209 {
        %add3A_254 = arith.constant 1 : i32
        %add3A_255 = arith.addi %add3A_187, %add3A_254 : i32
        %mul3A_256 = arith.constant 8000 : i32
        %mul3A_257 = arith.muli %add3A_255, %mul3A_256 : i32
        %add3A_258 = arith.addi %mul3A_2, %mul3A_257 : i32
        %dma_start3A_259 = tpu.memref_slice %arg2[%add3A_258] : memref<6400000xf32, #tpu.memory_space<hbm>> -> memref<8000xf32, #tpu.memory_space<hbm>>
        %dma_start3A_260 = tpu.memref_slice %arg2[%add3A_258] : memref<6400000xf32, #tpu.memory_space<hbm>> -> memref<8000xf32, #tpu.memory_space<hbm>>
        tpu.enqueue_dma source(%dma_start3A_260 : memref<8000xf32, #tpu.memory_space<hbm>>) target(%arg11 : memref<8000xf32, #tpu.memory_space<vmem>>) target_semaphore(%arg14 : memref<!tpu.dma_semaphore, #tpu.memory_space<semaphore_mem>>)
        %mul3A_261 = arith.constant 8000 : i32
        %mul3A_262 = arith.muli %add3A_255, %mul3A_261 : i32
        %add3A_263 = arith.addi %mul3A_2, %mul3A_262 : i32
        %dma_start3A_264 = tpu.memref_slice %arg3[%add3A_263] : memref<12800000xi32, #tpu.memory_space<hbm>> -> memref<8000xi32, #tpu.memory_space<hbm>>
        %dma_start3A_265 = tpu.memref_slice %arg3[%add3A_263] : memref<12800000xi32, #tpu.memory_space<hbm>> -> memref<8000xi32, #tpu.memory_space<hbm>>
        tpu.enqueue_dma source(%dma_start3A_265 : memref<8000xi32, #tpu.memory_space<hbm>>) target(%arg8 : memref<8000xi32, #tpu.memory_space<vmem>>) target_semaphore(%arg15 : memref<!tpu.dma_semaphore, #tpu.memory_space<semaphore_mem>>)
      } else {
      }
      %parallel_loop3A_210 = arith.constant 0 : i32
      %parallel_loop3A_211 = arith.constant 8000 : i32
      %parallel_loop3A_212 = arith.constant 16 : i32
      scf.for %parallel_loop3A_254 = %parallel_loop3A_210 to %parallel_loop3A_211 step %parallel_loop3A_212  : i32 {
        %parallel_loop3A_255 = arith.index_cast %parallel_loop3A_254 : i32 to index
        %parallel_loop3A_256 = tpu.vector_load %arg13[%parallel_loop3A_255] {strides = array<i32>} : memref<8000xf32, #tpu.memory_space<vmem>>, vector<16xf32>,
        %parallel_loop3A_257 = arith.constant 0.000000e+00 : f32
        %parallel_loop3A_258 = vector.broadcast %parallel_loop3A_257 : f32 to vector<16xf32>
        %parallel_loop3A_259 = arith.subf %parallel_loop3A_258, %parallel_loop3A_256 : vector<16xf32>
        %parallel_loop3A_260 = math.exp %parallel_loop3A_259 : vector<16xf32>
        %parallel_loop3A_261 = arith.constant 1.000000e+00 : f32
        %parallel_loop3A_262 = vector.broadcast %parallel_loop3A_261 : f32 to vector<16xf32>
        %parallel_loop3A_263 = arith.addf %parallel_loop3A_262, %parallel_loop3A_260 : vector<16xf32>
        %parallel_loop3A_264 = arith.constant 1.000000e+00 : f32
        %parallel_loop3A_265 = vector.broadcast %parallel_loop3A_264 : f32 to vector<16xf32>
        %parallel_loop3A_266 = arith.divf %parallel_loop3A_265, %parallel_loop3A_263 : vector<16xf32>
        %parallel_loop3A_267 = arith.index_cast %parallel_loop3A_254 : i32 to index
        %parallel_loop3A_268 = tpu.vector_load %arg13[%parallel_loop3A_267] {strides = array<i32>} : memref<8000xf32, #tpu.memory_space<vmem>>, vector<16xf32>,
        tpu.vector_store %arg13[%parallel_loop3A_267], %parallel_loop3A_266 {strides = array<i32>} : memref<8000xf32, #tpu.memory_space<vmem>>, vector<16xf32>,
      } {sc.loop_unroll_factor = 10 : i64, sc.parallel_access}
      %dma_start3A_213 = arith.constant 0 : i32
      %dma_start3A_214 = tpu.memref_slice %arg7[%dma_start3A_213] : memref<100352xf32, #tpu.memory_space<vmem_shared>> -> memref<100352xf32, #tpu.memory_space<vmem_shared>>
      tpu.enqueue_indirect_dma source(%arg13 : memref<8000xf32, #tpu.memory_space<vmem>>) target(%dma_start3A_214 : memref<100352xf32, #tpu.memory_space<vmem_shared>>) offsets(%arg10 : memref<8000xi32, #tpu.memory_space<vmem>>) semaphore(%arg17 : memref<!tpu.dma_semaphore, #tpu.memory_space<semaphore_mem>>) {add = true}
      %mul3A_215 = arith.constant 8000 : i32
      %mul3A_216 = arith.muli %add3A_187, %mul3A_215 : i32
      %add3A_217 = arith.addi %mul3A_2, %mul3A_216 : i32
      %dma_start3A_218 = tpu.memref_slice %arg6[%add3A_217] : memref<6400000xf32, #tpu.memory_space<hbm>> -> memref<8000xf32, #tpu.memory_space<hbm>>
      %dma_start3A_219 = tpu.memref_slice %arg6[%add3A_217] : memref<6400000xf32, #tpu.memory_space<hbm>> -> memref<8000xf32, #tpu.memory_space<hbm>>
      tpu.enqueue_dma source(%arg13 : memref<8000xf32, #tpu.memory_space<vmem>>) target(%dma_start3A_219 : memref<8000xf32, #tpu.memory_space<hbm>>) target_semaphore(%arg19 : memref<!tpu.dma_semaphore, #tpu.memory_space<semaphore_mem>>)
      %add3A_220 = arith.constant 5 : i32
      %add3A_221 = arith.addi %add3A_51, %add3A_220 : i32
      %mul3A_222 = arith.constant 8000 : i32
      %mul3A_223 = arith.muli %add3A_221, %mul3A_222 : i32
      %add3A_224 = arith.addi %mul3A_2, %mul3A_223 : i32
      %dma_wait3A_225 = tpu.memref_slice %arg2[%add3A_224] : memref<6400000xf32, #tpu.memory_space<hbm>> -> memref<8000xf32, #tpu.memory_space<hbm>>
      %dma_wait3A_226 = tpu.memref_slice %arg2[%add3A_224] : memref<6400000xf32, #tpu.memory_space<hbm>> -> memref<8000xf32, #tpu.memory_space<hbm>>
      tpu.wait_dma2 semaphore(%arg14 : memref<!tpu.dma_semaphore, #tpu.memory_space<semaphore_mem>>) src(%dma_wait3A_226 : memref<8000xf32, #tpu.memory_space<hbm>>) dst(%arg11 : memref<8000xf32, #tpu.memory_space<vmem>>)
      %mul3A_227 = arith.constant 8000 : i32
      %mul3A_228 = arith.muli %add3A_221, %mul3A_227 : i32
      %add3A_229 = arith.addi %mul3A_2, %mul3A_228 : i32
      %dma_wait3A_230 = tpu.memref_slice %arg3[%add3A_229] : memref<12800000xi32, #tpu.memory_space<hbm>> -> memref<8000xi32, #tpu.memory_space<hbm>>
      %dma_wait3A_231 = tpu.memref_slice %arg3[%add3A_229] : memref<12800000xi32, #tpu.memory_space<hbm>> -> memref<8000xi32, #tpu.memory_space<hbm>>
      tpu.wait_dma2 semaphore(%arg15 : memref<!tpu.dma_semaphore, #tpu.memory_space<semaphore_mem>>) src(%dma_wait3A_231 : memref<8000xi32, #tpu.memory_space<hbm>>) dst(%arg8 : memref<8000xi32, #tpu.memory_space<vmem>>)
      %ge3A_232 = arith.constant 2 : i32
      %ge3A_233 = arith.cmpi sge, %add3A_221, %ge3A_232 : i32
      %convert_element_type3A_234 = arith.extui %ge3A_233 : i1 to i32
      %cond3A_235 = arith.constant 0 : i32
      %cond3A_236 = arith.cmpi ne, %convert_element_type3A_234, %cond3A_235 : i32
      scf.if %cond3A_236 {
        %sub3A = arith.constant 2 : i32
        %sub3A_254 = arith.subi %add3A_221, %sub3A : i32
        %dma_wait3A_255 = arith.constant 0 : i32
        %dma_wait3A_256 = tpu.memref_slice %arg7[%dma_wait3A_255] : memref<100352xf32, #tpu.memory_space<vmem_shared>> -> memref<100352xf32, #tpu.memory_space<vmem_shared>>
        tpu.wait_indirect_dma semaphore(%arg16 : memref<!tpu.dma_semaphore, #tpu.memory_space<semaphore_mem>>) src(%arg12 : memref<8000xf32, #tpu.memory_space<vmem>>) dst(%dma_wait3A_256 : memref<100352xf32, #tpu.memory_space<vmem_shared>>)
        %mul3A_257 = arith.constant 8000 : i32
        %mul3A_258 = arith.muli %sub3A_254, %mul3A_257 : i32
        %add3A_259 = arith.addi %mul3A_2, %mul3A_258 : i32
        %dma_wait3A_260 = tpu.memref_slice %arg6[%add3A_259] : memref<6400000xf32, #tpu.memory_space<hbm>> -> memref<8000xf32, #tpu.memory_space<hbm>>
        %dma_wait3A_261 = tpu.memref_slice %arg6[%add3A_259] : memref<6400000xf32, #tpu.memory_space<hbm>> -> memref<8000xf32, #tpu.memory_space<hbm>>
        tpu.wait_dma2 semaphore(%arg18 : memref<!tpu.dma_semaphore, #tpu.memory_space<semaphore_mem>>) src(%arg12 : memref<8000xf32, #tpu.memory_space<vmem>>) dst(%dma_wait3A_261 : memref<8000xf32, #tpu.memory_space<hbm>>)
      } else {
      }
      %add3A_237 = arith.constant 1 : i32
      %add3A_238 = arith.addi %add3A_221, %add3A_237 : i32
      %lt3A_239 = arith.constant 25 : i32
      %lt3A_240 = arith.cmpi slt, %add3A_238, %lt3A_239 : i32
      %convert_element_type3A_241 = arith.extui %lt3A_240 : i1 to i32
      %cond3A_242 = arith.constant 0 : i32
      %cond3A_243 = arith.cmpi ne, %convert_element_type3A_241, %cond3A_242 : i32
      scf.if %cond3A_243 {
        %add3A_254 = arith.constant 1 : i32
        %add3A_255 = arith.addi %add3A_221, %add3A_254 : i32
        %mul3A_256 = arith.constant 8000 : i32
        %mul3A_257 = arith.muli %add3A_255, %mul3A_256 : i32
        %add3A_258 = arith.addi %mul3A_2, %mul3A_257 : i32
        %dma_start3A_259 = tpu.memref_slice %arg2[%add3A_258] : memref<6400000xf32, #tpu.memory_space<hbm>> -> memref<8000xf32, #tpu.memory_space<hbm>>
        %dma_start3A_260 = tpu.memref_slice %arg2[%add3A_258] : memref<6400000xf32, #tpu.memory_space<hbm>> -> memref<8000xf32, #tpu.memory_space<hbm>>
        tpu.enqueue_dma source(%dma_start3A_260 : memref<8000xf32, #tpu.memory_space<hbm>>) target(%arg12 : memref<8000xf32, #tpu.memory_space<vmem>>) target_semaphore(%arg14 : memref<!tpu.dma_semaphore, #tpu.memory_space<semaphore_mem>>)
        %mul3A_261 = arith.constant 8000 : i32
        %mul3A_262 = arith.muli %add3A_255, %mul3A_261 : i32
        %add3A_263 = arith.addi %mul3A_2, %mul3A_262 : i32
        %dma_start3A_264 = tpu.memref_slice %arg3[%add3A_263] : memref<12800000xi32, #tpu.memory_space<hbm>> -> memref<8000xi32, #tpu.memory_space<hbm>>
        %dma_start3A_265 = tpu.memref_slice %arg3[%add3A_263] : memref<12800000xi32, #tpu.memory_space<hbm>> -> memref<8000xi32, #tpu.memory_space<hbm>>
        tpu.enqueue_dma source(%dma_start3A_265 : memref<8000xi32, #tpu.memory_space<hbm>>) target(%arg9 : memref<8000xi32, #tpu.memory_space<vmem>>) target_semaphore(%arg15 : memref<!tpu.dma_semaphore, #tpu.memory_space<semaphore_mem>>)
      } else {
      }
      %parallel_loop3A_244 = arith.constant 0 : i32
      %parallel_loop3A_245 = arith.constant 8000 : i32
      %parallel_loop3A_246 = arith.constant 16 : i32
      scf.for %parallel_loop3A_254 = %parallel_loop3A_244 to %parallel_loop3A_245 step %parallel_loop3A_246  : i32 {
        %parallel_loop3A_255 = arith.index_cast %parallel_loop3A_254 : i32 to index
        %parallel_loop3A_256 = tpu.vector_load %arg11[%parallel_loop3A_255] {strides = array<i32>} : memref<8000xf32, #tpu.memory_space<vmem>>, vector<16xf32>,
        %parallel_loop3A_257 = arith.constant 0.000000e+00 : f32
        %parallel_loop3A_258 = vector.broadcast %parallel_loop3A_257 : f32 to vector<16xf32>
        %parallel_loop3A_259 = arith.subf %parallel_loop3A_258, %parallel_loop3A_256 : vector<16xf32>
        %parallel_loop3A_260 = math.exp %parallel_loop3A_259 : vector<16xf32>
        %parallel_loop3A_261 = arith.constant 1.000000e+00 : f32
        %parallel_loop3A_262 = vector.broadcast %parallel_loop3A_261 : f32 to vector<16xf32>
        %parallel_loop3A_263 = arith.addf %parallel_loop3A_262, %parallel_loop3A_260 : vector<16xf32>
        %parallel_loop3A_264 = arith.constant 1.000000e+00 : f32
        %parallel_loop3A_265 = vector.broadcast %parallel_loop3A_264 : f32 to vector<16xf32>
        %parallel_loop3A_266 = arith.divf %parallel_loop3A_265, %parallel_loop3A_263 : vector<16xf32>
        %parallel_loop3A_267 = arith.index_cast %parallel_loop3A_254 : i32 to index
        %parallel_loop3A_268 = tpu.vector_load %arg11[%parallel_loop3A_267] {strides = array<i32>} : memref<8000xf32, #tpu.memory_space<vmem>>, vector<16xf32>,
        tpu.vector_store %arg11[%parallel_loop3A_267], %parallel_loop3A_266 {strides = array<i32>} : memref<8000xf32, #tpu.memory_space<vmem>>, vector<16xf32>,
      } {sc.loop_unroll_factor = 10 : i64, sc.parallel_access}
      %dma_start3A_247 = arith.constant 0 : i32
      %dma_start3A_248 = tpu.memref_slice %arg7[%dma_start3A_247] : memref<100352xf32, #tpu.memory_space<vmem_shared>> -> memref<100352xf32, #tpu.memory_space<vmem_shared>>
      tpu.enqueue_indirect_dma source(%arg11 : memref<8000xf32, #tpu.memory_space<vmem>>) target(%dma_start3A_248 : memref<100352xf32, #tpu.memory_space<vmem_shared>>) offsets(%arg8 : memref<8000xi32, #tpu.memory_space<vmem>>) semaphore(%arg16 : memref<!tpu.dma_semaphore, #tpu.memory_space<semaphore_mem>>) {add = true}
      %mul3A_249 = arith.constant 8000 : i32
      %mul3A_250 = arith.muli %add3A_221, %mul3A_249 : i32
      %add3A_251 = arith.addi %mul3A_2, %mul3A_250 : i32
      %dma_start3A_252 = tpu.memref_slice %arg6[%add3A_251] : memref<6400000xf32, #tpu.memory_space<hbm>> -> memref<8000xf32, #tpu.memory_space<hbm>>
      %dma_start3A_253 = tpu.memref_slice %arg6[%add3A_251] : memref<6400000xf32, #tpu.memory_space<hbm>> -> memref<8000xf32, #tpu.memory_space<hbm>>
      tpu.enqueue_dma source(%arg11 : memref<8000xf32, #tpu.memory_space<vmem>>) target(%dma_start3A_253 : memref<8000xf32, #tpu.memory_space<hbm>>) target_semaphore(%arg18 : memref<!tpu.dma_semaphore, #tpu.memory_space<semaphore_mem>>)
    }
    %scan3A_27 = arith.constant 4 : i32
    %dma_wait3A = arith.constant 0 : i32
    %dma_wait3A_28 = tpu.memref_slice %arg7[%dma_wait3A] : memref<100352xf32, #tpu.memory_space<vmem_shared>> -> memref<100352xf32, #tpu.memory_space<vmem_shared>>
    tpu.wait_indirect_dma semaphore(%arg17 : memref<!tpu.dma_semaphore, #tpu.memory_space<semaphore_mem>>) src(%arg13 : memref<8000xf32, #tpu.memory_space<vmem>>) dst(%dma_wait3A_28 : memref<100352xf32, #tpu.memory_space<vmem_shared>>)
    %add3A_29 = arith.constant 184000 : i32
    %add3A_30 = arith.addi %mul3A_2, %add3A_29 : i32
    %dma_wait3A_31 = tpu.memref_slice %arg6[%add3A_30] : memref<6400000xf32, #tpu.memory_space<hbm>> -> memref<8000xf32, #tpu.memory_space<hbm>>
    %dma_wait3A_32 = tpu.memref_slice %arg6[%add3A_30] : memref<6400000xf32, #tpu.memory_space<hbm>> -> memref<8000xf32, #tpu.memory_space<hbm>>
    tpu.wait_dma2 semaphore(%arg19 : memref<!tpu.dma_semaphore, #tpu.memory_space<semaphore_mem>>) src(%arg13 : memref<8000xf32, #tpu.memory_space<vmem>>) dst(%dma_wait3A_32 : memref<8000xf32, #tpu.memory_space<hbm>>)
    %dma_wait3A_33 = arith.constant 0 : i32
    %dma_wait3A_34 = tpu.memref_slice %arg7[%dma_wait3A_33] : memref<100352xf32, #tpu.memory_space<vmem_shared>> -> memref<100352xf32, #tpu.memory_space<vmem_shared>>
    tpu.wait_indirect_dma semaphore(%arg16 : memref<!tpu.dma_semaphore, #tpu.memory_space<semaphore_mem>>) src(%arg11 : memref<8000xf32, #tpu.memory_space<vmem>>) dst(%dma_wait3A_34 : memref<100352xf32, #tpu.memory_space<vmem_shared>>)
    %add3A_35 = arith.constant 192000 : i32
    %add3A_36 = arith.addi %mul3A_2, %add3A_35 : i32
    %dma_wait3A_37 = tpu.memref_slice %arg6[%add3A_36] : memref<6400000xf32, #tpu.memory_space<hbm>> -> memref<8000xf32, #tpu.memory_space<hbm>>
    %dma_wait3A_38 = tpu.memref_slice %arg6[%add3A_36] : memref<6400000xf32, #tpu.memory_space<hbm>> -> memref<8000xf32, #tpu.memory_space<hbm>>
    tpu.wait_dma2 semaphore(%arg18 : memref<!tpu.dma_semaphore, #tpu.memory_space<semaphore_mem>>) src(%arg11 : memref<8000xf32, #tpu.memory_space<vmem>>) dst(%dma_wait3A_38 : memref<8000xf32, #tpu.memory_space<hbm>>)
    %barrier3A_39 = arith.constant 0 : index
    tpu.barrier barrier_id(%barrier3A_39)
    %eq3A = arith.constant 0 : i32
    %eq3A_40 = arith.cmpi eq, %arg0, %eq3A : i32
    %convert_element_type3A = arith.extui %eq3A_40 : i1 to i32
    %cond3A = arith.constant 0 : i32
    %cond3A_41 = arith.cmpi ne, %convert_element_type3A, %cond3A : i32
    scf.if %cond3A_41 {
      %mul3A_47 = arith.constant 6272 : i32
      %mul3A_48 = arith.muli %arg1, %mul3A_47 : i32
      %mul3A_49 = arith.constant 6272 : i32
      %mul3A_50 = arith.muli %arg1, %mul3A_49 : i32
      "tpu.region"() ({
        %run_scoped3A = tpu.sem_alloc : memref<!tpu.dma_semaphore, #tpu.memory_space<semaphore_mem>>
        %dma_start3A_51 = tpu.memref_slice %arg4[%mul3A_50] : memref<100352xf32, #tpu.memory_space<hbm>> -> memref<6272xf32, #tpu.memory_space<hbm>>
        %dma_start3A_52 = tpu.memref_slice %arg7[%mul3A_48] : memref<100352xf32, #tpu.memory_space<vmem_shared>> -> memref<6272xf32, #tpu.memory_space<vmem_shared>>
        tpu.enqueue_dma source(%dma_start3A_52 : memref<6272xf32, #tpu.memory_space<vmem_shared>>) target(%dma_start3A_51 : memref<6272xf32, #tpu.memory_space<hbm>>) target_semaphore(%run_scoped3A : memref<!tpu.dma_semaphore, #tpu.memory_space<semaphore_mem>>)
        %dma_wait3A_53 = tpu.memref_slice %arg4[%mul3A_50] : memref<100352xf32, #tpu.memory_space<hbm>> -> memref<6272xf32, #tpu.memory_space<hbm>>
        %dma_wait3A_54 = tpu.memref_slice %arg7[%mul3A_48] : memref<100352xf32, #tpu.memory_space<vmem_shared>> -> memref<6272xf32, #tpu.memory_space<vmem_shared>>
        tpu.wait_dma2 semaphore(%run_scoped3A : memref<!tpu.dma_semaphore, #tpu.memory_space<semaphore_mem>>) src(%dma_wait3A_54 : memref<6272xf32, #tpu.memory_space<vmem_shared>>) dst(%dma_wait3A_53 : memref<6272xf32, #tpu.memory_space<hbm>>)
        tpu.yield
      }) : () -> ()
    } else {
    }
    %eq3A_42 = arith.constant 1 : i32
    %eq3A_43 = arith.cmpi eq, %arg0, %eq3A_42 : i32
    %convert_element_type3A_44 = arith.extui %eq3A_43 : i1 to i32
    %cond3A_45 = arith.constant 0 : i32
    %cond3A_46 = arith.cmpi ne, %convert_element_type3A_44, %cond3A_45 : i32
    scf.if %cond3A_46 {
      %mul3A_47 = arith.constant 6272 : i32
      %mul3A_48 = arith.muli %arg1, %mul3A_47 : i32
      %mul3A_49 = arith.constant 6272 : i32
      %mul3A_50 = arith.muli %arg1, %mul3A_49 : i32
      "tpu.region"() ({
        %run_scoped3A = tpu.sem_alloc : memref<!tpu.dma_semaphore, #tpu.memory_space<semaphore_mem>>
        %dma_start3A_51 = tpu.memref_slice %arg5[%mul3A_50] : memref<100352xf32, #tpu.memory_space<hbm>> -> memref<6272xf32, #tpu.memory_space<hbm>>
        %dma_start3A_52 = tpu.memref_slice %arg7[%mul3A_48] : memref<100352xf32, #tpu.memory_space<vmem_shared>> -> memref<6272xf32, #tpu.memory_space<vmem_shared>>
        tpu.enqueue_dma source(%dma_start3A_52 : memref<6272xf32, #tpu.memory_space<vmem_shared>>) target(%dma_start3A_51 : memref<6272xf32, #tpu.memory_space<hbm>>) target_semaphore(%run_scoped3A : memref<!tpu.dma_semaphore, #tpu.memory_space<semaphore_mem>>)
        %dma_wait3A_53 = tpu.memref_slice %arg5[%mul3A_50] : memref<100352xf32, #tpu.memory_space<hbm>> -> memref<6272xf32, #tpu.memory_space<hbm>>
        %dma_wait3A_54 = tpu.memref_slice %arg7[%mul3A_48] : memref<100352xf32, #tpu.memory_space<vmem_shared>> -> memref<6272xf32, #tpu.memory_space<vmem_shared>>
        tpu.wait_dma2 semaphore(%run_scoped3A : memref<!tpu.dma_semaphore, #tpu.memory_space<semaphore_mem>>) src(%dma_wait3A_54 : memref<6272xf32, #tpu.memory_space<vmem_shared>>) dst(%dma_wait3A_53 : memref<6272xf32, #tpu.memory_space<hbm>>)
        tpu.yield
      }) : () -> ()
    } else {
    }
    return
  }
}

#map = affine_map<(d0, d1) -> (0)>
module attributes {stable_mosaic.version = 14 : i64} {
  func.func @_norm_kernel(%arg0: i32, %arg1: i32, %arg2: memref<6400000xf32, #tpu.memory_space<hbm>>, %arg3: memref<12800000xi32, #tpu.memory_space<hbm>>, %arg4: memref<100352xf32, #tpu.memory_space<hbm>>, %arg5: memref<100352xf32, #tpu.memory_space<hbm>>, %arg6: memref<6400000xf32, #tpu.memory_space<hbm>>, %arg7: memref<100352xf32, #tpu.memory_space<vmem>>, %arg8: memref<4000xi32, #tpu.memory_space<vmem>>, %arg9: memref<4000xi32, #tpu.memory_space<vmem>>, %arg10: memref<4000xi32, #tpu.memory_space<vmem>>, %arg11: memref<4000xf32, #tpu.memory_space<vmem>>, %arg12: memref<4000xf32, #tpu.memory_space<vmem>>, %arg13: memref<4000xf32, #tpu.memory_space<vmem>>, %arg14: memref<!tpu.dma_semaphore, #tpu.memory_space<semaphore_mem>>, %arg15: memref<!tpu.dma_semaphore, #tpu.memory_space<semaphore_mem>>, %arg16: memref<!tpu.dma_semaphore, #tpu.memory_space<semaphore_mem>>, %arg17: memref<!tpu.dma_semaphore, #tpu.memory_space<semaphore_mem>>) attributes {dimension_semantics = [#tpu.dimension_semantics<core_parallel>, #tpu.dimension_semantics<subcore_parallel>], iteration_bounds = array<i64: 2, 16>, scalar_prefetch = 0 : i64, scratch_operands = 11 : i64, tpu.core_type = #tpu.core_type<sc_vector_subcore>, window_params = [{transform_indices = #map}, {transform_indices = #map}, {transform_indices = #map}, {transform_indices = #map}, {transform_indices = #map}]} {
    %mul3A = arith.constant 16 : i32
    %mul3A_0 = arith.muli %arg0, %mul3A : i32
    %add3A = arith.addi %mul3A_0, %arg1 : i32
    %mul3A_1 = arith.constant 200000 : i32
    %mul3A_2 = arith.muli %add3A, %mul3A_1 : i32
    "tpu.region"() ({
      %run_scoped3A = tpu.sem_alloc : memref<!tpu.dma_semaphore, #tpu.memory_space<semaphore_mem>>
      tpu.enqueue_dma source(%arg4 : memref<100352xf32, #tpu.memory_space<hbm>>) target(%arg7 : memref<100352xf32, #tpu.memory_space<vmem>>) target_semaphore(%run_scoped3A : memref<!tpu.dma_semaphore, #tpu.memory_space<semaphore_mem>>)
      tpu.wait_dma2 semaphore(%run_scoped3A : memref<!tpu.dma_semaphore, #tpu.memory_space<semaphore_mem>>) src(%arg4 : memref<100352xf32, #tpu.memory_space<hbm>>) dst(%arg7 : memref<100352xf32, #tpu.memory_space<vmem>>)
      tpu.yield
    }) : () -> ()
    %dma_start3A = arith.constant 0 : i32
    %dma_start3A_3 = tpu.memref_slice %arg11[%dma_start3A] : memref<4000xf32, #tpu.memory_space<vmem>> -> memref<3136xf32, #tpu.memory_space<vmem>>
    %dma_start3A_4 = arith.constant 0 : i32
    %dma_start3A_5 = tpu.memref_slice %arg5[%dma_start3A_4] : memref<100352xf32, #tpu.memory_space<hbm>> -> memref<3136xf32, #tpu.memory_space<hbm>>
    %dma_start3A_6 = arith.constant 0 : i32
    %dma_start3A_7 = tpu.memref_slice %arg11[%dma_start3A_6] : memref<4000xf32, #tpu.memory_space<vmem>> -> memref<3136xf32, #tpu.memory_space<vmem>>
    %dma_start3A_8 = arith.constant 0 : i32
    %dma_start3A_9 = tpu.memref_slice %arg5[%dma_start3A_8] : memref<100352xf32, #tpu.memory_space<hbm>> -> memref<3136xf32, #tpu.memory_space<hbm>>
    tpu.enqueue_dma source(%dma_start3A_9 : memref<3136xf32, #tpu.memory_space<hbm>>) target(%dma_start3A_7 : memref<3136xf32, #tpu.memory_space<vmem>>) target_semaphore(%arg14 : memref<!tpu.dma_semaphore, #tpu.memory_space<semaphore_mem>>)
    %scan3A = arith.constant 0 : i32
    %scan3A_10 = arith.constant 0 : i32
    %scan3A_11 = arith.constant 16 : i32
    %scan3A_12 = arith.addi %scan3A_10, %scan3A_11 : i32
    %scan3A_13 = arith.constant 1 : i32
    scf.for %scan3A_53 = %scan3A_10 to %scan3A_12 step %scan3A_13  : i32 {
      %mul3A_54 = arith.constant 2 : i32
      %mul3A_55 = arith.muli %mul3A_54, %scan3A_53 : i32
      %add3A_56 = arith.constant 0 : i32
      %add3A_57 = arith.addi %mul3A_55, %add3A_56 : i32
      %mul3A_58 = arith.constant 3136 : i32
      %mul3A_59 = arith.muli %add3A_57, %mul3A_58 : i32
      %dma_wait3A_60 = arith.constant 0 : i32
      %dma_wait3A_61 = tpu.memref_slice %arg11[%dma_wait3A_60] : memref<4000xf32, #tpu.memory_space<vmem>> -> memref<3136xf32, #tpu.memory_space<vmem>>
      %dma_wait3A_62 = tpu.memref_slice %arg5[%mul3A_59] : memref<100352xf32, #tpu.memory_space<hbm>> -> memref<3136xf32, #tpu.memory_space<hbm>>
      %dma_wait3A_63 = arith.constant 0 : i32
      %dma_wait3A_64 = tpu.memref_slice %arg11[%dma_wait3A_63] : memref<4000xf32, #tpu.memory_space<vmem>> -> memref<3136xf32, #tpu.memory_space<vmem>>
      %dma_wait3A_65 = tpu.memref_slice %arg5[%mul3A_59] : memref<100352xf32, #tpu.memory_space<hbm>> -> memref<3136xf32, #tpu.memory_space<hbm>>
      tpu.wait_dma2 semaphore(%arg14 : memref<!tpu.dma_semaphore, #tpu.memory_space<semaphore_mem>>) src(%dma_wait3A_65 : memref<3136xf32, #tpu.memory_space<hbm>>) dst(%dma_wait3A_64 : memref<3136xf32, #tpu.memory_space<vmem>>)
      %add3A_66 = arith.constant 1 : i32
      %add3A_67 = arith.addi %add3A_57, %add3A_66 : i32
      %lt3A = arith.constant 32 : i32
      %lt3A_68 = arith.cmpi slt, %add3A_67, %lt3A : i32
      %convert_element_type3A = arith.extui %lt3A_68 : i1 to i32
      %cond3A = arith.constant 0 : i32
      %cond3A_69 = arith.cmpi ne, %convert_element_type3A, %cond3A : i32
      scf.if %cond3A_69 {
        %add3A_95 = arith.constant 1 : i32
        %add3A_96 = arith.addi %add3A_57, %add3A_95 : i32
        %mul3A_97 = arith.constant 3136 : i32
        %mul3A_98 = arith.muli %add3A_96, %mul3A_97 : i32
        %dma_start3A_99 = arith.constant 0 : i32
        %dma_start3A_100 = tpu.memref_slice %arg12[%dma_start3A_99] : memref<4000xf32, #tpu.memory_space<vmem>> -> memref<3136xf32, #tpu.memory_space<vmem>>
        %dma_start3A_101 = tpu.memref_slice %arg5[%mul3A_98] : memref<100352xf32, #tpu.memory_space<hbm>> -> memref<3136xf32, #tpu.memory_space<hbm>>
        %dma_start3A_102 = arith.constant 0 : i32
        %dma_start3A_103 = tpu.memref_slice %arg12[%dma_start3A_102] : memref<4000xf32, #tpu.memory_space<vmem>> -> memref<3136xf32, #tpu.memory_space<vmem>>
        %dma_start3A_104 = tpu.memref_slice %arg5[%mul3A_98] : memref<100352xf32, #tpu.memory_space<hbm>> -> memref<3136xf32, #tpu.memory_space<hbm>>
        tpu.enqueue_dma source(%dma_start3A_104 : memref<3136xf32, #tpu.memory_space<hbm>>) target(%dma_start3A_103 : memref<3136xf32, #tpu.memory_space<vmem>>) target_semaphore(%arg15 : memref<!tpu.dma_semaphore, #tpu.memory_space<semaphore_mem>>)
      } else {
      }
      %parallel_loop3A_70 = arith.constant 0 : i32
      %parallel_loop3A_71 = arith.constant 3136 : i32
      %parallel_loop3A_72 = arith.constant 16 : i32
      scf.for %parallel_loop3A_95 = %parallel_loop3A_70 to %parallel_loop3A_71 step %parallel_loop3A_72  : i32 {
        %parallel_loop3A_96 = arith.constant 3136 : i32
        %parallel_loop3A_97 = arith.muli %add3A_57, %parallel_loop3A_96 : i32
        %parallel_loop3A_98 = arith.addi %parallel_loop3A_97, %parallel_loop3A_95 : i32
        %parallel_loop3A_99 = arith.index_cast %parallel_loop3A_98 : i32 to index
        %parallel_loop3A_100 = tpu.vector_load %arg7[%parallel_loop3A_99] {strides = array<i32>} : memref<100352xf32, #tpu.memory_space<vmem>>, vector<16xf32>,
        %parallel_loop3A_101 = arith.index_cast %parallel_loop3A_95 : i32 to index
        %parallel_loop3A_102 = tpu.vector_load %arg11[%parallel_loop3A_101] {strides = array<i32>} : memref<4000xf32, #tpu.memory_space<vmem>>, vector<16xf32>,
        %parallel_loop3A_103 = arith.addf %parallel_loop3A_100, %parallel_loop3A_102 : vector<16xf32>
        %parallel_loop3A_104 = arith.constant 9.99999996E-13 : f32
        %parallel_loop3A_105 = vector.broadcast %parallel_loop3A_104 : f32 to vector<16xf32>
        %parallel_loop3A_106 = arith.maximumf %parallel_loop3A_103, %parallel_loop3A_105 : vector<16xf32>
        %parallel_loop3A_107 = arith.constant 3136 : i32
        %parallel_loop3A_108 = arith.muli %add3A_57, %parallel_loop3A_107 : i32
        %parallel_loop3A_109 = arith.addi %parallel_loop3A_108, %parallel_loop3A_95 : i32
        %parallel_loop3A_110 = arith.index_cast %parallel_loop3A_109 : i32 to index
        %parallel_loop3A_111 = tpu.vector_load %arg7[%parallel_loop3A_110] {strides = array<i32>} : memref<100352xf32, #tpu.memory_space<vmem>>, vector<16xf32>,
        tpu.vector_store %arg7[%parallel_loop3A_110], %parallel_loop3A_106 {strides = array<i32>} : memref<100352xf32, #tpu.memory_space<vmem>>, vector<16xf32>,
      } {sc.loop_unroll_factor = 7 : i64, sc.parallel_access}
      %mul3A_73 = arith.constant 2 : i32
      %mul3A_74 = arith.muli %mul3A_73, %scan3A_53 : i32
      %add3A_75 = arith.constant 1 : i32
      %add3A_76 = arith.addi %mul3A_74, %add3A_75 : i32
      %mul3A_77 = arith.constant 3136 : i32
      %mul3A_78 = arith.muli %add3A_76, %mul3A_77 : i32
      %dma_wait3A_79 = arith.constant 0 : i32
      %dma_wait3A_80 = tpu.memref_slice %arg12[%dma_wait3A_79] : memref<4000xf32, #tpu.memory_space<vmem>> -> memref<3136xf32, #tpu.memory_space<vmem>>
      %dma_wait3A_81 = tpu.memref_slice %arg5[%mul3A_78] : memref<100352xf32, #tpu.memory_space<hbm>> -> memref<3136xf32, #tpu.memory_space<hbm>>
      %dma_wait3A_82 = arith.constant 0 : i32
      %dma_wait3A_83 = tpu.memref_slice %arg12[%dma_wait3A_82] : memref<4000xf32, #tpu.memory_space<vmem>> -> memref<3136xf32, #tpu.memory_space<vmem>>
      %dma_wait3A_84 = tpu.memref_slice %arg5[%mul3A_78] : memref<100352xf32, #tpu.memory_space<hbm>> -> memref<3136xf32, #tpu.memory_space<hbm>>
      tpu.wait_dma2 semaphore(%arg15 : memref<!tpu.dma_semaphore, #tpu.memory_space<semaphore_mem>>) src(%dma_wait3A_84 : memref<3136xf32, #tpu.memory_space<hbm>>) dst(%dma_wait3A_83 : memref<3136xf32, #tpu.memory_space<vmem>>)
      %add3A_85 = arith.constant 1 : i32
      %add3A_86 = arith.addi %add3A_76, %add3A_85 : i32
      %lt3A_87 = arith.constant 32 : i32
      %lt3A_88 = arith.cmpi slt, %add3A_86, %lt3A_87 : i32
      %convert_element_type3A_89 = arith.extui %lt3A_88 : i1 to i32
      %cond3A_90 = arith.constant 0 : i32
      %cond3A_91 = arith.cmpi ne, %convert_element_type3A_89, %cond3A_90 : i32
      scf.if %cond3A_91 {
        %add3A_95 = arith.constant 1 : i32
        %add3A_96 = arith.addi %add3A_76, %add3A_95 : i32
        %mul3A_97 = arith.constant 3136 : i32
        %mul3A_98 = arith.muli %add3A_96, %mul3A_97 : i32
        %dma_start3A_99 = arith.constant 0 : i32
        %dma_start3A_100 = tpu.memref_slice %arg11[%dma_start3A_99] : memref<4000xf32, #tpu.memory_space<vmem>> -> memref<3136xf32, #tpu.memory_space<vmem>>
        %dma_start3A_101 = tpu.memref_slice %arg5[%mul3A_98] : memref<100352xf32, #tpu.memory_space<hbm>> -> memref<3136xf32, #tpu.memory_space<hbm>>
        %dma_start3A_102 = arith.constant 0 : i32
        %dma_start3A_103 = tpu.memref_slice %arg11[%dma_start3A_102] : memref<4000xf32, #tpu.memory_space<vmem>> -> memref<3136xf32, #tpu.memory_space<vmem>>
        %dma_start3A_104 = tpu.memref_slice %arg5[%mul3A_98] : memref<100352xf32, #tpu.memory_space<hbm>> -> memref<3136xf32, #tpu.memory_space<hbm>>
        tpu.enqueue_dma source(%dma_start3A_104 : memref<3136xf32, #tpu.memory_space<hbm>>) target(%dma_start3A_103 : memref<3136xf32, #tpu.memory_space<vmem>>) target_semaphore(%arg14 : memref<!tpu.dma_semaphore, #tpu.memory_space<semaphore_mem>>)
      } else {
      }
      %parallel_loop3A_92 = arith.constant 0 : i32
      %parallel_loop3A_93 = arith.constant 3136 : i32
      %parallel_loop3A_94 = arith.constant 16 : i32
      scf.for %parallel_loop3A_95 = %parallel_loop3A_92 to %parallel_loop3A_93 step %parallel_loop3A_94  : i32 {
        %parallel_loop3A_96 = arith.constant 3136 : i32
        %parallel_loop3A_97 = arith.muli %add3A_76, %parallel_loop3A_96 : i32
        %parallel_loop3A_98 = arith.addi %parallel_loop3A_97, %parallel_loop3A_95 : i32
        %parallel_loop3A_99 = arith.index_cast %parallel_loop3A_98 : i32 to index
        %parallel_loop3A_100 = tpu.vector_load %arg7[%parallel_loop3A_99] {strides = array<i32>} : memref<100352xf32, #tpu.memory_space<vmem>>, vector<16xf32>,
        %parallel_loop3A_101 = arith.index_cast %parallel_loop3A_95 : i32 to index
        %parallel_loop3A_102 = tpu.vector_load %arg12[%parallel_loop3A_101] {strides = array<i32>} : memref<4000xf32, #tpu.memory_space<vmem>>, vector<16xf32>,
        %parallel_loop3A_103 = arith.addf %parallel_loop3A_100, %parallel_loop3A_102 : vector<16xf32>
        %parallel_loop3A_104 = arith.constant 9.99999996E-13 : f32
        %parallel_loop3A_105 = vector.broadcast %parallel_loop3A_104 : f32 to vector<16xf32>
        %parallel_loop3A_106 = arith.maximumf %parallel_loop3A_103, %parallel_loop3A_105 : vector<16xf32>
        %parallel_loop3A_107 = arith.constant 3136 : i32
        %parallel_loop3A_108 = arith.muli %add3A_76, %parallel_loop3A_107 : i32
        %parallel_loop3A_109 = arith.addi %parallel_loop3A_108, %parallel_loop3A_95 : i32
        %parallel_loop3A_110 = arith.index_cast %parallel_loop3A_109 : i32 to index
        %parallel_loop3A_111 = tpu.vector_load %arg7[%parallel_loop3A_110] {strides = array<i32>} : memref<100352xf32, #tpu.memory_space<vmem>>, vector<16xf32>,
        tpu.vector_store %arg7[%parallel_loop3A_110], %parallel_loop3A_106 {strides = array<i32>} : memref<100352xf32, #tpu.memory_space<vmem>>, vector<16xf32>,
      } {sc.loop_unroll_factor = 7 : i64, sc.parallel_access}
    }
    %scan3A_14 = arith.constant 16 : i32
    "tpu.region"() ({
      %run_scoped3A = tpu.sem_alloc : memref<!tpu.dma_semaphore, #tpu.memory_space<semaphore_mem>>
      %dma_start3A_53 = tpu.memref_slice %arg3[%mul3A_2] : memref<12800000xi32, #tpu.memory_space<hbm>> -> memref<4000xi32, #tpu.memory_space<hbm>>
      %dma_start3A_54 = tpu.memref_slice %arg3[%mul3A_2] : memref<12800000xi32, #tpu.memory_space<hbm>> -> memref<4000xi32, #tpu.memory_space<hbm>>
      tpu.enqueue_dma source(%dma_start3A_54 : memref<4000xi32, #tpu.memory_space<hbm>>) target(%arg8 : memref<4000xi32, #tpu.memory_space<vmem>>) target_semaphore(%run_scoped3A : memref<!tpu.dma_semaphore, #tpu.memory_space<semaphore_mem>>)
      %dma_wait3A_55 = tpu.memref_slice %arg3[%mul3A_2] : memref<12800000xi32, #tpu.memory_space<hbm>> -> memref<4000xi32, #tpu.memory_space<hbm>>
      %dma_wait3A_56 = tpu.memref_slice %arg3[%mul3A_2] : memref<12800000xi32, #tpu.memory_space<hbm>> -> memref<4000xi32, #tpu.memory_space<hbm>>
      tpu.wait_dma2 semaphore(%run_scoped3A : memref<!tpu.dma_semaphore, #tpu.memory_space<semaphore_mem>>) src(%dma_wait3A_56 : memref<4000xi32, #tpu.memory_space<hbm>>) dst(%arg8 : memref<4000xi32, #tpu.memory_space<vmem>>)
      tpu.yield
    }) : () -> ()
    "tpu.region"() ({
      %run_scoped3A = tpu.sem_alloc : memref<!tpu.dma_semaphore, #tpu.memory_space<semaphore_mem>>
      %dma_start3A_53 = tpu.memref_slice %arg2[%mul3A_2] : memref<6400000xf32, #tpu.memory_space<hbm>> -> memref<4000xf32, #tpu.memory_space<hbm>>
      %dma_start3A_54 = tpu.memref_slice %arg2[%mul3A_2] : memref<6400000xf32, #tpu.memory_space<hbm>> -> memref<4000xf32, #tpu.memory_space<hbm>>
      tpu.enqueue_dma source(%dma_start3A_54 : memref<4000xf32, #tpu.memory_space<hbm>>) target(%arg11 : memref<4000xf32, #tpu.memory_space<vmem>>) target_semaphore(%run_scoped3A : memref<!tpu.dma_semaphore, #tpu.memory_space<semaphore_mem>>)
      %dma_wait3A_55 = tpu.memref_slice %arg2[%mul3A_2] : memref<6400000xf32, #tpu.memory_space<hbm>> -> memref<4000xf32, #tpu.memory_space<hbm>>
      %dma_wait3A_56 = tpu.memref_slice %arg2[%mul3A_2] : memref<6400000xf32, #tpu.memory_space<hbm>> -> memref<4000xf32, #tpu.memory_space<hbm>>
      tpu.wait_dma2 semaphore(%run_scoped3A : memref<!tpu.dma_semaphore, #tpu.memory_space<semaphore_mem>>) src(%dma_wait3A_56 : memref<4000xf32, #tpu.memory_space<hbm>>) dst(%arg11 : memref<4000xf32, #tpu.memory_space<vmem>>)
      tpu.yield
    }) : () -> ()
    %add3A_15 = arith.constant 4000 : i32
    %add3A_16 = arith.addi %mul3A_2, %add3A_15 : i32
    "tpu.region"() ({
      %run_scoped3A = tpu.sem_alloc : memref<!tpu.dma_semaphore, #tpu.memory_space<semaphore_mem>>
      %dma_start3A_53 = tpu.memref_slice %arg3[%add3A_16] : memref<12800000xi32, #tpu.memory_space<hbm>> -> memref<4000xi32, #tpu.memory_space<hbm>>
      %dma_start3A_54 = tpu.memref_slice %arg3[%add3A_16] : memref<12800000xi32, #tpu.memory_space<hbm>> -> memref<4000xi32, #tpu.memory_space<hbm>>
      tpu.enqueue_dma source(%dma_start3A_54 : memref<4000xi32, #tpu.memory_space<hbm>>) target(%arg9 : memref<4000xi32, #tpu.memory_space<vmem>>) target_semaphore(%run_scoped3A : memref<!tpu.dma_semaphore, #tpu.memory_space<semaphore_mem>>)
      %dma_wait3A_55 = tpu.memref_slice %arg3[%add3A_16] : memref<12800000xi32, #tpu.memory_space<hbm>> -> memref<4000xi32, #tpu.memory_space<hbm>>
      %dma_wait3A_56 = tpu.memref_slice %arg3[%add3A_16] : memref<12800000xi32, #tpu.memory_space<hbm>> -> memref<4000xi32, #tpu.memory_space<hbm>>
      tpu.wait_dma2 semaphore(%run_scoped3A : memref<!tpu.dma_semaphore, #tpu.memory_space<semaphore_mem>>) src(%dma_wait3A_56 : memref<4000xi32, #tpu.memory_space<hbm>>) dst(%arg9 : memref<4000xi32, #tpu.memory_space<vmem>>)
      tpu.yield
    }) : () -> ()
    %add3A_17 = arith.constant 4000 : i32
    %add3A_18 = arith.addi %mul3A_2, %add3A_17 : i32
    "tpu.region"() ({
      %run_scoped3A = tpu.sem_alloc : memref<!tpu.dma_semaphore, #tpu.memory_space<semaphore_mem>>
      %dma_start3A_53 = tpu.memref_slice %arg2[%add3A_18] : memref<6400000xf32, #tpu.memory_space<hbm>> -> memref<4000xf32, #tpu.memory_space<hbm>>
      %dma_start3A_54 = tpu.memref_slice %arg2[%add3A_18] : memref<6400000xf32, #tpu.memory_space<hbm>> -> memref<4000xf32, #tpu.memory_space<hbm>>
      tpu.enqueue_dma source(%dma_start3A_54 : memref<4000xf32, #tpu.memory_space<hbm>>) target(%arg12 : memref<4000xf32, #tpu.memory_space<vmem>>) target_semaphore(%run_scoped3A : memref<!tpu.dma_semaphore, #tpu.memory_space<semaphore_mem>>)
      %dma_wait3A_55 = tpu.memref_slice %arg2[%add3A_18] : memref<6400000xf32, #tpu.memory_space<hbm>> -> memref<4000xf32, #tpu.memory_space<hbm>>
      %dma_wait3A_56 = tpu.memref_slice %arg2[%add3A_18] : memref<6400000xf32, #tpu.memory_space<hbm>> -> memref<4000xf32, #tpu.memory_space<hbm>>
      tpu.wait_dma2 semaphore(%run_scoped3A : memref<!tpu.dma_semaphore, #tpu.memory_space<semaphore_mem>>) src(%dma_wait3A_56 : memref<4000xf32, #tpu.memory_space<hbm>>) dst(%arg12 : memref<4000xf32, #tpu.memory_space<vmem>>)
      tpu.yield
    }) : () -> ()
    %add3A_19 = arith.constant 8000 : i32
    %add3A_20 = arith.addi %mul3A_2, %add3A_19 : i32
    %dma_start3A_21 = tpu.memref_slice %arg2[%add3A_20] : memref<6400000xf32, #tpu.memory_space<hbm>> -> memref<4000xf32, #tpu.memory_space<hbm>>
    %dma_start3A_22 = tpu.memref_slice %arg2[%add3A_20] : memref<6400000xf32, #tpu.memory_space<hbm>> -> memref<4000xf32, #tpu.memory_space<hbm>>
    tpu.enqueue_dma source(%dma_start3A_22 : memref<4000xf32, #tpu.memory_space<hbm>>) target(%arg13 : memref<4000xf32, #tpu.memory_space<vmem>>) target_semaphore(%arg14 : memref<!tpu.dma_semaphore, #tpu.memory_space<semaphore_mem>>)
    %add3A_23 = arith.constant 8000 : i32
    %add3A_24 = arith.addi %mul3A_2, %add3A_23 : i32
    %dma_start3A_25 = tpu.memref_slice %arg3[%add3A_24] : memref<12800000xi32, #tpu.memory_space<hbm>> -> memref<4000xi32, #tpu.memory_space<hbm>>
    %dma_start3A_26 = tpu.memref_slice %arg3[%add3A_24] : memref<12800000xi32, #tpu.memory_space<hbm>> -> memref<4000xi32, #tpu.memory_space<hbm>>
    tpu.enqueue_dma source(%dma_start3A_26 : memref<4000xi32, #tpu.memory_space<hbm>>) target(%arg10 : memref<4000xi32, #tpu.memory_space<vmem>>) target_semaphore(%arg15 : memref<!tpu.dma_semaphore, #tpu.memory_space<semaphore_mem>>)
    %parallel_loop3A = arith.constant 0 : i32
    %parallel_loop3A_27 = arith.constant 4000 : i32
    %parallel_loop3A_28 = arith.constant 16 : i32
    scf.for %parallel_loop3A_53 = %parallel_loop3A to %parallel_loop3A_27 step %parallel_loop3A_28  : i32 {
      %parallel_loop3A_54 = arith.index_cast %parallel_loop3A_53 : i32 to index
      %parallel_loop3A_55 = tpu.vector_load %arg8[%parallel_loop3A_54] {strides = array<i32>} : memref<4000xi32, #tpu.memory_space<vmem>>, vector<16xi32>,
      %parallel_loop3A_56 = tpu.vector_load_idx %arg7[%parallel_loop3A_55] : memref<100352xf32, #tpu.memory_space<vmem>>[vector<16xi32>], vector<16xf32>,
      %parallel_loop3A_57 = arith.index_cast %parallel_loop3A_53 : i32 to index
      %parallel_loop3A_58 = tpu.vector_load %arg11[%parallel_loop3A_57] {strides = array<i32>} : memref<4000xf32, #tpu.memory_space<vmem>>, vector<16xf32>,
      %parallel_loop3A_59 = arith.divf %parallel_loop3A_58, %parallel_loop3A_56 : vector<16xf32>
      %parallel_loop3A_60 = arith.index_cast %parallel_loop3A_53 : i32 to index
      %parallel_loop3A_61 = tpu.vector_load %arg11[%parallel_loop3A_60] {strides = array<i32>} : memref<4000xf32, #tpu.memory_space<vmem>>, vector<16xf32>,
      tpu.vector_store %arg11[%parallel_loop3A_60], %parallel_loop3A_59 {strides = array<i32>} : memref<4000xf32, #tpu.memory_space<vmem>>, vector<16xf32>,
    } {sc.loop_unroll_factor = 25 : i64, sc.parallel_access}
    %add3A_29 = arith.constant 0 : i32
    %add3A_30 = arith.addi %mul3A_2, %add3A_29 : i32
    %dma_start3A_31 = tpu.memref_slice %arg6[%add3A_30] : memref<6400000xf32, #tpu.memory_space<hbm>> -> memref<4000xf32, #tpu.memory_space<hbm>>
    %dma_start3A_32 = tpu.memref_slice %arg6[%add3A_30] : memref<6400000xf32, #tpu.memory_space<hbm>> -> memref<4000xf32, #tpu.memory_space<hbm>>
    tpu.enqueue_dma source(%arg11 : memref<4000xf32, #tpu.memory_space<vmem>>) target(%dma_start3A_32 : memref<4000xf32, #tpu.memory_space<hbm>>) target_semaphore(%arg16 : memref<!tpu.dma_semaphore, #tpu.memory_space<semaphore_mem>>)
    %parallel_loop3A_33 = arith.constant 0 : i32
    %parallel_loop3A_34 = arith.constant 4000 : i32
    %parallel_loop3A_35 = arith.constant 16 : i32
    scf.for %parallel_loop3A_53 = %parallel_loop3A_33 to %parallel_loop3A_34 step %parallel_loop3A_35  : i32 {
      %parallel_loop3A_54 = arith.index_cast %parallel_loop3A_53 : i32 to index
      %parallel_loop3A_55 = tpu.vector_load %arg9[%parallel_loop3A_54] {strides = array<i32>} : memref<4000xi32, #tpu.memory_space<vmem>>, vector<16xi32>,
      %parallel_loop3A_56 = tpu.vector_load_idx %arg7[%parallel_loop3A_55] : memref<100352xf32, #tpu.memory_space<vmem>>[vector<16xi32>], vector<16xf32>,
      %parallel_loop3A_57 = arith.index_cast %parallel_loop3A_53 : i32 to index
      %parallel_loop3A_58 = tpu.vector_load %arg12[%parallel_loop3A_57] {strides = array<i32>} : memref<4000xf32, #tpu.memory_space<vmem>>, vector<16xf32>,
      %parallel_loop3A_59 = arith.divf %parallel_loop3A_58, %parallel_loop3A_56 : vector<16xf32>
      %parallel_loop3A_60 = arith.index_cast %parallel_loop3A_53 : i32 to index
      %parallel_loop3A_61 = tpu.vector_load %arg12[%parallel_loop3A_60] {strides = array<i32>} : memref<4000xf32, #tpu.memory_space<vmem>>, vector<16xf32>,
      tpu.vector_store %arg12[%parallel_loop3A_60], %parallel_loop3A_59 {strides = array<i32>} : memref<4000xf32, #tpu.memory_space<vmem>>, vector<16xf32>,
    } {sc.loop_unroll_factor = 25 : i64, sc.parallel_access}
    %add3A_36 = arith.constant 4000 : i32
    %add3A_37 = arith.addi %mul3A_2, %add3A_36 : i32
    %dma_start3A_38 = tpu.memref_slice %arg6[%add3A_37] : memref<6400000xf32, #tpu.memory_space<hbm>> -> memref<4000xf32, #tpu.memory_space<hbm>>
    %dma_start3A_39 = tpu.memref_slice %arg6[%add3A_37] : memref<6400000xf32, #tpu.memory_space<hbm>> -> memref<4000xf32, #tpu.memory_space<hbm>>
    tpu.enqueue_dma source(%arg12 : memref<4000xf32, #tpu.memory_space<vmem>>) target(%dma_start3A_39 : memref<4000xf32, #tpu.memory_space<hbm>>) target_semaphore(%arg17 : memref<!tpu.dma_semaphore, #tpu.memory_space<semaphore_mem>>)
    %scan3A_40 = arith.constant 0 : i32
    %scan3A_41 = arith.constant 0 : i32
    %scan3A_42 = arith.constant 8 : i32
    %scan3A_43 = arith.addi %scan3A_41, %scan3A_42 : i32
    %scan3A_44 = arith.constant 1 : i32
    scf.for %scan3A_53 = %scan3A_41 to %scan3A_43 step %scan3A_44  : i32 {
      %mul3A_54 = arith.constant 6 : i32
      %mul3A_55 = arith.muli %mul3A_54, %scan3A_53 : i32
      %add3A_56 = arith.constant 2 : i32
      %add3A_57 = arith.addi %add3A_56, %mul3A_55 : i32
      %add3A_58 = arith.constant 0 : i32
      %add3A_59 = arith.addi %add3A_57, %add3A_58 : i32
      %mul3A_60 = arith.constant 4000 : i32
      %mul3A_61 = arith.muli %add3A_59, %mul3A_60 : i32
      %add3A_62 = arith.addi %mul3A_2, %mul3A_61 : i32
      %dma_wait3A_63 = tpu.memref_slice %arg2[%add3A_62] : memref<6400000xf32, #tpu.memory_space<hbm>> -> memref<4000xf32, #tpu.memory_space<hbm>>
      %dma_wait3A_64 = tpu.memref_slice %arg2[%add3A_62] : memref<6400000xf32, #tpu.memory_space<hbm>> -> memref<4000xf32, #tpu.memory_space<hbm>>
      tpu.wait_dma2 semaphore(%arg14 : memref<!tpu.dma_semaphore, #tpu.memory_space<semaphore_mem>>) src(%dma_wait3A_64 : memref<4000xf32, #tpu.memory_space<hbm>>) dst(%arg13 : memref<4000xf32, #tpu.memory_space<vmem>>)
      %mul3A_65 = arith.constant 4000 : i32
      %mul3A_66 = arith.muli %add3A_59, %mul3A_65 : i32
      %add3A_67 = arith.addi %mul3A_2, %mul3A_66 : i32
      %dma_wait3A_68 = tpu.memref_slice %arg3[%add3A_67] : memref<12800000xi32, #tpu.memory_space<hbm>> -> memref<4000xi32, #tpu.memory_space<hbm>>
      %dma_wait3A_69 = tpu.memref_slice %arg3[%add3A_67] : memref<12800000xi32, #tpu.memory_space<hbm>> -> memref<4000xi32, #tpu.memory_space<hbm>>
      tpu.wait_dma2 semaphore(%arg15 : memref<!tpu.dma_semaphore, #tpu.memory_space<semaphore_mem>>) src(%dma_wait3A_69 : memref<4000xi32, #tpu.memory_space<hbm>>) dst(%arg10 : memref<4000xi32, #tpu.memory_space<vmem>>)
      %sub3A = arith.constant 2 : i32
      %sub3A_70 = arith.subi %add3A_59, %sub3A : i32
      %mul3A_71 = arith.constant 4000 : i32
      %mul3A_72 = arith.muli %sub3A_70, %mul3A_71 : i32
      %add3A_73 = arith.addi %mul3A_2, %mul3A_72 : i32
      %dma_wait3A_74 = tpu.memref_slice %arg6[%add3A_73] : memref<6400000xf32, #tpu.memory_space<hbm>> -> memref<4000xf32, #tpu.memory_space<hbm>>
      %dma_wait3A_75 = tpu.memref_slice %arg6[%add3A_73] : memref<6400000xf32, #tpu.memory_space<hbm>> -> memref<4000xf32, #tpu.memory_space<hbm>>
      tpu.wait_dma2 semaphore(%arg16 : memref<!tpu.dma_semaphore, #tpu.memory_space<semaphore_mem>>) src(%arg11 : memref<4000xf32, #tpu.memory_space<vmem>>) dst(%dma_wait3A_75 : memref<4000xf32, #tpu.memory_space<hbm>>)
      %add3A_76 = arith.constant 1 : i32
      %add3A_77 = arith.addi %add3A_59, %add3A_76 : i32
      %lt3A = arith.constant 50 : i32
      %lt3A_78 = arith.cmpi slt, %add3A_77, %lt3A : i32
      %convert_element_type3A = arith.extui %lt3A_78 : i1 to i32
      %cond3A = arith.constant 0 : i32
      %cond3A_79 = arith.cmpi ne, %convert_element_type3A, %cond3A : i32
      scf.if %cond3A_79 {
        %add3A_258 = arith.constant 1 : i32
        %add3A_259 = arith.addi %add3A_59, %add3A_258 : i32
        %mul3A_260 = arith.constant 4000 : i32
        %mul3A_261 = arith.muli %add3A_259, %mul3A_260 : i32
        %add3A_262 = arith.addi %mul3A_2, %mul3A_261 : i32
        %dma_start3A_263 = tpu.memref_slice %arg2[%add3A_262] : memref<6400000xf32, #tpu.memory_space<hbm>> -> memref<4000xf32, #tpu.memory_space<hbm>>
        %dma_start3A_264 = tpu.memref_slice %arg2[%add3A_262] : memref<6400000xf32, #tpu.memory_space<hbm>> -> memref<4000xf32, #tpu.memory_space<hbm>>
        tpu.enqueue_dma source(%dma_start3A_264 : memref<4000xf32, #tpu.memory_space<hbm>>) target(%arg11 : memref<4000xf32, #tpu.memory_space<vmem>>) target_semaphore(%arg14 : memref<!tpu.dma_semaphore, #tpu.memory_space<semaphore_mem>>)
        %mul3A_265 = arith.constant 4000 : i32
        %mul3A_266 = arith.muli %add3A_259, %mul3A_265 : i32
        %add3A_267 = arith.addi %mul3A_2, %mul3A_266 : i32
        %dma_start3A_268 = tpu.memref_slice %arg3[%add3A_267] : memref<12800000xi32, #tpu.memory_space<hbm>> -> memref<4000xi32, #tpu.memory_space<hbm>>
        %dma_start3A_269 = tpu.memref_slice %arg3[%add3A_267] : memref<12800000xi32, #tpu.memory_space<hbm>> -> memref<4000xi32, #tpu.memory_space<hbm>>
        tpu.enqueue_dma source(%dma_start3A_269 : memref<4000xi32, #tpu.memory_space<hbm>>) target(%arg8 : memref<4000xi32, #tpu.memory_space<vmem>>) target_semaphore(%arg15 : memref<!tpu.dma_semaphore, #tpu.memory_space<semaphore_mem>>)
      } else {
      }
      %parallel_loop3A_80 = arith.constant 0 : i32
      %parallel_loop3A_81 = arith.constant 4000 : i32
      %parallel_loop3A_82 = arith.constant 16 : i32
      scf.for %parallel_loop3A_258 = %parallel_loop3A_80 to %parallel_loop3A_81 step %parallel_loop3A_82  : i32 {
        %parallel_loop3A_259 = arith.index_cast %parallel_loop3A_258 : i32 to index
        %parallel_loop3A_260 = tpu.vector_load %arg10[%parallel_loop3A_259] {strides = array<i32>} : memref<4000xi32, #tpu.memory_space<vmem>>, vector<16xi32>,
        %parallel_loop3A_261 = tpu.vector_load_idx %arg7[%parallel_loop3A_260] : memref<100352xf32, #tpu.memory_space<vmem>>[vector<16xi32>], vector<16xf32>,
        %parallel_loop3A_262 = arith.index_cast %parallel_loop3A_258 : i32 to index
        %parallel_loop3A_263 = tpu.vector_load %arg13[%parallel_loop3A_262] {strides = array<i32>} : memref<4000xf32, #tpu.memory_space<vmem>>, vector<16xf32>,
        %parallel_loop3A_264 = arith.divf %parallel_loop3A_263, %parallel_loop3A_261 : vector<16xf32>
        %parallel_loop3A_265 = arith.index_cast %parallel_loop3A_258 : i32 to index
        %parallel_loop3A_266 = tpu.vector_load %arg13[%parallel_loop3A_265] {strides = array<i32>} : memref<4000xf32, #tpu.memory_space<vmem>>, vector<16xf32>,
        tpu.vector_store %arg13[%parallel_loop3A_265], %parallel_loop3A_264 {strides = array<i32>} : memref<4000xf32, #tpu.memory_space<vmem>>, vector<16xf32>,
      } {sc.loop_unroll_factor = 25 : i64, sc.parallel_access}
      %mul3A_83 = arith.constant 4000 : i32
      %mul3A_84 = arith.muli %add3A_59, %mul3A_83 : i32
      %add3A_85 = arith.addi %mul3A_2, %mul3A_84 : i32
      %dma_start3A_86 = tpu.memref_slice %arg6[%add3A_85] : memref<6400000xf32, #tpu.memory_space<hbm>> -> memref<4000xf32, #tpu.memory_space<hbm>>
      %dma_start3A_87 = tpu.memref_slice %arg6[%add3A_85] : memref<6400000xf32, #tpu.memory_space<hbm>> -> memref<4000xf32, #tpu.memory_space<hbm>>
      tpu.enqueue_dma source(%arg13 : memref<4000xf32, #tpu.memory_space<vmem>>) target(%dma_start3A_87 : memref<4000xf32, #tpu.memory_space<hbm>>) target_semaphore(%arg16 : memref<!tpu.dma_semaphore, #tpu.memory_space<semaphore_mem>>)
      %add3A_88 = arith.constant 1 : i32
      %add3A_89 = arith.addi %add3A_57, %add3A_88 : i32
      %mul3A_90 = arith.constant 4000 : i32
      %mul3A_91 = arith.muli %add3A_89, %mul3A_90 : i32
      %add3A_92 = arith.addi %mul3A_2, %mul3A_91 : i32
      %dma_wait3A_93 = tpu.memref_slice %arg2[%add3A_92] : memref<6400000xf32, #tpu.memory_space<hbm>> -> memref<4000xf32, #tpu.memory_space<hbm>>
      %dma_wait3A_94 = tpu.memref_slice %arg2[%add3A_92] : memref<6400000xf32, #tpu.memory_space<hbm>> -> memref<4000xf32, #tpu.memory_space<hbm>>
      tpu.wait_dma2 semaphore(%arg14 : memref<!tpu.dma_semaphore, #tpu.memory_space<semaphore_mem>>) src(%dma_wait3A_94 : memref<4000xf32, #tpu.memory_space<hbm>>) dst(%arg11 : memref<4000xf32, #tpu.memory_space<vmem>>)
      %mul3A_95 = arith.constant 4000 : i32
      %mul3A_96 = arith.muli %add3A_89, %mul3A_95 : i32
      %add3A_97 = arith.addi %mul3A_2, %mul3A_96 : i32
      %dma_wait3A_98 = tpu.memref_slice %arg3[%add3A_97] : memref<12800000xi32, #tpu.memory_space<hbm>> -> memref<4000xi32, #tpu.memory_space<hbm>>
      %dma_wait3A_99 = tpu.memref_slice %arg3[%add3A_97] : memref<12800000xi32, #tpu.memory_space<hbm>> -> memref<4000xi32, #tpu.memory_space<hbm>>
      tpu.wait_dma2 semaphore(%arg15 : memref<!tpu.dma_semaphore, #tpu.memory_space<semaphore_mem>>) src(%dma_wait3A_99 : memref<4000xi32, #tpu.memory_space<hbm>>) dst(%arg8 : memref<4000xi32, #tpu.memory_space<vmem>>)
      %sub3A_100 = arith.constant 2 : i32
      %sub3A_101 = arith.subi %add3A_89, %sub3A_100 : i32
      %mul3A_102 = arith.constant 4000 : i32
      %mul3A_103 = arith.muli %sub3A_101, %mul3A_102 : i32
      %add3A_104 = arith.addi %mul3A_2, %mul3A_103 : i32
      %dma_wait3A_105 = tpu.memref_slice %arg6[%add3A_104] : memref<6400000xf32, #tpu.memory_space<hbm>> -> memref<4000xf32, #tpu.memory_space<hbm>>
      %dma_wait3A_106 = tpu.memref_slice %arg6[%add3A_104] : memref<6400000xf32, #tpu.memory_space<hbm>> -> memref<4000xf32, #tpu.memory_space<hbm>>
      tpu.wait_dma2 semaphore(%arg17 : memref<!tpu.dma_semaphore, #tpu.memory_space<semaphore_mem>>) src(%arg12 : memref<4000xf32, #tpu.memory_space<vmem>>) dst(%dma_wait3A_106 : memref<4000xf32, #tpu.memory_space<hbm>>)
      %add3A_107 = arith.constant 1 : i32
      %add3A_108 = arith.addi %add3A_89, %add3A_107 : i32
      %lt3A_109 = arith.constant 50 : i32
      %lt3A_110 = arith.cmpi slt, %add3A_108, %lt3A_109 : i32
      %convert_element_type3A_111 = arith.extui %lt3A_110 : i1 to i32
      %cond3A_112 = arith.constant 0 : i32
      %cond3A_113 = arith.cmpi ne, %convert_element_type3A_111, %cond3A_112 : i32
      scf.if %cond3A_113 {
        %add3A_258 = arith.constant 1 : i32
        %add3A_259 = arith.addi %add3A_89, %add3A_258 : i32
        %mul3A_260 = arith.constant 4000 : i32
        %mul3A_261 = arith.muli %add3A_259, %mul3A_260 : i32
        %add3A_262 = arith.addi %mul3A_2, %mul3A_261 : i32
        %dma_start3A_263 = tpu.memref_slice %arg2[%add3A_262] : memref<6400000xf32, #tpu.memory_space<hbm>> -> memref<4000xf32, #tpu.memory_space<hbm>>
        %dma_start3A_264 = tpu.memref_slice %arg2[%add3A_262] : memref<6400000xf32, #tpu.memory_space<hbm>> -> memref<4000xf32, #tpu.memory_space<hbm>>
        tpu.enqueue_dma source(%dma_start3A_264 : memref<4000xf32, #tpu.memory_space<hbm>>) target(%arg12 : memref<4000xf32, #tpu.memory_space<vmem>>) target_semaphore(%arg14 : memref<!tpu.dma_semaphore, #tpu.memory_space<semaphore_mem>>)
        %mul3A_265 = arith.constant 4000 : i32
        %mul3A_266 = arith.muli %add3A_259, %mul3A_265 : i32
        %add3A_267 = arith.addi %mul3A_2, %mul3A_266 : i32
        %dma_start3A_268 = tpu.memref_slice %arg3[%add3A_267] : memref<12800000xi32, #tpu.memory_space<hbm>> -> memref<4000xi32, #tpu.memory_space<hbm>>
        %dma_start3A_269 = tpu.memref_slice %arg3[%add3A_267] : memref<12800000xi32, #tpu.memory_space<hbm>> -> memref<4000xi32, #tpu.memory_space<hbm>>
        tpu.enqueue_dma source(%dma_start3A_269 : memref<4000xi32, #tpu.memory_space<hbm>>) target(%arg9 : memref<4000xi32, #tpu.memory_space<vmem>>) target_semaphore(%arg15 : memref<!tpu.dma_semaphore, #tpu.memory_space<semaphore_mem>>)
      } else {
      }
      %parallel_loop3A_114 = arith.constant 0 : i32
      %parallel_loop3A_115 = arith.constant 4000 : i32
      %parallel_loop3A_116 = arith.constant 16 : i32
      scf.for %parallel_loop3A_258 = %parallel_loop3A_114 to %parallel_loop3A_115 step %parallel_loop3A_116  : i32 {
        %parallel_loop3A_259 = arith.index_cast %parallel_loop3A_258 : i32 to index
        %parallel_loop3A_260 = tpu.vector_load %arg8[%parallel_loop3A_259] {strides = array<i32>} : memref<4000xi32, #tpu.memory_space<vmem>>, vector<16xi32>,
        %parallel_loop3A_261 = tpu.vector_load_idx %arg7[%parallel_loop3A_260] : memref<100352xf32, #tpu.memory_space<vmem>>[vector<16xi32>], vector<16xf32>,
        %parallel_loop3A_262 = arith.index_cast %parallel_loop3A_258 : i32 to index
        %parallel_loop3A_263 = tpu.vector_load %arg11[%parallel_loop3A_262] {strides = array<i32>} : memref<4000xf32, #tpu.memory_space<vmem>>, vector<16xf32>,
        %parallel_loop3A_264 = arith.divf %parallel_loop3A_263, %parallel_loop3A_261 : vector<16xf32>
        %parallel_loop3A_265 = arith.index_cast %parallel_loop3A_258 : i32 to index
        %parallel_loop3A_266 = tpu.vector_load %arg11[%parallel_loop3A_265] {strides = array<i32>} : memref<4000xf32, #tpu.memory_space<vmem>>, vector<16xf32>,
        tpu.vector_store %arg11[%parallel_loop3A_265], %parallel_loop3A_264 {strides = array<i32>} : memref<4000xf32, #tpu.memory_space<vmem>>, vector<16xf32>,
      } {sc.loop_unroll_factor = 25 : i64, sc.parallel_access}
      %mul3A_117 = arith.constant 4000 : i32
      %mul3A_118 = arith.muli %add3A_89, %mul3A_117 : i32
      %add3A_119 = arith.addi %mul3A_2, %mul3A_118 : i32
      %dma_start3A_120 = tpu.memref_slice %arg6[%add3A_119] : memref<6400000xf32, #tpu.memory_space<hbm>> -> memref<4000xf32, #tpu.memory_space<hbm>>
      %dma_start3A_121 = tpu.memref_slice %arg6[%add3A_119] : memref<6400000xf32, #tpu.memory_space<hbm>> -> memref<4000xf32, #tpu.memory_space<hbm>>
      tpu.enqueue_dma source(%arg11 : memref<4000xf32, #tpu.memory_space<vmem>>) target(%dma_start3A_121 : memref<4000xf32, #tpu.memory_space<hbm>>) target_semaphore(%arg17 : memref<!tpu.dma_semaphore, #tpu.memory_space<semaphore_mem>>)
      %add3A_122 = arith.constant 2 : i32
      %add3A_123 = arith.addi %add3A_57, %add3A_122 : i32
      %mul3A_124 = arith.constant 4000 : i32
      %mul3A_125 = arith.muli %add3A_123, %mul3A_124 : i32
      %add3A_126 = arith.addi %mul3A_2, %mul3A_125 : i32
      %dma_wait3A_127 = tpu.memref_slice %arg2[%add3A_126] : memref<6400000xf32, #tpu.memory_space<hbm>> -> memref<4000xf32, #tpu.memory_space<hbm>>
      %dma_wait3A_128 = tpu.memref_slice %arg2[%add3A_126] : memref<6400000xf32, #tpu.memory_space<hbm>> -> memref<4000xf32, #tpu.memory_space<hbm>>
      tpu.wait_dma2 semaphore(%arg14 : memref<!tpu.dma_semaphore, #tpu.memory_space<semaphore_mem>>) src(%dma_wait3A_128 : memref<4000xf32, #tpu.memory_space<hbm>>) dst(%arg12 : memref<4000xf32, #tpu.memory_space<vmem>>)
      %mul3A_129 = arith.constant 4000 : i32
      %mul3A_130 = arith.muli %add3A_123, %mul3A_129 : i32
      %add3A_131 = arith.addi %mul3A_2, %mul3A_130 : i32
      %dma_wait3A_132 = tpu.memref_slice %arg3[%add3A_131] : memref<12800000xi32, #tpu.memory_space<hbm>> -> memref<4000xi32, #tpu.memory_space<hbm>>
      %dma_wait3A_133 = tpu.memref_slice %arg3[%add3A_131] : memref<12800000xi32, #tpu.memory_space<hbm>> -> memref<4000xi32, #tpu.memory_space<hbm>>
      tpu.wait_dma2 semaphore(%arg15 : memref<!tpu.dma_semaphore, #tpu.memory_space<semaphore_mem>>) src(%dma_wait3A_133 : memref<4000xi32, #tpu.memory_space<hbm>>) dst(%arg9 : memref<4000xi32, #tpu.memory_space<vmem>>)
      %sub3A_134 = arith.constant 2 : i32
      %sub3A_135 = arith.subi %add3A_123, %sub3A_134 : i32
      %mul3A_136 = arith.constant 4000 : i32
      %mul3A_137 = arith.muli %sub3A_135, %mul3A_136 : i32
      %add3A_138 = arith.addi %mul3A_2, %mul3A_137 : i32
      %dma_wait3A_139 = tpu.memref_slice %arg6[%add3A_138] : memref<6400000xf32, #tpu.memory_space<hbm>> -> memref<4000xf32, #tpu.memory_space<hbm>>
      %dma_wait3A_140 = tpu.memref_slice %arg6[%add3A_138] : memref<6400000xf32, #tpu.memory_space<hbm>> -> memref<4000xf32, #tpu.memory_space<hbm>>
      tpu.wait_dma2 semaphore(%arg16 : memref<!tpu.dma_semaphore, #tpu.memory_space<semaphore_mem>>) src(%arg13 : memref<4000xf32, #tpu.memory_space<vmem>>) dst(%dma_wait3A_140 : memref<4000xf32, #tpu.memory_space<hbm>>)
      %add3A_141 = arith.constant 1 : i32
      %add3A_142 = arith.addi %add3A_123, %add3A_141 : i32
      %lt3A_143 = arith.constant 50 : i32
      %lt3A_144 = arith.cmpi slt, %add3A_142, %lt3A_143 : i32
      %convert_element_type3A_145 = arith.extui %lt3A_144 : i1 to i32
      %cond3A_146 = arith.constant 0 : i32
      %cond3A_147 = arith.cmpi ne, %convert_element_type3A_145, %cond3A_146 : i32
      scf.if %cond3A_147 {
        %add3A_258 = arith.constant 1 : i32
        %add3A_259 = arith.addi %add3A_123, %add3A_258 : i32
        %mul3A_260 = arith.constant 4000 : i32
        %mul3A_261 = arith.muli %add3A_259, %mul3A_260 : i32
        %add3A_262 = arith.addi %mul3A_2, %mul3A_261 : i32
        %dma_start3A_263 = tpu.memref_slice %arg2[%add3A_262] : memref<6400000xf32, #tpu.memory_space<hbm>> -> memref<4000xf32, #tpu.memory_space<hbm>>
        %dma_start3A_264 = tpu.memref_slice %arg2[%add3A_262] : memref<6400000xf32, #tpu.memory_space<hbm>> -> memref<4000xf32, #tpu.memory_space<hbm>>
        tpu.enqueue_dma source(%dma_start3A_264 : memref<4000xf32, #tpu.memory_space<hbm>>) target(%arg13 : memref<4000xf32, #tpu.memory_space<vmem>>) target_semaphore(%arg14 : memref<!tpu.dma_semaphore, #tpu.memory_space<semaphore_mem>>)
        %mul3A_265 = arith.constant 4000 : i32
        %mul3A_266 = arith.muli %add3A_259, %mul3A_265 : i32
        %add3A_267 = arith.addi %mul3A_2, %mul3A_266 : i32
        %dma_start3A_268 = tpu.memref_slice %arg3[%add3A_267] : memref<12800000xi32, #tpu.memory_space<hbm>> -> memref<4000xi32, #tpu.memory_space<hbm>>
        %dma_start3A_269 = tpu.memref_slice %arg3[%add3A_267] : memref<12800000xi32, #tpu.memory_space<hbm>> -> memref<4000xi32, #tpu.memory_space<hbm>>
        tpu.enqueue_dma source(%dma_start3A_269 : memref<4000xi32, #tpu.memory_space<hbm>>) target(%arg10 : memref<4000xi32, #tpu.memory_space<vmem>>) target_semaphore(%arg15 : memref<!tpu.dma_semaphore, #tpu.memory_space<semaphore_mem>>)
      } else {
      }
      %parallel_loop3A_148 = arith.constant 0 : i32
      %parallel_loop3A_149 = arith.constant 4000 : i32
      %parallel_loop3A_150 = arith.constant 16 : i32
      scf.for %parallel_loop3A_258 = %parallel_loop3A_148 to %parallel_loop3A_149 step %parallel_loop3A_150  : i32 {
        %parallel_loop3A_259 = arith.index_cast %parallel_loop3A_258 : i32 to index
        %parallel_loop3A_260 = tpu.vector_load %arg9[%parallel_loop3A_259] {strides = array<i32>} : memref<4000xi32, #tpu.memory_space<vmem>>, vector<16xi32>,
        %parallel_loop3A_261 = tpu.vector_load_idx %arg7[%parallel_loop3A_260] : memref<100352xf32, #tpu.memory_space<vmem>>[vector<16xi32>], vector<16xf32>,
        %parallel_loop3A_262 = arith.index_cast %parallel_loop3A_258 : i32 to index
        %parallel_loop3A_263 = tpu.vector_load %arg12[%parallel_loop3A_262] {strides = array<i32>} : memref<4000xf32, #tpu.memory_space<vmem>>, vector<16xf32>,
        %parallel_loop3A_264 = arith.divf %parallel_loop3A_263, %parallel_loop3A_261 : vector<16xf32>
        %parallel_loop3A_265 = arith.index_cast %parallel_loop3A_258 : i32 to index
        %parallel_loop3A_266 = tpu.vector_load %arg12[%parallel_loop3A_265] {strides = array<i32>} : memref<4000xf32, #tpu.memory_space<vmem>>, vector<16xf32>,
        tpu.vector_store %arg12[%parallel_loop3A_265], %parallel_loop3A_264 {strides = array<i32>} : memref<4000xf32, #tpu.memory_space<vmem>>, vector<16xf32>,
      } {sc.loop_unroll_factor = 25 : i64, sc.parallel_access}
      %mul3A_151 = arith.constant 4000 : i32
      %mul3A_152 = arith.muli %add3A_123, %mul3A_151 : i32
      %add3A_153 = arith.addi %mul3A_2, %mul3A_152 : i32
      %dma_start3A_154 = tpu.memref_slice %arg6[%add3A_153] : memref<6400000xf32, #tpu.memory_space<hbm>> -> memref<4000xf32, #tpu.memory_space<hbm>>
      %dma_start3A_155 = tpu.memref_slice %arg6[%add3A_153] : memref<6400000xf32, #tpu.memory_space<hbm>> -> memref<4000xf32, #tpu.memory_space<hbm>>
      tpu.enqueue_dma source(%arg12 : memref<4000xf32, #tpu.memory_space<vmem>>) target(%dma_start3A_155 : memref<4000xf32, #tpu.memory_space<hbm>>) target_semaphore(%arg16 : memref<!tpu.dma_semaphore, #tpu.memory_space<semaphore_mem>>)
      %add3A_156 = arith.constant 3 : i32
      %add3A_157 = arith.addi %add3A_57, %add3A_156 : i32
      %mul3A_158 = arith.constant 4000 : i32
      %mul3A_159 = arith.muli %add3A_157, %mul3A_158 : i32
      %add3A_160 = arith.addi %mul3A_2, %mul3A_159 : i32
      %dma_wait3A_161 = tpu.memref_slice %arg2[%add3A_160] : memref<6400000xf32, #tpu.memory_space<hbm>> -> memref<4000xf32, #tpu.memory_space<hbm>>
      %dma_wait3A_162 = tpu.memref_slice %arg2[%add3A_160] : memref<6400000xf32, #tpu.memory_space<hbm>> -> memref<4000xf32, #tpu.memory_space<hbm>>
      tpu.wait_dma2 semaphore(%arg14 : memref<!tpu.dma_semaphore, #tpu.memory_space<semaphore_mem>>) src(%dma_wait3A_162 : memref<4000xf32, #tpu.memory_space<hbm>>) dst(%arg13 : memref<4000xf32, #tpu.memory_space<vmem>>)
      %mul3A_163 = arith.constant 4000 : i32
      %mul3A_164 = arith.muli %add3A_157, %mul3A_163 : i32
      %add3A_165 = arith.addi %mul3A_2, %mul3A_164 : i32
      %dma_wait3A_166 = tpu.memref_slice %arg3[%add3A_165] : memref<12800000xi32, #tpu.memory_space<hbm>> -> memref<4000xi32, #tpu.memory_space<hbm>>
      %dma_wait3A_167 = tpu.memref_slice %arg3[%add3A_165] : memref<12800000xi32, #tpu.memory_space<hbm>> -> memref<4000xi32, #tpu.memory_space<hbm>>
      tpu.wait_dma2 semaphore(%arg15 : memref<!tpu.dma_semaphore, #tpu.memory_space<semaphore_mem>>) src(%dma_wait3A_167 : memref<4000xi32, #tpu.memory_space<hbm>>) dst(%arg10 : memref<4000xi32, #tpu.memory_space<vmem>>)
      %sub3A_168 = arith.constant 2 : i32
      %sub3A_169 = arith.subi %add3A_157, %sub3A_168 : i32
      %mul3A_170 = arith.constant 4000 : i32
      %mul3A_171 = arith.muli %sub3A_169, %mul3A_170 : i32
      %add3A_172 = arith.addi %mul3A_2, %mul3A_171 : i32
      %dma_wait3A_173 = tpu.memref_slice %arg6[%add3A_172] : memref<6400000xf32, #tpu.memory_space<hbm>> -> memref<4000xf32, #tpu.memory_space<hbm>>
      %dma_wait3A_174 = tpu.memref_slice %arg6[%add3A_172] : memref<6400000xf32, #tpu.memory_space<hbm>> -> memref<4000xf32, #tpu.memory_space<hbm>>
      tpu.wait_dma2 semaphore(%arg17 : memref<!tpu.dma_semaphore, #tpu.memory_space<semaphore_mem>>) src(%arg11 : memref<4000xf32, #tpu.memory_space<vmem>>) dst(%dma_wait3A_174 : memref<4000xf32, #tpu.memory_space<hbm>>)
      %add3A_175 = arith.constant 1 : i32
      %add3A_176 = arith.addi %add3A_157, %add3A_175 : i32
      %lt3A_177 = arith.constant 50 : i32
      %lt3A_178 = arith.cmpi slt, %add3A_176, %lt3A_177 : i32
      %convert_element_type3A_179 = arith.extui %lt3A_178 : i1 to i32
      %cond3A_180 = arith.constant 0 : i32
      %cond3A_181 = arith.cmpi ne, %convert_element_type3A_179, %cond3A_180 : i32
      scf.if %cond3A_181 {
        %add3A_258 = arith.constant 1 : i32
        %add3A_259 = arith.addi %add3A_157, %add3A_258 : i32
        %mul3A_260 = arith.constant 4000 : i32
        %mul3A_261 = arith.muli %add3A_259, %mul3A_260 : i32
        %add3A_262 = arith.addi %mul3A_2, %mul3A_261 : i32
        %dma_start3A_263 = tpu.memref_slice %arg2[%add3A_262] : memref<6400000xf32, #tpu.memory_space<hbm>> -> memref<4000xf32, #tpu.memory_space<hbm>>
        %dma_start3A_264 = tpu.memref_slice %arg2[%add3A_262] : memref<6400000xf32, #tpu.memory_space<hbm>> -> memref<4000xf32, #tpu.memory_space<hbm>>
        tpu.enqueue_dma source(%dma_start3A_264 : memref<4000xf32, #tpu.memory_space<hbm>>) target(%arg11 : memref<4000xf32, #tpu.memory_space<vmem>>) target_semaphore(%arg14 : memref<!tpu.dma_semaphore, #tpu.memory_space<semaphore_mem>>)
        %mul3A_265 = arith.constant 4000 : i32
        %mul3A_266 = arith.muli %add3A_259, %mul3A_265 : i32
        %add3A_267 = arith.addi %mul3A_2, %mul3A_266 : i32
        %dma_start3A_268 = tpu.memref_slice %arg3[%add3A_267] : memref<12800000xi32, #tpu.memory_space<hbm>> -> memref<4000xi32, #tpu.memory_space<hbm>>
        %dma_start3A_269 = tpu.memref_slice %arg3[%add3A_267] : memref<12800000xi32, #tpu.memory_space<hbm>> -> memref<4000xi32, #tpu.memory_space<hbm>>
        tpu.enqueue_dma source(%dma_start3A_269 : memref<4000xi32, #tpu.memory_space<hbm>>) target(%arg8 : memref<4000xi32, #tpu.memory_space<vmem>>) target_semaphore(%arg15 : memref<!tpu.dma_semaphore, #tpu.memory_space<semaphore_mem>>)
      } else {
      }
      %parallel_loop3A_182 = arith.constant 0 : i32
      %parallel_loop3A_183 = arith.constant 4000 : i32
      %parallel_loop3A_184 = arith.constant 16 : i32
      scf.for %parallel_loop3A_258 = %parallel_loop3A_182 to %parallel_loop3A_183 step %parallel_loop3A_184  : i32 {
        %parallel_loop3A_259 = arith.index_cast %parallel_loop3A_258 : i32 to index
        %parallel_loop3A_260 = tpu.vector_load %arg10[%parallel_loop3A_259] {strides = array<i32>} : memref<4000xi32, #tpu.memory_space<vmem>>, vector<16xi32>,
        %parallel_loop3A_261 = tpu.vector_load_idx %arg7[%parallel_loop3A_260] : memref<100352xf32, #tpu.memory_space<vmem>>[vector<16xi32>], vector<16xf32>,
        %parallel_loop3A_262 = arith.index_cast %parallel_loop3A_258 : i32 to index
        %parallel_loop3A_263 = tpu.vector_load %arg13[%parallel_loop3A_262] {strides = array<i32>} : memref<4000xf32, #tpu.memory_space<vmem>>, vector<16xf32>,
        %parallel_loop3A_264 = arith.divf %parallel_loop3A_263, %parallel_loop3A_261 : vector<16xf32>
        %parallel_loop3A_265 = arith.index_cast %parallel_loop3A_258 : i32 to index
        %parallel_loop3A_266 = tpu.vector_load %arg13[%parallel_loop3A_265] {strides = array<i32>} : memref<4000xf32, #tpu.memory_space<vmem>>, vector<16xf32>,
        tpu.vector_store %arg13[%parallel_loop3A_265], %parallel_loop3A_264 {strides = array<i32>} : memref<4000xf32, #tpu.memory_space<vmem>>, vector<16xf32>,
      } {sc.loop_unroll_factor = 25 : i64, sc.parallel_access}
      %mul3A_185 = arith.constant 4000 : i32
      %mul3A_186 = arith.muli %add3A_157, %mul3A_185 : i32
      %add3A_187 = arith.addi %mul3A_2, %mul3A_186 : i32
      %dma_start3A_188 = tpu.memref_slice %arg6[%add3A_187] : memref<6400000xf32, #tpu.memory_space<hbm>> -> memref<4000xf32, #tpu.memory_space<hbm>>
      %dma_start3A_189 = tpu.memref_slice %arg6[%add3A_187] : memref<6400000xf32, #tpu.memory_space<hbm>> -> memref<4000xf32, #tpu.memory_space<hbm>>
      tpu.enqueue_dma source(%arg13 : memref<4000xf32, #tpu.memory_space<vmem>>) target(%dma_start3A_189 : memref<4000xf32, #tpu.memory_space<hbm>>) target_semaphore(%arg17 : memref<!tpu.dma_semaphore, #tpu.memory_space<semaphore_mem>>)
      %add3A_190 = arith.constant 4 : i32
      %add3A_191 = arith.addi %add3A_57, %add3A_190 : i32
      %mul3A_192 = arith.constant 4000 : i32
      %mul3A_193 = arith.muli %add3A_191, %mul3A_192 : i32
      %add3A_194 = arith.addi %mul3A_2, %mul3A_193 : i32
      %dma_wait3A_195 = tpu.memref_slice %arg2[%add3A_194] : memref<6400000xf32, #tpu.memory_space<hbm>> -> memref<4000xf32, #tpu.memory_space<hbm>>
      %dma_wait3A_196 = tpu.memref_slice %arg2[%add3A_194] : memref<6400000xf32, #tpu.memory_space<hbm>> -> memref<4000xf32, #tpu.memory_space<hbm>>
      tpu.wait_dma2 semaphore(%arg14 : memref<!tpu.dma_semaphore, #tpu.memory_space<semaphore_mem>>) src(%dma_wait3A_196 : memref<4000xf32, #tpu.memory_space<hbm>>) dst(%arg11 : memref<4000xf32, #tpu.memory_space<vmem>>)
      %mul3A_197 = arith.constant 4000 : i32
      %mul3A_198 = arith.muli %add3A_191, %mul3A_197 : i32
      %add3A_199 = arith.addi %mul3A_2, %mul3A_198 : i32
      %dma_wait3A_200 = tpu.memref_slice %arg3[%add3A_199] : memref<12800000xi32, #tpu.memory_space<hbm>> -> memref<4000xi32, #tpu.memory_space<hbm>>
      %dma_wait3A_201 = tpu.memref_slice %arg3[%add3A_199] : memref<12800000xi32, #tpu.memory_space<hbm>> -> memref<4000xi32, #tpu.memory_space<hbm>>
      tpu.wait_dma2 semaphore(%arg15 : memref<!tpu.dma_semaphore, #tpu.memory_space<semaphore_mem>>) src(%dma_wait3A_201 : memref<4000xi32, #tpu.memory_space<hbm>>) dst(%arg8 : memref<4000xi32, #tpu.memory_space<vmem>>)
      %sub3A_202 = arith.constant 2 : i32
      %sub3A_203 = arith.subi %add3A_191, %sub3A_202 : i32
      %mul3A_204 = arith.constant 4000 : i32
      %mul3A_205 = arith.muli %sub3A_203, %mul3A_204 : i32
      %add3A_206 = arith.addi %mul3A_2, %mul3A_205 : i32
      %dma_wait3A_207 = tpu.memref_slice %arg6[%add3A_206] : memref<6400000xf32, #tpu.memory_space<hbm>> -> memref<4000xf32, #tpu.memory_space<hbm>>
      %dma_wait3A_208 = tpu.memref_slice %arg6[%add3A_206] : memref<6400000xf32, #tpu.memory_space<hbm>> -> memref<4000xf32, #tpu.memory_space<hbm>>
      tpu.wait_dma2 semaphore(%arg16 : memref<!tpu.dma_semaphore, #tpu.memory_space<semaphore_mem>>) src(%arg12 : memref<4000xf32, #tpu.memory_space<vmem>>) dst(%dma_wait3A_208 : memref<4000xf32, #tpu.memory_space<hbm>>)
      %add3A_209 = arith.constant 1 : i32
      %add3A_210 = arith.addi %add3A_191, %add3A_209 : i32
      %lt3A_211 = arith.constant 50 : i32
      %lt3A_212 = arith.cmpi slt, %add3A_210, %lt3A_211 : i32
      %convert_element_type3A_213 = arith.extui %lt3A_212 : i1 to i32
      %cond3A_214 = arith.constant 0 : i32
      %cond3A_215 = arith.cmpi ne, %convert_element_type3A_213, %cond3A_214 : i32
      scf.if %cond3A_215 {
        %add3A_258 = arith.constant 1 : i32
        %add3A_259 = arith.addi %add3A_191, %add3A_258 : i32
        %mul3A_260 = arith.constant 4000 : i32
        %mul3A_261 = arith.muli %add3A_259, %mul3A_260 : i32
        %add3A_262 = arith.addi %mul3A_2, %mul3A_261 : i32
        %dma_start3A_263 = tpu.memref_slice %arg2[%add3A_262] : memref<6400000xf32, #tpu.memory_space<hbm>> -> memref<4000xf32, #tpu.memory_space<hbm>>
        %dma_start3A_264 = tpu.memref_slice %arg2[%add3A_262] : memref<6400000xf32, #tpu.memory_space<hbm>> -> memref<4000xf32, #tpu.memory_space<hbm>>
        tpu.enqueue_dma source(%dma_start3A_264 : memref<4000xf32, #tpu.memory_space<hbm>>) target(%arg12 : memref<4000xf32, #tpu.memory_space<vmem>>) target_semaphore(%arg14 : memref<!tpu.dma_semaphore, #tpu.memory_space<semaphore_mem>>)
        %mul3A_265 = arith.constant 4000 : i32
        %mul3A_266 = arith.muli %add3A_259, %mul3A_265 : i32
        %add3A_267 = arith.addi %mul3A_2, %mul3A_266 : i32
        %dma_start3A_268 = tpu.memref_slice %arg3[%add3A_267] : memref<12800000xi32, #tpu.memory_space<hbm>> -> memref<4000xi32, #tpu.memory_space<hbm>>
        %dma_start3A_269 = tpu.memref_slice %arg3[%add3A_267] : memref<12800000xi32, #tpu.memory_space<hbm>> -> memref<4000xi32, #tpu.memory_space<hbm>>
        tpu.enqueue_dma source(%dma_start3A_269 : memref<4000xi32, #tpu.memory_space<hbm>>) target(%arg9 : memref<4000xi32, #tpu.memory_space<vmem>>) target_semaphore(%arg15 : memref<!tpu.dma_semaphore, #tpu.memory_space<semaphore_mem>>)
      } else {
      }
      %parallel_loop3A_216 = arith.constant 0 : i32
      %parallel_loop3A_217 = arith.constant 4000 : i32
      %parallel_loop3A_218 = arith.constant 16 : i32
      scf.for %parallel_loop3A_258 = %parallel_loop3A_216 to %parallel_loop3A_217 step %parallel_loop3A_218  : i32 {
        %parallel_loop3A_259 = arith.index_cast %parallel_loop3A_258 : i32 to index
        %parallel_loop3A_260 = tpu.vector_load %arg8[%parallel_loop3A_259] {strides = array<i32>} : memref<4000xi32, #tpu.memory_space<vmem>>, vector<16xi32>,
        %parallel_loop3A_261 = tpu.vector_load_idx %arg7[%parallel_loop3A_260] : memref<100352xf32, #tpu.memory_space<vmem>>[vector<16xi32>], vector<16xf32>,
        %parallel_loop3A_262 = arith.index_cast %parallel_loop3A_258 : i32 to index
        %parallel_loop3A_263 = tpu.vector_load %arg11[%parallel_loop3A_262] {strides = array<i32>} : memref<4000xf32, #tpu.memory_space<vmem>>, vector<16xf32>,
        %parallel_loop3A_264 = arith.divf %parallel_loop3A_263, %parallel_loop3A_261 : vector<16xf32>
        %parallel_loop3A_265 = arith.index_cast %parallel_loop3A_258 : i32 to index
        %parallel_loop3A_266 = tpu.vector_load %arg11[%parallel_loop3A_265] {strides = array<i32>} : memref<4000xf32, #tpu.memory_space<vmem>>, vector<16xf32>,
        tpu.vector_store %arg11[%parallel_loop3A_265], %parallel_loop3A_264 {strides = array<i32>} : memref<4000xf32, #tpu.memory_space<vmem>>, vector<16xf32>,
      } {sc.loop_unroll_factor = 25 : i64, sc.parallel_access}
      %mul3A_219 = arith.constant 4000 : i32
      %mul3A_220 = arith.muli %add3A_191, %mul3A_219 : i32
      %add3A_221 = arith.addi %mul3A_2, %mul3A_220 : i32
      %dma_start3A_222 = tpu.memref_slice %arg6[%add3A_221] : memref<6400000xf32, #tpu.memory_space<hbm>> -> memref<4000xf32, #tpu.memory_space<hbm>>
      %dma_start3A_223 = tpu.memref_slice %arg6[%add3A_221] : memref<6400000xf32, #tpu.memory_space<hbm>> -> memref<4000xf32, #tpu.memory_space<hbm>>
      tpu.enqueue_dma source(%arg11 : memref<4000xf32, #tpu.memory_space<vmem>>) target(%dma_start3A_223 : memref<4000xf32, #tpu.memory_space<hbm>>) target_semaphore(%arg16 : memref<!tpu.dma_semaphore, #tpu.memory_space<semaphore_mem>>)
      %add3A_224 = arith.constant 5 : i32
      %add3A_225 = arith.addi %add3A_57, %add3A_224 : i32
      %mul3A_226 = arith.constant 4000 : i32
      %mul3A_227 = arith.muli %add3A_225, %mul3A_226 : i32
      %add3A_228 = arith.addi %mul3A_2, %mul3A_227 : i32
      %dma_wait3A_229 = tpu.memref_slice %arg2[%add3A_228] : memref<6400000xf32, #tpu.memory_space<hbm>> -> memref<4000xf32, #tpu.memory_space<hbm>>
      %dma_wait3A_230 = tpu.memref_slice %arg2[%add3A_228] : memref<6400000xf32, #tpu.memory_space<hbm>> -> memref<4000xf32, #tpu.memory_space<hbm>>
      tpu.wait_dma2 semaphore(%arg14 : memref<!tpu.dma_semaphore, #tpu.memory_space<semaphore_mem>>) src(%dma_wait3A_230 : memref<4000xf32, #tpu.memory_space<hbm>>) dst(%arg12 : memref<4000xf32, #tpu.memory_space<vmem>>)
      %mul3A_231 = arith.constant 4000 : i32
      %mul3A_232 = arith.muli %add3A_225, %mul3A_231 : i32
      %add3A_233 = arith.addi %mul3A_2, %mul3A_232 : i32
      %dma_wait3A_234 = tpu.memref_slice %arg3[%add3A_233] : memref<12800000xi32, #tpu.memory_space<hbm>> -> memref<4000xi32, #tpu.memory_space<hbm>>
      %dma_wait3A_235 = tpu.memref_slice %arg3[%add3A_233] : memref<12800000xi32, #tpu.memory_space<hbm>> -> memref<4000xi32, #tpu.memory_space<hbm>>
      tpu.wait_dma2 semaphore(%arg15 : memref<!tpu.dma_semaphore, #tpu.memory_space<semaphore_mem>>) src(%dma_wait3A_235 : memref<4000xi32, #tpu.memory_space<hbm>>) dst(%arg9 : memref<4000xi32, #tpu.memory_space<vmem>>)
      %sub3A_236 = arith.constant 2 : i32
      %sub3A_237 = arith.subi %add3A_225, %sub3A_236 : i32
      %mul3A_238 = arith.constant 4000 : i32
      %mul3A_239 = arith.muli %sub3A_237, %mul3A_238 : i32
      %add3A_240 = arith.addi %mul3A_2, %mul3A_239 : i32
      %dma_wait3A_241 = tpu.memref_slice %arg6[%add3A_240] : memref<6400000xf32, #tpu.memory_space<hbm>> -> memref<4000xf32, #tpu.memory_space<hbm>>
      %dma_wait3A_242 = tpu.memref_slice %arg6[%add3A_240] : memref<6400000xf32, #tpu.memory_space<hbm>> -> memref<4000xf32, #tpu.memory_space<hbm>>
      tpu.wait_dma2 semaphore(%arg17 : memref<!tpu.dma_semaphore, #tpu.memory_space<semaphore_mem>>) src(%arg13 : memref<4000xf32, #tpu.memory_space<vmem>>) dst(%dma_wait3A_242 : memref<4000xf32, #tpu.memory_space<hbm>>)
      %add3A_243 = arith.constant 1 : i32
      %add3A_244 = arith.addi %add3A_225, %add3A_243 : i32
      %lt3A_245 = arith.constant 50 : i32
      %lt3A_246 = arith.cmpi slt, %add3A_244, %lt3A_245 : i32
      %convert_element_type3A_247 = arith.extui %lt3A_246 : i1 to i32
      %cond3A_248 = arith.constant 0 : i32
      %cond3A_249 = arith.cmpi ne, %convert_element_type3A_247, %cond3A_248 : i32
      scf.if %cond3A_249 {
        %add3A_258 = arith.constant 1 : i32
        %add3A_259 = arith.addi %add3A_225, %add3A_258 : i32
        %mul3A_260 = arith.constant 4000 : i32
        %mul3A_261 = arith.muli %add3A_259, %mul3A_260 : i32
        %add3A_262 = arith.addi %mul3A_2, %mul3A_261 : i32
        %dma_start3A_263 = tpu.memref_slice %arg2[%add3A_262] : memref<6400000xf32, #tpu.memory_space<hbm>> -> memref<4000xf32, #tpu.memory_space<hbm>>
        %dma_start3A_264 = tpu.memref_slice %arg2[%add3A_262] : memref<6400000xf32, #tpu.memory_space<hbm>> -> memref<4000xf32, #tpu.memory_space<hbm>>
        tpu.enqueue_dma source(%dma_start3A_264 : memref<4000xf32, #tpu.memory_space<hbm>>) target(%arg13 : memref<4000xf32, #tpu.memory_space<vmem>>) target_semaphore(%arg14 : memref<!tpu.dma_semaphore, #tpu.memory_space<semaphore_mem>>)
        %mul3A_265 = arith.constant 4000 : i32
        %mul3A_266 = arith.muli %add3A_259, %mul3A_265 : i32
        %add3A_267 = arith.addi %mul3A_2, %mul3A_266 : i32
        %dma_start3A_268 = tpu.memref_slice %arg3[%add3A_267] : memref<12800000xi32, #tpu.memory_space<hbm>> -> memref<4000xi32, #tpu.memory_space<hbm>>
        %dma_start3A_269 = tpu.memref_slice %arg3[%add3A_267] : memref<12800000xi32, #tpu.memory_space<hbm>> -> memref<4000xi32, #tpu.memory_space<hbm>>
        tpu.enqueue_dma source(%dma_start3A_269 : memref<4000xi32, #tpu.memory_space<hbm>>) target(%arg10 : memref<4000xi32, #tpu.memory_space<vmem>>) target_semaphore(%arg15 : memref<!tpu.dma_semaphore, #tpu.memory_space<semaphore_mem>>)
      } else {
      }
      %parallel_loop3A_250 = arith.constant 0 : i32
      %parallel_loop3A_251 = arith.constant 4000 : i32
      %parallel_loop3A_252 = arith.constant 16 : i32
      scf.for %parallel_loop3A_258 = %parallel_loop3A_250 to %parallel_loop3A_251 step %parallel_loop3A_252  : i32 {
        %parallel_loop3A_259 = arith.index_cast %parallel_loop3A_258 : i32 to index
        %parallel_loop3A_260 = tpu.vector_load %arg9[%parallel_loop3A_259] {strides = array<i32>} : memref<4000xi32, #tpu.memory_space<vmem>>, vector<16xi32>,
        %parallel_loop3A_261 = tpu.vector_load_idx %arg7[%parallel_loop3A_260] : memref<100352xf32, #tpu.memory_space<vmem>>[vector<16xi32>], vector<16xf32>,
        %parallel_loop3A_262 = arith.index_cast %parallel_loop3A_258 : i32 to index
        %parallel_loop3A_263 = tpu.vector_load %arg12[%parallel_loop3A_262] {strides = array<i32>} : memref<4000xf32, #tpu.memory_space<vmem>>, vector<16xf32>,
        %parallel_loop3A_264 = arith.divf %parallel_loop3A_263, %parallel_loop3A_261 : vector<16xf32>
        %parallel_loop3A_265 = arith.index_cast %parallel_loop3A_258 : i32 to index
        %parallel_loop3A_266 = tpu.vector_load %arg12[%parallel_loop3A_265] {strides = array<i32>} : memref<4000xf32, #tpu.memory_space<vmem>>, vector<16xf32>,
        tpu.vector_store %arg12[%parallel_loop3A_265], %parallel_loop3A_264 {strides = array<i32>} : memref<4000xf32, #tpu.memory_space<vmem>>, vector<16xf32>,
      } {sc.loop_unroll_factor = 25 : i64, sc.parallel_access}
      %mul3A_253 = arith.constant 4000 : i32
      %mul3A_254 = arith.muli %add3A_225, %mul3A_253 : i32
      %add3A_255 = arith.addi %mul3A_2, %mul3A_254 : i32
      %dma_start3A_256 = tpu.memref_slice %arg6[%add3A_255] : memref<6400000xf32, #tpu.memory_space<hbm>> -> memref<4000xf32, #tpu.memory_space<hbm>>
      %dma_start3A_257 = tpu.memref_slice %arg6[%add3A_255] : memref<6400000xf32, #tpu.memory_space<hbm>> -> memref<4000xf32, #tpu.memory_space<hbm>>
      tpu.enqueue_dma source(%arg12 : memref<4000xf32, #tpu.memory_space<vmem>>) target(%dma_start3A_257 : memref<4000xf32, #tpu.memory_space<hbm>>) target_semaphore(%arg17 : memref<!tpu.dma_semaphore, #tpu.memory_space<semaphore_mem>>)
    }
    %scan3A_45 = arith.constant 8 : i32
    %add3A_46 = arith.constant 192000 : i32
    %add3A_47 = arith.addi %mul3A_2, %add3A_46 : i32
    %dma_wait3A = tpu.memref_slice %arg6[%add3A_47] : memref<6400000xf32, #tpu.memory_space<hbm>> -> memref<4000xf32, #tpu.memory_space<hbm>>
    %dma_wait3A_48 = tpu.memref_slice %arg6[%add3A_47] : memref<6400000xf32, #tpu.memory_space<hbm>> -> memref<4000xf32, #tpu.memory_space<hbm>>
    tpu.wait_dma2 semaphore(%arg16 : memref<!tpu.dma_semaphore, #tpu.memory_space<semaphore_mem>>) src(%arg11 : memref<4000xf32, #tpu.memory_space<vmem>>) dst(%dma_wait3A_48 : memref<4000xf32, #tpu.memory_space<hbm>>)
    %add3A_49 = arith.constant 196000 : i32
    %add3A_50 = arith.addi %mul3A_2, %add3A_49 : i32
    %dma_wait3A_51 = tpu.memref_slice %arg6[%add3A_50] : memref<6400000xf32, #tpu.memory_space<hbm>> -> memref<4000xf32, #tpu.memory_space<hbm>>
    %dma_wait3A_52 = tpu.memref_slice %arg6[%add3A_50] : memref<6400000xf32, #tpu.memory_space<hbm>> -> memref<4000xf32, #tpu.memory_space<hbm>>
    tpu.wait_dma2 semaphore(%arg17 : memref<!tpu.dma_semaphore, #tpu.memory_space<semaphore_mem>>) src(%arg12 : memref<4000xf32, #tpu.memory_space<vmem>>) dst(%dma_wait3A_52 : memref<4000xf32, #tpu.memory_space<hbm>>)
    return
  }
}

</mosaic_0001>

<sc_bundles>
// kernel: kernel.4.cloned.1.call-start
scs
__scs_entry_jumppad:
0x0: {  	(pc) =	sbr.rel $0x88, $3  }
0x1: {  	(tag) =	ssettag $0x0;
	lr =	simm.s32 $0x1  }
0x2: {  	[smem:$0x3F9F] =	sst lr;
	_ =	strace $0xD0000000  }
0x3: {  	_ = 	snop  }
0x4: {  	_ = 	snop  }
0x5: {  	_ = 	snop  }
0x6: {  	_ = 	snop  }
0x7: {  	_ = 	snop  }
__scs_overlays_trampoline_lowered:
0x8: {  	[smem:$0x3FAE] =	sst s0  }
0x9: {  	[smem:$0x3FAF] =	sst s1  }
0xa: {  	[smem:$0x3FB0] =	sst s2  }
0xb: {  	[smem:$0x3FB1] =	sst s3  }
0xc: {  	[smem:$0x3FB2] =	sst s4  }
0xd: {  	[smem:$0x3FB3] =	sst s5  }
0xe: {  	[smem:$0x3FB4] =	sst s6  }
0xf: {  	[smem:$0x3FB5] =	sst s7  }
0x10: {  	[smem:$0x3FB6] =	sst s8  }
0x11: {  	[smem:$0x3FB7] =	sst s9;
	s0 =	simm.s32 @!p0 $0x0  }
0x12: {  	s1 =	sld [smem:$0x3F9D];
	s0 =	simm.s32 @p0 $0x1  }
0x13: {  	[smem:$0x3FB8] =	sst s0;
	s0 =	simm.s32 @!p1 $0x0  }
0x14: {  	s2 =	sld [smem:$0x3F9C];
	s0 =	simm.s32 @p1 $0x1  }
0x15: {  	[smem:$0x3FB9] =	sst s0;
	s0 =	simm.s32 @!p2 $0x0  }
0x16: {  	s3 =	sld [smem:$0x3FDB];
	s0 =	simm.s32 @p2 $0x1  }
0x17: {  	s4 =	simm.s32 $0x1BF5;
	[smem:$0x3FBB] =	sst s0  }
0x18: {  	s0 =	sld [smem:$0x3F9E];
	_ =	swait.ge [sflag:s4], $0x0  }
0x19: {  	s7 =	sld [smem:$0x3F9F]  }
0x1a: {  	s8 =	sadd.s32 $0xFFFFE003, lr  }
0x1b: {  	s9 =	sadd.s32 $0xFFFFFEF7, lr;
	s5 =	simm.s32 $0xFFFFFFFF;
	p2 =	slt.u32 s8, $0xFFFFF086  }
0x1c: {  	p1 =	slt.u32 s9, $0xF7A;
	s5 =	simm.s32 @!p2 $0x0  }
0x1d: {  	s5 =	simm.s32 @p1 $0x1;
	p0 =	seq.s32 s7, s2  }
0x1e: {  	s7 =	smul.u32 @!p0 $0xF7A, s2;
	p2 =	seq.s32 @!p0 s5, $0x0  }
0x1f: {  	s9 =	smul.u32 $0xF7A, s1;
	s8 =	simm.s32 @!p0 $0x1BF5;
	p2 =	por !p2, p0  }
0x20: {  	[sflag:s8] =	ssyncset.s32 @!p0 $0xFFFFF086;
	s6 =	sadd.s32 @!p0 s3, s7;
	s7 =	simm.s32 @!p0 $0x108  }
0x21: {  	s3 =	sadd.s32 s3, s9;
	s6 =	sadd.s32 @!p0 $0x88, s6;
	s7 =	simm.s32 @p2 $0x1082  }
0x22: {  	[simem:s7], [sflag:s8] =	dma.local @!p0 [hbm:s6], $0xF7A  }
0x23: {  	s9 =	sor.u32 $0xD0000000, s2;
	s6 =	simm.s32 $0x108;
	_ =	swait.ge @!p0 [sflag:s8], $0x0  }
0x24: {  	s3 =	sadd.s32 $0x88, s3;
	s6 =	simm.s32 @!p1 $0x1082;
	[sflag:s4] =	ssyncset.s32 $0xFFFFF086  }
0x25: {  	[simem:s6], [sflag:s4] =	dma.local [hbm:s3], $0xF7A  }
0x26: {  	[smem:$0x3F9F] =	sst s1;
	(tag) =	ssettag s2;
	_ =	strace s9  }
0x27: {  	s1 =	sld [smem:$0x3FAF]  }
0x28: {  	s2 =	sld [smem:$0x3FB0]  }
0x29: {  	s4 =	sld [smem:$0x3FB2]  }
0x2a: {  	p0 =	seq.s32 s5, $0x0;
	s5 =	sld [smem:$0x3FB3]  }
0x2b: {  	s6 =	sld [smem:$0x3FB4]  }
0x2c: {  	s7 =	sld [smem:$0x3FB5]  }
0x2d: {  	s3 =	simm.s32 $0x108;
	s8 =	sld [smem:$0x3FB6]  }
0x2e: {  	s3 =	simm.s32 @!p0 $0x1082;
	s9 =	sld [smem:$0x3FB7]  }
0x2f: {  	lr =	sadd.s32 s0, s3;
	s0 =	sld [smem:$0x3FAE]  }
0x30: {  	s3 =	sld [smem:$0x3FB1]  }
0x31: {  	[smem:$0x3FBA] =	sst s10  }
0x32: {  	s10 =	sld [smem:$0x3FB8];
	_ =	sdelay $0x3  }
0x33: {  	p0 =	seq.s32 s10, $0x1;
	s10 =	sld [smem:$0x3FBA];
	_ =	sdelay $0x3  }
0x34: {  	[smem:$0x3FBA] =	sst s10  }
0x35: {  	s10 =	sld [smem:$0x3FB9];
	_ =	sdelay $0x3  }
0x36: {  	p1 =	seq.s32 s10, $0x1;
	s10 =	sld [smem:$0x3FBA];
	_ =	sdelay $0x3  }
0x37: {  	[smem:$0x3FBA] =	sst s10  }
0x38: {  	s10 =	sld [smem:$0x3FBB]  }
0x39: {  	_ = 	snop;
	(pc) =	sbr.ind lr, $3  }
0x3a: {  	_ = 	snop  }
0x3b: {  	_ = 	snop  }
0x3c: {  	p2 =	seq.s32 s10, $0x1;
	s10 =	sld [smem:$0x3FBA]  }
0x3d: {  	_ =	shalt  }
0x3e: {  	_ =	shalt  }
0x3f: {  	_ =	shalt  }
0x40: {  	_ =	shalt  }
0x41: {  	_ =	shalt  }
0x42: {  	_ =	shalt  }
0x43: {  	_ =	shalt  }
0x44: {  	_ =	shalt  }
0x45: {  	_ =	shalt  }
0x46: {  	_ =	shalt  }
0x47: {  	_ =	shalt  }
0x48: {  	_ =	shalt  }
0x49: {  	_ =	shalt  }
0x4a: {  	_ =	shalt  }
0x4b: {  	_ =	shalt  }
0x4c: {  	_ =	shalt  }
0x4d: {  	_ =	shalt  }
0x4e: {  	_ =	shalt  }
0x4f: {  	_ =	shalt  }
0x50: {  	_ =	shalt  }
0x51: {  	_ =	shalt  }
0x52: {  	_ =	shalt  }
0x53: {  	_ =	shalt  }
0x54: {  	_ =	shalt  }
0x55: {  	_ =	shalt  }
0x56: {  	_ =	shalt  }
0x57: {  	_ =	shalt  }
0x58: {  	_ =	shalt  }
0x59: {  	_ =	shalt  }
0x5a: {  	_ =	shalt  }
0x5b: {  	_ =	shalt  }
0x5c: {  	_ =	shalt  }
0x5d: {  	_ =	shalt  }
0x5e: {  	_ =	shalt  }
0x5f: {  	_ =	shalt  }
0x60: {  	_ =	shalt  }
0x61: {  	_ =	shalt  }
0x62: {  	_ =	shalt  }
0x63: {  	_ =	shalt  }
0x64: {  	_ =	shalt  }
0x65: {  	_ =	shalt  }
0x66: {  	_ =	shalt  }
0x67: {  	_ =	shalt  }
0x68: {  	_ =	shalt  }
0x69: {  	_ =	shalt  }
0x6a: {  	_ =	shalt  }
0x6b: {  	_ =	shalt  }
0x6c: {  	_ =	shalt  }
0x6d: {  	_ =	shalt  }
0x6e: {  	_ =	shalt  }
0x6f: {  	_ =	shalt  }
0x70: {  	_ =	shalt  }
0x71: {  	_ =	shalt  }
0x72: {  	_ =	shalt  }
0x73: {  	_ =	shalt  }
0x74: {  	_ =	shalt  }
0x75: {  	_ =	shalt  }
0x76: {  	_ =	shalt  }
0x77: {  	_ =	shalt  }
0x78: {  	_ =	shalt  }
0x79: {  	_ =	shalt  }
0x7a: {  	_ =	shalt  }
0x7b: {  	_ =	shalt  }
0x7c: {  	_ =	shalt  }
0x7d: {  	_ =	shalt  }
0x7e: {  	_ =	shalt  }
0x7f: {  	_ =	shalt  }
0x80: {  	_ =	shalt  }
0x81: {  	_ =	shalt  }
0x82: {  	_ =	shalt  }
0x83: {  	_ =	shalt  }
0x84: {  	_ =	shalt  }
0x85: {  	_ =	shalt  }
0x86: {  	_ =	shalt  }
0x87: {  	_ =	shalt  }
.Lfunc_end0:
.L_simem_size_0:
called_computation.1_lowered:
.L_overlay_start_0:
0x88: {  	s2 =	sld [smem:$0x3FD9]  }
0x89: {  	s3 =	sld [smem:$0x3FFE];
	_ =	sdelay $0x1  }
0x8a: {  	s1 =	srdreg.scid  }
0x8b: {  	s0 =	sand.u32 $0x1, s1  }
0x8c: {  	s17 =	sshll.u32 s0, $0xA;
	s2 =	sadd.s32 s3, s2  }
0x8d: {  	s2 =	sadd.s32 s2, s17  }
0x8e: {  	[smem:$0x3FC6] =	sst s2  }
0x8f: {  	_ = 	snop  }
0x90: {  	s2 =	sld [smem:$0x3FC9];
	(tm) =	ssettm $0x1  }
0x91: {  	s18 =	sld [smem:$0x3FFB];
	_ =	sdelay $0x3  }
0x92: {  	_ =	strace s18  }
0x93: {  	s3 =	sld [smem:$0x3FFC];
	_ =	sdelay $0x3  }
0x94: {  	_ =	strace s3  }
0x95: {  	s3 =	sld [smem:$0x3FFD];
	_ =	sdelay $0x3  }
0x96: {  	_ =	strace s3  }
0x97: {  	_ =	strace $0x8FFFFFFF  }
0x98: {  	s19 =	sld [smem:$0x3FDB];
	_ =	sdelay $0x1  }
0x99: {  	s4 =	simm.s32 $_scs_section_size  }
0x9a: {  	s5 =	simm.s32 $_size__tile_overlayer_lowered;
	s6 =	simm.s32 $_tile_overlayer_lowered  }
0x9b: {  	s22 =	simm.s32 $0x1BFF;
	s21 =	sshll.u32 s6, $0x1;
	s3 =	sadd.s32 s4, s19  }
0x9c: {  	s7 =	simm.s32 $0x0;
	s20 =	sshll.u32 s5, $0x1;
	s5 =	sadd.s32 s21, s3  }
0x9d: {  	[timem:s7], [sflag:s22] =	dma.local [hbm:s5], s20  }
0x9e: {  	_ =	swait.ge [sflag:s22], s20  }
0x9f: {  	s4 =	ssub.s32 $0x0, s20;
	[sflag:s22] =	ssyncset.done $0x0  }
0xa0: {  	[sflag:s22] =	ssyncadd.s32 s4;
	_ =	sdelay $0x1  }
0xa1: {  	s23 =	simm.s32 $0x1B8B  }
0xa2: {  	_ =	swait.ge [sflag:s23], $0x1  }
0xa3: {  	[sflag:s23] =	ssyncset.done $0x0  }
0xa4: {  	s25 =	simm.s32 $0x1B8E;
	s24 =	sld [smem:$0x3FFE];
	[sflag:s23] =	ssyncadd.s32 $0xFFFFFFFF  }
0xa5: {  	s26 =	simm.s32 $execute0_lowered;
	[smem:$0x3FD2] =	sst s25  }
0xa6: {  	s5 =	sshll.u32 s26, $0x1;
	_ =	strace $0x80000049;
	[dreg:$0x1] =	wrdreg $0xFFFFFFFF  }
0xa7: {  	s28 =	simm.s32 $_size_execute0_lowered;
	s3 =	sadd.s32 s3, s5;
	[dreg:$0x0] =	wrdreg $0x0  }
0xa8: {  	s5 =	sshll.u32 s28, $0x1;
	[dreg:$0x2] =	wrdreg s3  }
0xa9: {  	[dreg:$0x3] =	wrdreg s5  }
0xaa: {  	[dreg:$0x4] =	wrdreg $0xC0  }
0xab: {  	_ =	task [dreg:s7], $0x5FFFF  }
0xac: {  	[dreg:$0x1] =	wrdreg $0xFFFFFFFF  }
0xad: {  	[dreg:$0x0] =	wrdreg $0x60  }
0xae: {  	[dreg:$0x2] =	wrdreg s2  }
0xaf: {  	[dreg:$0x3] =	wrdreg s24  }
0xb0: {  	[dreg:$0x4] =	wrdreg $0x0  }
0xb1: {  	[dreg:$0x5] =	wrdreg $0x9  }
0xb2: {  	_ =	task.clear_ibuf [dreg:s7], $0x6FFFF;
	_ =	strace $0x90000049  }
0xb3: {  	s29 =	simm.s32 $0x9;
	_ =	strace $0x8000004B  }
0xb4: {  	_ =	swait.ge [sflag:s29], $0x1  }
0xb5: {  	[sflag:s29] =	ssyncadd.s32 $0xFFFFFFFF  }
0xb6: {  	_ =	strace $0x9000004B  }
0xb7: {  	_ =	sfence  }
0xb8: {  	s30 =	sld [smem:$0x0];
	_ =	sdelay $0x2  }
0xb9: {  	s31 =	sshll.u32 s1, $0xD;
	s1 =	sshrl.u32 s1, $0x2  }
0xba: {  	s3 =	sand.u32 $0x4000, s31;
	s1 =	sadd.s32 s1, s30  }
0xbb: {  	s0 =	sor.u32 s3, s0;
	s1 =	sshll.u32 s1, $0x11  }
0xbc: {  	s0 =	sor.u32 s1, s0  }
0xbd: {  	s0 =	sadd.s32 $0x8F2B, s0  }
0xbe: {  	[sflag:s0] =	ssyncadd.remote.s32 $0x1  }
0xbf: {  	_ =	sfence.sel $0xFFFF  }
0xc0: {  	[dreg:$0x0] =	wrdreg $0xFFFFFFFF;
	(pc) =	sbr.abs _section_cstart, $3  }
0xc1: {  	[dreg:$0x1] =	wrdreg $0xFFFFFFFF  }
0xc2: {  	_ =	task.clear_ibuf [dreg:s7], $0x2FFFF;
	_ =	strace $0x9FFFFFFF  }
0xc3: {  	(tm) =	ssettm $0x7FFFFFFF  }
tec
execute0_lowered:
.L_overlay_start_1:
0x0: {  	(tag) =	ssettag $0x1  }
0x1: {  	s1 =	rddreg [dreg:$0x0]  }
0x2: {  	s0 =	rddreg [dreg:$0x1]  }
0x3: {  	s2 =	rddreg [dreg:$0x2];
	s3 =	srdreg.scid  }
0x4: {  	s4 =	simm.s32 $0x0;
	s6 =	stileid.u32;
	s28 =	simm.s32 $0x1F40  }
0x5: {  	s29 =	simm.s32 $0x1;
	s30 =	simm.s32 $0x2;
	s31 =	simm.s32 $0xB600  }
0x6: {  	s3 =	sand.u32 $0x1, s3;
	[smem:$0x7FF] =	sst s4;
	s10 =	smul.u32 $0x1880, s6  }
0x7: {  	s5 =	sshll.u32 s3, $0x4;
	_ =	strace $0x8000004A;
	s7 =	ssub.s32 $0x2, s3  }
0x8: {  	p0 =	seq.s32 s3, $0x1;
	s3 =	simm.s32 $0x18AC00;
	s5 =	sor.u32 s6, s5  }
0x9: {  	s9 =	sshrl.u32 s7, $0x1;
	s6 =	sadd.s32 $0x18DE00, s0;
	s12 =	sadd.s32 s10, s2  }
0xa: {  	s3 =	simm.s32 @!p0 $0x187A00;
	s24 =	sshrl.u32 s10, $0x3;
	s10 =	simm.s32 $0x4  }
0xb: {  	s8 =	smul.u32 $0x30D40, s5;
	s5 =	sadd.s32 $0x1000, s0;
	s7 =	ssub.s32 s7, s9  }
0xc: {  	s0 =	sadd.s32 s3, s0;
	[dreg:$0x4] =	wrdreg s12;
	s26 =	smax.u32 s7, $0x1  }
0xd: {  	s3 =	simm.s32 $0x3;
	s0 =	sadd.s32 s0, s24;
	[dreg:$0x10] =	wrdreg s26  }
0xe: {  	s24 =	simm.s32 $0x1880;
	s18 =	sadd.s32 $0x3E80, s8;
	[dreg:$0x11] =	wrdreg s0  }
0xf: {  	s11 =	sadd.s32 $0x1F40, s8;
	s20 =	sadd.s32 $0x5DC0, s8;
	[dreg:$0xa] =	wrdreg s18  }
0x10: {  	s15 =	sshrl.u32 s8, $0x3;
	s21 =	sadd.s32 $0x7D00, s8;
	[dreg:$0xb] =	wrdreg s20  }
0x11: {  	s22 =	sadd.s32 $0x9C40, s8;
	s23 =	sadd.s32 $0xBB80, s8;
	[dreg:$0xc] =	wrdreg s21  }
0x12: {  	s25 =	sadd.s32 $0xDAC0, s8;
	s26 =	simm.s32 $0x3800;
	[dreg:$0xd] =	wrdreg s22  }
0x13: {  	s0 =	simm.s32 $0x5780;
	s8 =	simm.s32 $0x0;
	[dreg:$0xe] =	wrdreg s23  }
0x14: {  	s19 =	smov.u32 s11;
	s13 =	sadd.s32 s5, s15;
	[dreg:$0xf] =	wrdreg s25  }
0x15: {  	s11 =	sshrl.u32 s11, $0x3;
	s16 =	sadd.s32 s1, s15;
	[dreg:$0x5] =	wrdreg s13  }
0x16: {  	s9 =	sadd.s32 s6, s15;
	s22 =	simm.s32 $0x7700;
	[dreg:$0x6] =	wrdreg s16  }
0x17: {  	s25 =	simm.s32 $0x9680;
	s17 =	sadd.s32 s1, s11;
	[dreg:$0x9] =	wrdreg s9  }
0x18: {  	s11 =	sadd.s32 s5, s11;
	s13 =	simm.s32 $0x7;
	[dreg:$0x7] =	wrdreg s17  }
0x19: {  	v0 =	vimm.f32 $0.0e+00;
	s9 =	simm.s32 $0x5;
	[dreg:$0x8] =	wrdreg s11;
	s11 =	simm.s32 $0x6  }
.LBB2_1:
0x1a: {  	[dreg:$0x12] =	wrdreg s8;
	s7 =	simm.s32 $0x7740  }
0x1b: {  	[tilespmem:s7+$0xFFFFFFC0] =	vst v0  }
0x1c: {  	[tilespmem:s7+$0x30] =	vst v0  }
0x1d: {  	[tilespmem:s7+$0x20] =	vst v0  }
0x1e: {  	[tilespmem:s7+$0x10] =	vst v0  }
0x1f: {  	[tilespmem:s7+$0x0] =	vst v0  }
0x20: {  	[tilespmem:s7+$0xFFFFFFF0] =	vst v0  }
0x21: {  	s8 =	simm.s32 $0x0;
	[tilespmem:s7+$0xFFFFFFE0] =	vst v0  }
.LBB2_2:
0x22: {  	s8 =	sadd.s32 $0x80, s8;
	[tilespmem:s7+$0xFFFFFFD0] =	vst v0;
	s7 =	sadd.s32 $0x80, s7  }
0x23: {  	[tilespmem:s7+$0xFFFFFFC0] =	vst v0;
	p0 =	slt.u32 s8, $0x1800  }
0x24: {  	[tilespmem:s7+$0x30] =	vst v0  }
.Ltmp0:
0x25: {  	[tilespmem:s7+$0x20] =	vst v0;
	(pc) =	sbr.rel @p0 .LBB2_2-.Ltmp0, $4  }
0x26: {  	[tilespmem:s7+$0x10] =	vst v0  }
0x27: {  	[tilespmem:s7+$0x0] =	vst v0  }
0x28: {  	[tilespmem:s7+$0xFFFFFFF0] =	vst v0  }
0x29: {  	[tilespmem:s7+$0xFFFFFFE0] =	vst v0  }
0x2a: {  	[tilespmem:s7+$0xFFFFFFD0] =	vst v0  }
0x2b: {  	[spmem:s12] =	stream.linear.scatter [tilespmem:s22], [sflag:$0x7], $0x1880, $0x38;
	[tilespmem:$0xD580] =	vst v63  }
0x2c: {  	_ =	swait.ge [sflag:s13], $0x1880  }
0x2d: {  	[sflag:s13] =	ssyncset.done $0x0  }
0x2e: {  	[sflag:s13] =	ssyncadd.s32 $0xFFFFE780  }
0x2f: {  	[bflag:$0x0] =	sbarrier.arrive $0xFFFF  }
0x30: {  	s16 =	rddreg [dreg:$0x5]  }
0x31: {  	[tilespmem:s24], [sflag:$0x7] =	stream.linear.gather [hbm4b:s16+s4], $0x1F40, $0x38;
	[tilespmem:$0xD580] =	vst v63  }
0x32: {  	_ =	swait.ge [sflag:s13], $0x1F40  }
0x33: {  	[sflag:s13] =	ssyncset.done $0x0  }
0x34: {  	s17 =	rddreg [dreg:$0x6];
	[sflag:s13] =	ssyncadd.s32 $0xFFFFE0C0  }
0x35: {  	[tilespmem:s22], [sflag:$0x7] =	stream.linear.gather [hbm4b:s17+s4], $0x1F40, $0x38;
	[tilespmem:$0xD580] =	vst v63  }
0x36: {  	_ =	swait.ge [sflag:s13], $0x1F40  }
0x37: {  	[sflag:s13] =	ssyncset.done $0x0  }
0x38: {  	s18 =	rddreg [dreg:$0x7];
	[sflag:s13] =	ssyncadd.s32 $0xFFFFE0C0  }
0x39: {  	[tilespmem:s25], [sflag:$0x1] =	stream.linear.gather [hbm4b:s18+s4], $0x1F40, $0x38;
	[tilespmem:$0xD580] =	vst v63  }
0x3a: {  	s20 =	rddreg [dreg:$0x8];
	s13 =	simm.s32 $0x7750  }
0x3b: {  	[tilespmem:s26], [sflag:$0x2] =	stream.linear.gather [hbm4b:s20+s4], $0x1F40, $0x38;
	[tilespmem:$0xD580] =	vst v63  }
0x3c: {  	v1 =	vld [tilespmem:s13+$0x40]  }
0x3d: {  	v2 =	vld [tilespmem:s13+$0x10]  }
0x3e: {  	s21 =	simm.s32 $0x0;
	v3 =	vld [tilespmem:s13+$0xFFFFFFF0]  }
0x3f: {  	s16 =	sand.u32 $0x1FE0, s21  }
0x40: {  	v4 =	vld [tilespmem:s16+$0x7780]  }
0x41: {  	v1 =	vsub.f32 $0.0e+00, v1  }
0x42: {  	v2 =	vsub.f32 $0.0e+00, v2  }
0x43: {  	v5 =	vld [tilespmem:s13+$0xFFFFFFE0];
	v3 =	vsub.f32 $0.0e+00, v3;
	v1 =	vmul.f32 $1.442695020e+00, v1  }
0x44: {  	v2 =	vmul.f32 $1.442695020e+00, v2  }
0x45: {  	v4 =	vsub.f32 $0.0e+00, v4;
	v3 =	vmul.f32 $1.442695020e+00, v3;
	(erf) = vpow2.f32 v1;
	v1 =	vld [tilespmem:s13+$0x20]  }
0x46: {  	(erf) = vpow2.f32 v2;
	v2 =	vld [tilespmem:s13+$0xFFFFFFB0]  }
0x47: {  	v4 =	vmul.f32 $1.442695020e+00, v4;
	(erf) = vpow2.f32 v3;
	v3 =	vld [tilespmem:s13+$0xFFFFFFC0]  }
0x48: {  	v5 =	vsub.f32 $0.0e+00, v5  }
0x49: {  	(erf) = vpow2.f32 v4  }
0x4a: {  	v5 =	vmul.f32 $1.442695020e+00, v5;
	v4 =	vld [tilespmem:s13+$0x0]  }
0x4b: {  	v6 =	vld [tilespmem:s13+$0xFFFFFFD0];
	v1 =	vsub.f32 $0.0e+00, v1;
	v2 =	vsub.f32 $0.0e+00, v2  }
0x4c: {  	s8 =	simm.s32 $0x77F0;
	(erf) = vpow2.f32 v5;
	v3 =	vsub.f32 $0.0e+00, v3  }
0x4d: {  	v5 =	vld [tilespmem:s8+$0x40];
	v1 =	vmul.f32 $1.442695020e+00, v1;
	v2 =	vmul.f32 $1.442695020e+00, v2  }
0x4e: {  	v3 =	vmul.f32 $1.442695020e+00, v3  }
0x4f: {  	s23 =	simm.s32 $0xA0;
	v4 =	vsub.f32 $0.0e+00, v4;
	v7 =	vpop (erf);
	(erf) = vpow2.f32 v1;
	v1 =	vld [tilespmem:s8+$0x10]  }
0x50: {  	s12 =	sand.u32 $0x1FE0, s23;
	v9 =	vld [tilespmem:s8+$0xFFFFFFF0];
	v6 =	vsub.f32 $0.0e+00, v6;
	v8 =	vpop (erf)  }
0x51: {  	v10 =	vld [tilespmem:s12+$0x7780];
	v4 =	vmul.f32 $1.442695020e+00, v4;
	(erf) = vpow2.f32 v2;
	v2 =	vpop (erf)  }
0x52: {  	v6 =	vmul.f32 $1.442695020e+00, v6;
	v5 =	vsub.f32 $0.0e+00, v5;
	(erf) = vpow2.f32 v3;
	v3 =	vpop (erf)  }
0x53: {  	v8 =	vadd.f32 $1.000000000e+00, v8;
	(erf) = vpow2.f32 v4;
	v4 =	vld [tilespmem:s8+$0xFFFFFFE0];
	v3 =	vadd.f32 $1.000000000e+00, v3  }
0x54: {  	v11 =	vld [tilespmem:s8+$0x20];
	(erf) = vpow2.f32 v6;
	v6 =	vadd.f32 $1.000000000e+00, v7;
	v1 =	vsub.f32 $0.0e+00, v1  }
0x55: {  	(erf) = vrcp.f32 v3;
	v3 =	vmul.f32 $1.442695020e+00, v5;
	v5 =	vsub.f32 $0.0e+00, v9  }
0x56: {  	v1 =	vmul.f32 $1.442695020e+00, v1;
	(erf) = vrcp.f32 v8;
	v8 =	vsub.f32 $0.0e+00, v10  }
0x57: {  	(erf) = vrcp.f32 v6;
	v5 =	vmul.f32 $1.442695020e+00, v5  }
0x58: {  	v9 =	vld [tilespmem:s8+$0xFFFFFFB0];
	v4 =	vsub.f32 $0.0e+00, v4;
	v6 =	vpop (erf);
	(erf) = vpow2.f32 v3;
	v8 =	vmul.f32 $1.442695020e+00, v8  }
0x59: {  	v10 =	vld [tilespmem:s8+$0xFFFFFFC0];
	v3 =	vsub.f32 $0.0e+00, v11;
	v11 =	vpop (erf);
	(erf) = vpow2.f32 v1  }
0x5a: {  	v4 =	vmul.f32 $1.442695020e+00, v4;
	v12 =	vpop (erf);
	(erf) = vpow2.f32 v5  }
0x5b: {  	v2 =	vadd.f32 $1.000000000e+00, v2;
	v1 =	vld [tilespmem:s8+$0xFFFFFFD0];
	v5 =	vpop (erf);
	(erf) = vpow2.f32 v8  }
0x5c: {  	v7 =	vld [tilespmem:s8+$0x0];
	v3 =	vmul.f32 $1.442695020e+00, v3;
	v8 =	vpop (erf);
	(erf) = vpow2.f32 v4  }
0x5d: {  	v4 =	vsub.f32 $0.0e+00, v9;
	v9 =	vpop (erf);
	v8 =	vadd.f32 $1.000000000e+00, v8;
	(erf) = vrcp.f32 v2  }
0x5e: {  	v2 =	vsub.f32 $0.0e+00, v10;
	(erf) = vpow2.f32 v3;
	v3 =	vadd.f32 $1.000000000e+00, v9  }
0x5f: {  	v4 =	vmul.f32 $1.442695020e+00, v4  }
0x60: {  	v10 =	vpop (erf);
	v1 =	vsub.f32 $0.0e+00, v1;
	v2 =	vmul.f32 $1.442695020e+00, v2  }
0x61: {  	s7 =	simm.s32 $0x7890;
	v7 =	vsub.f32 $0.0e+00, v7;
	(erf) = vrcp.f32 v8;
	v8 =	vpop (erf)  }
0x62: {  	v15 =	vld [tilespmem:s7+$0x10];
	v1 =	vmul.f32 $1.442695020e+00, v1;
	(erf) = vrcp.f32 v3;
	v3 =	vpop (erf)  }
0x63: {  	s15 =	simm.s32 $0x140;
	v16 =	vld [tilespmem:s7+$0x0];
	v7 =	vmul.f32 $1.442695020e+00, v7;
	(erf) = vpow2.f32 v4;
	v4 =	vpop (erf)  }
0x64: {  	s14 =	sand.u32 $0x1FE0, s15;
	v9 =	vld [tilespmem:s7+$0x40];
	(erf) = vpow2.f32 v2;
	v2 =	vpop (erf)  }
0x65: {  	v14 =	vld [tilespmem:s14+$0x7780];
	v5 =	vadd.f32 $1.000000000e+00, v5;
	(erf) = vpow2.f32 v7;
	v17 =	vpop (erf)  }
0x66: {  	v6 =	vadd.f32 $1.000000000e+00, v6;
	v11 =	vadd.f32 $1.000000000e+00, v11;
	v7 =	vld [tilespmem:s7+$0xFFFFFFF0];
	(erf) = vpow2.f32 v1;
	v1 =	vpop (erf)  }
0x67: {  	v18 =	vadd.f32 $1.000000000e+00, v2;
	v2 =	vld [tilespmem:s7+$0xFFFFFFE0];
	(erf) = vrcp.f32 v5;
	v1 =	vadd.f32 $1.000000000e+00, v1  }
0x68: {  	v13 =	vld [tilespmem:s7+$0x20];
	v15 =	vsub.f32 $0.0e+00, v15;
	v12 =	vadd.f32 $1.000000000e+00, v12;
	v19 =	vpop (erf);
	(erf) = vrcp.f32 v11  }
0x69: {  	v9 =	vsub.f32 $0.0e+00, v9;
	v5 =	vld [tilespmem:s7+$0xFFFFFFD0];
	v20 =	vpop (erf);
	(erf) = vrcp.f32 v1;
	v1 =	vsub.f32 $0.0e+00, v16  }
0x6a: {  	v14 =	vsub.f32 $0.0e+00, v14;
	v15 =	vmul.f32 $1.442695020e+00, v15;
	v4 =	vadd.f32 $1.000000000e+00, v4;
	v11 =	vld [tilespmem:s7+$0xFFFFFFC0];
	v21 =	vpop (erf)  }
0x6b: {  	v9 =	vmul.f32 $1.442695020e+00, v9;
	v7 =	vsub.f32 $0.0e+00, v7;
	(erf) = vrcp.f32 v6;
	v6 =	vpop (erf)  }
0x6c: {  	v63 =	vld [tilespmem:s7+$0xFFFFFFB0];
	[tilespmem:s13+$0x10] =	vst v8;
	v8 =	vsub.f32 $0.0e+00, v2;
	(erf) = vrcp.f32 v12;
	v12 =	vpop (erf);
	v2 =	vmul.f32 $1.442695020e+00, v1  }
0x6d: {  	v13 =	vsub.f32 $0.0e+00, v13;
	[tilespmem:s16+$0x7780] =	vst v10;
	v10 =	vmul.f32 $1.442695020e+00, v7;
	(erf) = vrcp.f32 v18;
	v1 =	vpop (erf)  }
0x6e: {  	v14 =	vmul.f32 $1.442695020e+00, v14;
	v5 =	vsub.f32 $0.0e+00, v5;
	(erf) = vrcp.f32 v4;
	v4 =	vpop (erf)  }
0x6f: {  	[tilespmem:s13+$0x40] =	vst v3;
	v7 =	vsub.f32 $0.0e+00, v11;
	v8 =	vmul.f32 $1.442695020e+00, v8;
	(erf) = vpow2.f32 v9;
	v11 =	vpop (erf)  }
0x70: {  	v13 =	vmul.f32 $1.442695020e+00, v13;
	[tilespmem:s13+$0xFFFFFFD0] =	vst v12;
	v12 =	vadd.f32 $1.000000000e+00, v17;
	(erf) = vpow2.f32 v15;
	v15 =	vpop (erf)  }
0x71: {  	[tilespmem:s13+$0xFFFFFFF0] =	vst v20;
	v3 =	vmul.f32 $1.442695020e+00, v5;
	v5 =	vsub.f32 $0.0e+00, v63;
	(erf) = vpow2.f32 v10;
	v10 =	vpop (erf)  }
0x72: {  	[tilespmem:s13+$0x0] =	vst v6;
	v7 =	vmul.f32 $1.442695020e+00, v7;
	v1 =	vadd.f32 $1.000000000e+00, v1;
	(erf) = vpow2.f32 v14;
	v14 =	vpop (erf)  }
0x73: {  	v9 =	vmul.f32 $1.442695020e+00, v5;
	v6 =	vadd.f32 $1.000000000e+00, v4;
	(erf) = vpow2.f32 v8;
	[tilespmem:s13+$0xFFFFFFC0] =	vst v10;
	v8 =	vpop (erf)  }
0x74: {  	v5 =	vadd.f32 $1.000000000e+00, v21;
	(erf) = vrcp.f32 v12;
	[tilespmem:s13+$0x20] =	vst v14;
	v12 =	vadd.f32 $1.000000000e+00, v11;
	v10 =	vpop (erf)  }
0x75: {  	s16 =	simm.s32 $0x7930;
	v4 =	vadd.f32 $1.000000000e+00, v19;
	v11 =	vadd.f32 $1.000000000e+00, v15;
	(erf) = vpow2.f32 v13;
	[tilespmem:s13+$0xFFFFFFE0] =	vst v10;
	v10 =	vpop (erf)  }
.LBB2_4:
0x76: {  	s15 =	sadd.s32 $0xA0, s15;
	v13 =	vld [tilespmem:s16+$0x40];
	(erf) = vrcp.f32 v12;
	v12 =	vpop (erf);
	[tilespmem:s13+$0xFFFFFFB0] =	vst v10;
	s13 =	smov.u32 s8;
	s8 =	smov.u32 s7  }
0x77: {  	s7 =	smov.u32 s16;
	v10 =	vld [tilespmem:s16+$0x20];
	s17 =	sand.u32 $0x1FE0, s15;
	p0 =	slt.u32 s15, $0x1EA0;
	[tilespmem:s13+$0x10] =	vst v12;
	(erf) = vrcp.f32 v11;
	v11 =	vpop (erf)  }
0x78: {  	v12 =	vld [tilespmem:s17+$0x7780];
	(erf) = vpow2.f32 v9;
	v9 =	vpop (erf);
	[tilespmem:s12+$0x7780] =	vst v8;
	s12 =	smov.u32 s14;
	s14 =	smov.u32 s17  }
0x79: {  	v8 =	vld [tilespmem:s16+$0x10];
	v9 =	vadd.f32 $1.000000000e+00, v9;
	(erf) = vpow2.f32 v7;
	v7 =	vpop (erf);
	[tilespmem:s13+$0x40] =	vst v11  }
0x7a: {  	v11 =	vld [tilespmem:s16+$0x0];
	v14 =	vpop (erf);
	(erf) = vpow2.f32 v2  }
0x7b: {  	v7 =	vadd.f32 $1.000000000e+00, v7;
	v2 =	vld [tilespmem:s16+$0xFFFFFFF0];
	v13 =	vsub.f32 $0.0e+00, v13;
	(erf) = vpow2.f32 v3;
	v3 =	vpop (erf)  }
0x7c: {  	v15 =	vld [tilespmem:s16+$0xFFFFFFE0];
	v10 =	vsub.f32 $0.0e+00, v10;
	v3 =	vadd.f32 $1.000000000e+00, v3;
	v16 =	vpop (erf);
	(erf) = vrcp.f32 v6  }
0x7d: {  	v6 =	vld [tilespmem:s16+$0xFFFFFFD0];
	v12 =	vsub.f32 $0.0e+00, v12;
	v13 =	vmul.f32 $1.442695020e+00, v13;
	v17 =	vpop (erf);
	(erf) = vrcp.f32 v5  }
0x7e: {  	v5 =	vld [tilespmem:s16+$0xFFFFFFC0];
	v8 =	vsub.f32 $0.0e+00, v8;
	v10 =	vmul.f32 $1.442695020e+00, v10;
	v18 =	vpop (erf);
	(erf) = vrcp.f32 v3;
	[tilespmem:s13+$0xFFFFFFF0] =	vst v17  }
0x7f: {  	v3 =	vld [tilespmem:s16+$0xFFFFFFB0];
	v19 =	vsub.f32 $0.0e+00, v11;
	v12 =	vmul.f32 $1.442695020e+00, v12;
	(erf) = vrcp.f32 v4;
	v4 =	vpop (erf)  }
0x80: {  	v17 =	vsub.f32 $0.0e+00, v2;
	v8 =	vmul.f32 $1.442695020e+00, v8;
	[tilespmem:s13+$0x0] =	vst v4;
	(erf) = vrcp.f32 v1;
	v1 =	vpop (erf)  }
0x81: {  	v4 =	vsub.f32 $0.0e+00, v15;
	v2 =	vmul.f32 $1.442695020e+00, v19;
	v11 =	vpop (erf);
	(erf) = vrcp.f32 v7;
	[tilespmem:s13+$0xFFFFFFD0] =	vst v1  }
0x82: {  	v1 =	vsub.f32 $0.0e+00, v6;
	v6 =	vmul.f32 $1.442695020e+00, v17;
	v15 =	vpop (erf);
	(erf) = vrcp.f32 v9  }
0x83: {  	v5 =	vsub.f32 $0.0e+00, v5;
	v4 =	vmul.f32 $1.442695020e+00, v4;
	(erf) = vpow2.f32 v13;
	v13 =	vpop (erf)  }
0x84: {  	v9 =	vsub.f32 $0.0e+00, v3;
	v3 =	vmul.f32 $1.442695020e+00, v1;
	(erf) = vpow2.f32 v8;
	v17 =	vpop (erf)  }
.Ltmp1:
0x85: {  	v1 =	vadd.f32 $1.000000000e+00, v11;
	v7 =	vmul.f32 $1.442695020e+00, v5;
	(erf) = vpow2.f32 v6;
	v11 =	vpop (erf);
	(pc) =	sbr.rel @p0 .LBB2_4-.Ltmp1, $4  }
0x86: {  	v14 =	vadd.f32 $1.000000000e+00, v14;
	v9 =	vmul.f32 $1.442695020e+00, v9;
	(erf) = vpow2.f32 v12;
	v19 =	vpop (erf)  }
0x87: {  	v6 =	vadd.f32 $1.000000000e+00, v15;
	v5 =	vadd.f32 $1.000000000e+00, v18;
	(erf) = vpow2.f32 v4;
	v8 =	vpop (erf);
	[tilespmem:s13+$0xFFFFFFC0] =	vst v11  }
0x88: {  	v12 =	vadd.f32 $1.000000000e+00, v13;
	v4 =	vadd.f32 $1.000000000e+00, v16;
	(erf) = vrcp.f32 v14;
	[tilespmem:s13+$0x20] =	vst v19;
	v13 =	vpop (erf)  }
0x89: {  	s16 =	sadd.s32 $0xA0, s16;
	v11 =	vadd.f32 $1.000000000e+00, v17;
	(erf) = vpow2.f32 v10;
	[tilespmem:s13+$0xFFFFFFE0] =	vst v13;
	v10 =	vpop (erf)  }
0x8a: {  	v50 =	vpop (erf)  }
0x8b: {  	(erf) = vrcp.f32 v12;
	v51 =	vpop (erf)  }
0x8c: {  	(erf) = vrcp.f32 v11;
	v52 =	vpop (erf)  }
0x8d: {  	(erf) = vpow2.f32 v9;
	v53 =	vpop (erf)  }
0x8e: {  	(erf) = vpow2.f32 v7;
	v13 =	vpop (erf)  }
0x8f: {  	(erf) = vpow2.f32 v2;
	v2 =	vpop (erf)  }
0x90: {  	(erf) = vpow2.f32 v3;
	v2 =	vadd.f32 $1.000000000e+00, v2  }
0x91: {  	v3 =	vpop (erf)  }
0x92: {  	(erf) = vrcp.f32 v6;
	v54 =	vpop (erf)  }
0x93: {  	(erf) = vrcp.f32 v5;
	v55 =	vpop (erf)  }
0x94: {  	(erf) = vrcp.f32 v2;
	v2 =	vpop (erf)  }
0x95: {  	v7 =	vadd.f32 $1.000000000e+00, v53;
	(erf) = vrcp.f32 v4;
	v56 =	vpop (erf)  }
0x96: {  	[tilespmem:s13+$0xFFFFFFB0] =	vst v10;
	(erf) = vrcp.f32 v1;
	v1 =	vpop (erf)  }
0x97: {  	[tilespmem:s12+$0x7780] =	vst v8;
	v9 =	vadd.f32 $1.000000000e+00, v52;
	(erf) = vrcp.f32 v7;
	v57 =	vpop (erf)  }
0x98: {  	[tilespmem:s8+$0x10] =	vst v50;
	v59 =	vadd.f32 $1.000000000e+00, v13;
	v58 =	vpop (erf)  }
0x99: {  	[tilespmem:s8+$0x40] =	vst v51;
	(erf) = vrcp.f32 v9;
	v60 =	vpop (erf);
	v8 =	vadd.f32 $1.000000000e+00, v58  }
0x9a: {  	[tilespmem:s8+$0xFFFFFFF0] =	vst v54;
	(erf) = vrcp.f32 v59;
	v61 =	vadd.f32 $1.000000000e+00, v60  }
0x9b: {  	[tilespmem:s8+$0x0] =	vst v2;
	v7 =	vadd.f32 $1.000000000e+00, v57;
	v2 =	vpop (erf);
	(erf) = vrcp.f32 v8  }
0x9c: {  	v5 =	vadd.f32 $1.000000000e+00, v55;
	v62 =	vpop (erf);
	[tilespmem:s8+$0xFFFFFFC0] =	vst v2;
	v2 =	vadd.f32 $1.000000000e+00, v3;
	(erf) = vrcp.f32 v61  }
0x9d: {  	[tilespmem:s8+$0xFFFFFFD0] =	vst v56;
	v63 =	vpop (erf);
	(erf) = vrcp.f32 v7  }
0x9e: {  	v1 =	vadd.f32 $1.000000000e+00, v1;
	[tilespmem:s8+$0x20] =	vst v62;
	v3 =	vpop (erf);
	(erf) = vrcp.f32 v5  }
0x9f: {  	[tilespmem:s8+$0xFFFFFFE0] =	vst v3;
	v3 =	vpop (erf);
	(erf) = vrcp.f32 v2  }
0xa0: {  	[tilespmem:s14+$0x7780] =	vst v63;
	v2 =	vpop (erf);
	(erf) = vrcp.f32 v1  }
0xa1: {  	[tilespmem:s8+$0xFFFFFFB0] =	vst v3  }
0xa2: {  	[tilespmem:s7+$0x10] =	vst v2;
	v1 =	vpop (erf)  }
0xa3: {  	[tilespmem:s7+$0x40] =	vst v1;
	v1 =	vpop (erf)  }
0xa4: {  	[tilespmem:s7+$0xFFFFFFF0] =	vst v1;
	v1 =	vpop (erf)  }
0xa5: {  	[tilespmem:s7+$0x0] =	vst v1;
	v1 =	vpop (erf)  }
0xa6: {  	[tilespmem:s7+$0xFFFFFFD0] =	vst v1;
	v1 =	vpop (erf)  }
0xa7: {  	v2 =	vpop (erf);
	[tilespmem:s7+$0xFFFFFFC0] =	vst v1  }
0xa8: {  	[tilespmem:s7+$0x20] =	vst v2;
	v1 =	vpop (erf)  }
0xa9: {  	[tilespmem:s7+$0xFFFFFFE0] =	vst v1;
	v1 =	vpop (erf)  }
0xaa: {  	[tilespmem:s7+$0xFFFFFFB0] =	vst v1  }
0xab: {  	[spmem:s2] =	stream.indirect.scatter.add.f32 [tilespmem:s22], [sflag:$0x3], $0x1, s24, s28, $0xb8;
	[tilespmem:$0xD580] =	vst v63  }
0xac: {  	s13 =	simm.s32 $0x0;
	s7 =	rddreg [dreg:$0x9]  }
0xad: {  	[hbm4b:s7+s13] =	stream.linear.scatter [tilespmem:s22], [sflag:$0x5], $0x1F40, $0x38;
	[tilespmem:$0xD580] =	vst v63  }
.LBB2_6:
0xae: {  	_ =	swait.ge [sflag:s29], $0x1F40  }
0xaf: {  	[sflag:s29] =	ssyncset.done $0x0  }
0xb0: {  	[sflag:s29] =	ssyncadd.s32 $0xFFFFE0C0  }
0xb1: {  	_ =	swait.ge [sflag:s30], $0x1F40  }
0xb2: {  	p0 =	seq.s32 s13, $0x0;
	[sflag:s30] =	ssyncset.done $0x0  }
0xb3: {  	s7 =	simm.s32 @!p0 $0x4;
	[sflag:s30] =	ssyncadd.s32 $0xFFFFE0C0  }
0xb4: {  	_ =	swait.ge @!p0 [sflag:s7], $0x1F40  }
0xb5: {  	[sflag:s7] =	ssyncset.done @!p0 $0x0  }
0xb6: {  	[sflag:s7] =	ssyncadd.s32 @!p0 $0xFFFFE0C0;
	s7 =	simm.s32 @!p0 $0x6  }
0xb7: {  	s20 =	smul.u32 $0xBB80, s13;
	_ =	swait.ge @!p0 [sflag:s7], $0x1F40  }
0xb8: {  	s8 =	rddreg [dreg:$0xa]  }
0xb9: {  	s8 =	sadd.s32 s20, s8  }
0xba: {  	[sflag:s7] =	ssyncset.done @!p0 $0x0;
	s21 =	sshrl.u32 s8, $0x3  }
0xbb: {  	[sflag:s7] =	ssyncadd.s32 @!p0 $0xFFFFE0C0;
	s15 =	sadd.s32 s1, s21  }
0xbc: {  	[tilespmem:s31], [sflag:$0x1] =	stream.linear.gather [hbm4b:s15+s4], $0x1F40, $0x38;
	[tilespmem:$0xD580] =	vst v63  }
0xbd: {  	s23 =	simm.s32 $0x96D0;
	s16 =	sadd.s32 s5, s21  }
0xbe: {  	[tilespmem:s0], [sflag:$0x2] =	stream.linear.gather [hbm4b:s16+s4], $0x1F40, $0x38;
	[tilespmem:$0xD580] =	vst v63  }
0xbf: {  	v1 =	vld [tilespmem:s23+$0x40]  }
0xc0: {  	v2 =	vld [tilespmem:s23+$0x10]  }
0xc1: {  	s17 =	simm.s32 $0x0;
	v3 =	vld [tilespmem:s23+$0xFFFFFFF0]  }
0xc2: {  	s16 =	sand.u32 $0x1FE0, s17  }
0xc3: {  	v4 =	vld [tilespmem:s16+$0x9700]  }
0xc4: {  	v1 =	vsub.f32 $0.0e+00, v1  }
0xc5: {  	v2 =	vsub.f32 $0.0e+00, v2  }
0xc6: {  	v5 =	vld [tilespmem:s23+$0xFFFFFFE0];
	v3 =	vsub.f32 $0.0e+00, v3;
	v1 =	vmul.f32 $1.442695020e+00, v1  }
0xc7: {  	v2 =	vmul.f32 $1.442695020e+00, v2  }
0xc8: {  	v4 =	vsub.f32 $0.0e+00, v4;
	v3 =	vmul.f32 $1.442695020e+00, v3;
	(erf) = vpow2.f32 v1;
	v1 =	vld [tilespmem:s23+$0x20]  }
0xc9: {  	(erf) = vpow2.f32 v2;
	v2 =	vld [tilespmem:s23+$0xFFFFFFB0]  }
0xca: {  	v4 =	vmul.f32 $1.442695020e+00, v4;
	(erf) = vpow2.f32 v3;
	v3 =	vld [tilespmem:s23+$0xFFFFFFC0]  }
0xcb: {  	v5 =	vsub.f32 $0.0e+00, v5  }
0xcc: {  	(erf) = vpow2.f32 v4  }
0xcd: {  	v5 =	vmul.f32 $1.442695020e+00, v5;
	v4 =	vld [tilespmem:s23+$0x0]  }
0xce: {  	v6 =	vld [tilespmem:s23+$0xFFFFFFD0];
	v1 =	vsub.f32 $0.0e+00, v1;
	v2 =	vsub.f32 $0.0e+00, v2  }
0xcf: {  	s8 =	simm.s32 $0x9770;
	(erf) = vpow2.f32 v5;
	v3 =	vsub.f32 $0.0e+00, v3  }
0xd0: {  	v5 =	vld [tilespmem:s8+$0x40];
	v1 =	vmul.f32 $1.442695020e+00, v1;
	v2 =	vmul.f32 $1.442695020e+00, v2  }
0xd1: {  	v3 =	vmul.f32 $1.442695020e+00, v3  }
0xd2: {  	s18 =	simm.s32 $0xA0;
	v4 =	vsub.f32 $0.0e+00, v4;
	v7 =	vpop (erf);
	(erf) = vpow2.f32 v1;
	v1 =	vld [tilespmem:s8+$0x10]  }
0xd3: {  	s12 =	sand.u32 $0x1FE0, s18;
	v9 =	vld [tilespmem:s8+$0xFFFFFFF0];
	v6 =	vsub.f32 $0.0e+00, v6;
	v8 =	vpop (erf)  }
0xd4: {  	v10 =	vld [tilespmem:s12+$0x9700];
	v4 =	vmul.f32 $1.442695020e+00, v4;
	(erf) = vpow2.f32 v2;
	v2 =	vpop (erf)  }
0xd5: {  	v6 =	vmul.f32 $1.442695020e+00, v6;
	v5 =	vsub.f32 $0.0e+00, v5;
	(erf) = vpow2.f32 v3;
	v3 =	vpop (erf)  }
0xd6: {  	v8 =	vadd.f32 $1.000000000e+00, v8;
	(erf) = vpow2.f32 v4;
	v4 =	vld [tilespmem:s8+$0xFFFFFFE0];
	v3 =	vadd.f32 $1.000000000e+00, v3  }
0xd7: {  	v11 =	vld [tilespmem:s8+$0x20];
	(erf) = vpow2.f32 v6;
	v6 =	vadd.f32 $1.000000000e+00, v7;
	v1 =	vsub.f32 $0.0e+00, v1  }
0xd8: {  	(erf) = vrcp.f32 v3;
	v3 =	vmul.f32 $1.442695020e+00, v5;
	v5 =	vsub.f32 $0.0e+00, v9  }
0xd9: {  	v1 =	vmul.f32 $1.442695020e+00, v1;
	(erf) = vrcp.f32 v8;
	v8 =	vsub.f32 $0.0e+00, v10  }
0xda: {  	(erf) = vrcp.f32 v6;
	v5 =	vmul.f32 $1.442695020e+00, v5  }
0xdb: {  	v9 =	vld [tilespmem:s8+$0xFFFFFFB0];
	v4 =	vsub.f32 $0.0e+00, v4;
	v6 =	vpop (erf);
	(erf) = vpow2.f32 v3;
	v8 =	vmul.f32 $1.442695020e+00, v8  }
0xdc: {  	v10 =	vld [tilespmem:s8+$0xFFFFFFC0];
	v3 =	vsub.f32 $0.0e+00, v11;
	v11 =	vpop (erf);
	(erf) = vpow2.f32 v1  }
0xdd: {  	v4 =	vmul.f32 $1.442695020e+00, v4;
	v12 =	vpop (erf);
	(erf) = vpow2.f32 v5  }
0xde: {  	v2 =	vadd.f32 $1.000000000e+00, v2;
	v1 =	vld [tilespmem:s8+$0xFFFFFFD0];
	v5 =	vpop (erf);
	(erf) = vpow2.f32 v8  }
0xdf: {  	v7 =	vld [tilespmem:s8+$0x0];
	v3 =	vmul.f32 $1.442695020e+00, v3;
	v8 =	vpop (erf);
	(erf) = vpow2.f32 v4  }
0xe0: {  	v4 =	vsub.f32 $0.0e+00, v9;
	v9 =	vpop (erf);
	v8 =	vadd.f32 $1.000000000e+00, v8;
	(erf) = vrcp.f32 v2  }
0xe1: {  	v2 =	vsub.f32 $0.0e+00, v10;
	(erf) = vpow2.f32 v3;
	v3 =	vadd.f32 $1.000000000e+00, v9  }
0xe2: {  	v4 =	vmul.f32 $1.442695020e+00, v4  }
0xe3: {  	v10 =	vpop (erf);
	v1 =	vsub.f32 $0.0e+00, v1;
	v2 =	vmul.f32 $1.442695020e+00, v2  }
0xe4: {  	s7 =	simm.s32 $0x9810;
	v7 =	vsub.f32 $0.0e+00, v7;
	(erf) = vrcp.f32 v8;
	v8 =	vpop (erf)  }
0xe5: {  	v15 =	vld [tilespmem:s7+$0x10];
	v1 =	vmul.f32 $1.442695020e+00, v1;
	(erf) = vrcp.f32 v3;
	v3 =	vpop (erf)  }
0xe6: {  	s15 =	simm.s32 $0x140;
	v16 =	vld [tilespmem:s7+$0x0];
	v7 =	vmul.f32 $1.442695020e+00, v7;
	(erf) = vpow2.f32 v4;
	v4 =	vpop (erf)  }
0xe7: {  	s14 =	sand.u32 $0x1FE0, s15;
	v9 =	vld [tilespmem:s7+$0x40];
	(erf) = vpow2.f32 v2;
	v2 =	vpop (erf)  }
0xe8: {  	v14 =	vld [tilespmem:s14+$0x9700];
	v5 =	vadd.f32 $1.000000000e+00, v5;
	(erf) = vpow2.f32 v7;
	v17 =	vpop (erf)  }
0xe9: {  	v6 =	vadd.f32 $1.000000000e+00, v6;
	v11 =	vadd.f32 $1.000000000e+00, v11;
	v7 =	vld [tilespmem:s7+$0xFFFFFFF0];
	(erf) = vpow2.f32 v1;
	v1 =	vpop (erf)  }
0xea: {  	v18 =	vadd.f32 $1.000000000e+00, v2;
	v2 =	vld [tilespmem:s7+$0xFFFFFFE0];
	(erf) = vrcp.f32 v5;
	v1 =	vadd.f32 $1.000000000e+00, v1  }
0xeb: {  	v13 =	vld [tilespmem:s7+$0x20];
	v15 =	vsub.f32 $0.0e+00, v15;
	v12 =	vadd.f32 $1.000000000e+00, v12;
	v19 =	vpop (erf);
	(erf) = vrcp.f32 v11  }
0xec: {  	v9 =	vsub.f32 $0.0e+00, v9;
	v5 =	vld [tilespmem:s7+$0xFFFFFFD0];
	v20 =	vpop (erf);
	(erf) = vrcp.f32 v1;
	v1 =	vsub.f32 $0.0e+00, v16  }
0xed: {  	v14 =	vsub.f32 $0.0e+00, v14;
	v15 =	vmul.f32 $1.442695020e+00, v15;
	v4 =	vadd.f32 $1.000000000e+00, v4;
	v11 =	vld [tilespmem:s7+$0xFFFFFFC0];
	v21 =	vpop (erf)  }
0xee: {  	v9 =	vmul.f32 $1.442695020e+00, v9;
	v7 =	vsub.f32 $0.0e+00, v7;
	(erf) = vrcp.f32 v6;
	v6 =	vpop (erf)  }
0xef: {  	v63 =	vld [tilespmem:s7+$0xFFFFFFB0];
	[tilespmem:s23+$0x10] =	vst v8;
	v8 =	vsub.f32 $0.0e+00, v2;
	(erf) = vrcp.f32 v12;
	v12 =	vpop (erf);
	v2 =	vmul.f32 $1.442695020e+00, v1  }
0xf0: {  	v13 =	vsub.f32 $0.0e+00, v13;
	[tilespmem:s16+$0x9700] =	vst v10;
	v10 =	vmul.f32 $1.442695020e+00, v7;
	(erf) = vrcp.f32 v18;
	v1 =	vpop (erf)  }
0xf1: {  	v14 =	vmul.f32 $1.442695020e+00, v14;
	v5 =	vsub.f32 $0.0e+00, v5;
	(erf) = vrcp.f32 v4;
	v4 =	vpop (erf)  }
0xf2: {  	[tilespmem:s23+$0x40] =	vst v3;
	v7 =	vsub.f32 $0.0e+00, v11;
	v8 =	vmul.f32 $1.442695020e+00, v8;
	(erf) = vpow2.f32 v9;
	v11 =	vpop (erf)  }
0xf3: {  	v13 =	vmul.f32 $1.442695020e+00, v13;
	[tilespmem:s23+$0xFFFFFFD0] =	vst v12;
	v12 =	vadd.f32 $1.000000000e+00, v17;
	(erf) = vpow2.f32 v15;
	v15 =	vpop (erf)  }
0xf4: {  	[tilespmem:s23+$0xFFFFFFF0] =	vst v20;
	v3 =	vmul.f32 $1.442695020e+00, v5;
	v5 =	vsub.f32 $0.0e+00, v63;
	(erf) = vpow2.f32 v10;
	v10 =	vpop (erf)  }
0xf5: {  	[tilespmem:s23+$0x0] =	vst v6;
	v7 =	vmul.f32 $1.442695020e+00, v7;
	v1 =	vadd.f32 $1.000000000e+00, v1;
	(erf) = vpow2.f32 v14;
	v14 =	vpop (erf)  }
0xf6: {  	v9 =	vmul.f32 $1.442695020e+00, v5;
	v6 =	vadd.f32 $1.000000000e+00, v4;
	(erf) = vpow2.f32 v8;
	[tilespmem:s23+$0xFFFFFFC0] =	vst v10;
	v8 =	vpop (erf)  }
0xf7: {  	v5 =	vadd.f32 $1.000000000e+00, v21;
	(erf) = vrcp.f32 v12;
	[tilespmem:s23+$0x20] =	vst v14;
	v12 =	vadd.f32 $1.000000000e+00, v11;
	v10 =	vpop (erf)  }
0xf8: {  	s17 =	simm.s32 $0x98B0;
	s16 =	sadd.s32 s20, s19;
	v4 =	vadd.f32 $1.000000000e+00, v19;
	v11 =	vadd.f32 $1.000000000e+00, v15;
	(erf) = vpow2.f32 v13;
	[tilespmem:s23+$0xFFFFFFE0] =	vst v10;
	v10 =	vpop (erf)  }
.LBB2_7:
0xf9: {  	s15 =	sadd.s32 $0xA0, s15;
	v13 =	vld [tilespmem:s17+$0x40];
	(erf) = vrcp.f32 v12;
	v12 =	vpop (erf);
	[tilespmem:s23+$0xFFFFFFB0] =	vst v10;
	s23 =	smov.u32 s8;
	s8 =	smov.u32 s7  }
0xfa: {  	s7 =	smov.u32 s17;
	v10 =	vld [tilespmem:s17+$0x20];
	s18 =	sand.u32 $0x1FE0, s15;
	p0 =	slt.u32 s15, $0x1EA0;
	[tilespmem:s23+$0x10] =	vst v12;
	(erf) = vrcp.f32 v11;
	v11 =	vpop (erf)  }
0xfb: {  	v12 =	vld [tilespmem:s18+$0x9700];
	(erf) = vpow2.f32 v9;
	v9 =	vpop (erf);
	[tilespmem:s12+$0x9700] =	vst v8;
	s12 =	smov.u32 s14;
	s14 =	smov.u32 s18  }
0xfc: {  	v8 =	vld [tilespmem:s17+$0x10];
	v9 =	vadd.f32 $1.000000000e+00, v9;
	(erf) = vpow2.f32 v7;
	v7 =	vpop (erf);
	[tilespmem:s23+$0x40] =	vst v11  }
0xfd: {  	v11 =	vld [tilespmem:s17+$0x0];
	v14 =	vpop (erf);
	(erf) = vpow2.f32 v2  }
0xfe: {  	v7 =	vadd.f32 $1.000000000e+00, v7;
	v2 =	vld [tilespmem:s17+$0xFFFFFFF0];
	v13 =	vsub.f32 $0.0e+00, v13;
	(erf) = vpow2.f32 v3;
	v3 =	vpop (erf)  }
0xff: {  	v15 =	vld [tilespmem:s17+$0xFFFFFFE0];
	v10 =	vsub.f32 $0.0e+00, v10;
	v3 =	vadd.f32 $1.000000000e+00, v3;
	v16 =	vpop (erf);
	(erf) = vrcp.f32 v6  }
0x100: {  	v6 =	vld [tilespmem:s17+$0xFFFFFFD0];
	v12 =	vsub.f32 $0.0e+00, v12;
	v13 =	vmul.f32 $1.442695020e+00, v13;
	v17 =	vpop (erf);
	(erf) = vrcp.f32 v5  }
0x101: {  	v5 =	vld [tilespmem:s17+$0xFFFFFFC0];
	v8 =	vsub.f32 $0.0e+00, v8;
	v10 =	vmul.f32 $1.442695020e+00, v10;
	v18 =	vpop (erf);
	(erf) = vrcp.f32 v3;
	[tilespmem:s23+$0xFFFFFFF0] =	vst v17  }
0x102: {  	v3 =	vld [tilespmem:s17+$0xFFFFFFB0];
	v19 =	vsub.f32 $0.0e+00, v11;
	v12 =	vmul.f32 $1.442695020e+00, v12;
	(erf) = vrcp.f32 v4;
	v4 =	vpop (erf)  }
0x103: {  	v17 =	vsub.f32 $0.0e+00, v2;
	v8 =	vmul.f32 $1.442695020e+00, v8;
	[tilespmem:s23+$0x0] =	vst v4;
	(erf) = vrcp.f32 v1;
	v1 =	vpop (erf)  }
0x104: {  	v4 =	vsub.f32 $0.0e+00, v15;
	v2 =	vmul.f32 $1.442695020e+00, v19;
	v11 =	vpop (erf);
	(erf) = vrcp.f32 v7;
	[tilespmem:s23+$0xFFFFFFD0] =	vst v1  }
0x105: {  	v1 =	vsub.f32 $0.0e+00, v6;
	v6 =	vmul.f32 $1.442695020e+00, v17;
	v15 =	vpop (erf);
	(erf) = vrcp.f32 v9  }
0x106: {  	v5 =	vsub.f32 $0.0e+00, v5;
	v4 =	vmul.f32 $1.442695020e+00, v4;
	(erf) = vpow2.f32 v13;
	v13 =	vpop (erf)  }
0x107: {  	v9 =	vsub.f32 $0.0e+00, v3;
	v3 =	vmul.f32 $1.442695020e+00, v1;
	(erf) = vpow2.f32 v8;
	v17 =	vpop (erf)  }
.Ltmp2:
0x108: {  	v1 =	vadd.f32 $1.000000000e+00, v11;
	v7 =	vmul.f32 $1.442695020e+00, v5;
	(erf) = vpow2.f32 v6;
	v11 =	vpop (erf);
	(pc) =	sbr.rel @p0 .LBB2_7-.Ltmp2, $4  }
0x109: {  	v14 =	vadd.f32 $1.000000000e+00, v14;
	v9 =	vmul.f32 $1.442695020e+00, v9;
	(erf) = vpow2.f32 v12;
	v19 =	vpop (erf)  }
0x10a: {  	v6 =	vadd.f32 $1.000000000e+00, v15;
	v5 =	vadd.f32 $1.000000000e+00, v18;
	(erf) = vpow2.f32 v4;
	v8 =	vpop (erf);
	[tilespmem:s23+$0xFFFFFFC0] =	vst v11  }
0x10b: {  	v12 =	vadd.f32 $1.000000000e+00, v13;
	v4 =	vadd.f32 $1.000000000e+00, v16;
	(erf) = vrcp.f32 v14;
	[tilespmem:s23+$0x20] =	vst v19;
	v13 =	vpop (erf)  }
0x10c: {  	s17 =	sadd.s32 $0xA0, s17;
	v11 =	vadd.f32 $1.000000000e+00, v17;
	(erf) = vpow2.f32 v10;
	[tilespmem:s23+$0xFFFFFFE0] =	vst v13;
	v10 =	vpop (erf)  }
0x10d: {  	(erf) = vrcp.f32 v12;
	v12 =	vpop (erf)  }
0x10e: {  	(erf) = vrcp.f32 v11;
	v11 =	vpop (erf)  }
0x10f: {  	(erf) = vpow2.f32 v9;
	v9 =	vpop (erf)  }
0x110: {  	(erf) = vpow2.f32 v7;
	v7 =	vpop (erf)  }
0x111: {  	v13 =	vpop (erf)  }
0x112: {  	(erf) = vpow2.f32 v2;
	v2 =	vpop (erf)  }
0x113: {  	(erf) = vpow2.f32 v3;
	v2 =	vadd.f32 $1.000000000e+00, v2  }
0x114: {  	v3 =	vpop (erf)  }
0x115: {  	(erf) = vrcp.f32 v6;
	v6 =	vpop (erf)  }
0x116: {  	v7 =	vadd.f32 $1.000000000e+00, v7;
	(erf) = vrcp.f32 v5;
	v5 =	vpop (erf)  }
0x117: {  	(erf) = vrcp.f32 v2;
	v2 =	vpop (erf)  }
0x118: {  	v9 =	vadd.f32 $1.000000000e+00, v9;
	(erf) = vrcp.f32 v4;
	v4 =	vpop (erf)  }
0x119: {  	(erf) = vrcp.f32 v1;
	v1 =	vpop (erf)  }
0x11a: {  	[tilespmem:s23+$0xFFFFFFB0] =	vst v10;
	(erf) = vrcp.f32 v7;
	v7 =	vpop (erf)  }
0x11b: {  	[tilespmem:s12+$0x9700] =	vst v8;
	v8 =	vpop (erf)  }
0x11c: {  	[tilespmem:s8+$0x10] =	vst v12;
	v10 =	vadd.f32 $1.000000000e+00, v13;
	(erf) = vrcp.f32 v9;
	v9 =	vpop (erf)  }
0x11d: {  	[tilespmem:s8+$0xFFFFFFF0] =	vst v6;
	v8 =	vadd.f32 $1.000000000e+00, v8;
	v6 =	vadd.f32 $1.000000000e+00, v9  }
0x11e: {  	[tilespmem:s8+$0x0] =	vst v2;
	(erf) = vrcp.f32 v10  }
0x11f: {  	[tilespmem:s8+$0xFFFFFFD0] =	vst v4;
	v7 =	vadd.f32 $1.000000000e+00, v7;
	v2 =	vpop (erf);
	(erf) = vrcp.f32 v8  }
0x120: {  	v5 =	vadd.f32 $1.000000000e+00, v5;
	v4 =	vpop (erf);
	[tilespmem:s8+$0xFFFFFFC0] =	vst v2;
	v2 =	vadd.f32 $1.000000000e+00, v3;
	(erf) = vrcp.f32 v6  }
0x121: {  	[tilespmem:s8+$0x40] =	vst v11;
	v6 =	vpop (erf);
	(erf) = vrcp.f32 v7  }
0x122: {  	v1 =	vadd.f32 $1.000000000e+00, v1;
	[tilespmem:s8+$0x20] =	vst v4;
	v3 =	vpop (erf);
	(erf) = vrcp.f32 v5  }
0x123: {  	[tilespmem:s8+$0xFFFFFFE0] =	vst v3;
	v3 =	vpop (erf);
	(erf) = vrcp.f32 v2  }
0x124: {  	[tilespmem:s14+$0x9700] =	vst v6;
	v2 =	vpop (erf);
	(erf) = vrcp.f32 v1  }
0x125: {  	[tilespmem:s8+$0xFFFFFFB0] =	vst v3  }
0x126: {  	[tilespmem:s7+$0x10] =	vst v2;
	v1 =	vpop (erf)  }
0x127: {  	[tilespmem:s7+$0x40] =	vst v1;
	v1 =	vpop (erf)  }
0x128: {  	[tilespmem:s7+$0xFFFFFFF0] =	vst v1;
	v1 =	vpop (erf)  }
0x129: {  	[tilespmem:s7+$0x0] =	vst v1;
	v1 =	vpop (erf)  }
0x12a: {  	[tilespmem:s7+$0xFFFFFFD0] =	vst v1;
	v1 =	vpop (erf)  }
0x12b: {  	v2 =	vpop (erf);
	[tilespmem:s7+$0xFFFFFFC0] =	vst v1  }
0x12c: {  	[tilespmem:s7+$0x20] =	vst v2;
	v1 =	vpop (erf)  }
0x12d: {  	[tilespmem:s7+$0xFFFFFFE0] =	vst v1;
	v1 =	vpop (erf)  }
0x12e: {  	s14 =	sshrl.u32 s16, $0x3;
	[tilespmem:s7+$0xFFFFFFB0] =	vst v1  }
0x12f: {  	[spmem:s2] =	stream.indirect.scatter.add.f32 [tilespmem:s25], [sflag:$0x4], $0x1, s26, s28, $0xb8;
	[tilespmem:$0xD580] =	vst v63  }
0x130: {  	s7 =	sadd.s32 s6, s14  }
0x131: {  	[hbm4b:s7+s4] =	stream.linear.scatter [tilespmem:s25], [sflag:$0x6], $0x1F40, $0x38;
	[tilespmem:$0xD580] =	vst v63  }
0x132: {  	_ =	swait.ge [sflag:s29], $0x1F40  }
0x133: {  	[sflag:s29] =	ssyncset.done $0x0  }
0x134: {  	[sflag:s29] =	ssyncadd.s32 $0xFFFFE0C0  }
0x135: {  	_ =	swait.ge [sflag:s30], $0x1F40  }
0x136: {  	[sflag:s30] =	ssyncset.done $0x0  }
0x137: {  	[sflag:s30] =	ssyncadd.s32 $0xFFFFE0C0  }
0x138: {  	_ =	swait.ge [sflag:s3], $0x1F40  }
0x139: {  	[sflag:s3] =	ssyncset.done $0x0  }
0x13a: {  	[sflag:s3] =	ssyncadd.s32 $0xFFFFE0C0  }
0x13b: {  	_ =	swait.ge [sflag:s9], $0x1F40  }
0x13c: {  	s15 =	rddreg [dreg:$0xb]  }
0x13d: {  	s7 =	sadd.s32 s20, s15  }
0x13e: {  	[sflag:s9] =	ssyncset.done $0x0;
	s8 =	sshrl.u32 s7, $0x3  }
0x13f: {  	[sflag:s9] =	ssyncadd.s32 $0xFFFFE0C0;
	s7 =	sadd.s32 s1, s8  }
0x140: {  	[tilespmem:s22], [sflag:$0x1] =	stream.linear.gather [hbm4b:s7+s4], $0x1F40, $0x38;
	[tilespmem:$0xD580] =	vst v63  }
0x141: {  	s12 =	simm.s32 $0xB650;
	s16 =	sadd.s32 s5, s8  }
0x142: {  	[tilespmem:s24], [sflag:$0x2] =	stream.linear.gather [hbm4b:s16+s4], $0x1F40, $0x38;
	[tilespmem:$0xD580] =	vst v63  }
0x143: {  	v1 =	vld [tilespmem:s12+$0x40]  }
0x144: {  	v2 =	vld [tilespmem:s12+$0x10]  }
0x145: {  	s17 =	simm.s32 $0x0;
	v3 =	vld [tilespmem:s12+$0xFFFFFFF0]  }
0x146: {  	s17 =	sand.u32 $0x1FE0, s17  }
0x147: {  	v4 =	vld [tilespmem:s17+$0xB680]  }
0x148: {  	v1 =	vsub.f32 $0.0e+00, v1  }
0x149: {  	v2 =	vsub.f32 $0.0e+00, v2  }
0x14a: {  	v5 =	vld [tilespmem:s12+$0xFFFFFFE0];
	v3 =	vsub.f32 $0.0e+00, v3;
	v1 =	vmul.f32 $1.442695020e+00, v1  }
0x14b: {  	v2 =	vmul.f32 $1.442695020e+00, v2  }
0x14c: {  	v4 =	vsub.f32 $0.0e+00, v4;
	v3 =	vmul.f32 $1.442695020e+00, v3;
	(erf) = vpow2.f32 v1;
	v1 =	vld [tilespmem:s12+$0x20]  }
0x14d: {  	(erf) = vpow2.f32 v2;
	v2 =	vld [tilespmem:s12+$0xFFFFFFB0]  }
0x14e: {  	v4 =	vmul.f32 $1.442695020e+00, v4;
	(erf) = vpow2.f32 v3;
	v3 =	vld [tilespmem:s12+$0xFFFFFFC0]  }
0x14f: {  	v5 =	vsub.f32 $0.0e+00, v5  }
0x150: {  	(erf) = vpow2.f32 v4  }
0x151: {  	v5 =	vmul.f32 $1.442695020e+00, v5;
	v4 =	vld [tilespmem:s12+$0x0]  }
0x152: {  	v6 =	vld [tilespmem:s12+$0xFFFFFFD0];
	v1 =	vsub.f32 $0.0e+00, v1;
	v2 =	vsub.f32 $0.0e+00, v2  }
0x153: {  	s23 =	simm.s32 $0xB6F0;
	(erf) = vpow2.f32 v5;
	v3 =	vsub.f32 $0.0e+00, v3  }
0x154: {  	v5 =	vld [tilespmem:s23+$0x40];
	v1 =	vmul.f32 $1.442695020e+00, v1;
	v2 =	vmul.f32 $1.442695020e+00, v2  }
0x155: {  	v3 =	vmul.f32 $1.442695020e+00, v3  }
0x156: {  	s18 =	simm.s32 $0xA0;
	v4 =	vsub.f32 $0.0e+00, v4;
	v7 =	vpop (erf);
	(erf) = vpow2.f32 v1;
	v1 =	vld [tilespmem:s23+$0x10]  }
0x157: {  	s7 =	sand.u32 $0x1FE0, s18;
	v9 =	vld [tilespmem:s23+$0xFFFFFFF0];
	v6 =	vsub.f32 $0.0e+00, v6;
	v8 =	vpop (erf)  }
0x158: {  	v10 =	vld [tilespmem:s7+$0xB680];
	v4 =	vmul.f32 $1.442695020e+00, v4;
	(erf) = vpow2.f32 v2;
	v2 =	vpop (erf)  }
0x159: {  	v6 =	vmul.f32 $1.442695020e+00, v6;
	v5 =	vsub.f32 $0.0e+00, v5;
	(erf) = vpow2.f32 v3;
	v3 =	vpop (erf)  }
0x15a: {  	v8 =	vadd.f32 $1.000000000e+00, v8;
	(erf) = vpow2.f32 v4;
	v4 =	vld [tilespmem:s23+$0xFFFFFFE0];
	v3 =	vadd.f32 $1.000000000e+00, v3  }
0x15b: {  	v11 =	vld [tilespmem:s23+$0x20];
	(erf) = vpow2.f32 v6;
	v6 =	vadd.f32 $1.000000000e+00, v7;
	v1 =	vsub.f32 $0.0e+00, v1  }
0x15c: {  	(erf) = vrcp.f32 v3;
	v3 =	vmul.f32 $1.442695020e+00, v5;
	v5 =	vsub.f32 $0.0e+00, v9  }
0x15d: {  	v1 =	vmul.f32 $1.442695020e+00, v1;
	(erf) = vrcp.f32 v8;
	v8 =	vsub.f32 $0.0e+00, v10  }
0x15e: {  	(erf) = vrcp.f32 v6;
	v5 =	vmul.f32 $1.442695020e+00, v5  }
0x15f: {  	v9 =	vld [tilespmem:s23+$0xFFFFFFB0];
	v4 =	vsub.f32 $0.0e+00, v4;
	v6 =	vpop (erf);
	(erf) = vpow2.f32 v3;
	v8 =	vmul.f32 $1.442695020e+00, v8  }
0x160: {  	v10 =	vld [tilespmem:s23+$0xFFFFFFC0];
	v3 =	vsub.f32 $0.0e+00, v11;
	v11 =	vpop (erf);
	(erf) = vpow2.f32 v1  }
0x161: {  	v4 =	vmul.f32 $1.442695020e+00, v4;
	v12 =	vpop (erf);
	(erf) = vpow2.f32 v5  }
0x162: {  	v2 =	vadd.f32 $1.000000000e+00, v2;
	v1 =	vld [tilespmem:s23+$0xFFFFFFD0];
	v5 =	vpop (erf);
	(erf) = vpow2.f32 v8  }
0x163: {  	v7 =	vld [tilespmem:s23+$0x0];
	v3 =	vmul.f32 $1.442695020e+00, v3;
	v8 =	vpop (erf);
	(erf) = vpow2.f32 v4  }
0x164: {  	v4 =	vsub.f32 $0.0e+00, v9;
	v9 =	vpop (erf);
	v8 =	vadd.f32 $1.000000000e+00, v8;
	(erf) = vrcp.f32 v2  }
0x165: {  	v2 =	vsub.f32 $0.0e+00, v10;
	(erf) = vpow2.f32 v3;
	v3 =	vadd.f32 $1.000000000e+00, v9  }
0x166: {  	v4 =	vmul.f32 $1.442695020e+00, v4  }
0x167: {  	v10 =	vpop (erf);
	v1 =	vsub.f32 $0.0e+00, v1;
	v2 =	vmul.f32 $1.442695020e+00, v2  }
0x168: {  	s14 =	simm.s32 $0xB790;
	v7 =	vsub.f32 $0.0e+00, v7;
	(erf) = vrcp.f32 v8;
	v8 =	vpop (erf)  }
0x169: {  	v15 =	vld [tilespmem:s14+$0x10];
	v1 =	vmul.f32 $1.442695020e+00, v1;
	(erf) = vrcp.f32 v3;
	v3 =	vpop (erf)  }
0x16a: {  	s16 =	simm.s32 $0x140;
	v16 =	vld [tilespmem:s14+$0x0];
	v7 =	vmul.f32 $1.442695020e+00, v7;
	(erf) = vpow2.f32 v4;
	v4 =	vpop (erf)  }
0x16b: {  	s15 =	sand.u32 $0x1FE0, s16;
	v9 =	vld [tilespmem:s14+$0x40];
	(erf) = vpow2.f32 v2;
	v2 =	vpop (erf)  }
0x16c: {  	v14 =	vld [tilespmem:s15+$0xB680];
	v5 =	vadd.f32 $1.000000000e+00, v5;
	(erf) = vpow2.f32 v7;
	v17 =	vpop (erf)  }
0x16d: {  	v6 =	vadd.f32 $1.000000000e+00, v6;
	v11 =	vadd.f32 $1.000000000e+00, v11;
	v7 =	vld [tilespmem:s14+$0xFFFFFFF0];
	(erf) = vpow2.f32 v1;
	v1 =	vpop (erf)  }
0x16e: {  	v18 =	vadd.f32 $1.000000000e+00, v2;
	v2 =	vld [tilespmem:s14+$0xFFFFFFE0];
	(erf) = vrcp.f32 v5;
	v1 =	vadd.f32 $1.000000000e+00, v1  }
0x16f: {  	v13 =	vld [tilespmem:s14+$0x20];
	v15 =	vsub.f32 $0.0e+00, v15;
	v12 =	vadd.f32 $1.000000000e+00, v12;
	v19 =	vpop (erf);
	(erf) = vrcp.f32 v11  }
0x170: {  	v9 =	vsub.f32 $0.0e+00, v9;
	v5 =	vld [tilespmem:s14+$0xFFFFFFD0];
	v20 =	vpop (erf);
	(erf) = vrcp.f32 v1;
	v1 =	vsub.f32 $0.0e+00, v16  }
0x171: {  	v14 =	vsub.f32 $0.0e+00, v14;
	v15 =	vmul.f32 $1.442695020e+00, v15;
	v4 =	vadd.f32 $1.000000000e+00, v4;
	v11 =	vld [tilespmem:s14+$0xFFFFFFC0];
	v21 =	vpop (erf)  }
0x172: {  	v9 =	vmul.f32 $1.442695020e+00, v9;
	v7 =	vsub.f32 $0.0e+00, v7;
	(erf) = vrcp.f32 v6;
	v6 =	vpop (erf)  }
0x173: {  	v63 =	vld [tilespmem:s14+$0xFFFFFFB0];
	[tilespmem:s12+$0x10] =	vst v8;
	v8 =	vsub.f32 $0.0e+00, v2;
	(erf) = vrcp.f32 v12;
	v12 =	vpop (erf);
	v2 =	vmul.f32 $1.442695020e+00, v1  }
0x174: {  	v13 =	vsub.f32 $0.0e+00, v13;
	[tilespmem:s17+$0xB680] =	vst v10;
	v10 =	vmul.f32 $1.442695020e+00, v7;
	(erf) = vrcp.f32 v18;
	v1 =	vpop (erf)  }
0x175: {  	v14 =	vmul.f32 $1.442695020e+00, v14;
	v5 =	vsub.f32 $0.0e+00, v5;
	(erf) = vrcp.f32 v4;
	v4 =	vpop (erf)  }
0x176: {  	[tilespmem:s12+$0x40] =	vst v3;
	v7 =	vsub.f32 $0.0e+00, v11;
	v8 =	vmul.f32 $1.442695020e+00, v8;
	(erf) = vpow2.f32 v9;
	v11 =	vpop (erf)  }
0x177: {  	v13 =	vmul.f32 $1.442695020e+00, v13;
	[tilespmem:s12+$0xFFFFFFD0] =	vst v12;
	v12 =	vadd.f32 $1.000000000e+00, v17;
	(erf) = vpow2.f32 v15;
	v15 =	vpop (erf)  }
0x178: {  	[tilespmem:s12+$0xFFFFFFF0] =	vst v20;
	v3 =	vmul.f32 $1.442695020e+00, v5;
	v5 =	vsub.f32 $0.0e+00, v63;
	(erf) = vpow2.f32 v10;
	v10 =	vpop (erf)  }
0x179: {  	[tilespmem:s12+$0x0] =	vst v6;
	v7 =	vmul.f32 $1.442695020e+00, v7;
	v1 =	vadd.f32 $1.000000000e+00, v1;
	(erf) = vpow2.f32 v14;
	v14 =	vpop (erf)  }
0x17a: {  	v9 =	vmul.f32 $1.442695020e+00, v5;
	v6 =	vadd.f32 $1.000000000e+00, v4;
	(erf) = vpow2.f32 v8;
	[tilespmem:s12+$0xFFFFFFC0] =	vst v10;
	v8 =	vpop (erf)  }
0x17b: {  	v5 =	vadd.f32 $1.000000000e+00, v21;
	(erf) = vrcp.f32 v12;
	[tilespmem:s12+$0x20] =	vst v14;
	v12 =	vadd.f32 $1.000000000e+00, v11;
	v10 =	vpop (erf)  }
0x17c: {  	s17 =	simm.s32 $0xB830;
	v4 =	vadd.f32 $1.000000000e+00, v19;
	v11 =	vadd.f32 $1.000000000e+00, v15;
	(erf) = vpow2.f32 v13;
	[tilespmem:s12+$0xFFFFFFE0] =	vst v10;
	v10 =	vpop (erf)  }
.LBB2_9:
0x17d: {  	s16 =	sadd.s32 $0xA0, s16;
	v13 =	vld [tilespmem:s17+$0x40];
	(erf) = vrcp.f32 v12;
	v12 =	vpop (erf);
	[tilespmem:s12+$0xFFFFFFB0] =	vst v10;
	s12 =	smov.u32 s23;
	s23 =	smov.u32 s14  }
0x17e: {  	s14 =	smov.u32 s17;
	v10 =	vld [tilespmem:s17+$0x20];
	s18 =	sand.u32 $0x1FE0, s16;
	p0 =	slt.u32 s16, $0x1EA0;
	[tilespmem:s12+$0x10] =	vst v12;
	(erf) = vrcp.f32 v11;
	v11 =	vpop (erf)  }
0x17f: {  	v12 =	vld [tilespmem:s18+$0xB680];
	(erf) = vpow2.f32 v9;
	v9 =	vpop (erf);
	[tilespmem:s7+$0xB680] =	vst v8;
	s7 =	smov.u32 s15;
	s15 =	smov.u32 s18  }
0x180: {  	v8 =	vld [tilespmem:s17+$0x10];
	v9 =	vadd.f32 $1.000000000e+00, v9;
	(erf) = vpow2.f32 v7;
	v7 =	vpop (erf);
	[tilespmem:s12+$0x40] =	vst v11  }
0x181: {  	v11 =	vld [tilespmem:s17+$0x0];
	v14 =	vpop (erf);
	(erf) = vpow2.f32 v2  }
0x182: {  	v7 =	vadd.f32 $1.000000000e+00, v7;
	v2 =	vld [tilespmem:s17+$0xFFFFFFF0];
	v13 =	vsub.f32 $0.0e+00, v13;
	(erf) = vpow2.f32 v3;
	v3 =	vpop (erf)  }
0x183: {  	v15 =	vld [tilespmem:s17+$0xFFFFFFE0];
	v10 =	vsub.f32 $0.0e+00, v10;
	v3 =	vadd.f32 $1.000000000e+00, v3;
	v16 =	vpop (erf);
	(erf) = vrcp.f32 v6  }
0x184: {  	v6 =	vld [tilespmem:s17+$0xFFFFFFD0];
	v12 =	vsub.f32 $0.0e+00, v12;
	v13 =	vmul.f32 $1.442695020e+00, v13;
	v17 =	vpop (erf);
	(erf) = vrcp.f32 v5  }
0x185: {  	v5 =	vld [tilespmem:s17+$0xFFFFFFC0];
	v8 =	vsub.f32 $0.0e+00, v8;
	v10 =	vmul.f32 $1.442695020e+00, v10;
	v18 =	vpop (erf);
	(erf) = vrcp.f32 v3;
	[tilespmem:s12+$0xFFFFFFF0] =	vst v17  }
0x186: {  	v3 =	vld [tilespmem:s17+$0xFFFFFFB0];
	v19 =	vsub.f32 $0.0e+00, v11;
	v12 =	vmul.f32 $1.442695020e+00, v12;
	(erf) = vrcp.f32 v4;
	v4 =	vpop (erf)  }
0x187: {  	v17 =	vsub.f32 $0.0e+00, v2;
	v8 =	vmul.f32 $1.442695020e+00, v8;
	[tilespmem:s12+$0x0] =	vst v4;
	(erf) = vrcp.f32 v1;
	v1 =	vpop (erf)  }
0x188: {  	v4 =	vsub.f32 $0.0e+00, v15;
	v2 =	vmul.f32 $1.442695020e+00, v19;
	v11 =	vpop (erf);
	(erf) = vrcp.f32 v7;
	[tilespmem:s12+$0xFFFFFFD0] =	vst v1  }
0x189: {  	v1 =	vsub.f32 $0.0e+00, v6;
	v6 =	vmul.f32 $1.442695020e+00, v17;
	v15 =	vpop (erf);
	(erf) = vrcp.f32 v9  }
0x18a: {  	v5 =	vsub.f32 $0.0e+00, v5;
	v4 =	vmul.f32 $1.442695020e+00, v4;
	(erf) = vpow2.f32 v13;
	v13 =	vpop (erf)  }
0x18b: {  	v9 =	vsub.f32 $0.0e+00, v3;
	v3 =	vmul.f32 $1.442695020e+00, v1;
	(erf) = vpow2.f32 v8;
	v17 =	vpop (erf)  }
.Ltmp3:
0x18c: {  	v1 =	vadd.f32 $1.000000000e+00, v11;
	v7 =	vmul.f32 $1.442695020e+00, v5;
	(erf) = vpow2.f32 v6;
	v11 =	vpop (erf);
	(pc) =	sbr.rel @p0 .LBB2_9-.Ltmp3, $4  }
0x18d: {  	v14 =	vadd.f32 $1.000000000e+00, v14;
	v9 =	vmul.f32 $1.442695020e+00, v9;
	(erf) = vpow2.f32 v12;
	v19 =	vpop (erf)  }
0x18e: {  	v6 =	vadd.f32 $1.000000000e+00, v15;
	v5 =	vadd.f32 $1.000000000e+00, v18;
	(erf) = vpow2.f32 v4;
	v8 =	vpop (erf);
	[tilespmem:s12+$0xFFFFFFC0] =	vst v11  }
0x18f: {  	v12 =	vadd.f32 $1.000000000e+00, v13;
	v4 =	vadd.f32 $1.000000000e+00, v16;
	(erf) = vrcp.f32 v14;
	[tilespmem:s12+$0x20] =	vst v19;
	v13 =	vpop (erf)  }
0x190: {  	s17 =	sadd.s32 $0xA0, s17;
	v11 =	vadd.f32 $1.000000000e+00, v17;
	(erf) = vpow2.f32 v10;
	[tilespmem:s12+$0xFFFFFFE0] =	vst v13;
	v10 =	vpop (erf)  }
0x191: {  	(erf) = vrcp.f32 v12;
	v12 =	vpop (erf)  }
0x192: {  	(erf) = vrcp.f32 v11;
	v11 =	vpop (erf)  }
0x193: {  	(erf) = vpow2.f32 v9;
	v9 =	vpop (erf)  }
0x194: {  	(erf) = vpow2.f32 v7;
	v7 =	vpop (erf)  }
0x195: {  	v13 =	vpop (erf)  }
0x196: {  	(erf) = vpow2.f32 v2;
	v2 =	vpop (erf)  }
0x197: {  	(erf) = vpow2.f32 v3;
	v2 =	vadd.f32 $1.000000000e+00, v2  }
0x198: {  	v3 =	vpop (erf)  }
0x199: {  	(erf) = vrcp.f32 v6;
	v6 =	vpop (erf)  }
0x19a: {  	v7 =	vadd.f32 $1.000000000e+00, v7;
	(erf) = vrcp.f32 v5;
	v5 =	vpop (erf)  }
0x19b: {  	(erf) = vrcp.f32 v2;
	v2 =	vpop (erf)  }
0x19c: {  	v9 =	vadd.f32 $1.000000000e+00, v9;
	(erf) = vrcp.f32 v4;
	v4 =	vpop (erf)  }
0x19d: {  	(erf) = vrcp.f32 v1;
	v1 =	vpop (erf)  }
0x19e: {  	[tilespmem:s12+$0xFFFFFFB0] =	vst v10;
	(erf) = vrcp.f32 v7;
	v7 =	vpop (erf)  }
0x19f: {  	[tilespmem:s7+$0xB680] =	vst v8;
	v8 =	vpop (erf)  }
0x1a0: {  	[tilespmem:s23+$0x10] =	vst v12;
	v10 =	vadd.f32 $1.000000000e+00, v13;
	(erf) = vrcp.f32 v9;
	v9 =	vpop (erf)  }
0x1a1: {  	[tilespmem:s23+$0xFFFFFFF0] =	vst v6;
	v8 =	vadd.f32 $1.000000000e+00, v8;
	v6 =	vadd.f32 $1.000000000e+00, v9  }
0x1a2: {  	[tilespmem:s23+$0x0] =	vst v2;
	(erf) = vrcp.f32 v10  }
0x1a3: {  	[tilespmem:s23+$0xFFFFFFD0] =	vst v4;
	v7 =	vadd.f32 $1.000000000e+00, v7;
	v2 =	vpop (erf);
	(erf) = vrcp.f32 v8  }
0x1a4: {  	v5 =	vadd.f32 $1.000000000e+00, v5;
	v4 =	vpop (erf);
	[tilespmem:s23+$0xFFFFFFC0] =	vst v2;
	v2 =	vadd.f32 $1.000000000e+00, v3;
	(erf) = vrcp.f32 v6  }
0x1a5: {  	[tilespmem:s23+$0x40] =	vst v11;
	v6 =	vpop (erf);
	(erf) = vrcp.f32 v7  }
0x1a6: {  	v1 =	vadd.f32 $1.000000000e+00, v1;
	[tilespmem:s23+$0x20] =	vst v4;
	v3 =	vpop (erf);
	(erf) = vrcp.f32 v5  }
0x1a7: {  	[tilespmem:s23+$0xFFFFFFE0] =	vst v3;
	v3 =	vpop (erf);
	(erf) = vrcp.f32 v2  }
0x1a8: {  	[tilespmem:s15+$0xB680] =	vst v6;
	v2 =	vpop (erf);
	(erf) = vrcp.f32 v1  }
0x1a9: {  	[tilespmem:s23+$0xFFFFFFB0] =	vst v3  }
0x1aa: {  	[tilespmem:s14+$0x10] =	vst v2;
	v1 =	vpop (erf)  }
0x1ab: {  	[tilespmem:s14+$0x40] =	vst v1;
	v1 =	vpop (erf)  }
0x1ac: {  	[tilespmem:s14+$0xFFFFFFF0] =	vst v1;
	v1 =	vpop (erf)  }
0x1ad: {  	[tilespmem:s14+$0x0] =	vst v1;
	v1 =	vpop (erf)  }
0x1ae: {  	[tilespmem:s14+$0xFFFFFFD0] =	vst v1;
	v1 =	vpop (erf)  }
0x1af: {  	v2 =	vpop (erf);
	[tilespmem:s14+$0xFFFFFFC0] =	vst v1  }
0x1b0: {  	[tilespmem:s14+$0x20] =	vst v2;
	v1 =	vpop (erf)  }
0x1b1: {  	[tilespmem:s14+$0xFFFFFFE0] =	vst v1;
	v1 =	vpop (erf)  }
0x1b2: {  	[tilespmem:s14+$0xFFFFFFB0] =	vst v1  }
0x1b3: {  	[spmem:s2] =	stream.indirect.scatter.add.f32 [tilespmem:s31], [sflag:$0x3], $0x1, s0, s28, $0xb8;
	[tilespmem:$0xD580] =	vst v63  }
0x1b4: {  	s14 =	sadd.s32 s6, s21  }
0x1b5: {  	[hbm4b:s14+s4] =	stream.linear.scatter [tilespmem:s31], [sflag:$0x5], $0x1F40, $0x38;
	[tilespmem:$0xD580] =	vst v63  }
0x1b6: {  	_ =	swait.ge [sflag:s29], $0x1F40  }
0x1b7: {  	[sflag:s29] =	ssyncset.done $0x0  }
0x1b8: {  	[sflag:s29] =	ssyncadd.s32 $0xFFFFE0C0  }
0x1b9: {  	_ =	swait.ge [sflag:s30], $0x1F40  }
0x1ba: {  	[sflag:s30] =	ssyncset.done $0x0  }
0x1bb: {  	[sflag:s30] =	ssyncadd.s32 $0xFFFFE0C0  }
0x1bc: {  	_ =	swait.ge [sflag:s10], $0x1F40  }
0x1bd: {  	[sflag:s10] =	ssyncset.done $0x0  }
0x1be: {  	[sflag:s10] =	ssyncadd.s32 $0xFFFFE0C0  }
0x1bf: {  	_ =	swait.ge [sflag:s11], $0x1F40  }
0x1c0: {  	s15 =	rddreg [dreg:$0xc]  }
0x1c1: {  	s7 =	sadd.s32 s20, s15  }
0x1c2: {  	[sflag:s11] =	ssyncset.done $0x0;
	s21 =	sshrl.u32 s7, $0x3  }
0x1c3: {  	[sflag:s11] =	ssyncadd.s32 $0xFFFFE0C0;
	s7 =	sadd.s32 s1, s21  }
0x1c4: {  	[tilespmem:s25], [sflag:$0x1] =	stream.linear.gather [hbm4b:s7+s4], $0x1F40, $0x38;
	[tilespmem:$0xD580] =	vst v63  }
0x1c5: {  	s12 =	simm.s32 $0x7750;
	s16 =	sadd.s32 s5, s21  }
0x1c6: {  	[tilespmem:s26], [sflag:$0x2] =	stream.linear.gather [hbm4b:s16+s4], $0x1F40, $0x38;
	[tilespmem:$0xD580] =	vst v63  }
0x1c7: {  	v1 =	vld [tilespmem:s12+$0x40]  }
0x1c8: {  	v2 =	vld [tilespmem:s12+$0x10]  }
0x1c9: {  	s17 =	simm.s32 $0x0;
	v3 =	vld [tilespmem:s12+$0xFFFFFFF0]  }
0x1ca: {  	s17 =	sand.u32 $0x1FE0, s17  }
0x1cb: {  	v4 =	vld [tilespmem:s17+$0x7780]  }
0x1cc: {  	v1 =	vsub.f32 $0.0e+00, v1  }
0x1cd: {  	v2 =	vsub.f32 $0.0e+00, v2  }
0x1ce: {  	v5 =	vld [tilespmem:s12+$0xFFFFFFE0];
	v3 =	vsub.f32 $0.0e+00, v3;
	v1 =	vmul.f32 $1.442695020e+00, v1  }
0x1cf: {  	v2 =	vmul.f32 $1.442695020e+00, v2  }
0x1d0: {  	v4 =	vsub.f32 $0.0e+00, v4;
	v3 =	vmul.f32 $1.442695020e+00, v3;
	(erf) = vpow2.f32 v1;
	v1 =	vld [tilespmem:s12+$0x20]  }
0x1d1: {  	(erf) = vpow2.f32 v2;
	v2 =	vld [tilespmem:s12+$0xFFFFFFB0]  }
0x1d2: {  	v4 =	vmul.f32 $1.442695020e+00, v4;
	(erf) = vpow2.f32 v3;
	v3 =	vld [tilespmem:s12+$0xFFFFFFC0]  }
0x1d3: {  	v5 =	vsub.f32 $0.0e+00, v5  }
0x1d4: {  	(erf) = vpow2.f32 v4  }
0x1d5: {  	v5 =	vmul.f32 $1.442695020e+00, v5;
	v4 =	vld [tilespmem:s12+$0x0]  }
0x1d6: {  	v6 =	vld [tilespmem:s12+$0xFFFFFFD0];
	v1 =	vsub.f32 $0.0e+00, v1;
	v2 =	vsub.f32 $0.0e+00, v2  }
0x1d7: {  	s23 =	simm.s32 $0x77F0;
	(erf) = vpow2.f32 v5;
	v3 =	vsub.f32 $0.0e+00, v3  }
0x1d8: {  	v5 =	vld [tilespmem:s23+$0x40];
	v1 =	vmul.f32 $1.442695020e+00, v1;
	v2 =	vmul.f32 $1.442695020e+00, v2  }
0x1d9: {  	v3 =	vmul.f32 $1.442695020e+00, v3  }
0x1da: {  	s18 =	simm.s32 $0xA0;
	v4 =	vsub.f32 $0.0e+00, v4;
	v7 =	vpop (erf);
	(erf) = vpow2.f32 v1;
	v1 =	vld [tilespmem:s23+$0x10]  }
0x1db: {  	s7 =	sand.u32 $0x1FE0, s18;
	v9 =	vld [tilespmem:s23+$0xFFFFFFF0];
	v6 =	vsub.f32 $0.0e+00, v6;
	v8 =	vpop (erf)  }
0x1dc: {  	v10 =	vld [tilespmem:s7+$0x7780];
	v4 =	vmul.f32 $1.442695020e+00, v4;
	(erf) = vpow2.f32 v2;
	v2 =	vpop (erf)  }
0x1dd: {  	v6 =	vmul.f32 $1.442695020e+00, v6;
	v5 =	vsub.f32 $0.0e+00, v5;
	(erf) = vpow2.f32 v3;
	v3 =	vpop (erf)  }
0x1de: {  	v8 =	vadd.f32 $1.000000000e+00, v8;
	(erf) = vpow2.f32 v4;
	v4 =	vld [tilespmem:s23+$0xFFFFFFE0];
	v3 =	vadd.f32 $1.000000000e+00, v3  }
0x1df: {  	v11 =	vld [tilespmem:s23+$0x20];
	(erf) = vpow2.f32 v6;
	v6 =	vadd.f32 $1.000000000e+00, v7;
	v1 =	vsub.f32 $0.0e+00, v1  }
0x1e0: {  	(erf) = vrcp.f32 v3;
	v3 =	vmul.f32 $1.442695020e+00, v5;
	v5 =	vsub.f32 $0.0e+00, v9  }
0x1e1: {  	v1 =	vmul.f32 $1.442695020e+00, v1;
	(erf) = vrcp.f32 v8;
	v8 =	vsub.f32 $0.0e+00, v10  }
0x1e2: {  	(erf) = vrcp.f32 v6;
	v5 =	vmul.f32 $1.442695020e+00, v5  }
0x1e3: {  	v9 =	vld [tilespmem:s23+$0xFFFFFFB0];
	v4 =	vsub.f32 $0.0e+00, v4;
	v6 =	vpop (erf);
	(erf) = vpow2.f32 v3;
	v8 =	vmul.f32 $1.442695020e+00, v8  }
0x1e4: {  	v10 =	vld [tilespmem:s23+$0xFFFFFFC0];
	v3 =	vsub.f32 $0.0e+00, v11;
	v11 =	vpop (erf);
	(erf) = vpow2.f32 v1  }
0x1e5: {  	v4 =	vmul.f32 $1.442695020e+00, v4;
	v12 =	vpop (erf);
	(erf) = vpow2.f32 v5  }
0x1e6: {  	v2 =	vadd.f32 $1.000000000e+00, v2;
	v1 =	vld [tilespmem:s23+$0xFFFFFFD0];
	v5 =	vpop (erf);
	(erf) = vpow2.f32 v8  }
0x1e7: {  	v7 =	vld [tilespmem:s23+$0x0];
	v3 =	vmul.f32 $1.442695020e+00, v3;
	v8 =	vpop (erf);
	(erf) = vpow2.f32 v4  }
0x1e8: {  	v4 =	vsub.f32 $0.0e+00, v9;
	v9 =	vpop (erf);
	v8 =	vadd.f32 $1.000000000e+00, v8;
	(erf) = vrcp.f32 v2  }
0x1e9: {  	v2 =	vsub.f32 $0.0e+00, v10;
	(erf) = vpow2.f32 v3;
	v3 =	vadd.f32 $1.000000000e+00, v9  }
0x1ea: {  	v4 =	vmul.f32 $1.442695020e+00, v4  }
0x1eb: {  	v10 =	vpop (erf);
	v1 =	vsub.f32 $0.0e+00, v1;
	v2 =	vmul.f32 $1.442695020e+00, v2  }
0x1ec: {  	s14 =	simm.s32 $0x7890;
	v7 =	vsub.f32 $0.0e+00, v7;
	(erf) = vrcp.f32 v8;
	v8 =	vpop (erf)  }
0x1ed: {  	v15 =	vld [tilespmem:s14+$0x10];
	v1 =	vmul.f32 $1.442695020e+00, v1;
	(erf) = vrcp.f32 v3;
	v3 =	vpop (erf)  }
0x1ee: {  	s16 =	simm.s32 $0x140;
	v16 =	vld [tilespmem:s14+$0x0];
	v7 =	vmul.f32 $1.442695020e+00, v7;
	(erf) = vpow2.f32 v4;
	v4 =	vpop (erf)  }
0x1ef: {  	s15 =	sand.u32 $0x1FE0, s16;
	v9 =	vld [tilespmem:s14+$0x40];
	(erf) = vpow2.f32 v2;
	v2 =	vpop (erf)  }
0x1f0: {  	v14 =	vld [tilespmem:s15+$0x7780];
	v5 =	vadd.f32 $1.000000000e+00, v5;
	(erf) = vpow2.f32 v7;
	v17 =	vpop (erf)  }
0x1f1: {  	v6 =	vadd.f32 $1.000000000e+00, v6;
	v11 =	vadd.f32 $1.000000000e+00, v11;
	v7 =	vld [tilespmem:s14+$0xFFFFFFF0];
	(erf) = vpow2.f32 v1;
	v1 =	vpop (erf)  }
0x1f2: {  	v18 =	vadd.f32 $1.000000000e+00, v2;
	v2 =	vld [tilespmem:s14+$0xFFFFFFE0];
	(erf) = vrcp.f32 v5;
	v1 =	vadd.f32 $1.000000000e+00, v1  }
0x1f3: {  	v13 =	vld [tilespmem:s14+$0x20];
	v15 =	vsub.f32 $0.0e+00, v15;
	v12 =	vadd.f32 $1.000000000e+00, v12;
	v19 =	vpop (erf);
	(erf) = vrcp.f32 v11  }
0x1f4: {  	v9 =	vsub.f32 $0.0e+00, v9;
	v5 =	vld [tilespmem:s14+$0xFFFFFFD0];
	v20 =	vpop (erf);
	(erf) = vrcp.f32 v1;
	v1 =	vsub.f32 $0.0e+00, v16  }
0x1f5: {  	v14 =	vsub.f32 $0.0e+00, v14;
	v15 =	vmul.f32 $1.442695020e+00, v15;
	v4 =	vadd.f32 $1.000000000e+00, v4;
	v11 =	vld [tilespmem:s14+$0xFFFFFFC0];
	v21 =	vpop (erf)  }
0x1f6: {  	v9 =	vmul.f32 $1.442695020e+00, v9;
	v7 =	vsub.f32 $0.0e+00, v7;
	(erf) = vrcp.f32 v6;
	v6 =	vpop (erf)  }
0x1f7: {  	v63 =	vld [tilespmem:s14+$0xFFFFFFB0];
	[tilespmem:s12+$0x10] =	vst v8;
	v8 =	vsub.f32 $0.0e+00, v2;
	(erf) = vrcp.f32 v12;
	v12 =	vpop (erf);
	v2 =	vmul.f32 $1.442695020e+00, v1  }
0x1f8: {  	v13 =	vsub.f32 $0.0e+00, v13;
	[tilespmem:s17+$0x7780] =	vst v10;
	v10 =	vmul.f32 $1.442695020e+00, v7;
	(erf) = vrcp.f32 v18;
	v1 =	vpop (erf)  }
0x1f9: {  	v14 =	vmul.f32 $1.442695020e+00, v14;
	v5 =	vsub.f32 $0.0e+00, v5;
	(erf) = vrcp.f32 v4;
	v4 =	vpop (erf)  }
0x1fa: {  	[tilespmem:s12+$0x40] =	vst v3;
	v7 =	vsub.f32 $0.0e+00, v11;
	v8 =	vmul.f32 $1.442695020e+00, v8;
	(erf) = vpow2.f32 v9;
	v11 =	vpop (erf)  }
0x1fb: {  	v13 =	vmul.f32 $1.442695020e+00, v13;
	[tilespmem:s12+$0xFFFFFFD0] =	vst v12;
	v12 =	vadd.f32 $1.000000000e+00, v17;
	(erf) = vpow2.f32 v15;
	v15 =	vpop (erf)  }
0x1fc: {  	[tilespmem:s12+$0xFFFFFFF0] =	vst v20;
	v3 =	vmul.f32 $1.442695020e+00, v5;
	v5 =	vsub.f32 $0.0e+00, v63;
	(erf) = vpow2.f32 v10;
	v10 =	vpop (erf)  }
0x1fd: {  	[tilespmem:s12+$0x0] =	vst v6;
	v7 =	vmul.f32 $1.442695020e+00, v7;
	v1 =	vadd.f32 $1.000000000e+00, v1;
	(erf) = vpow2.f32 v14;
	v14 =	vpop (erf)  }
0x1fe: {  	v9 =	vmul.f32 $1.442695020e+00, v5;
	v6 =	vadd.f32 $1.000000000e+00, v4;
	(erf) = vpow2.f32 v8;
	[tilespmem:s12+$0xFFFFFFC0] =	vst v10;
	v8 =	vpop (erf)  }
0x1ff: {  	v5 =	vadd.f32 $1.000000000e+00, v21;
	(erf) = vrcp.f32 v12;
	[tilespmem:s12+$0x20] =	vst v14;
	v12 =	vadd.f32 $1.000000000e+00, v11;
	v10 =	vpop (erf)  }
0x200: {  	s17 =	simm.s32 $0x7930;
	v4 =	vadd.f32 $1.000000000e+00, v19;
	v11 =	vadd.f32 $1.000000000e+00, v15;
	(erf) = vpow2.f32 v13;
	[tilespmem:s12+$0xFFFFFFE0] =	vst v10;
	v10 =	vpop (erf)  }
.LBB2_11:
0x201: {  	s16 =	sadd.s32 $0xA0, s16;
	v13 =	vld [tilespmem:s17+$0x40];
	(erf) = vrcp.f32 v12;
	v12 =	vpop (erf);
	[tilespmem:s12+$0xFFFFFFB0] =	vst v10;
	s12 =	smov.u32 s23;
	s23 =	smov.u32 s14  }
0x202: {  	s14 =	smov.u32 s17;
	v10 =	vld [tilespmem:s17+$0x20];
	s18 =	sand.u32 $0x1FE0, s16;
	p0 =	slt.u32 s16, $0x1EA0;
	[tilespmem:s12+$0x10] =	vst v12;
	(erf) = vrcp.f32 v11;
	v11 =	vpop (erf)  }
0x203: {  	v12 =	vld [tilespmem:s18+$0x7780];
	(erf) = vpow2.f32 v9;
	v9 =	vpop (erf);
	[tilespmem:s7+$0x7780] =	vst v8;
	s7 =	smov.u32 s15;
	s15 =	smov.u32 s18  }
0x204: {  	v8 =	vld [tilespmem:s17+$0x10];
	v9 =	vadd.f32 $1.000000000e+00, v9;
	(erf) = vpow2.f32 v7;
	v7 =	vpop (erf);
	[tilespmem:s12+$0x40] =	vst v11  }
0x205: {  	v11 =	vld [tilespmem:s17+$0x0];
	v14 =	vpop (erf);
	(erf) = vpow2.f32 v2  }
0x206: {  	v7 =	vadd.f32 $1.000000000e+00, v7;
	v2 =	vld [tilespmem:s17+$0xFFFFFFF0];
	v13 =	vsub.f32 $0.0e+00, v13;
	(erf) = vpow2.f32 v3;
	v3 =	vpop (erf)  }
0x207: {  	v15 =	vld [tilespmem:s17+$0xFFFFFFE0];
	v10 =	vsub.f32 $0.0e+00, v10;
	v3 =	vadd.f32 $1.000000000e+00, v3;
	v16 =	vpop (erf);
	(erf) = vrcp.f32 v6  }
0x208: {  	v6 =	vld [tilespmem:s17+$0xFFFFFFD0];
	v12 =	vsub.f32 $0.0e+00, v12;
	v13 =	vmul.f32 $1.442695020e+00, v13;
	v17 =	vpop (erf);
	(erf) = vrcp.f32 v5  }
0x209: {  	v5 =	vld [tilespmem:s17+$0xFFFFFFC0];
	v8 =	vsub.f32 $0.0e+00, v8;
	v10 =	vmul.f32 $1.442695020e+00, v10;
	v18 =	vpop (erf);
	(erf) = vrcp.f32 v3;
	[tilespmem:s12+$0xFFFFFFF0] =	vst v17  }
0x20a: {  	v3 =	vld [tilespmem:s17+$0xFFFFFFB0];
	v19 =	vsub.f32 $0.0e+00, v11;
	v12 =	vmul.f32 $1.442695020e+00, v12;
	(erf) = vrcp.f32 v4;
	v4 =	vpop (erf)  }
0x20b: {  	v17 =	vsub.f32 $0.0e+00, v2;
	v8 =	vmul.f32 $1.442695020e+00, v8;
	[tilespmem:s12+$0x0] =	vst v4;
	(erf) = vrcp.f32 v1;
	v1 =	vpop (erf)  }
0x20c: {  	v4 =	vsub.f32 $0.0e+00, v15;
	v2 =	vmul.f32 $1.442695020e+00, v19;
	v11 =	vpop (erf);
	(erf) = vrcp.f32 v7;
	[tilespmem:s12+$0xFFFFFFD0] =	vst v1  }
0x20d: {  	v1 =	vsub.f32 $0.0e+00, v6;
	v6 =	vmul.f32 $1.442695020e+00, v17;
	v15 =	vpop (erf);
	(erf) = vrcp.f32 v9  }
0x20e: {  	v5 =	vsub.f32 $0.0e+00, v5;
	v4 =	vmul.f32 $1.442695020e+00, v4;
	(erf) = vpow2.f32 v13;
	v13 =	vpop (erf)  }
0x20f: {  	v9 =	vsub.f32 $0.0e+00, v3;
	v3 =	vmul.f32 $1.442695020e+00, v1;
	(erf) = vpow2.f32 v8;
	v17 =	vpop (erf)  }
.Ltmp4:
0x210: {  	v1 =	vadd.f32 $1.000000000e+00, v11;
	v7 =	vmul.f32 $1.442695020e+00, v5;
	(erf) = vpow2.f32 v6;
	v11 =	vpop (erf);
	(pc) =	sbr.rel @p0 .LBB2_11-.Ltmp4, $4  }
0x211: {  	v14 =	vadd.f32 $1.000000000e+00, v14;
	v9 =	vmul.f32 $1.442695020e+00, v9;
	(erf) = vpow2.f32 v12;
	v19 =	vpop (erf)  }
0x212: {  	v6 =	vadd.f32 $1.000000000e+00, v15;
	v5 =	vadd.f32 $1.000000000e+00, v18;
	(erf) = vpow2.f32 v4;
	v8 =	vpop (erf);
	[tilespmem:s12+$0xFFFFFFC0] =	vst v11  }
0x213: {  	v12 =	vadd.f32 $1.000000000e+00, v13;
	v4 =	vadd.f32 $1.000000000e+00, v16;
	(erf) = vrcp.f32 v14;
	[tilespmem:s12+$0x20] =	vst v19;
	v13 =	vpop (erf)  }
0x214: {  	s17 =	sadd.s32 $0xA0, s17;
	v11 =	vadd.f32 $1.000000000e+00, v17;
	(erf) = vpow2.f32 v10;
	[tilespmem:s12+$0xFFFFFFE0] =	vst v13;
	v10 =	vpop (erf)  }
0x215: {  	(erf) = vrcp.f32 v12;
	v12 =	vpop (erf)  }
0x216: {  	(erf) = vrcp.f32 v11;
	v11 =	vpop (erf)  }
0x217: {  	(erf) = vpow2.f32 v9;
	v9 =	vpop (erf)  }
0x218: {  	(erf) = vpow2.f32 v7;
	v7 =	vpop (erf)  }
0x219: {  	v13 =	vpop (erf)  }
0x21a: {  	(erf) = vpow2.f32 v2;
	v2 =	vpop (erf)  }
0x21b: {  	(erf) = vpow2.f32 v3;
	v2 =	vadd.f32 $1.000000000e+00, v2  }
0x21c: {  	v3 =	vpop (erf)  }
0x21d: {  	(erf) = vrcp.f32 v6;
	v6 =	vpop (erf)  }
0x21e: {  	v7 =	vadd.f32 $1.000000000e+00, v7;
	(erf) = vrcp.f32 v5;
	v5 =	vpop (erf)  }
0x21f: {  	(erf) = vrcp.f32 v2;
	v2 =	vpop (erf)  }
0x220: {  	v9 =	vadd.f32 $1.000000000e+00, v9;
	(erf) = vrcp.f32 v4;
	v4 =	vpop (erf)  }
0x221: {  	(erf) = vrcp.f32 v1;
	v1 =	vpop (erf)  }
0x222: {  	[tilespmem:s12+$0xFFFFFFB0] =	vst v10;
	(erf) = vrcp.f32 v7;
	v7 =	vpop (erf)  }
0x223: {  	[tilespmem:s7+$0x7780] =	vst v8;
	v8 =	vpop (erf)  }
0x224: {  	[tilespmem:s23+$0x10] =	vst v12;
	v10 =	vadd.f32 $1.000000000e+00, v13;
	(erf) = vrcp.f32 v9;
	v9 =	vpop (erf)  }
0x225: {  	[tilespmem:s23+$0xFFFFFFF0] =	vst v6;
	v8 =	vadd.f32 $1.000000000e+00, v8;
	v6 =	vadd.f32 $1.000000000e+00, v9  }
0x226: {  	[tilespmem:s23+$0x0] =	vst v2;
	(erf) = vrcp.f32 v10  }
0x227: {  	[tilespmem:s23+$0xFFFFFFD0] =	vst v4;
	v7 =	vadd.f32 $1.000000000e+00, v7;
	v2 =	vpop (erf);
	(erf) = vrcp.f32 v8  }
0x228: {  	v5 =	vadd.f32 $1.000000000e+00, v5;
	v4 =	vpop (erf);
	[tilespmem:s23+$0xFFFFFFC0] =	vst v2;
	v2 =	vadd.f32 $1.000000000e+00, v3;
	(erf) = vrcp.f32 v6  }
0x229: {  	[tilespmem:s23+$0x40] =	vst v11;
	v6 =	vpop (erf);
	(erf) = vrcp.f32 v7  }
0x22a: {  	v1 =	vadd.f32 $1.000000000e+00, v1;
	[tilespmem:s23+$0x20] =	vst v4;
	v3 =	vpop (erf);
	(erf) = vrcp.f32 v5  }
0x22b: {  	[tilespmem:s23+$0xFFFFFFE0] =	vst v3;
	v3 =	vpop (erf);
	(erf) = vrcp.f32 v2  }
0x22c: {  	[tilespmem:s15+$0x7780] =	vst v6;
	v2 =	vpop (erf);
	(erf) = vrcp.f32 v1  }
0x22d: {  	[tilespmem:s23+$0xFFFFFFB0] =	vst v3  }
0x22e: {  	[tilespmem:s14+$0x10] =	vst v2;
	v1 =	vpop (erf)  }
0x22f: {  	[tilespmem:s14+$0x40] =	vst v1;
	v1 =	vpop (erf)  }
0x230: {  	[tilespmem:s14+$0xFFFFFFF0] =	vst v1;
	v1 =	vpop (erf)  }
0x231: {  	[tilespmem:s14+$0x0] =	vst v1;
	v1 =	vpop (erf)  }
0x232: {  	[tilespmem:s14+$0xFFFFFFD0] =	vst v1;
	v1 =	vpop (erf)  }
0x233: {  	v2 =	vpop (erf);
	[tilespmem:s14+$0xFFFFFFC0] =	vst v1  }
0x234: {  	[tilespmem:s14+$0x20] =	vst v2;
	v1 =	vpop (erf)  }
0x235: {  	[tilespmem:s14+$0xFFFFFFE0] =	vst v1;
	v1 =	vpop (erf)  }
0x236: {  	[tilespmem:s14+$0xFFFFFFB0] =	vst v1  }
0x237: {  	[spmem:s2] =	stream.indirect.scatter.add.f32 [tilespmem:s22], [sflag:$0x4], $0x1, s24, s28, $0xb8;
	[tilespmem:$0xD580] =	vst v63  }
0x238: {  	s14 =	sadd.s32 s6, s8  }
0x239: {  	[hbm4b:s14+s4] =	stream.linear.scatter [tilespmem:s22], [sflag:$0x6], $0x1F40, $0x38;
	[tilespmem:$0xD580] =	vst v63  }
0x23a: {  	_ =	swait.ge [sflag:s29], $0x1F40  }
0x23b: {  	[sflag:s29] =	ssyncset.done $0x0  }
0x23c: {  	[sflag:s29] =	ssyncadd.s32 $0xFFFFE0C0  }
0x23d: {  	_ =	swait.ge [sflag:s30], $0x1F40  }
0x23e: {  	[sflag:s30] =	ssyncset.done $0x0  }
0x23f: {  	[sflag:s30] =	ssyncadd.s32 $0xFFFFE0C0  }
0x240: {  	_ =	swait.ge [sflag:s3], $0x1F40  }
0x241: {  	[sflag:s3] =	ssyncset.done $0x0  }
0x242: {  	[sflag:s3] =	ssyncadd.s32 $0xFFFFE0C0  }
0x243: {  	_ =	swait.ge [sflag:s9], $0x1F40  }
0x244: {  	s15 =	rddreg [dreg:$0xd]  }
0x245: {  	s7 =	sadd.s32 s20, s15  }
0x246: {  	[sflag:s9] =	ssyncset.done $0x0;
	s8 =	sshrl.u32 s7, $0x3  }
0x247: {  	[sflag:s9] =	ssyncadd.s32 $0xFFFFE0C0;
	s7 =	sadd.s32 s1, s8  }
0x248: {  	[tilespmem:s31], [sflag:$0x1] =	stream.linear.gather [hbm4b:s7+s4], $0x1F40, $0x38;
	[tilespmem:$0xD580] =	vst v63  }
0x249: {  	s12 =	simm.s32 $0x96D0;
	s16 =	sadd.s32 s5, s8  }
0x24a: {  	[tilespmem:s0], [sflag:$0x2] =	stream.linear.gather [hbm4b:s16+s4], $0x1F40, $0x38;
	[tilespmem:$0xD580] =	vst v63  }
0x24b: {  	v1 =	vld [tilespmem:s12+$0x40]  }
0x24c: {  	v2 =	vld [tilespmem:s12+$0x10]  }
0x24d: {  	s17 =	simm.s32 $0x0;
	v3 =	vld [tilespmem:s12+$0xFFFFFFF0]  }
0x24e: {  	s17 =	sand.u32 $0x1FE0, s17  }
0x24f: {  	v4 =	vld [tilespmem:s17+$0x9700]  }
0x250: {  	v1 =	vsub.f32 $0.0e+00, v1  }
0x251: {  	v2 =	vsub.f32 $0.0e+00, v2  }
0x252: {  	v5 =	vld [tilespmem:s12+$0xFFFFFFE0];
	v3 =	vsub.f32 $0.0e+00, v3;
	v1 =	vmul.f32 $1.442695020e+00, v1  }
0x253: {  	v2 =	vmul.f32 $1.442695020e+00, v2  }
0x254: {  	v4 =	vsub.f32 $0.0e+00, v4;
	v3 =	vmul.f32 $1.442695020e+00, v3;
	(erf) = vpow2.f32 v1;
	v1 =	vld [tilespmem:s12+$0x20]  }
0x255: {  	(erf) = vpow2.f32 v2;
	v2 =	vld [tilespmem:s12+$0xFFFFFFB0]  }
0x256: {  	v4 =	vmul.f32 $1.442695020e+00, v4;
	(erf) = vpow2.f32 v3;
	v3 =	vld [tilespmem:s12+$0xFFFFFFC0]  }
0x257: {  	v5 =	vsub.f32 $0.0e+00, v5  }
0x258: {  	(erf) = vpow2.f32 v4  }
0x259: {  	v5 =	vmul.f32 $1.442695020e+00, v5;
	v4 =	vld [tilespmem:s12+$0x0]  }
0x25a: {  	v6 =	vld [tilespmem:s12+$0xFFFFFFD0];
	v1 =	vsub.f32 $0.0e+00, v1;
	v2 =	vsub.f32 $0.0e+00, v2  }
0x25b: {  	s23 =	simm.s32 $0x9770;
	(erf) = vpow2.f32 v5;
	v3 =	vsub.f32 $0.0e+00, v3  }
0x25c: {  	v5 =	vld [tilespmem:s23+$0x40];
	v1 =	vmul.f32 $1.442695020e+00, v1;
	v2 =	vmul.f32 $1.442695020e+00, v2  }
0x25d: {  	v3 =	vmul.f32 $1.442695020e+00, v3  }
0x25e: {  	s18 =	simm.s32 $0xA0;
	v4 =	vsub.f32 $0.0e+00, v4;
	v7 =	vpop (erf);
	(erf) = vpow2.f32 v1;
	v1 =	vld [tilespmem:s23+$0x10]  }
0x25f: {  	s7 =	sand.u32 $0x1FE0, s18;
	v9 =	vld [tilespmem:s23+$0xFFFFFFF0];
	v6 =	vsub.f32 $0.0e+00, v6;
	v8 =	vpop (erf)  }
0x260: {  	v10 =	vld [tilespmem:s7+$0x9700];
	v4 =	vmul.f32 $1.442695020e+00, v4;
	(erf) = vpow2.f32 v2;
	v2 =	vpop (erf)  }
0x261: {  	v6 =	vmul.f32 $1.442695020e+00, v6;
	v5 =	vsub.f32 $0.0e+00, v5;
	(erf) = vpow2.f32 v3;
	v3 =	vpop (erf)  }
0x262: {  	v8 =	vadd.f32 $1.000000000e+00, v8;
	(erf) = vpow2.f32 v4;
	v4 =	vld [tilespmem:s23+$0xFFFFFFE0];
	v3 =	vadd.f32 $1.000000000e+00, v3  }
0x263: {  	v11 =	vld [tilespmem:s23+$0x20];
	(erf) = vpow2.f32 v6;
	v6 =	vadd.f32 $1.000000000e+00, v7;
	v1 =	vsub.f32 $0.0e+00, v1  }
0x264: {  	(erf) = vrcp.f32 v3;
	v3 =	vmul.f32 $1.442695020e+00, v5;
	v5 =	vsub.f32 $0.0e+00, v9  }
0x265: {  	v1 =	vmul.f32 $1.442695020e+00, v1;
	(erf) = vrcp.f32 v8;
	v8 =	vsub.f32 $0.0e+00, v10  }
0x266: {  	(erf) = vrcp.f32 v6;
	v5 =	vmul.f32 $1.442695020e+00, v5  }
0x267: {  	v9 =	vld [tilespmem:s23+$0xFFFFFFB0];
	v4 =	vsub.f32 $0.0e+00, v4;
	v6 =	vpop (erf);
	(erf) = vpow2.f32 v3;
	v8 =	vmul.f32 $1.442695020e+00, v8  }
0x268: {  	v10 =	vld [tilespmem:s23+$0xFFFFFFC0];
	v3 =	vsub.f32 $0.0e+00, v11;
	v11 =	vpop (erf);
	(erf) = vpow2.f32 v1  }
0x269: {  	v4 =	vmul.f32 $1.442695020e+00, v4;
	v12 =	vpop (erf);
	(erf) = vpow2.f32 v5  }
0x26a: {  	v2 =	vadd.f32 $1.000000000e+00, v2;
	v1 =	vld [tilespmem:s23+$0xFFFFFFD0];
	v5 =	vpop (erf);
	(erf) = vpow2.f32 v8  }
0x26b: {  	v7 =	vld [tilespmem:s23+$0x0];
	v3 =	vmul.f32 $1.442695020e+00, v3;
	v8 =	vpop (erf);
	(erf) = vpow2.f32 v4  }
0x26c: {  	v4 =	vsub.f32 $0.0e+00, v9;
	v9 =	vpop (erf);
	v8 =	vadd.f32 $1.000000000e+00, v8;
	(erf) = vrcp.f32 v2  }
0x26d: {  	v2 =	vsub.f32 $0.0e+00, v10;
	(erf) = vpow2.f32 v3;
	v3 =	vadd.f32 $1.000000000e+00, v9  }
0x26e: {  	v4 =	vmul.f32 $1.442695020e+00, v4  }
0x26f: {  	v10 =	vpop (erf);
	v1 =	vsub.f32 $0.0e+00, v1;
	v2 =	vmul.f32 $1.442695020e+00, v2  }
0x270: {  	s14 =	simm.s32 $0x9810;
	v7 =	vsub.f32 $0.0e+00, v7;
	(erf) = vrcp.f32 v8;
	v8 =	vpop (erf)  }
0x271: {  	v15 =	vld [tilespmem:s14+$0x10];
	v1 =	vmul.f32 $1.442695020e+00, v1;
	(erf) = vrcp.f32 v3;
	v3 =	vpop (erf)  }
0x272: {  	s16 =	simm.s32 $0x140;
	v16 =	vld [tilespmem:s14+$0x0];
	v7 =	vmul.f32 $1.442695020e+00, v7;
	(erf) = vpow2.f32 v4;
	v4 =	vpop (erf)  }
0x273: {  	s15 =	sand.u32 $0x1FE0, s16;
	v9 =	vld [tilespmem:s14+$0x40];
	(erf) = vpow2.f32 v2;
	v2 =	vpop (erf)  }
0x274: {  	v14 =	vld [tilespmem:s15+$0x9700];
	v5 =	vadd.f32 $1.000000000e+00, v5;
	(erf) = vpow2.f32 v7;
	v17 =	vpop (erf)  }
0x275: {  	v6 =	vadd.f32 $1.000000000e+00, v6;
	v11 =	vadd.f32 $1.000000000e+00, v11;
	v7 =	vld [tilespmem:s14+$0xFFFFFFF0];
	(erf) = vpow2.f32 v1;
	v1 =	vpop (erf)  }
0x276: {  	v18 =	vadd.f32 $1.000000000e+00, v2;
	v2 =	vld [tilespmem:s14+$0xFFFFFFE0];
	(erf) = vrcp.f32 v5;
	v1 =	vadd.f32 $1.000000000e+00, v1  }
0x277: {  	v13 =	vld [tilespmem:s14+$0x20];
	v15 =	vsub.f32 $0.0e+00, v15;
	v12 =	vadd.f32 $1.000000000e+00, v12;
	v19 =	vpop (erf);
	(erf) = vrcp.f32 v11  }
0x278: {  	v9 =	vsub.f32 $0.0e+00, v9;
	v5 =	vld [tilespmem:s14+$0xFFFFFFD0];
	v20 =	vpop (erf);
	(erf) = vrcp.f32 v1;
	v1 =	vsub.f32 $0.0e+00, v16  }
0x279: {  	v14 =	vsub.f32 $0.0e+00, v14;
	v15 =	vmul.f32 $1.442695020e+00, v15;
	v4 =	vadd.f32 $1.000000000e+00, v4;
	v11 =	vld [tilespmem:s14+$0xFFFFFFC0];
	v21 =	vpop (erf)  }
0x27a: {  	v9 =	vmul.f32 $1.442695020e+00, v9;
	v7 =	vsub.f32 $0.0e+00, v7;
	(erf) = vrcp.f32 v6;
	v6 =	vpop (erf)  }
0x27b: {  	v63 =	vld [tilespmem:s14+$0xFFFFFFB0];
	[tilespmem:s12+$0x10] =	vst v8;
	v8 =	vsub.f32 $0.0e+00, v2;
	(erf) = vrcp.f32 v12;
	v12 =	vpop (erf);
	v2 =	vmul.f32 $1.442695020e+00, v1  }
0x27c: {  	v13 =	vsub.f32 $0.0e+00, v13;
	[tilespmem:s17+$0x9700] =	vst v10;
	v10 =	vmul.f32 $1.442695020e+00, v7;
	(erf) = vrcp.f32 v18;
	v1 =	vpop (erf)  }
0x27d: {  	v14 =	vmul.f32 $1.442695020e+00, v14;
	v5 =	vsub.f32 $0.0e+00, v5;
	(erf) = vrcp.f32 v4;
	v4 =	vpop (erf)  }
0x27e: {  	[tilespmem:s12+$0x40] =	vst v3;
	v7 =	vsub.f32 $0.0e+00, v11;
	v8 =	vmul.f32 $1.442695020e+00, v8;
	(erf) = vpow2.f32 v9;
	v11 =	vpop (erf)  }
0x27f: {  	v13 =	vmul.f32 $1.442695020e+00, v13;
	[tilespmem:s12+$0xFFFFFFD0] =	vst v12;
	v12 =	vadd.f32 $1.000000000e+00, v17;
	(erf) = vpow2.f32 v15;
	v15 =	vpop (erf)  }
0x280: {  	[tilespmem:s12+$0xFFFFFFF0] =	vst v20;
	v3 =	vmul.f32 $1.442695020e+00, v5;
	v5 =	vsub.f32 $0.0e+00, v63;
	(erf) = vpow2.f32 v10;
	v10 =	vpop (erf)  }
0x281: {  	[tilespmem:s12+$0x0] =	vst v6;
	v7 =	vmul.f32 $1.442695020e+00, v7;
	v1 =	vadd.f32 $1.000000000e+00, v1;
	(erf) = vpow2.f32 v14;
	v14 =	vpop (erf)  }
0x282: {  	v9 =	vmul.f32 $1.442695020e+00, v5;
	v6 =	vadd.f32 $1.000000000e+00, v4;
	(erf) = vpow2.f32 v8;
	[tilespmem:s12+$0xFFFFFFC0] =	vst v10;
	v8 =	vpop (erf)  }
0x283: {  	v5 =	vadd.f32 $1.000000000e+00, v21;
	(erf) = vrcp.f32 v12;
	[tilespmem:s12+$0x20] =	vst v14;
	v12 =	vadd.f32 $1.000000000e+00, v11;
	v10 =	vpop (erf)  }
0x284: {  	s17 =	simm.s32 $0x98B0;
	v4 =	vadd.f32 $1.000000000e+00, v19;
	v11 =	vadd.f32 $1.000000000e+00, v15;
	(erf) = vpow2.f32 v13;
	[tilespmem:s12+$0xFFFFFFE0] =	vst v10;
	v10 =	vpop (erf)  }
.LBB2_13:
0x285: {  	s16 =	sadd.s32 $0xA0, s16;
	v13 =	vld [tilespmem:s17+$0x40];
	(erf) = vrcp.f32 v12;
	v12 =	vpop (erf);
	[tilespmem:s12+$0xFFFFFFB0] =	vst v10;
	s12 =	smov.u32 s23;
	s23 =	smov.u32 s14  }
0x286: {  	s14 =	smov.u32 s17;
	v10 =	vld [tilespmem:s17+$0x20];
	s18 =	sand.u32 $0x1FE0, s16;
	p0 =	slt.u32 s16, $0x1EA0;
	[tilespmem:s12+$0x10] =	vst v12;
	(erf) = vrcp.f32 v11;
	v11 =	vpop (erf)  }
0x287: {  	v12 =	vld [tilespmem:s18+$0x9700];
	(erf) = vpow2.f32 v9;
	v9 =	vpop (erf);
	[tilespmem:s7+$0x9700] =	vst v8;
	s7 =	smov.u32 s15;
	s15 =	smov.u32 s18  }
0x288: {  	v8 =	vld [tilespmem:s17+$0x10];
	v9 =	vadd.f32 $1.000000000e+00, v9;
	(erf) = vpow2.f32 v7;
	v7 =	vpop (erf);
	[tilespmem:s12+$0x40] =	vst v11  }
0x289: {  	v11 =	vld [tilespmem:s17+$0x0];
	v14 =	vpop (erf);
	(erf) = vpow2.f32 v2  }
0x28a: {  	v7 =	vadd.f32 $1.000000000e+00, v7;
	v2 =	vld [tilespmem:s17+$0xFFFFFFF0];
	v13 =	vsub.f32 $0.0e+00, v13;
	(erf) = vpow2.f32 v3;
	v3 =	vpop (erf)  }
0x28b: {  	v15 =	vld [tilespmem:s17+$0xFFFFFFE0];
	v10 =	vsub.f32 $0.0e+00, v10;
	v3 =	vadd.f32 $1.000000000e+00, v3;
	v16 =	vpop (erf);
	(erf) = vrcp.f32 v6  }
0x28c: {  	v6 =	vld [tilespmem:s17+$0xFFFFFFD0];
	v12 =	vsub.f32 $0.0e+00, v12;
	v13 =	vmul.f32 $1.442695020e+00, v13;
	v17 =	vpop (erf);
	(erf) = vrcp.f32 v5  }
0x28d: {  	v5 =	vld [tilespmem:s17+$0xFFFFFFC0];
	v8 =	vsub.f32 $0.0e+00, v8;
	v10 =	vmul.f32 $1.442695020e+00, v10;
	v18 =	vpop (erf);
	(erf) = vrcp.f32 v3;
	[tilespmem:s12+$0xFFFFFFF0] =	vst v17  }
0x28e: {  	v3 =	vld [tilespmem:s17+$0xFFFFFFB0];
	v19 =	vsub.f32 $0.0e+00, v11;
	v12 =	vmul.f32 $1.442695020e+00, v12;
	(erf) = vrcp.f32 v4;
	v4 =	vpop (erf)  }
0x28f: {  	v17 =	vsub.f32 $0.0e+00, v2;
	v8 =	vmul.f32 $1.442695020e+00, v8;
	[tilespmem:s12+$0x0] =	vst v4;
	(erf) = vrcp.f32 v1;
	v1 =	vpop (erf)  }
0x290: {  	v4 =	vsub.f32 $0.0e+00, v15;
	v2 =	vmul.f32 $1.442695020e+00, v19;
	v11 =	vpop (erf);
	(erf) = vrcp.f32 v7;
	[tilespmem:s12+$0xFFFFFFD0] =	vst v1  }
0x291: {  	v1 =	vsub.f32 $0.0e+00, v6;
	v6 =	vmul.f32 $1.442695020e+00, v17;
	v15 =	vpop (erf);
	(erf) = vrcp.f32 v9  }
0x292: {  	v5 =	vsub.f32 $0.0e+00, v5;
	v4 =	vmul.f32 $1.442695020e+00, v4;
	(erf) = vpow2.f32 v13;
	v13 =	vpop (erf)  }
0x293: {  	v9 =	vsub.f32 $0.0e+00, v3;
	v3 =	vmul.f32 $1.442695020e+00, v1;
	(erf) = vpow2.f32 v8;
	v17 =	vpop (erf)  }
.Ltmp5:
0x294: {  	v1 =	vadd.f32 $1.000000000e+00, v11;
	v7 =	vmul.f32 $1.442695020e+00, v5;
	(erf) = vpow2.f32 v6;
	v11 =	vpop (erf);
	(pc) =	sbr.rel @p0 .LBB2_13-.Ltmp5, $4  }
0x295: {  	v14 =	vadd.f32 $1.000000000e+00, v14;
	v9 =	vmul.f32 $1.442695020e+00, v9;
	(erf) = vpow2.f32 v12;
	v19 =	vpop (erf)  }
0x296: {  	v6 =	vadd.f32 $1.000000000e+00, v15;
	v5 =	vadd.f32 $1.000000000e+00, v18;
	(erf) = vpow2.f32 v4;
	v8 =	vpop (erf);
	[tilespmem:s12+$0xFFFFFFC0] =	vst v11  }
0x297: {  	v12 =	vadd.f32 $1.000000000e+00, v13;
	v4 =	vadd.f32 $1.000000000e+00, v16;
	(erf) = vrcp.f32 v14;
	[tilespmem:s12+$0x20] =	vst v19;
	v13 =	vpop (erf)  }
0x298: {  	s17 =	sadd.s32 $0xA0, s17;
	v11 =	vadd.f32 $1.000000000e+00, v17;
	(erf) = vpow2.f32 v10;
	[tilespmem:s12+$0xFFFFFFE0] =	vst v13;
	v10 =	vpop (erf)  }
0x299: {  	(erf) = vrcp.f32 v12;
	v12 =	vpop (erf)  }
0x29a: {  	(erf) = vrcp.f32 v11;
	v11 =	vpop (erf)  }
0x29b: {  	(erf) = vpow2.f32 v9;
	v9 =	vpop (erf)  }
0x29c: {  	(erf) = vpow2.f32 v7;
	v7 =	vpop (erf)  }
0x29d: {  	v13 =	vpop (erf)  }
0x29e: {  	(erf) = vpow2.f32 v2;
	v2 =	vpop (erf)  }
0x29f: {  	(erf) = vpow2.f32 v3;
	v2 =	vadd.f32 $1.000000000e+00, v2  }
0x2a0: {  	v3 =	vpop (erf)  }
0x2a1: {  	(erf) = vrcp.f32 v6;
	v6 =	vpop (erf)  }
0x2a2: {  	v7 =	vadd.f32 $1.000000000e+00, v7;
	(erf) = vrcp.f32 v5;
	v5 =	vpop (erf)  }
0x2a3: {  	(erf) = vrcp.f32 v2;
	v2 =	vpop (erf)  }
0x2a4: {  	v9 =	vadd.f32 $1.000000000e+00, v9;
	(erf) = vrcp.f32 v4;
	v4 =	vpop (erf)  }
0x2a5: {  	(erf) = vrcp.f32 v1;
	v1 =	vpop (erf)  }
0x2a6: {  	[tilespmem:s12+$0xFFFFFFB0] =	vst v10;
	(erf) = vrcp.f32 v7;
	v7 =	vpop (erf)  }
0x2a7: {  	[tilespmem:s7+$0x9700] =	vst v8;
	v8 =	vpop (erf)  }
0x2a8: {  	[tilespmem:s23+$0x10] =	vst v12;
	v10 =	vadd.f32 $1.000000000e+00, v13;
	(erf) = vrcp.f32 v9;
	v9 =	vpop (erf)  }
0x2a9: {  	[tilespmem:s23+$0xFFFFFFF0] =	vst v6;
	v8 =	vadd.f32 $1.000000000e+00, v8;
	v6 =	vadd.f32 $1.000000000e+00, v9  }
0x2aa: {  	[tilespmem:s23+$0x0] =	vst v2;
	(erf) = vrcp.f32 v10  }
0x2ab: {  	[tilespmem:s23+$0xFFFFFFD0] =	vst v4;
	v7 =	vadd.f32 $1.000000000e+00, v7;
	v2 =	vpop (erf);
	(erf) = vrcp.f32 v8  }
0x2ac: {  	v5 =	vadd.f32 $1.000000000e+00, v5;
	v4 =	vpop (erf);
	[tilespmem:s23+$0xFFFFFFC0] =	vst v2;
	v2 =	vadd.f32 $1.000000000e+00, v3;
	(erf) = vrcp.f32 v6  }
0x2ad: {  	[tilespmem:s23+$0x40] =	vst v11;
	v6 =	vpop (erf);
	(erf) = vrcp.f32 v7  }
0x2ae: {  	v1 =	vadd.f32 $1.000000000e+00, v1;
	[tilespmem:s23+$0x20] =	vst v4;
	v3 =	vpop (erf);
	(erf) = vrcp.f32 v5  }
0x2af: {  	[tilespmem:s23+$0xFFFFFFE0] =	vst v3;
	v3 =	vpop (erf);
	(erf) = vrcp.f32 v2  }
0x2b0: {  	[tilespmem:s15+$0x9700] =	vst v6;
	v2 =	vpop (erf);
	(erf) = vrcp.f32 v1  }
0x2b1: {  	[tilespmem:s23+$0xFFFFFFB0] =	vst v3  }
0x2b2: {  	[tilespmem:s14+$0x10] =	vst v2;
	v1 =	vpop (erf)  }
0x2b3: {  	[tilespmem:s14+$0x40] =	vst v1;
	v1 =	vpop (erf)  }
0x2b4: {  	[tilespmem:s14+$0xFFFFFFF0] =	vst v1;
	v1 =	vpop (erf)  }
0x2b5: {  	[tilespmem:s14+$0x0] =	vst v1;
	v1 =	vpop (erf)  }
0x2b6: {  	[tilespmem:s14+$0xFFFFFFD0] =	vst v1;
	v1 =	vpop (erf)  }
0x2b7: {  	v2 =	vpop (erf);
	[tilespmem:s14+$0xFFFFFFC0] =	vst v1  }
0x2b8: {  	[tilespmem:s14+$0x20] =	vst v2;
	v1 =	vpop (erf)  }
0x2b9: {  	[tilespmem:s14+$0xFFFFFFE0] =	vst v1;
	v1 =	vpop (erf)  }
0x2ba: {  	[tilespmem:s14+$0xFFFFFFB0] =	vst v1  }
0x2bb: {  	[spmem:s2] =	stream.indirect.scatter.add.f32 [tilespmem:s25], [sflag:$0x3], $0x1, s26, s28, $0xb8;
	[tilespmem:$0xD580] =	vst v63  }
0x2bc: {  	s14 =	sadd.s32 s6, s21  }
0x2bd: {  	[hbm4b:s14+s4] =	stream.linear.scatter [tilespmem:s25], [sflag:$0x5], $0x1F40, $0x38;
	[tilespmem:$0xD580] =	vst v63  }
0x2be: {  	_ =	swait.ge [sflag:s29], $0x1F40  }
0x2bf: {  	[sflag:s29] =	ssyncset.done $0x0  }
0x2c0: {  	[sflag:s29] =	ssyncadd.s32 $0xFFFFE0C0  }
0x2c1: {  	_ =	swait.ge [sflag:s30], $0x1F40  }
0x2c2: {  	[sflag:s30] =	ssyncset.done $0x0  }
0x2c3: {  	[sflag:s30] =	ssyncadd.s32 $0xFFFFE0C0  }
0x2c4: {  	_ =	swait.ge [sflag:s10], $0x1F40  }
0x2c5: {  	[sflag:s10] =	ssyncset.done $0x0  }
0x2c6: {  	[sflag:s10] =	ssyncadd.s32 $0xFFFFE0C0  }
0x2c7: {  	_ =	swait.ge [sflag:s11], $0x1F40  }
0x2c8: {  	s15 =	rddreg [dreg:$0xe]  }
0x2c9: {  	s7 =	sadd.s32 s20, s15  }
0x2ca: {  	[sflag:s11] =	ssyncset.done $0x0;
	s21 =	sshrl.u32 s7, $0x3  }
0x2cb: {  	[sflag:s11] =	ssyncadd.s32 $0xFFFFE0C0;
	s7 =	sadd.s32 s1, s21  }
0x2cc: {  	[tilespmem:s22], [sflag:$0x1] =	stream.linear.gather [hbm4b:s7+s4], $0x1F40, $0x38;
	[tilespmem:$0xD580] =	vst v63  }
0x2cd: {  	s12 =	simm.s32 $0xB650;
	s16 =	sadd.s32 s5, s21  }
0x2ce: {  	[tilespmem:s24], [sflag:$0x2] =	stream.linear.gather [hbm4b:s16+s4], $0x1F40, $0x38;
	[tilespmem:$0xD580] =	vst v63  }
0x2cf: {  	v1 =	vld [tilespmem:s12+$0x40]  }
0x2d0: {  	v2 =	vld [tilespmem:s12+$0x10]  }
0x2d1: {  	s17 =	simm.s32 $0x0;
	v3 =	vld [tilespmem:s12+$0xFFFFFFF0]  }
0x2d2: {  	s17 =	sand.u32 $0x1FE0, s17  }
0x2d3: {  	v4 =	vld [tilespmem:s17+$0xB680]  }
0x2d4: {  	v1 =	vsub.f32 $0.0e+00, v1  }
0x2d5: {  	v2 =	vsub.f32 $0.0e+00, v2  }
0x2d6: {  	v5 =	vld [tilespmem:s12+$0xFFFFFFE0];
	v3 =	vsub.f32 $0.0e+00, v3;
	v1 =	vmul.f32 $1.442695020e+00, v1  }
0x2d7: {  	v2 =	vmul.f32 $1.442695020e+00, v2  }
0x2d8: {  	v4 =	vsub.f32 $0.0e+00, v4;
	v3 =	vmul.f32 $1.442695020e+00, v3;
	(erf) = vpow2.f32 v1;
	v1 =	vld [tilespmem:s12+$0x20]  }
0x2d9: {  	(erf) = vpow2.f32 v2;
	v2 =	vld [tilespmem:s12+$0xFFFFFFB0]  }
0x2da: {  	v4 =	vmul.f32 $1.442695020e+00, v4;
	(erf) = vpow2.f32 v3;
	v3 =	vld [tilespmem:s12+$0xFFFFFFC0]  }
0x2db: {  	v5 =	vsub.f32 $0.0e+00, v5  }
0x2dc: {  	(erf) = vpow2.f32 v4  }
0x2dd: {  	v5 =	vmul.f32 $1.442695020e+00, v5;
	v4 =	vld [tilespmem:s12+$0x0]  }
0x2de: {  	v6 =	vld [tilespmem:s12+$0xFFFFFFD0];
	v1 =	vsub.f32 $0.0e+00, v1;
	v2 =	vsub.f32 $0.0e+00, v2  }
0x2df: {  	s23 =	simm.s32 $0xB6F0;
	(erf) = vpow2.f32 v5;
	v3 =	vsub.f32 $0.0e+00, v3  }
0x2e0: {  	v5 =	vld [tilespmem:s23+$0x40];
	v1 =	vmul.f32 $1.442695020e+00, v1;
	v2 =	vmul.f32 $1.442695020e+00, v2  }
0x2e1: {  	v3 =	vmul.f32 $1.442695020e+00, v3  }
0x2e2: {  	s18 =	simm.s32 $0xA0;
	v4 =	vsub.f32 $0.0e+00, v4;
	v7 =	vpop (erf);
	(erf) = vpow2.f32 v1;
	v1 =	vld [tilespmem:s23+$0x10]  }
0x2e3: {  	s7 =	sand.u32 $0x1FE0, s18;
	v9 =	vld [tilespmem:s23+$0xFFFFFFF0];
	v6 =	vsub.f32 $0.0e+00, v6;
	v8 =	vpop (erf)  }
0x2e4: {  	v10 =	vld [tilespmem:s7+$0xB680];
	v4 =	vmul.f32 $1.442695020e+00, v4;
	(erf) = vpow2.f32 v2;
	v2 =	vpop (erf)  }
0x2e5: {  	v6 =	vmul.f32 $1.442695020e+00, v6;
	v5 =	vsub.f32 $0.0e+00, v5;
	(erf) = vpow2.f32 v3;
	v3 =	vpop (erf)  }
0x2e6: {  	v8 =	vadd.f32 $1.000000000e+00, v8;
	(erf) = vpow2.f32 v4;
	v4 =	vld [tilespmem:s23+$0xFFFFFFE0];
	v3 =	vadd.f32 $1.000000000e+00, v3  }
0x2e7: {  	v11 =	vld [tilespmem:s23+$0x20];
	(erf) = vpow2.f32 v6;
	v6 =	vadd.f32 $1.000000000e+00, v7;
	v1 =	vsub.f32 $0.0e+00, v1  }
0x2e8: {  	(erf) = vrcp.f32 v3;
	v3 =	vmul.f32 $1.442695020e+00, v5;
	v5 =	vsub.f32 $0.0e+00, v9  }
0x2e9: {  	v1 =	vmul.f32 $1.442695020e+00, v1;
	(erf) = vrcp.f32 v8;
	v8 =	vsub.f32 $0.0e+00, v10  }
0x2ea: {  	(erf) = vrcp.f32 v6;
	v5 =	vmul.f32 $1.442695020e+00, v5  }
0x2eb: {  	v9 =	vld [tilespmem:s23+$0xFFFFFFB0];
	v4 =	vsub.f32 $0.0e+00, v4;
	v6 =	vpop (erf);
	(erf) = vpow2.f32 v3;
	v8 =	vmul.f32 $1.442695020e+00, v8  }
0x2ec: {  	v10 =	vld [tilespmem:s23+$0xFFFFFFC0];
	v3 =	vsub.f32 $0.0e+00, v11;
	v11 =	vpop (erf);
	(erf) = vpow2.f32 v1  }
0x2ed: {  	v4 =	vmul.f32 $1.442695020e+00, v4;
	v12 =	vpop (erf);
	(erf) = vpow2.f32 v5  }
0x2ee: {  	v2 =	vadd.f32 $1.000000000e+00, v2;
	v1 =	vld [tilespmem:s23+$0xFFFFFFD0];
	v5 =	vpop (erf);
	(erf) = vpow2.f32 v8  }
0x2ef: {  	v7 =	vld [tilespmem:s23+$0x0];
	v3 =	vmul.f32 $1.442695020e+00, v3;
	v8 =	vpop (erf);
	(erf) = vpow2.f32 v4  }
0x2f0: {  	v4 =	vsub.f32 $0.0e+00, v9;
	v9 =	vpop (erf);
	v8 =	vadd.f32 $1.000000000e+00, v8;
	(erf) = vrcp.f32 v2  }
0x2f1: {  	v2 =	vsub.f32 $0.0e+00, v10;
	(erf) = vpow2.f32 v3;
	v3 =	vadd.f32 $1.000000000e+00, v9  }
0x2f2: {  	v4 =	vmul.f32 $1.442695020e+00, v4  }
0x2f3: {  	v10 =	vpop (erf);
	v1 =	vsub.f32 $0.0e+00, v1;
	v2 =	vmul.f32 $1.442695020e+00, v2  }
0x2f4: {  	s14 =	simm.s32 $0xB790;
	v7 =	vsub.f32 $0.0e+00, v7;
	(erf) = vrcp.f32 v8;
	v8 =	vpop (erf)  }
0x2f5: {  	v15 =	vld [tilespmem:s14+$0x10];
	v1 =	vmul.f32 $1.442695020e+00, v1;
	(erf) = vrcp.f32 v3;
	v3 =	vpop (erf)  }
0x2f6: {  	s16 =	simm.s32 $0x140;
	v16 =	vld [tilespmem:s14+$0x0];
	v7 =	vmul.f32 $1.442695020e+00, v7;
	(erf) = vpow2.f32 v4;
	v4 =	vpop (erf)  }
0x2f7: {  	s15 =	sand.u32 $0x1FE0, s16;
	v9 =	vld [tilespmem:s14+$0x40];
	(erf) = vpow2.f32 v2;
	v2 =	vpop (erf)  }
0x2f8: {  	v14 =	vld [tilespmem:s15+$0xB680];
	v5 =	vadd.f32 $1.000000000e+00, v5;
	(erf) = vpow2.f32 v7;
	v17 =	vpop (erf)  }
0x2f9: {  	v6 =	vadd.f32 $1.000000000e+00, v6;
	v11 =	vadd.f32 $1.000000000e+00, v11;
	v7 =	vld [tilespmem:s14+$0xFFFFFFF0];
	(erf) = vpow2.f32 v1;
	v1 =	vpop (erf)  }
0x2fa: {  	v18 =	vadd.f32 $1.000000000e+00, v2;
	v2 =	vld [tilespmem:s14+$0xFFFFFFE0];
	(erf) = vrcp.f32 v5;
	v1 =	vadd.f32 $1.000000000e+00, v1  }
0x2fb: {  	v13 =	vld [tilespmem:s14+$0x20];
	v15 =	vsub.f32 $0.0e+00, v15;
	v12 =	vadd.f32 $1.000000000e+00, v12;
	v19 =	vpop (erf);
	(erf) = vrcp.f32 v11  }
0x2fc: {  	v9 =	vsub.f32 $0.0e+00, v9;
	v5 =	vld [tilespmem:s14+$0xFFFFFFD0];
	v20 =	vpop (erf);
	(erf) = vrcp.f32 v1;
	v1 =	vsub.f32 $0.0e+00, v16  }
0x2fd: {  	v14 =	vsub.f32 $0.0e+00, v14;
	v15 =	vmul.f32 $1.442695020e+00, v15;
	v4 =	vadd.f32 $1.000000000e+00, v4;
	v11 =	vld [tilespmem:s14+$0xFFFFFFC0];
	v21 =	vpop (erf)  }
0x2fe: {  	v9 =	vmul.f32 $1.442695020e+00, v9;
	v7 =	vsub.f32 $0.0e+00, v7;
	(erf) = vrcp.f32 v6;
	v6 =	vpop (erf)  }
0x2ff: {  	v63 =	vld [tilespmem:s14+$0xFFFFFFB0];
	[tilespmem:s12+$0x10] =	vst v8;
	v8 =	vsub.f32 $0.0e+00, v2;
	(erf) = vrcp.f32 v12;
	v12 =	vpop (erf);
	v2 =	vmul.f32 $1.442695020e+00, v1  }
0x300: {  	v13 =	vsub.f32 $0.0e+00, v13;
	[tilespmem:s17+$0xB680] =	vst v10;
	v10 =	vmul.f32 $1.442695020e+00, v7;
	(erf) = vrcp.f32 v18;
	v1 =	vpop (erf)  }
0x301: {  	v14 =	vmul.f32 $1.442695020e+00, v14;
	v5 =	vsub.f32 $0.0e+00, v5;
	(erf) = vrcp.f32 v4;
	v4 =	vpop (erf)  }
0x302: {  	[tilespmem:s12+$0x40] =	vst v3;
	v7 =	vsub.f32 $0.0e+00, v11;
	v8 =	vmul.f32 $1.442695020e+00, v8;
	(erf) = vpow2.f32 v9;
	v11 =	vpop (erf)  }
0x303: {  	v13 =	vmul.f32 $1.442695020e+00, v13;
	[tilespmem:s12+$0xFFFFFFD0] =	vst v12;
	v12 =	vadd.f32 $1.000000000e+00, v17;
	(erf) = vpow2.f32 v15;
	v15 =	vpop (erf)  }
0x304: {  	[tilespmem:s12+$0xFFFFFFF0] =	vst v20;
	v3 =	vmul.f32 $1.442695020e+00, v5;
	v5 =	vsub.f32 $0.0e+00, v63;
	(erf) = vpow2.f32 v10;
	v10 =	vpop (erf)  }
0x305: {  	[tilespmem:s12+$0x0] =	vst v6;
	v7 =	vmul.f32 $1.442695020e+00, v7;
	v1 =	vadd.f32 $1.000000000e+00, v1;
	(erf) = vpow2.f32 v14;
	v14 =	vpop (erf)  }
0x306: {  	v9 =	vmul.f32 $1.442695020e+00, v5;
	v6 =	vadd.f32 $1.000000000e+00, v4;
	(erf) = vpow2.f32 v8;
	[tilespmem:s12+$0xFFFFFFC0] =	vst v10;
	v8 =	vpop (erf)  }
0x307: {  	v5 =	vadd.f32 $1.000000000e+00, v21;
	(erf) = vrcp.f32 v12;
	[tilespmem:s12+$0x20] =	vst v14;
	v12 =	vadd.f32 $1.000000000e+00, v11;
	v10 =	vpop (erf)  }
0x308: {  	s17 =	simm.s32 $0xB830;
	v4 =	vadd.f32 $1.000000000e+00, v19;
	v11 =	vadd.f32 $1.000000000e+00, v15;
	(erf) = vpow2.f32 v13;
	[tilespmem:s12+$0xFFFFFFE0] =	vst v10;
	v10 =	vpop (erf)  }
.LBB2_15:
0x309: {  	s16 =	sadd.s32 $0xA0, s16;
	v13 =	vld [tilespmem:s17+$0x40];
	(erf) = vrcp.f32 v12;
	v12 =	vpop (erf);
	[tilespmem:s12+$0xFFFFFFB0] =	vst v10;
	s12 =	smov.u32 s23;
	s23 =	smov.u32 s14  }
0x30a: {  	s14 =	smov.u32 s17;
	v10 =	vld [tilespmem:s17+$0x20];
	s18 =	sand.u32 $0x1FE0, s16;
	p0 =	slt.u32 s16, $0x1EA0;
	[tilespmem:s12+$0x10] =	vst v12;
	(erf) = vrcp.f32 v11;
	v11 =	vpop (erf)  }
0x30b: {  	v12 =	vld [tilespmem:s18+$0xB680];
	(erf) = vpow2.f32 v9;
	v9 =	vpop (erf);
	[tilespmem:s7+$0xB680] =	vst v8;
	s7 =	smov.u32 s15;
	s15 =	smov.u32 s18  }
0x30c: {  	v8 =	vld [tilespmem:s17+$0x10];
	v9 =	vadd.f32 $1.000000000e+00, v9;
	(erf) = vpow2.f32 v7;
	v7 =	vpop (erf);
	[tilespmem:s12+$0x40] =	vst v11  }
0x30d: {  	v11 =	vld [tilespmem:s17+$0x0];
	v14 =	vpop (erf);
	(erf) = vpow2.f32 v2  }
0x30e: {  	v7 =	vadd.f32 $1.000000000e+00, v7;
	v2 =	vld [tilespmem:s17+$0xFFFFFFF0];
	v13 =	vsub.f32 $0.0e+00, v13;
	(erf) = vpow2.f32 v3;
	v3 =	vpop (erf)  }
0x30f: {  	v15 =	vld [tilespmem:s17+$0xFFFFFFE0];
	v10 =	vsub.f32 $0.0e+00, v10;
	v3 =	vadd.f32 $1.000000000e+00, v3;
	v16 =	vpop (erf);
	(erf) = vrcp.f32 v6  }
0x310: {  	v6 =	vld [tilespmem:s17+$0xFFFFFFD0];
	v12 =	vsub.f32 $0.0e+00, v12;
	v13 =	vmul.f32 $1.442695020e+00, v13;
	v17 =	vpop (erf);
	(erf) = vrcp.f32 v5  }
0x311: {  	v5 =	vld [tilespmem:s17+$0xFFFFFFC0];
	v8 =	vsub.f32 $0.0e+00, v8;
	v10 =	vmul.f32 $1.442695020e+00, v10;
	v18 =	vpop (erf);
	(erf) = vrcp.f32 v3;
	[tilespmem:s12+$0xFFFFFFF0] =	vst v17  }
0x312: {  	v3 =	vld [tilespmem:s17+$0xFFFFFFB0];
	v19 =	vsub.f32 $0.0e+00, v11;
	v12 =	vmul.f32 $1.442695020e+00, v12;
	(erf) = vrcp.f32 v4;
	v4 =	vpop (erf)  }
0x313: {  	v17 =	vsub.f32 $0.0e+00, v2;
	v8 =	vmul.f32 $1.442695020e+00, v8;
	[tilespmem:s12+$0x0] =	vst v4;
	(erf) = vrcp.f32 v1;
	v1 =	vpop (erf)  }
0x314: {  	v4 =	vsub.f32 $0.0e+00, v15;
	v2 =	vmul.f32 $1.442695020e+00, v19;
	v11 =	vpop (erf);
	(erf) = vrcp.f32 v7;
	[tilespmem:s12+$0xFFFFFFD0] =	vst v1  }
0x315: {  	v1 =	vsub.f32 $0.0e+00, v6;
	v6 =	vmul.f32 $1.442695020e+00, v17;
	v15 =	vpop (erf);
	(erf) = vrcp.f32 v9  }
0x316: {  	v5 =	vsub.f32 $0.0e+00, v5;
	v4 =	vmul.f32 $1.442695020e+00, v4;
	(erf) = vpow2.f32 v13;
	v13 =	vpop (erf)  }
0x317: {  	v9 =	vsub.f32 $0.0e+00, v3;
	v3 =	vmul.f32 $1.442695020e+00, v1;
	(erf) = vpow2.f32 v8;
	v17 =	vpop (erf)  }
.Ltmp6:
0x318: {  	v1 =	vadd.f32 $1.000000000e+00, v11;
	v7 =	vmul.f32 $1.442695020e+00, v5;
	(erf) = vpow2.f32 v6;
	v11 =	vpop (erf);
	(pc) =	sbr.rel @p0 .LBB2_15-.Ltmp6, $4  }
0x319: {  	v14 =	vadd.f32 $1.000000000e+00, v14;
	v9 =	vmul.f32 $1.442695020e+00, v9;
	(erf) = vpow2.f32 v12;
	v19 =	vpop (erf)  }
0x31a: {  	v6 =	vadd.f32 $1.000000000e+00, v15;
	v5 =	vadd.f32 $1.000000000e+00, v18;
	(erf) = vpow2.f32 v4;
	v8 =	vpop (erf);
	[tilespmem:s12+$0xFFFFFFC0] =	vst v11  }
0x31b: {  	v12 =	vadd.f32 $1.000000000e+00, v13;
	v4 =	vadd.f32 $1.000000000e+00, v16;
	(erf) = vrcp.f32 v14;
	[tilespmem:s12+$0x20] =	vst v19;
	v13 =	vpop (erf)  }
0x31c: {  	s17 =	sadd.s32 $0xA0, s17;
	v11 =	vadd.f32 $1.000000000e+00, v17;
	(erf) = vpow2.f32 v10;
	[tilespmem:s12+$0xFFFFFFE0] =	vst v13;
	v10 =	vpop (erf)  }
0x31d: {  	(erf) = vrcp.f32 v12;
	v12 =	vpop (erf)  }
0x31e: {  	(erf) = vrcp.f32 v11;
	v11 =	vpop (erf)  }
0x31f: {  	(erf) = vpow2.f32 v9;
	v9 =	vpop (erf)  }
0x320: {  	(erf) = vpow2.f32 v7;
	v7 =	vpop (erf)  }
0x321: {  	v13 =	vpop (erf)  }
0x322: {  	(erf) = vpow2.f32 v2;
	v2 =	vpop (erf)  }
0x323: {  	(erf) = vpow2.f32 v3;
	v2 =	vadd.f32 $1.000000000e+00, v2  }
0x324: {  	v3 =	vpop (erf)  }
0x325: {  	(erf) = vrcp.f32 v6;
	v6 =	vpop (erf)  }
0x326: {  	v7 =	vadd.f32 $1.000000000e+00, v7;
	(erf) = vrcp.f32 v5;
	v5 =	vpop (erf)  }
0x327: {  	(erf) = vrcp.f32 v2;
	v2 =	vpop (erf)  }
0x328: {  	v9 =	vadd.f32 $1.000000000e+00, v9;
	(erf) = vrcp.f32 v4;
	v4 =	vpop (erf)  }
0x329: {  	(erf) = vrcp.f32 v1;
	v1 =	vpop (erf)  }
0x32a: {  	[tilespmem:s12+$0xFFFFFFB0] =	vst v10;
	(erf) = vrcp.f32 v7;
	v7 =	vpop (erf)  }
0x32b: {  	[tilespmem:s7+$0xB680] =	vst v8;
	v8 =	vpop (erf)  }
0x32c: {  	[tilespmem:s23+$0x10] =	vst v12;
	v10 =	vadd.f32 $1.000000000e+00, v13;
	(erf) = vrcp.f32 v9;
	v9 =	vpop (erf)  }
0x32d: {  	[tilespmem:s23+$0xFFFFFFF0] =	vst v6;
	v8 =	vadd.f32 $1.000000000e+00, v8;
	v6 =	vadd.f32 $1.000000000e+00, v9  }
0x32e: {  	[tilespmem:s23+$0x0] =	vst v2;
	(erf) = vrcp.f32 v10  }
0x32f: {  	[tilespmem:s23+$0xFFFFFFD0] =	vst v4;
	v7 =	vadd.f32 $1.000000000e+00, v7;
	v2 =	vpop (erf);
	(erf) = vrcp.f32 v8  }
0x330: {  	v5 =	vadd.f32 $1.000000000e+00, v5;
	v4 =	vpop (erf);
	[tilespmem:s23+$0xFFFFFFC0] =	vst v2;
	v2 =	vadd.f32 $1.000000000e+00, v3;
	(erf) = vrcp.f32 v6  }
0x331: {  	[tilespmem:s23+$0x40] =	vst v11;
	v6 =	vpop (erf);
	(erf) = vrcp.f32 v7  }
0x332: {  	v1 =	vadd.f32 $1.000000000e+00, v1;
	[tilespmem:s23+$0x20] =	vst v4;
	v3 =	vpop (erf);
	(erf) = vrcp.f32 v5  }
0x333: {  	[tilespmem:s23+$0xFFFFFFE0] =	vst v3;
	v3 =	vpop (erf);
	(erf) = vrcp.f32 v2  }
0x334: {  	[tilespmem:s15+$0xB680] =	vst v6;
	v2 =	vpop (erf);
	(erf) = vrcp.f32 v1  }
0x335: {  	[tilespmem:s23+$0xFFFFFFB0] =	vst v3  }
0x336: {  	[tilespmem:s14+$0x10] =	vst v2;
	v1 =	vpop (erf)  }
0x337: {  	[tilespmem:s14+$0x40] =	vst v1;
	v1 =	vpop (erf)  }
0x338: {  	[tilespmem:s14+$0xFFFFFFF0] =	vst v1;
	v1 =	vpop (erf)  }
0x339: {  	[tilespmem:s14+$0x0] =	vst v1;
	v1 =	vpop (erf)  }
0x33a: {  	[tilespmem:s14+$0xFFFFFFD0] =	vst v1;
	v1 =	vpop (erf)  }
0x33b: {  	v2 =	vpop (erf);
	[tilespmem:s14+$0xFFFFFFC0] =	vst v1  }
0x33c: {  	[tilespmem:s14+$0x20] =	vst v2;
	v1 =	vpop (erf)  }
0x33d: {  	[tilespmem:s14+$0xFFFFFFE0] =	vst v1;
	v1 =	vpop (erf)  }
0x33e: {  	[tilespmem:s14+$0xFFFFFFB0] =	vst v1  }
0x33f: {  	[spmem:s2] =	stream.indirect.scatter.add.f32 [tilespmem:s31], [sflag:$0x4], $0x1, s0, s28, $0xb8;
	[tilespmem:$0xD580] =	vst v63  }
0x340: {  	s18 =	sadd.s32 s6, s8  }
0x341: {  	[hbm4b:s18+s4] =	stream.linear.scatter [tilespmem:s31], [sflag:$0x6], $0x1F40, $0x38;
	[tilespmem:$0xD580] =	vst v63  }
0x342: {  	_ =	swait.ge [sflag:s29], $0x1F40  }
0x343: {  	[sflag:s29] =	ssyncset.done $0x0  }
0x344: {  	[sflag:s29] =	ssyncadd.s32 $0xFFFFE0C0  }
0x345: {  	_ =	swait.ge [sflag:s30], $0x1F40  }
0x346: {  	[sflag:s30] =	ssyncset.done $0x0  }
0x347: {  	[sflag:s30] =	ssyncadd.s32 $0xFFFFE0C0  }
0x348: {  	_ =	swait.ge [sflag:s3], $0x1F40  }
0x349: {  	[sflag:s3] =	ssyncset.done $0x0  }
0x34a: {  	[sflag:s3] =	ssyncadd.s32 $0xFFFFE0C0  }
0x34b: {  	_ =	swait.ge [sflag:s9], $0x1F40  }
0x34c: {  	p0 =	seq.s32 s13, $0x3;
	s7 =	rddreg [dreg:$0xf]  }
0x34d: {  	s7 =	sadd.s32 @!p0 s20, s7  }
0x34e: {  	s12 =	simm.s32 @!p0 $0x0;
	[sflag:s9] =	ssyncset.done $0x0;
	s7 =	sshrl.u32 @!p0 s7, $0x3  }
0x34f: {  	s14 =	simm.s32 @!p0 $0x9680;
	[sflag:s9] =	ssyncadd.s32 $0xFFFFE0C0;
	s8 =	sadd.s32 @!p0 s1, s7  }
0x350: {  	[tilespmem:s14], [sflag:$0x1] =	stream.linear.gather @!p0 [hbm4b:s8+s12], $0x1F40, $0x38;
	[tilespmem:$0xD580] =	vst v63  }
0x351: {  	s7 =	sadd.s32 @!p0 s5, s7;
	s8 =	simm.s32 @!p0 $0x3800  }
0x352: {  	[tilespmem:s8], [sflag:$0x2] =	stream.linear.gather @!p0 [hbm4b:s7+s12], $0x1F40, $0x38;
	[tilespmem:$0xD580] =	vst v63  }
0x353: {  	s12 =	simm.s32 $0x7750  }
0x354: {  	v1 =	vld [tilespmem:s12+$0x40]  }
0x355: {  	v2 =	vld [tilespmem:s12+$0x10]  }
0x356: {  	s20 =	simm.s32 $0x0;
	v3 =	vld [tilespmem:s12+$0xFFFFFFF0]  }
0x357: {  	s17 =	sand.u32 $0x1FE0, s20  }
0x358: {  	v4 =	vld [tilespmem:s17+$0x7780]  }
0x359: {  	v1 =	vsub.f32 $0.0e+00, v1  }
0x35a: {  	v2 =	vsub.f32 $0.0e+00, v2  }
0x35b: {  	v5 =	vld [tilespmem:s12+$0xFFFFFFE0];
	v3 =	vsub.f32 $0.0e+00, v3;
	v1 =	vmul.f32 $1.442695020e+00, v1  }
0x35c: {  	v2 =	vmul.f32 $1.442695020e+00, v2  }
0x35d: {  	v4 =	vsub.f32 $0.0e+00, v4;
	v3 =	vmul.f32 $1.442695020e+00, v3;
	(erf) = vpow2.f32 v1;
	v1 =	vld [tilespmem:s12+$0x20]  }
0x35e: {  	(erf) = vpow2.f32 v2;
	v2 =	vld [tilespmem:s12+$0xFFFFFFB0]  }
0x35f: {  	v4 =	vmul.f32 $1.442695020e+00, v4;
	(erf) = vpow2.f32 v3;
	v3 =	vld [tilespmem:s12+$0xFFFFFFC0]  }
0x360: {  	v5 =	vsub.f32 $0.0e+00, v5  }
0x361: {  	(erf) = vpow2.f32 v4  }
0x362: {  	v5 =	vmul.f32 $1.442695020e+00, v5;
	v4 =	vld [tilespmem:s12+$0x0]  }
0x363: {  	v6 =	vld [tilespmem:s12+$0xFFFFFFD0];
	v1 =	vsub.f32 $0.0e+00, v1;
	v2 =	vsub.f32 $0.0e+00, v2  }
0x364: {  	s8 =	simm.s32 $0x77F0;
	(erf) = vpow2.f32 v5;
	v3 =	vsub.f32 $0.0e+00, v3  }
0x365: {  	v5 =	vld [tilespmem:s8+$0x40];
	v1 =	vmul.f32 $1.442695020e+00, v1;
	v2 =	vmul.f32 $1.442695020e+00, v2  }
0x366: {  	v3 =	vmul.f32 $1.442695020e+00, v3  }
0x367: {  	s23 =	simm.s32 $0xA0;
	v4 =	vsub.f32 $0.0e+00, v4;
	v7 =	vpop (erf);
	(erf) = vpow2.f32 v1;
	v1 =	vld [tilespmem:s8+$0x10]  }
0x368: {  	s7 =	sand.u32 $0x1FE0, s23;
	v9 =	vld [tilespmem:s8+$0xFFFFFFF0];
	v6 =	vsub.f32 $0.0e+00, v6;
	v8 =	vpop (erf)  }
0x369: {  	v10 =	vld [tilespmem:s7+$0x7780];
	v4 =	vmul.f32 $1.442695020e+00, v4;
	(erf) = vpow2.f32 v2;
	v2 =	vpop (erf)  }
0x36a: {  	v6 =	vmul.f32 $1.442695020e+00, v6;
	v5 =	vsub.f32 $0.0e+00, v5;
	(erf) = vpow2.f32 v3;
	v3 =	vpop (erf)  }
0x36b: {  	v8 =	vadd.f32 $1.000000000e+00, v8;
	(erf) = vpow2.f32 v4;
	v4 =	vld [tilespmem:s8+$0xFFFFFFE0];
	v3 =	vadd.f32 $1.000000000e+00, v3  }
0x36c: {  	v11 =	vld [tilespmem:s8+$0x20];
	(erf) = vpow2.f32 v6;
	v6 =	vadd.f32 $1.000000000e+00, v7;
	v1 =	vsub.f32 $0.0e+00, v1  }
0x36d: {  	(erf) = vrcp.f32 v3;
	v3 =	vmul.f32 $1.442695020e+00, v5;
	v5 =	vsub.f32 $0.0e+00, v9  }
0x36e: {  	v1 =	vmul.f32 $1.442695020e+00, v1;
	(erf) = vrcp.f32 v8;
	v8 =	vsub.f32 $0.0e+00, v10  }
0x36f: {  	(erf) = vrcp.f32 v6;
	v5 =	vmul.f32 $1.442695020e+00, v5  }
0x370: {  	v9 =	vld [tilespmem:s8+$0xFFFFFFB0];
	v4 =	vsub.f32 $0.0e+00, v4;
	v6 =	vpop (erf);
	(erf) = vpow2.f32 v3;
	v8 =	vmul.f32 $1.442695020e+00, v8  }
0x371: {  	v10 =	vld [tilespmem:s8+$0xFFFFFFC0];
	v3 =	vsub.f32 $0.0e+00, v11;
	v11 =	vpop (erf);
	(erf) = vpow2.f32 v1  }
0x372: {  	v4 =	vmul.f32 $1.442695020e+00, v4;
	v12 =	vpop (erf);
	(erf) = vpow2.f32 v5  }
0x373: {  	v2 =	vadd.f32 $1.000000000e+00, v2;
	v1 =	vld [tilespmem:s8+$0xFFFFFFD0];
	v5 =	vpop (erf);
	(erf) = vpow2.f32 v8  }
0x374: {  	v7 =	vld [tilespmem:s8+$0x0];
	v3 =	vmul.f32 $1.442695020e+00, v3;
	v8 =	vpop (erf);
	(erf) = vpow2.f32 v4  }
0x375: {  	v4 =	vsub.f32 $0.0e+00, v9;
	v9 =	vpop (erf);
	v8 =	vadd.f32 $1.000000000e+00, v8;
	(erf) = vrcp.f32 v2  }
0x376: {  	v2 =	vsub.f32 $0.0e+00, v10;
	(erf) = vpow2.f32 v3;
	v3 =	vadd.f32 $1.000000000e+00, v9  }
0x377: {  	v4 =	vmul.f32 $1.442695020e+00, v4  }
0x378: {  	v10 =	vpop (erf);
	v1 =	vsub.f32 $0.0e+00, v1;
	v2 =	vmul.f32 $1.442695020e+00, v2  }
0x379: {  	s14 =	simm.s32 $0x7890;
	v7 =	vsub.f32 $0.0e+00, v7;
	(erf) = vrcp.f32 v8;
	v8 =	vpop (erf)  }
0x37a: {  	v15 =	vld [tilespmem:s14+$0x10];
	v1 =	vmul.f32 $1.442695020e+00, v1;
	(erf) = vrcp.f32 v3;
	v3 =	vpop (erf)  }
0x37b: {  	s16 =	simm.s32 $0x140;
	v16 =	vld [tilespmem:s14+$0x0];
	v7 =	vmul.f32 $1.442695020e+00, v7;
	(erf) = vpow2.f32 v4;
	v4 =	vpop (erf)  }
0x37c: {  	s15 =	sand.u32 $0x1FE0, s16;
	v9 =	vld [tilespmem:s14+$0x40];
	(erf) = vpow2.f32 v2;
	v2 =	vpop (erf)  }
0x37d: {  	v14 =	vld [tilespmem:s15+$0x7780];
	v5 =	vadd.f32 $1.000000000e+00, v5;
	(erf) = vpow2.f32 v7;
	v17 =	vpop (erf)  }
0x37e: {  	v6 =	vadd.f32 $1.000000000e+00, v6;
	v11 =	vadd.f32 $1.000000000e+00, v11;
	v7 =	vld [tilespmem:s14+$0xFFFFFFF0];
	(erf) = vpow2.f32 v1;
	v1 =	vpop (erf)  }
0x37f: {  	v18 =	vadd.f32 $1.000000000e+00, v2;
	v2 =	vld [tilespmem:s14+$0xFFFFFFE0];
	(erf) = vrcp.f32 v5;
	v1 =	vadd.f32 $1.000000000e+00, v1  }
0x380: {  	v13 =	vld [tilespmem:s14+$0x20];
	v15 =	vsub.f32 $0.0e+00, v15;
	v12 =	vadd.f32 $1.000000000e+00, v12;
	v19 =	vpop (erf);
	(erf) = vrcp.f32 v11  }
0x381: {  	v9 =	vsub.f32 $0.0e+00, v9;
	v5 =	vld [tilespmem:s14+$0xFFFFFFD0];
	v20 =	vpop (erf);
	(erf) = vrcp.f32 v1;
	v1 =	vsub.f32 $0.0e+00, v16  }
0x382: {  	v14 =	vsub.f32 $0.0e+00, v14;
	v15 =	vmul.f32 $1.442695020e+00, v15;
	v4 =	vadd.f32 $1.000000000e+00, v4;
	v11 =	vld [tilespmem:s14+$0xFFFFFFC0];
	v21 =	vpop (erf)  }
0x383: {  	v9 =	vmul.f32 $1.442695020e+00, v9;
	v7 =	vsub.f32 $0.0e+00, v7;
	(erf) = vrcp.f32 v6;
	v6 =	vpop (erf)  }
0x384: {  	v63 =	vld [tilespmem:s14+$0xFFFFFFB0];
	[tilespmem:s12+$0x10] =	vst v8;
	v8 =	vsub.f32 $0.0e+00, v2;
	(erf) = vrcp.f32 v12;
	v12 =	vpop (erf);
	v2 =	vmul.f32 $1.442695020e+00, v1  }
0x385: {  	v13 =	vsub.f32 $0.0e+00, v13;
	[tilespmem:s17+$0x7780] =	vst v10;
	v10 =	vmul.f32 $1.442695020e+00, v7;
	(erf) = vrcp.f32 v18;
	v1 =	vpop (erf)  }
0x386: {  	v14 =	vmul.f32 $1.442695020e+00, v14;
	v5 =	vsub.f32 $0.0e+00, v5;
	(erf) = vrcp.f32 v4;
	v4 =	vpop (erf)  }
0x387: {  	[tilespmem:s12+$0x40] =	vst v3;
	v7 =	vsub.f32 $0.0e+00, v11;
	v8 =	vmul.f32 $1.442695020e+00, v8;
	(erf) = vpow2.f32 v9;
	v11 =	vpop (erf)  }
0x388: {  	v13 =	vmul.f32 $1.442695020e+00, v13;
	[tilespmem:s12+$0xFFFFFFD0] =	vst v12;
	v12 =	vadd.f32 $1.000000000e+00, v17;
	(erf) = vpow2.f32 v15;
	v15 =	vpop (erf)  }
0x389: {  	[tilespmem:s12+$0xFFFFFFF0] =	vst v20;
	v3 =	vmul.f32 $1.442695020e+00, v5;
	v5 =	vsub.f32 $0.0e+00, v63;
	(erf) = vpow2.f32 v10;
	v10 =	vpop (erf)  }
0x38a: {  	[tilespmem:s12+$0x0] =	vst v6;
	v7 =	vmul.f32 $1.442695020e+00, v7;
	v1 =	vadd.f32 $1.000000000e+00, v1;
	(erf) = vpow2.f32 v14;
	v14 =	vpop (erf)  }
0x38b: {  	v9 =	vmul.f32 $1.442695020e+00, v5;
	v6 =	vadd.f32 $1.000000000e+00, v4;
	(erf) = vpow2.f32 v8;
	[tilespmem:s12+$0xFFFFFFC0] =	vst v10;
	v8 =	vpop (erf)  }
0x38c: {  	v5 =	vadd.f32 $1.000000000e+00, v21;
	(erf) = vrcp.f32 v12;
	[tilespmem:s12+$0x20] =	vst v14;
	v12 =	vadd.f32 $1.000000000e+00, v11;
	v10 =	vpop (erf)  }
0x38d: {  	s17 =	simm.s32 $0x7930;
	v4 =	vadd.f32 $1.000000000e+00, v19;
	v11 =	vadd.f32 $1.000000000e+00, v15;
	(erf) = vpow2.f32 v13;
	[tilespmem:s12+$0xFFFFFFE0] =	vst v10;
	v10 =	vpop (erf)  }
.LBB2_17:
0x38e: {  	s16 =	sadd.s32 $0xA0, s16;
	v13 =	vld [tilespmem:s17+$0x40];
	(erf) = vrcp.f32 v12;
	v12 =	vpop (erf);
	[tilespmem:s12+$0xFFFFFFB0] =	vst v10;
	s12 =	smov.u32 s8;
	s8 =	smov.u32 s14  }
0x38f: {  	s14 =	smov.u32 s17;
	v10 =	vld [tilespmem:s17+$0x20];
	s18 =	sand.u32 $0x1FE0, s16;
	p0 =	slt.u32 s16, $0x1EA0;
	[tilespmem:s12+$0x10] =	vst v12;
	(erf) = vrcp.f32 v11;
	v11 =	vpop (erf)  }
0x390: {  	v12 =	vld [tilespmem:s18+$0x7780];
	(erf) = vpow2.f32 v9;
	v9 =	vpop (erf);
	[tilespmem:s7+$0x7780] =	vst v8;
	s7 =	smov.u32 s15;
	s15 =	smov.u32 s18  }
0x391: {  	v8 =	vld [tilespmem:s17+$0x10];
	v9 =	vadd.f32 $1.000000000e+00, v9;
	(erf) = vpow2.f32 v7;
	v7 =	vpop (erf);
	[tilespmem:s12+$0x40] =	vst v11  }
0x392: {  	v11 =	vld [tilespmem:s17+$0x0];
	v14 =	vpop (erf);
	(erf) = vpow2.f32 v2  }
0x393: {  	v7 =	vadd.f32 $1.000000000e+00, v7;
	v2 =	vld [tilespmem:s17+$0xFFFFFFF0];
	v13 =	vsub.f32 $0.0e+00, v13;
	(erf) = vpow2.f32 v3;
	v3 =	vpop (erf)  }
0x394: {  	v15 =	vld [tilespmem:s17+$0xFFFFFFE0];
	v10 =	vsub.f32 $0.0e+00, v10;
	v3 =	vadd.f32 $1.000000000e+00, v3;
	v16 =	vpop (erf);
	(erf) = vrcp.f32 v6  }
0x395: {  	v6 =	vld [tilespmem:s17+$0xFFFFFFD0];
	v12 =	vsub.f32 $0.0e+00, v12;
	v13 =	vmul.f32 $1.442695020e+00, v13;
	v17 =	vpop (erf);
	(erf) = vrcp.f32 v5  }
0x396: {  	v5 =	vld [tilespmem:s17+$0xFFFFFFC0];
	v8 =	vsub.f32 $0.0e+00, v8;
	v10 =	vmul.f32 $1.442695020e+00, v10;
	v18 =	vpop (erf);
	(erf) = vrcp.f32 v3;
	[tilespmem:s12+$0xFFFFFFF0] =	vst v17  }
0x397: {  	v3 =	vld [tilespmem:s17+$0xFFFFFFB0];
	v19 =	vsub.f32 $0.0e+00, v11;
	v12 =	vmul.f32 $1.442695020e+00, v12;
	(erf) = vrcp.f32 v4;
	v4 =	vpop (erf)  }
0x398: {  	v17 =	vsub.f32 $0.0e+00, v2;
	v8 =	vmul.f32 $1.442695020e+00, v8;
	[tilespmem:s12+$0x0] =	vst v4;
	(erf) = vrcp.f32 v1;
	v1 =	vpop (erf)  }
0x399: {  	v4 =	vsub.f32 $0.0e+00, v15;
	v2 =	vmul.f32 $1.442695020e+00, v19;
	v11 =	vpop (erf);
	(erf) = vrcp.f32 v7;
	[tilespmem:s12+$0xFFFFFFD0] =	vst v1  }
0x39a: {  	v1 =	vsub.f32 $0.0e+00, v6;
	v6 =	vmul.f32 $1.442695020e+00, v17;
	v15 =	vpop (erf);
	(erf) = vrcp.f32 v9  }
0x39b: {  	v5 =	vsub.f32 $0.0e+00, v5;
	v4 =	vmul.f32 $1.442695020e+00, v4;
	(erf) = vpow2.f32 v13;
	v13 =	vpop (erf)  }
0x39c: {  	v9 =	vsub.f32 $0.0e+00, v3;
	v3 =	vmul.f32 $1.442695020e+00, v1;
	(erf) = vpow2.f32 v8;
	v17 =	vpop (erf)  }
.Ltmp7:
0x39d: {  	v1 =	vadd.f32 $1.000000000e+00, v11;
	v7 =	vmul.f32 $1.442695020e+00, v5;
	(erf) = vpow2.f32 v6;
	v11 =	vpop (erf);
	(pc) =	sbr.rel @p0 .LBB2_17-.Ltmp7, $4  }
0x39e: {  	v14 =	vadd.f32 $1.000000000e+00, v14;
	v9 =	vmul.f32 $1.442695020e+00, v9;
	(erf) = vpow2.f32 v12;
	v19 =	vpop (erf)  }
0x39f: {  	v6 =	vadd.f32 $1.000000000e+00, v15;
	v5 =	vadd.f32 $1.000000000e+00, v18;
	(erf) = vpow2.f32 v4;
	v8 =	vpop (erf);
	[tilespmem:s12+$0xFFFFFFC0] =	vst v11  }
0x3a0: {  	v12 =	vadd.f32 $1.000000000e+00, v13;
	v4 =	vadd.f32 $1.000000000e+00, v16;
	(erf) = vrcp.f32 v14;
	[tilespmem:s12+$0x20] =	vst v19;
	v13 =	vpop (erf)  }
0x3a1: {  	s17 =	sadd.s32 $0xA0, s17;
	v11 =	vadd.f32 $1.000000000e+00, v17;
	(erf) = vpow2.f32 v10;
	[tilespmem:s12+$0xFFFFFFE0] =	vst v13;
	v10 =	vpop (erf)  }
0x3a2: {  	v50 =	vpop (erf)  }
0x3a3: {  	(erf) = vrcp.f32 v12;
	v51 =	vpop (erf)  }
0x3a4: {  	(erf) = vrcp.f32 v11;
	v52 =	vpop (erf)  }
0x3a5: {  	(erf) = vpow2.f32 v9;
	v53 =	vpop (erf)  }
0x3a6: {  	(erf) = vpow2.f32 v7;
	v13 =	vpop (erf)  }
0x3a7: {  	(erf) = vpow2.f32 v2;
	v2 =	vpop (erf)  }
0x3a8: {  	(erf) = vpow2.f32 v3;
	v2 =	vadd.f32 $1.000000000e+00, v2  }
0x3a9: {  	v3 =	vpop (erf)  }
0x3aa: {  	(erf) = vrcp.f32 v6;
	v54 =	vpop (erf)  }
0x3ab: {  	(erf) = vrcp.f32 v5;
	v55 =	vpop (erf)  }
0x3ac: {  	(erf) = vrcp.f32 v2;
	v2 =	vpop (erf)  }
0x3ad: {  	v7 =	vadd.f32 $1.000000000e+00, v53;
	(erf) = vrcp.f32 v4;
	v56 =	vpop (erf)  }
0x3ae: {  	[tilespmem:s12+$0xFFFFFFB0] =	vst v10;
	(erf) = vrcp.f32 v1;
	v1 =	vpop (erf)  }
0x3af: {  	[tilespmem:s7+$0x7780] =	vst v8;
	v9 =	vadd.f32 $1.000000000e+00, v52;
	(erf) = vrcp.f32 v7;
	v57 =	vpop (erf)  }
0x3b0: {  	[tilespmem:s8+$0x10] =	vst v50;
	v59 =	vadd.f32 $1.000000000e+00, v13;
	v58 =	vpop (erf)  }
0x3b1: {  	[tilespmem:s8+$0x40] =	vst v51;
	(erf) = vrcp.f32 v9;
	v60 =	vpop (erf);
	v8 =	vadd.f32 $1.000000000e+00, v58  }
0x3b2: {  	[tilespmem:s8+$0xFFFFFFF0] =	vst v54;
	(erf) = vrcp.f32 v59;
	v61 =	vadd.f32 $1.000000000e+00, v60  }
0x3b3: {  	[tilespmem:s8+$0x0] =	vst v2;
	v7 =	vadd.f32 $1.000000000e+00, v57;
	v2 =	vpop (erf);
	(erf) = vrcp.f32 v8  }
0x3b4: {  	v5 =	vadd.f32 $1.000000000e+00, v55;
	v62 =	vpop (erf);
	[tilespmem:s8+$0xFFFFFFC0] =	vst v2;
	v2 =	vadd.f32 $1.000000000e+00, v3;
	(erf) = vrcp.f32 v61  }
0x3b5: {  	[tilespmem:s8+$0xFFFFFFD0] =	vst v56;
	v63 =	vpop (erf);
	(erf) = vrcp.f32 v7  }
0x3b6: {  	v1 =	vadd.f32 $1.000000000e+00, v1;
	[tilespmem:s8+$0x20] =	vst v62;
	v3 =	vpop (erf);
	(erf) = vrcp.f32 v5  }
0x3b7: {  	[tilespmem:s8+$0xFFFFFFE0] =	vst v3;
	v3 =	vpop (erf);
	(erf) = vrcp.f32 v2  }
0x3b8: {  	[tilespmem:s15+$0x7780] =	vst v63;
	v2 =	vpop (erf);
	(erf) = vrcp.f32 v1  }
0x3b9: {  	[tilespmem:s8+$0xFFFFFFB0] =	vst v3  }
0x3ba: {  	[tilespmem:s14+$0x10] =	vst v2;
	v1 =	vpop (erf)  }
0x3bb: {  	[tilespmem:s14+$0x40] =	vst v1;
	v1 =	vpop (erf)  }
0x3bc: {  	[tilespmem:s14+$0xFFFFFFF0] =	vst v1;
	v1 =	vpop (erf)  }
0x3bd: {  	[tilespmem:s14+$0x0] =	vst v1;
	v1 =	vpop (erf)  }
0x3be: {  	[tilespmem:s14+$0xFFFFFFD0] =	vst v1;
	v1 =	vpop (erf)  }
0x3bf: {  	s13 =	sadd.s32 $0x1, s13;
	v2 =	vpop (erf);
	[tilespmem:s14+$0xFFFFFFC0] =	vst v1  }
0x3c0: {  	p0 =	sne.s32 s13, $0x4;
	[tilespmem:s14+$0x20] =	vst v2;
	v1 =	vpop (erf)  }
.Ltmp8:
0x3c1: {  	[tilespmem:s14+$0xFFFFFFE0] =	vst v1;
	v1 =	vpop (erf);
	(pc) =	sbr.rel @p0 .LBB2_6-.Ltmp8, $4  }
0x3c2: {  	[tilespmem:s14+$0xFFFFFFB0] =	vst v1  }
0x3c3: {  	[spmem:s2] =	stream.indirect.scatter.add.f32 [tilespmem:s22], [sflag:$0x3], $0x1, s24, s28, $0xb8;
	[tilespmem:$0xD580] =	vst v63  }
0x3c4: {  	s23 =	sadd.s32 s6, s21  }
0x3c5: {  	[hbm4b:s23+s4] =	stream.linear.scatter [tilespmem:s22], [sflag:$0x5], $0x1F40, $0x38;
	[tilespmem:$0xD580] =	vst v63  }
0x3c6: {  	_ =	swait.ge [sflag:s10], $0x1F40  }
0x3c7: {  	[sflag:s10] =	ssyncset.done $0x0  }
0x3c8: {  	[sflag:s10] =	ssyncadd.s32 $0xFFFFE0C0  }
0x3c9: {  	_ =	swait.ge [sflag:s11], $0x1F40  }
0x3ca: {  	[sflag:s11] =	ssyncset.done $0x0  }
0x3cb: {  	[sflag:s11] =	ssyncadd.s32 $0xFFFFE0C0  }
0x3cc: {  	_ =	swait.ge [sflag:s3], $0x1F40  }
0x3cd: {  	[sflag:s3] =	ssyncset.done $0x0  }
0x3ce: {  	[sflag:s3] =	ssyncadd.s32 $0xFFFFE0C0  }
0x3cf: {  	_ =	swait.ge [sflag:s9], $0x1F40  }
0x3d0: {  	[sflag:s9] =	ssyncset.done $0x0  }
0x3d1: {  	[sflag:s9] =	ssyncadd.s32 $0xFFFFE0C0  }
0x3d2: {  	s7 =	stileid.u32;
	[bflag:$0x0] =	sbarrier.arrive $0xFFFF  }
0x3d3: {  	s7 =	sshll.u32 s7, $0x6;
	s12 =	rddreg [dreg:$0x4]  }
0x3d4: {  	s7 =	sor.u32 $0x1C07, s7;
	s13 =	rddreg [dreg:$0x11];
	s8 =	sshrl.u32 s12, $0x3  }
0x3d5: {  	[hbm:s13], [sflag:s7] =	dma.local [spmem:s8], $0x310  }
0x3d6: {  	s13 =	simm.s32 $0x7  }
0x3d7: {  	_ =	swait.ge [sflag:s13], $0x310  }
0x3d8: {  	s21 =	rddreg [dreg:$0x12]  }
0x3d9: {  	s23 =	rddreg [dreg:$0x10];
	s8 =	sadd.s32 $0x1, s21  }
0x3da: {  	p0 =	sne.s32 s8, s23  }
.Ltmp9:
0x3db: {  	_ = 	snop;
	(pc) =	sbr.rel @p0 .LBB2_1-.Ltmp9, $3  }
0x3dc: {  	_ =	sdelay $0x1  }
0x3dd: {  	[sflag:s13] =	ssyncset.done $0x0  }
0x3de: {  	[sflag:s13] =	ssyncadd.s32 $0xFFFFFCF0  }
0x3df: {  	_ =	sfence.sel $0x180000  }
0x3e0: {  	[bflag:$0x0] =	sbarrier.arrive $0xFFFF  }
0x3e1: {  	_ =	strace $0x9000004A  }
0x3e2: {  	s0 =	stileid.u32;
	[bflag:$0x2] =	sbarrier.arrive $0xFFFF  }
0x3e3: {  	p0 =	sne.s32 s0, $0x0;
	s0 =	rddreg [dreg:$0x3]  }
0x3e4: {  	s0 =	sadd.s32 @!p0 $0x100000, s0  }
0x3e5: {  	[sflag:s0] =	ssyncadd.tile.s32 @!p0 $0x1;
	_ =	shalt  }
.Lfunc_end2:
_tile_overlayer_lowered:
.L_overlay_start_2:
0x3e6: {  	(tag) =	ssettag $0x2  }
0x3e7: {  	s0 =	rddreg [dreg:$0x0];
	s2 =	stileid.u32  }
0x3e8: {  	s1 =	rddreg [dreg:$0x1];
	p0 =	sne.s32 s2, $0x0  }
0x3e9: {  	s3 =	rddreg [dreg:$0x2];
	[bflag:$0x3] =	sbarrier.arrive $0xFFFF;
	s2 =	simm.s32 @!p0 $0x1C07  }
0x3ea: {  	[timem:s3], [sflag:s2] =	dma.local @!p0 [hbm:s0], s1  }
0x3eb: {  	s0 =	simm.s32 @!p0 $0x7  }
0x3ec: {  	_ =	swait.ge @!p0 [sflag:s0], s1  }
0x3ed: {  	s1 =	ssub.s32 @!p0 $0x0, s1;
	[sflag:s0] =	ssyncset.done @!p0 $0x0  }
0x3ee: {  	[sflag:s0] =	ssyncadd.s32 @!p0 s1  }
0x3ef: {  	[bflag:$0x3] =	sbarrier.arrive $0xFFFF  }
0x3f0: {  	_ =	shalt  }

// kernel: kernel.7.cloned.1.call-start
scs
__scs_entry_jumppad:
0x0: {  	(pc) =	sbr.rel $0x88, $3  }
0x1: {  	(tag) =	ssettag $0x0;
	lr =	simm.s32 $0x1  }
0x2: {  	[smem:$0x3F9F] =	sst lr;
	_ =	strace $0xD0000000  }
0x3: {  	_ = 	snop  }
0x4: {  	_ = 	snop  }
0x5: {  	_ = 	snop  }
0x6: {  	_ = 	snop  }
0x7: {  	_ = 	snop  }
__scs_overlays_trampoline_lowered:
0x8: {  	[smem:$0x3FAE] =	sst s0  }
0x9: {  	[smem:$0x3FAF] =	sst s1  }
0xa: {  	[smem:$0x3FB0] =	sst s2  }
0xb: {  	[smem:$0x3FB1] =	sst s3  }
0xc: {  	[smem:$0x3FB2] =	sst s4  }
0xd: {  	[smem:$0x3FB3] =	sst s5  }
0xe: {  	[smem:$0x3FB4] =	sst s6  }
0xf: {  	[smem:$0x3FB5] =	sst s7  }
0x10: {  	[smem:$0x3FB6] =	sst s8  }
0x11: {  	[smem:$0x3FB7] =	sst s9;
	s0 =	simm.s32 @!p0 $0x0  }
0x12: {  	s1 =	sld [smem:$0x3F9D];
	s0 =	simm.s32 @p0 $0x1  }
0x13: {  	[smem:$0x3FB8] =	sst s0;
	s0 =	simm.s32 @!p1 $0x0  }
0x14: {  	s2 =	sld [smem:$0x3F9C];
	s0 =	simm.s32 @p1 $0x1  }
0x15: {  	[smem:$0x3FB9] =	sst s0;
	s0 =	simm.s32 @!p2 $0x0  }
0x16: {  	s3 =	sld [smem:$0x3FDB];
	s0 =	simm.s32 @p2 $0x1  }
0x17: {  	s4 =	simm.s32 $0x1BF5;
	[smem:$0x3FBB] =	sst s0  }
0x18: {  	s0 =	sld [smem:$0x3F9E];
	_ =	swait.ge [sflag:s4], $0x0  }
0x19: {  	s7 =	sld [smem:$0x3F9F]  }
0x1a: {  	s8 =	sadd.s32 $0xFFFFE003, lr  }
0x1b: {  	s9 =	sadd.s32 $0xFFFFFEF7, lr;
	s5 =	simm.s32 $0xFFFFFFFF;
	p2 =	slt.u32 s8, $0xFFFFF086  }
0x1c: {  	p1 =	slt.u32 s9, $0xF7A;
	s5 =	simm.s32 @!p2 $0x0  }
0x1d: {  	s5 =	simm.s32 @p1 $0x1;
	p0 =	seq.s32 s7, s2  }
0x1e: {  	s7 =	smul.u32 @!p0 $0xF7A, s2;
	p2 =	seq.s32 @!p0 s5, $0x0  }
0x1f: {  	s9 =	smul.u32 $0xF7A, s1;
	s8 =	simm.s32 @!p0 $0x1BF5;
	p2 =	por !p2, p0  }
0x20: {  	[sflag:s8] =	ssyncset.s32 @!p0 $0xFFFFF086;
	s6 =	sadd.s32 @!p0 s3, s7;
	s7 =	simm.s32 @!p0 $0x108  }
0x21: {  	s3 =	sadd.s32 s3, s9;
	s6 =	sadd.s32 @!p0 $0x88, s6;
	s7 =	simm.s32 @p2 $0x1082  }
0x22: {  	[simem:s7], [sflag:s8] =	dma.local @!p0 [hbm:s6], $0xF7A  }
0x23: {  	s9 =	sor.u32 $0xD0000000, s2;
	s6 =	simm.s32 $0x108;
	_ =	swait.ge @!p0 [sflag:s8], $0x0  }
0x24: {  	s3 =	sadd.s32 $0x88, s3;
	s6 =	simm.s32 @!p1 $0x1082;
	[sflag:s4] =	ssyncset.s32 $0xFFFFF086  }
0x25: {  	[simem:s6], [sflag:s4] =	dma.local [hbm:s3], $0xF7A  }
0x26: {  	[smem:$0x3F9F] =	sst s1;
	(tag) =	ssettag s2;
	_ =	strace s9  }
0x27: {  	s1 =	sld [smem:$0x3FAF]  }
0x28: {  	s2 =	sld [smem:$0x3FB0]  }
0x29: {  	s4 =	sld [smem:$0x3FB2]  }
0x2a: {  	p0 =	seq.s32 s5, $0x0;
	s5 =	sld [smem:$0x3FB3]  }
0x2b: {  	s6 =	sld [smem:$0x3FB4]  }
0x2c: {  	s7 =	sld [smem:$0x3FB5]  }
0x2d: {  	s3 =	simm.s32 $0x108;
	s8 =	sld [smem:$0x3FB6]  }
0x2e: {  	s3 =	simm.s32 @!p0 $0x1082;
	s9 =	sld [smem:$0x3FB7]  }
0x2f: {  	lr =	sadd.s32 s0, s3;
	s0 =	sld [smem:$0x3FAE]  }
0x30: {  	s3 =	sld [smem:$0x3FB1]  }
0x31: {  	[smem:$0x3FBA] =	sst s10  }
0x32: {  	s10 =	sld [smem:$0x3FB8];
	_ =	sdelay $0x3  }
0x33: {  	p0 =	seq.s32 s10, $0x1;
	s10 =	sld [smem:$0x3FBA];
	_ =	sdelay $0x3  }
0x34: {  	[smem:$0x3FBA] =	sst s10  }
0x35: {  	s10 =	sld [smem:$0x3FB9];
	_ =	sdelay $0x3  }
0x36: {  	p1 =	seq.s32 s10, $0x1;
	s10 =	sld [smem:$0x3FBA];
	_ =	sdelay $0x3  }
0x37: {  	[smem:$0x3FBA] =	sst s10  }
0x38: {  	s10 =	sld [smem:$0x3FBB]  }
0x39: {  	_ = 	snop;
	(pc) =	sbr.ind lr, $3  }
0x3a: {  	_ = 	snop  }
0x3b: {  	_ = 	snop  }
0x3c: {  	p2 =	seq.s32 s10, $0x1;
	s10 =	sld [smem:$0x3FBA]  }
0x3d: {  	_ =	shalt  }
0x3e: {  	_ =	shalt  }
0x3f: {  	_ =	shalt  }
0x40: {  	_ =	shalt  }
0x41: {  	_ =	shalt  }
0x42: {  	_ =	shalt  }
0x43: {  	_ =	shalt  }
0x44: {  	_ =	shalt  }
0x45: {  	_ =	shalt  }
0x46: {  	_ =	shalt  }
0x47: {  	_ =	shalt  }
0x48: {  	_ =	shalt  }
0x49: {  	_ =	shalt  }
0x4a: {  	_ =	shalt  }
0x4b: {  	_ =	shalt  }
0x4c: {  	_ =	shalt  }
0x4d: {  	_ =	shalt  }
0x4e: {  	_ =	shalt  }
0x4f: {  	_ =	shalt  }
0x50: {  	_ =	shalt  }
0x51: {  	_ =	shalt  }
0x52: {  	_ =	shalt  }
0x53: {  	_ =	shalt  }
0x54: {  	_ =	shalt  }
0x55: {  	_ =	shalt  }
0x56: {  	_ =	shalt  }
0x57: {  	_ =	shalt  }
0x58: {  	_ =	shalt  }
0x59: {  	_ =	shalt  }
0x5a: {  	_ =	shalt  }
0x5b: {  	_ =	shalt  }
0x5c: {  	_ =	shalt  }
0x5d: {  	_ =	shalt  }
0x5e: {  	_ =	shalt  }
0x5f: {  	_ =	shalt  }
0x60: {  	_ =	shalt  }
0x61: {  	_ =	shalt  }
0x62: {  	_ =	shalt  }
0x63: {  	_ =	shalt  }
0x64: {  	_ =	shalt  }
0x65: {  	_ =	shalt  }
0x66: {  	_ =	shalt  }
0x67: {  	_ =	shalt  }
0x68: {  	_ =	shalt  }
0x69: {  	_ =	shalt  }
0x6a: {  	_ =	shalt  }
0x6b: {  	_ =	shalt  }
0x6c: {  	_ =	shalt  }
0x6d: {  	_ =	shalt  }
0x6e: {  	_ =	shalt  }
0x6f: {  	_ =	shalt  }
0x70: {  	_ =	shalt  }
0x71: {  	_ =	shalt  }
0x72: {  	_ =	shalt  }
0x73: {  	_ =	shalt  }
0x74: {  	_ =	shalt  }
0x75: {  	_ =	shalt  }
0x76: {  	_ =	shalt  }
0x77: {  	_ =	shalt  }
0x78: {  	_ =	shalt  }
0x79: {  	_ =	shalt  }
0x7a: {  	_ =	shalt  }
0x7b: {  	_ =	shalt  }
0x7c: {  	_ =	shalt  }
0x7d: {  	_ =	shalt  }
0x7e: {  	_ =	shalt  }
0x7f: {  	_ =	shalt  }
0x80: {  	_ =	shalt  }
0x81: {  	_ =	shalt  }
0x82: {  	_ =	shalt  }
0x83: {  	_ =	shalt  }
0x84: {  	_ =	shalt  }
0x85: {  	_ =	shalt  }
0x86: {  	_ =	shalt  }
0x87: {  	_ =	shalt  }
.Lfunc_end0:
.L_simem_size_0:
called_computation.2_lowered:
.L_overlay_start_0:
0x88: {  	s2 =	sld [smem:$0x3FD9]  }
0x89: {  	s3 =	sld [smem:$0x3FFE];
	_ =	sdelay $0x1  }
0x8a: {  	s1 =	srdreg.scid  }
0x8b: {  	s0 =	sand.u32 $0x1, s1  }
0x8c: {  	s17 =	sshll.u32 s0, $0xA;
	s2 =	sadd.s32 s3, s2  }
0x8d: {  	s2 =	sadd.s32 s2, s17  }
0x8e: {  	[smem:$0x3FC6] =	sst s2  }
0x8f: {  	_ = 	snop  }
0x90: {  	s2 =	sld [smem:$0x3FD0];
	(tm) =	ssettm $0x1  }
0x91: {  	s18 =	sld [smem:$0x3FFB];
	_ =	sdelay $0x3  }
0x92: {  	_ =	strace s18  }
0x93: {  	s3 =	sld [smem:$0x3FFC];
	_ =	sdelay $0x3  }
0x94: {  	_ =	strace s3  }
0x95: {  	s3 =	sld [smem:$0x3FFD];
	_ =	sdelay $0x3  }
0x96: {  	_ =	strace s3  }
0x97: {  	_ =	strace $0x8FFFFFFF  }
0x98: {  	s19 =	sld [smem:$0x3FDB];
	_ =	sdelay $0x1  }
0x99: {  	s4 =	simm.s32 $_scs_section_size  }
0x9a: {  	s5 =	simm.s32 $_size__tile_overlayer_lowered;
	s6 =	simm.s32 $_tile_overlayer_lowered  }
0x9b: {  	s22 =	simm.s32 $0x1BFF;
	s21 =	sshll.u32 s6, $0x1;
	s3 =	sadd.s32 s4, s19  }
0x9c: {  	s7 =	simm.s32 $0x0;
	s20 =	sshll.u32 s5, $0x1;
	s5 =	sadd.s32 s21, s3  }
0x9d: {  	[timem:s7], [sflag:s22] =	dma.local [hbm:s5], s20  }
0x9e: {  	_ =	swait.ge [sflag:s22], s20  }
0x9f: {  	s4 =	ssub.s32 $0x0, s20;
	[sflag:s22] =	ssyncset.done $0x0  }
0xa0: {  	[sflag:s22] =	ssyncadd.s32 s4;
	_ =	sdelay $0x1  }
0xa1: {  	s23 =	simm.s32 $0x1B8B  }
0xa2: {  	_ =	swait.ge [sflag:s23], $0x1  }
0xa3: {  	[sflag:s23] =	ssyncset.done $0x0  }
0xa4: {  	s25 =	simm.s32 $0x1B8E;
	s24 =	sld [smem:$0x3FFE];
	[sflag:s23] =	ssyncadd.s32 $0xFFFFFFFF  }
0xa5: {  	s26 =	simm.s32 $execute0_lowered;
	[smem:$0x3FD2] =	sst s25  }
0xa6: {  	s5 =	sshll.u32 s26, $0x1;
	_ =	strace $0x8000004C;
	[dreg:$0x1] =	wrdreg $0xFFFFFFFF  }
0xa7: {  	s28 =	simm.s32 $_size_execute0_lowered;
	s3 =	sadd.s32 s3, s5;
	[dreg:$0x0] =	wrdreg $0x0  }
0xa8: {  	s5 =	sshll.u32 s28, $0x1;
	[dreg:$0x2] =	wrdreg s3  }
0xa9: {  	[dreg:$0x3] =	wrdreg s5  }
0xaa: {  	[dreg:$0x4] =	wrdreg $0xC0  }
0xab: {  	_ =	task [dreg:s7], $0x5FFFF  }
0xac: {  	[dreg:$0x1] =	wrdreg $0xFFFFFFFF  }
0xad: {  	[dreg:$0x0] =	wrdreg $0x60  }
0xae: {  	[dreg:$0x2] =	wrdreg s24  }
0xaf: {  	[dreg:$0x3] =	wrdreg s2  }
0xb0: {  	[dreg:$0x4] =	wrdreg $0x9  }
0xb1: {  	_ =	task.clear_ibuf [dreg:s7], $0x5FFFF;
	_ =	strace $0x9000004C  }
0xb2: {  	s29 =	simm.s32 $0x9;
	_ =	strace $0x8000004E  }
0xb3: {  	_ =	swait.ge [sflag:s29], $0x1  }
0xb4: {  	[sflag:s29] =	ssyncadd.s32 $0xFFFFFFFF  }
0xb5: {  	_ =	strace $0x9000004E  }
0xb6: {  	_ =	sfence  }
0xb7: {  	s30 =	sld [smem:$0x0];
	_ =	sdelay $0x2  }
0xb8: {  	s31 =	sshll.u32 s1, $0xD;
	s1 =	sshrl.u32 s1, $0x2  }
0xb9: {  	s3 =	sand.u32 $0x4000, s31;
	s1 =	sadd.s32 s1, s30  }
0xba: {  	s0 =	sor.u32 s3, s0;
	s1 =	sshll.u32 s1, $0x11  }
0xbb: {  	s0 =	sor.u32 s1, s0  }
0xbc: {  	s0 =	sadd.s32 $0x8F2B, s0  }
0xbd: {  	[sflag:s0] =	ssyncadd.remote.s32 $0x1  }
0xbe: {  	_ =	sfence.sel $0xFFFF  }
0xbf: {  	[dreg:$0x0] =	wrdreg $0xFFFFFFFF;
	(pc) =	sbr.abs _section_cstart, $3  }
0xc0: {  	[dreg:$0x1] =	wrdreg $0xFFFFFFFF  }
0xc1: {  	_ =	task.clear_ibuf [dreg:s7], $0x2FFFF;
	_ =	strace $0x9FFFFFFF  }
0xc2: {  	(tm) =	ssettm $0x7FFFFFFF  }
0xc3: {  	_ =	shalt  }
tec
execute0_lowered:
.L_overlay_start_1:
0x0: {  	(tag) =	ssettag $0x1  }
0x1: {  	s0 =	rddreg [dreg:$0x0]  }
0x2: {  	s1 =	rddreg [dreg:$0x1]  }
0x3: {  	s2 =	srdreg.scid;
	s3 =	simm.s32 $0x0;
	s5 =	stileid.u32  }
0x4: {  	s2 =	sand.u32 $0x1, s2;
	[smem:$0x7FF] =	sst s3;
	s7 =	sadd.s32 $0x187A00, s0  }
0x5: {  	s17 =	sadd.s32 $0x18AC00, s0;
	s4 =	sshll.u32 s2, $0x4;
	s2 =	ssub.s32 $0x2, s2  }
0x6: {  	_ =	strace $0x8000004D;
	s5 =	sor.u32 s5, s4;
	s8 =	sshrl.u32 s2, $0x1  }
0x7: {  	[dreg:$0x3] =	wrdreg s7;
	s6 =	smul.u32 $0x30D40, s5;
	s16 =	ssub.s32 s2, s8  }
0x8: {  	s4 =	sadd.s32 $0x18DE00, s0;
	s5 =	sadd.s32 $0x1000, s0;
	s0 =	smax.u32 s16, $0x1  }
0x9: {  	s18 =	sadd.s32 $0x1F40, s6;
	[dreg:$0x13] =	wrdreg s0  }
0xa: {  	s20 =	sshrl.u32 s6, $0x3;
	s19 =	sadd.s32 $0x2EE0, s6;
	[dreg:$0x5] =	wrdreg s18  }
0xb: {  	s21 =	sadd.s32 s5, s20;
	[dreg:$0xd] =	wrdreg s19  }
0xc: {  	s23 =	sadd.s32 s4, s20;
	[dreg:$0x4] =	wrdreg s21  }
0xd: {  	s2 =	sadd.s32 s1, s20;
	[dreg:$0x6] =	wrdreg s23  }
0xe: {  	s22 =	sadd.s32 $0x1F4, s20;
	s20 =	sadd.s32 $0x3E80, s6;
	[dreg:$0xb] =	wrdreg s2  }
0xf: {  	s24 =	sadd.s32 s5, s22;
	[dreg:$0xe] =	wrdreg s20  }
0x10: {  	s9 =	sshrl.u32 s18, $0x3;
	s25 =	sadd.s32 s4, s22;
	[dreg:$0x7] =	wrdreg s24  }
0x11: {  	s26 =	sadd.s32 s4, s9;
	[dreg:$0x8] =	wrdreg s25  }
0x12: {  	s31 =	sadd.s32 s5, s9;
	[dreg:$0x9] =	wrdreg s26  }
0x13: {  	s28 =	simm.s32 $0x1B800;
	s1 =	sadd.s32 s1, s22;
	[dreg:$0xa] =	wrdreg s31  }
0x14: {  	s30 =	simm.s32 $0x1C800;
	s21 =	sadd.s32 $0x4E20, s6;
	[dreg:$0xc] =	wrdreg s1  }
0x15: {  	s29 =	simm.s32 $0x2;
	s22 =	sadd.s32 $0x5DC0, s6;
	[dreg:$0xf] =	wrdreg s21  }
0x16: {  	s8 =	simm.s32 $0x4;
	s24 =	sadd.s32 $0x6D60, s6;
	[dreg:$0x10] =	wrdreg s22  }
0x17: {  	s6 =	sadd.s32 $0x7D00, s6;
	s25 =	simm.s32 $0x5;
	[dreg:$0x11] =	wrdreg s24  }
0x18: {  	s26 =	simm.s32 $0x1;
	s1 =	simm.s32 $0x0;
	[dreg:$0x12] =	wrdreg s6  }
.LBB2_1:
0x19: {  	[dreg:$0x14] =	wrdreg s1  }
0x1a: {  	s0 =	rddreg [dreg:$0x3]  }
0x1b: {  	[tilespmem:s3], [sflag:$0x5] =	stream.linear.gather [hbm4b:s0+s3], $0x18800, $0x38;
	[tilespmem:$0x1E800] =	vst v63  }
0x1c: {  	_ =	swait.ge [sflag:s25], $0x18800  }
0x1d: {  	s10 =	simm.s32 $0xCA0;
	[sflag:s25] =	ssyncset.done $0x0  }
0x1e: {  	s11 =	simm.s32 $0x0;
	s12 =	simm.s32 $0x0;
	[sflag:s25] =	ssyncadd.s32 $0xFFFE7800  }
0x1f: {  	[tilespmem:s28], [sflag:$0x1] =	stream.linear.gather [hbm4b:s17+s3], $0xC40, $0x38;
	[tilespmem:$0x1E800] =	vst v63  }
.LBB2_2:
0x20: {  	s2 =	sshllo.u32 s12, $0x1;
	_ =	swait.ge [sflag:s26], $0xC40;
	s6 =	smov.u32 s17  }
0x21: {  	s13 =	smul.u32 $0x1880, s12;
	s14 =	simm.s32 $0x1B830;
	s15 =	simm.s32 $0x0  }
0x22: {  	s0 =	simm.s32 $0x10;
	s9 =	simm.s32 $0x20;
	s16 =	simm.s32 $0x30  }
0x23: {  	s18 =	sadd.s32 $0xFFFFFF90, s11;
	s23 =	simm.s32 $0x40;
	s24 =	simm.s32 $0x60  }
0x24: {  	s20 =	simm.s32 $0x50;
	s2 =	smul.u32 $0x188, s2;
	[sflag:s26] =	ssyncset.done $0x0  }
0x25: {  	s1 =	sand.u32 $0x70, s15;
	s19 =	sadd.s32 $0xD0, s18;
	s24 =	sand.u32 $0x70, s24  }
0x26: {  	[sflag:s26] =	ssyncadd.s32 $0xFFFFF3C0;
	s19 =	sand.u32 $0x3FF80, s19;
	s2 =	sadd.s32 s17, s2  }
0x27: {  	[tilespmem:s30], [sflag:$0x2] =	stream.linear.gather [hbm4b:s2+s3], $0xC40, $0x38;
	[tilespmem:$0x1E800] =	vst v63  }
0x28: {  	s21 =	sand.u32 $0x70, s0;
	s9 =	sand.u32 $0x70, s9;
	s2 =	sor.u32 s24, s19;
	v5 =	vld [tilespmem:s14+$0x30]  }
0x29: {  	s16 =	sand.u32 $0x70, s16;
	s7 =	sand.u32 $0x70, s23;
	s20 =	sand.u32 $0x70, s20;
	v6 =	vld [tilespmem:s2+$0x0]  }
0x2a: {  	s25 =	sadd.s32 $0x80, s18;
	s22 =	sadd.s32 $0x90, s18;
	s24 =	sadd.s32 $0x70, s18;
	v0 =	vld [tilespmem:s14+$0xFFFFFFD0]  }
0x2b: {  	s28 =	sadd.s32 $0xA0, s18;
	s31 =	sadd.s32 $0xB0, s18;
	s23 =	sand.u32 $0x3FF80, s24;
	v1 =	vld [tilespmem:s14+$0xFFFFFFE0]  }
0x2c: {  	s0 =	sadd.s32 $0xC0, s18;
	s24 =	sand.u32 $0x3FF80, s25;
	v2 =	vld [tilespmem:s14+$0xFFFFFFF0];
	s18 =	sor.u32 s1, s23  }
0x2d: {  	s22 =	sand.u32 $0x3FF80, s22;
	s31 =	sand.u32 $0x3FF80, s31;
	s17 =	sor.u32 s21, s24;
	v3 =	vld [tilespmem:s18+$0x0]  }
0x2e: {  	s0 =	sand.u32 $0x3FF80, s0;
	s9 =	sor.u32 s9, s22;
	s30 =	sand.u32 $0x3FF80, s28;
	v4 =	vld [tilespmem:s17+$0x0]  }
0x2f: {  	s24 =	sor.u32 s16, s30;
	s23 =	sor.u32 s7, s31;
	s16 =	sor.u32 s20, s0;
	v6 =	vadd.f32 v5, v6;
	v5 =	vld [tilespmem:s9+$0x0]  }
.LBB2_3:
0x30: {  	s0 =	smov.u32 s15  }
0x31: {  	v7 =	vld [tilespmem:s24+$0x0];
	v6 =	vmax.f32 v6, $9.999999960e-13;
	s15 =	sadd.s32 $0x70, s15;
	s19 =	sadd.s32 $0x80, s0;
	s20 =	sadd.s32 $0x90, s0  }
0x32: {  	s21 =	sadd.s32 $0xA0, s0;
	v8 =	vld [tilespmem:s23+$0x0];
	[tilespmem:s2+$0x0] =	vst v6;
	s22 =	sand.u32 $0x70, s15;
	s2 =	sadd.s32 $0xB0, s0  }
0x33: {  	s30 =	sadd.s32 $0xC0, s0;
	s31 =	sadd.s32 s0, s11;
	s0 =	sadd.s32 $0xD0, s0;
	v0 =	vadd.f32 v0, v3;
	v3 =	vld [tilespmem:s16+$0x0]  }
0x34: {  	s19 =	sand.u32 $0x70, s19;
	s20 =	sand.u32 $0x70, s20;
	s21 =	sand.u32 $0x70, s21;
	v1 =	vadd.f32 v1, v4;
	v4 =	vld [tilespmem:s14+$0x0]  }
0x35: {  	p0 =	slt.u32 s15, $0xBD0;
	s7 =	sand.u32 $0x70, s2;
	s30 =	sand.u32 $0x70, s30;
	v0 =	vmax.f32 v0, $9.999999960e-13;
	v2 =	vadd.f32 v2, v5;
	v5 =	vld [tilespmem:s14+$0x10]  }
0x36: {  	s25 =	sadd.s32 $0x70, s31;
	s2 =	sadd.s32 $0xD0, s31;
	s0 =	sand.u32 $0x70, s0;
	[tilespmem:s18+$0x0] =	vst v0;
	v0 =	vmax.f32 v1, $9.999999960e-13;
	v6 =	vld [tilespmem:s14+$0x20]  }
0x37: {  	s2 =	sand.u32 $0x3FF80, s2;
	s25 =	sand.u32 $0x3FF80, s25;
	s14 =	sadd.s32 $0x70, s14;
	[tilespmem:s17+$0x0] =	vst v0;
	v0 =	vmax.f32 v2, $9.999999960e-13  }
0x38: {  	s2 =	sor.u32 s0, s2;
	s18 =	sadd.s32 $0x90, s31;
	s17 =	sadd.s32 $0x80, s31;
	v9 =	vld [tilespmem:s14+$0x30];
	[tilespmem:s9+$0x0] =	vst v0  }
0x39: {  	s0 =	sadd.s32 $0xA0, s31;
	s9 =	sadd.s32 $0xB0, s31;
	s31 =	sadd.s32 $0xC0, s31;
	v10 =	vld [tilespmem:s2+$0x0];
	v2 =	vadd.f32 v4, v7  }
0x3a: {  	s0 =	sand.u32 $0x3FF80, s0;
	s28 =	sand.u32 $0x3FF80, s18;
	s17 =	sand.u32 $0x3FF80, s17;
	v0 =	vld [tilespmem:s14+$0xFFFFFFD0];
	v4 =	vadd.f32 v5, v8  }
.Ltmp0:
0x3b: {  	s1 =	sand.u32 $0x3FF80, s9;
	s31 =	sand.u32 $0x3FF80, s31;
	v1 =	vld [tilespmem:s14+$0xFFFFFFE0];
	v5 =	vmax.f32 v2, $9.999999960e-13;
	v6 =	vadd.f32 v6, v3;
	(pc) =	sbr.rel @p0 .LBB2_3-.Ltmp0, $4  }
0x3c: {  	s18 =	sor.u32 s22, s25;
	s17 =	sor.u32 s19, s17;
	s9 =	sor.u32 s20, s28;
	v2 =	vld [tilespmem:s14+$0xFFFFFFF0];
	[tilespmem:s24+$0x0] =	vst v5;
	v4 =	vmax.f32 v4, $9.999999960e-13  }
0x3d: {  	s24 =	sor.u32 s21, s0;
	s0 =	sor.u32 s30, s31;
	v3 =	vld [tilespmem:s18+$0x0];
	[tilespmem:s23+$0x0] =	vst v4;
	s23 =	sor.u32 s7, s1;
	v5 =	vmax.f32 v6, $9.999999960e-13  }
0x3e: {  	v4 =	vld [tilespmem:s17+$0x0];
	v6 =	vadd.f32 v9, v10;
	[tilespmem:s16+$0x0] =	vst v5;
	s16 =	smov.u32 s0  }
0x3f: {  	v5 =	vld [tilespmem:s9+$0x0]  }
0x40: {  	v7 =	vld [tilespmem:s24+$0x0]  }
0x41: {  	v8 =	vld [tilespmem:s23+$0x0]  }
0x42: {  	v9 =	vld [tilespmem:s16+$0x0]  }
0x43: {  	v10 =	vld [tilespmem:s14+$0x0]  }
0x44: {  	v11 =	vld [tilespmem:s14+$0x10]  }
0x45: {  	v0 =	vadd.f32 v0, v3;
	v3 =	vld [tilespmem:s14+$0x20]  }
0x46: {  	v1 =	vadd.f32 v1, v4;
	v4 =	vmax.f32 v6, $9.999999960e-13  }
0x47: {  	[tilespmem:s2+$0x0] =	vst v4;
	v2 =	vadd.f32 v2, v5;
	v0 =	vmax.f32 v0, $9.999999960e-13  }
0x48: {  	[tilespmem:s18+$0x0] =	vst v0;
	v0 =	vmax.f32 v1, $9.999999960e-13;
	v1 =	vadd.f32 v10, v7  }
0x49: {  	[tilespmem:s17+$0x0] =	vst v0;
	v0 =	vmax.f32 v2, $9.999999960e-13;
	v2 =	vadd.f32 v11, v8  }
0x4a: {  	[tilespmem:s9+$0x0] =	vst v0;
	v0 =	vmax.f32 v1, $9.999999960e-13;
	v1 =	vadd.f32 v3, v9  }
0x4b: {  	[tilespmem:s24+$0x0] =	vst v0;
	v0 =	vmax.f32 v2, $9.999999960e-13  }
0x4c: {  	[tilespmem:s23+$0x0] =	vst v0;
	v0 =	vmax.f32 v1, $9.999999960e-13  }
0x4d: {  	p0 =	seq.s32 s12, $0xF;
	[tilespmem:s16+$0x0] =	vst v0  }
0x4e: {  	s0 =	sshrl.u32 @!p0 s13, $0x3;
	_ =	swait.ge [sflag:s29], $0xC40  }
0x4f: {  	s1 =	simm.s32 @!p0 $0x0;
	s0 =	sadd.s32 @!p0 s6, s0;
	[sflag:s29] =	ssyncset.done $0x0  }
0x50: {  	s0 =	sadd.s32 @!p0 $0x310, s0;
	s2 =	simm.s32 @!p0 $0x1B800;
	[sflag:s29] =	ssyncadd.s32 $0xFFFFF3C0  }
0x51: {  	[tilespmem:s2], [sflag:$0x1] =	stream.linear.gather @!p0 [hbm4b:s0+s1], $0xC40, $0x38;
	[tilespmem:$0x1E800] =	vst v63  }
0x52: {  	s2 =	simm.s32 $0x1C830;
	v1 =	vld [tilespmem:s10+$0x0]  }
0x53: {  	v2 =	vld [tilespmem:s2+$0x30]  }
0x54: {  	v0 =	vld [tilespmem:s2+$0xFFFFFFD0]  }
0x55: {  	v3 =	vld [tilespmem:s10+$0xFFFFFFB0]  }
0x56: {  	v4 =	vld [tilespmem:s2+$0xFFFFFFE0]  }
0x57: {  	v5 =	vld [tilespmem:s10+$0xFFFFFFC0]  }
0x58: {  	v6 =	vld [tilespmem:s2+$0xFFFFFFF0]  }
0x59: {  	v8 =	vld [tilespmem:s10+$0xFFFFFFD0]  }
0x5a: {  	v63 =	vld [tilespmem:s2+$0x0]  }
0x5b: {  	v2 =	vadd.f32 v2, v1;
	v1 =	vld [tilespmem:s10+$0xFFFFFFE0]  }
0x5c: {  	v4 =	vadd.f32 v4, v3;
	v3 =	vld [tilespmem:s2+$0x10]  }
0x5d: {  	v6 =	vadd.f32 v6, v5;
	v5 =	vld [tilespmem:s2+$0x20];
	v7 =	vmax.f32 v2, $9.999999960e-13  }
0x5e: {  	s13 =	simm.s32 $0x0;
	v2 =	vld [tilespmem:s10+$0xFFFFFFF0];
	v4 =	vmax.f32 v4, $9.999999960e-13;
	[tilespmem:s10+$0x0] =	vst v7  }
0x5f: {  	s14 =	sadd.s32 $0x70, s10;
	s17 =	smov.u32 s6;
	s9 =	smov.u32 s10;
	[tilespmem:s10+$0xFFFFFFB0] =	vst v4;
	v4 =	vld [tilespmem:s10+$0xFFFFFFA0];
	v7 =	vmax.f32 v6, $9.999999960e-13;
	v6 =	vadd.f32 v63, v8  }
.LBB2_5:
0x60: {  	v8 =	vld [tilespmem:s14+$0x0];
	[tilespmem:s9+$0xFFFFFFC0] =	vst v7;
	s2 =	sadd.s32 $0x70, s2  }
0x61: {  	s13 =	sadd.s32 $0x70, s13;
	v7 =	vld [tilespmem:s2+$0x30];
	v6 =	vmax.f32 v6, $9.999999960e-13;
	v1 =	vadd.f32 v3, v1  }
0x62: {  	p0 =	slt.u32 s13, $0xBD0;
	v3 =	vld [tilespmem:s2+$0xFFFFFFD0];
	[tilespmem:s9+$0xFFFFFFD0] =	vst v6  }
0x63: {  	v6 =	vld [tilespmem:s14+$0xFFFFFFB0];
	v1 =	vmax.f32 v1, $9.999999960e-13;
	v2 =	vadd.f32 v5, v2  }
0x64: {  	v5 =	vld [tilespmem:s2+$0xFFFFFFE0];
	v10 =	vadd.f32 v0, v4;
	[tilespmem:s9+$0xFFFFFFE0] =	vst v1  }
0x65: {  	v4 =	vld [tilespmem:s14+$0xFFFFFFC0];
	v1 =	vmax.f32 v2, $9.999999960e-13  }
0x66: {  	v2 =	vld [tilespmem:s2+$0xFFFFFFF0];
	v7 =	vadd.f32 v7, v8;
	v9 =	vmax.f32 v10, $9.999999960e-13;
	[tilespmem:s9+$0xFFFFFFF0] =	vst v1  }
0x67: {  	v8 =	vld [tilespmem:s14+$0xFFFFFFD0];
	[tilespmem:s9+$0xFFFFFFA0] =	vst v9;
	v0 =	vmov v3;
	s9 =	smov.u32 s14  }
0x68: {  	v9 =	vld [tilespmem:s2+$0x0];
	v3 =	vmax.f32 v7, $9.999999960e-13  }
.Ltmp1:
0x69: {  	v5 =	vadd.f32 v5, v6;
	v1 =	vld [tilespmem:s14+$0xFFFFFFE0];
	[tilespmem:s14+$0x0] =	vst v3;
	(pc) =	sbr.rel @p0 .LBB2_5-.Ltmp1, $4  }
0x6a: {  	v3 =	vld [tilespmem:s2+$0x10]  }
0x6b: {  	v5 =	vmax.f32 v5, $9.999999960e-13;
	v6 =	vadd.f32 v2, v4;
	v2 =	vld [tilespmem:s14+$0xFFFFFFF0]  }
0x6c: {  	[tilespmem:s14+$0xFFFFFFB0] =	vst v5;
	v5 =	vld [tilespmem:s2+$0x20]  }
0x6d: {  	s14 =	sadd.s32 $0x70, s14;
	v4 =	vld [tilespmem:s9+$0xFFFFFFA0];
	v7 =	vmax.f32 v6, $9.999999960e-13;
	v6 =	vadd.f32 v9, v8  }
0x6e: {  	_ = 	snop  }
0x6f: {  	s12 =	sadd.s32 $0x1, s12  }
0x70: {  	v1 =	vadd.f32 v3, v1;
	p0 =	sne.s32 s12, $0x10  }
.Ltmp2:
0x71: {  	[tilespmem:s9+$0xFFFFFFC0] =	vst v7;
	v62 =	vmax.f32 v6, $9.999999960e-13;
	v2 =	vadd.f32 v5, v2;
	(pc) =	sbr.rel @p0 .LBB2_2-.Ltmp2, $4  }
0x72: {  	[tilespmem:s9+$0xFFFFFFD0] =	vst v62;
	v1 =	vmax.f32 v1, $9.999999960e-13;
	v0 =	vadd.f32 v0, v4  }
0x73: {  	[tilespmem:s9+$0xFFFFFFE0] =	vst v1;
	v63 =	vmax.f32 v2, $9.999999960e-13  }
0x74: {  	v0 =	vmax.f32 v0, $9.999999960e-13;
	[tilespmem:s9+$0xFFFFFFF0] =	vst v63  }
0x75: {  	s11 =	sadd.s32 $0x1880, s11;
	s10 =	sadd.s32 $0x1880, s10;
	s30 =	simm.s32 $0x1C800;
	[tilespmem:s9+$0xFFFFFFA0] =	vst v0  }
0x76: {  	s0 =	rddreg [dreg:$0x4];
	s31 =	simm.s32 $0x18800;
	s25 =	simm.s32 $0x5  }
0x77: {  	[tilespmem:s31], [sflag:$0x5] =	stream.linear.gather [hbm4b:s0+s3], $0xFA0, $0x38;
	[tilespmem:$0x1E800] =	vst v63  }
0x78: {  	_ =	swait.ge [sflag:s25], $0xFA0  }
0x79: {  	[sflag:s25] =	ssyncset.done $0x0  }
0x7a: {  	s28 =	simm.s32 $0x1B800;
	s19 =	rddreg [dreg:$0x6];
	[sflag:s25] =	ssyncadd.s32 $0xFFFFF060  }
0x7b: {  	[tilespmem:s28], [sflag:$0x5] =	stream.linear.gather [hbm4b:s19+s3], $0xFA0, $0x38;
	[tilespmem:$0x1E800] =	vst v63  }
0x7c: {  	_ =	swait.ge [sflag:s25], $0xFA0  }
0x7d: {  	[sflag:s25] =	ssyncset.done $0x0  }
0x7e: {  	s1 =	simm.s32 $0x19800;
	s20 =	rddreg [dreg:$0x7];
	[sflag:s25] =	ssyncadd.s32 $0xFFFFF060  }
0x7f: {  	[tilespmem:s1], [sflag:$0x5] =	stream.linear.gather [hbm4b:s20+s3], $0xFA0, $0x38;
	[tilespmem:$0x1E800] =	vst v63  }
0x80: {  	_ =	swait.ge [sflag:s25], $0xFA0  }
0x81: {  	[sflag:s25] =	ssyncset.done $0x0  }
0x82: {  	s21 =	rddreg [dreg:$0x8];
	[sflag:s25] =	ssyncadd.s32 $0xFFFFF060  }
0x83: {  	[tilespmem:s30], [sflag:$0x5] =	stream.linear.gather [hbm4b:s21+s3], $0xFA0, $0x38;
	[tilespmem:$0x1E800] =	vst v63  }
0x84: {  	_ =	swait.ge [sflag:s25], $0xFA0  }
0x85: {  	s7 =	simm.s32 $0x1D800;
	[sflag:s25] =	ssyncset.done $0x0  }
0x86: {  	s12 =	simm.s32 $0x0;
	s22 =	rddreg [dreg:$0x9];
	[sflag:s25] =	ssyncadd.s32 $0xFFFFF060  }
0x87: {  	[tilespmem:s7], [sflag:$0x1] =	stream.linear.gather [hbm4b:s22+s3], $0xFA0, $0x38;
	[tilespmem:$0x1E800] =	vst v63  }
0x88: {  	s24 =	simm.s32 $0x1A800;
	s11 =	sand.u32 $0xFF0, s12;
	s23 =	rddreg [dreg:$0xa]  }
0x89: {  	[tilespmem:s24], [sflag:$0x2] =	stream.linear.gather [hbm4b:s23+s3], $0xFA0, $0x38;
	[tilespmem:$0x1E800] =	vst v63  }
0x8a: {  	v4 =	vld [tilespmem:s11+$0x18980]  }
0x8b: {  	v3 =	vld [tilespmem:s11+$0x18880]  }
0x8c: {  	v2 =	vld [tilespmem:s11+$0x18900]  }
0x8d: {  	v1 =	vld [tilespmem:s11+$0x1B880]  }
0x8e: {  	s14 =	simm.s32 $0x188C0;
	v5 =	vld [tilespmem:s11+$0x1B980]  }
0x8f: {  	v6 =	vld [tilespmem:s14+$0xB0]  }
0x90: {  	v7 =	vld [tilespmem:s14+$0xFFFFFF40]  }
0x91: {  	v8 =	vld [tilespmem:s14+$0xFFFFFF50]  }
0x92: {  	v9 =	vld [tilespmem:s14+$0xFFFFFF60]  }
0x93: {  	v10 =	vld [tilespmem:s14+$0xFFFFFF70]  }
0x94: {  	v11 =	vld [tilespmem:s14+$0xFFFFFF80]  }
0x95: {  	v12 =	vld [tilespmem:s14+$0xFFFFFF90]  }
0x96: {  	v13 =	vld [tilespmem:s14+$0xFFFFFFA0]  }
0x97: {  	v14 =	vld [tilespmem:s14+$0xFFFFFFB0]  }
0x98: {  	v15 =	vld [tilespmem:s14+$0xFFFFFFD0]  }
0x99: {  	v16 =	vld [tilespmem:s14+$0xFFFFFFE0]  }
0x9a: {  	v17 =	vld [tilespmem:s14+$0xFFFFFFF0]  }
0x9b: {  	v18 =	vld [tilespmem:s14+$0x0]  }
0x9c: {  	v19 =	vld [tilespmem:s14+$0x10]  }
0x9d: {  	v20 =	vld [tilespmem:s14+$0x20]  }
0x9e: {  	v21 =	vld [tilespmem:s14+$0x30]  }
0x9f: {  	v22 =	vld [tilespmem:s14+$0x50]  }
0xa0: {  	s13 =	simm.s32 $0x1B8C0;
	v23 =	vld [tilespmem:s14+$0x60]  }
0xa1: {  	v24 =	vld [tilespmem:s13+$0xB0]  }
0xa2: {  	v25 =	vld [tilespmem:s14+$0x70]  }
0xa3: {  	v26 =	vld [tilespmem:s14+$0x80]  }
0xa4: {  	v27 =	vld [tilespmem:s14+$0x90]  }
0xa5: {  	v28 =	vld [tilespmem:s14+$0xA0]  }
0xa6: {  	v4 =	vld.idx.msk [tilespmem:v4+s3+$0x0], $0xffff  }
0xa7: {  	v6 =	vld.idx.msk [tilespmem:v6+s3+$0x0], $0xffff  }
0xa8: {  	v7 =	vld.idx.msk [tilespmem:v7+s3+$0x0], $0xffff  }
0xa9: {  	v8 =	vld.idx.msk [tilespmem:v8+s3+$0x0], $0xffff  }
0xaa: {  	v9 =	vld.idx.msk [tilespmem:v9+s3+$0x0], $0xffff  }
0xab: {  	v10 =	vld.idx.msk [tilespmem:v10+s3+$0x0], $0xffff  }
0xac: {  	v11 =	vld.idx.msk [tilespmem:v11+s3+$0x0], $0xffff  }
0xad: {  	v12 =	vld.idx.msk [tilespmem:v12+s3+$0x0], $0xffff  }
0xae: {  	v13 =	vld.idx.msk [tilespmem:v13+s3+$0x0], $0xffff  }
0xaf: {  	v14 =	vld.idx.msk [tilespmem:v14+s3+$0x0], $0xffff  }
0xb0: {  	(erf) = vrcp.f32 v4;
	v4 =	vld.idx.msk [tilespmem:v15+s3+$0x0], $0xffff  }
0xb1: {  	(erf) = vrcp.f32 v6;
	v6 =	vld.idx.msk [tilespmem:v16+s3+$0x0], $0xffff  }
0xb2: {  	(erf) = vrcp.f32 v7;
	v7 =	vld.idx.msk [tilespmem:v17+s3+$0x0], $0xffff  }
0xb3: {  	(erf) = vrcp.f32 v8;
	v8 =	vld.idx.msk [tilespmem:v18+s3+$0x0], $0xffff  }
0xb4: {  	(erf) = vrcp.f32 v9;
	v9 =	vld.idx.msk [tilespmem:v19+s3+$0x0], $0xffff  }
0xb5: {  	(erf) = vrcp.f32 v10;
	v10 =	vld.idx.msk [tilespmem:v20+s3+$0x0], $0xffff  }
0xb6: {  	(erf) = vrcp.f32 v11;
	v11 =	vld.idx.msk [tilespmem:v21+s3+$0x0], $0xffff  }
0xb7: {  	(erf) = vrcp.f32 v12;
	v12 =	vld.idx.msk [tilespmem:v22+s3+$0x0], $0xffff  }
0xb8: {  	(erf) = vrcp.f32 v13;
	v13 =	vld.idx.msk [tilespmem:v23+s3+$0x0], $0xffff  }
0xb9: {  	v15 =	vpop (erf);
	(erf) = vrcp.f32 v14;
	v14 =	vld.idx.msk [tilespmem:v25+s3+$0x0], $0xffff  }
0xba: {  	v16 =	vpop (erf);
	(erf) = vrcp.f32 v4;
	v4 =	vld.idx.msk [tilespmem:v26+s3+$0x0], $0xffff  }
0xbb: {  	v17 =	vpop (erf);
	(erf) = vrcp.f32 v6;
	v6 =	vld.idx.msk [tilespmem:v27+s3+$0x0], $0xffff  }
0xbc: {  	v18 =	vpop (erf);
	(erf) = vrcp.f32 v7;
	v7 =	vld.idx.msk [tilespmem:v28+s3+$0x0], $0xffff  }
0xbd: {  	v19 =	vpop (erf);
	(erf) = vrcp.f32 v8;
	v8 =	vld [tilespmem:s13+$0xFFFFFF40]  }
0xbe: {  	v5 =	vmul.f32 v15, v5;
	v60 =	vpop (erf);
	(erf) = vrcp.f32 v9;
	v9 =	vld [tilespmem:s13+$0xFFFFFF50]  }
0xbf: {  	v16 =	vmul.f32 v16, v24;
	v61 =	vpop (erf);
	(erf) = vrcp.f32 v10;
	v10 =	vld [tilespmem:s13+$0xFFFFFF60]  }
0xc0: {  	v15 =	vpop (erf);
	(erf) = vrcp.f32 v11;
	v11 =	vld [tilespmem:s13+$0xFFFFFF70]  }
0xc1: {  	v62 =	vpop (erf);
	(erf) = vrcp.f32 v12;
	v12 =	vld [tilespmem:s13+$0xFFFFFF80]  }
0xc2: {  	[tilespmem:s11+$0x1B980] =	vst v5;
	v5 =	vpop (erf);
	(erf) = vrcp.f32 v13;
	v8 =	vmul.f32 v17, v8;
	v13 =	vld [tilespmem:s13+$0xFFFFFF90]  }
0xc3: {  	[tilespmem:s13+$0xB0] =	vst v16;
	v16 =	vpop (erf);
	(erf) = vrcp.f32 v14;
	v9 =	vmul.f32 v18, v9;
	v14 =	vld [tilespmem:s13+$0xFFFFFFA0]  }
0xc4: {  	v17 =	vpop (erf);
	(erf) = vrcp.f32 v4;
	[tilespmem:s13+$0xFFFFFF40] =	vst v8;
	v4 =	vmul.f32 v19, v10;
	v8 =	vld [tilespmem:s13+$0xFFFFFFB0]  }
0xc5: {  	v10 =	vpop (erf);
	(erf) = vrcp.f32 v6;
	[tilespmem:s13+$0xFFFFFF50] =	vst v9;
	v6 =	vmul.f32 v60, v11;
	v9 =	vld [tilespmem:s13+$0xFFFFFFD0]  }
0xc6: {  	v18 =	vpop (erf);
	(erf) = vrcp.f32 v7;
	[tilespmem:s13+$0xFFFFFF60] =	vst v4;
	v4 =	vmul.f32 v61, v12;
	v7 =	vld [tilespmem:s13+$0xFFFFFFE0]  }
0xc7: {  	v12 =	vld [tilespmem:s13+$0xFFFFFFF0]  }
0xc8: {  	v0 =	vld [tilespmem:s11+$0x1B900];
	v19 =	vpop (erf);
	[tilespmem:s13+$0xFFFFFF70] =	vst v6;
	v6 =	vmul.f32 v15, v13  }
0xc9: {  	v13 =	vld [tilespmem:s13+$0x0];
	v15 =	vpop (erf);
	[tilespmem:s13+$0xFFFFFF80] =	vst v4;
	v11 =	vmul.f32 v62, v14  }
0xca: {  	v63 =	vld [tilespmem:s13+$0x10];
	[tilespmem:s13+$0xFFFFFF90] =	vst v6;
	v8 =	vmul.f32 v5, v8;
	v4 =	vpop (erf)  }
0xcb: {  	[tilespmem:s13+$0xFFFFFFA0] =	vst v11;
	v9 =	vmul.f32 v16, v9;
	v16 =	vld [tilespmem:s13+$0x20];
	v5 =	vpop (erf)  }
0xcc: {  	v11 =	vld [tilespmem:s13+$0x30];
	[tilespmem:s13+$0xFFFFFFB0] =	vst v8;
	v14 =	vmul.f32 v17, v7;
	v10 =	vmul.f32 v10, v12;
	v6 =	vpop (erf)  }
0xcd: {  	v12 =	vld [tilespmem:s13+$0x50];
	[tilespmem:s13+$0xFFFFFFD0] =	vst v9;
	v7 =	vpop (erf)  }
0xce: {  	v18 =	vmul.f32 v18, v13;
	v13 =	vld [tilespmem:s13+$0x60];
	[tilespmem:s13+$0xFFFFFFE0] =	vst v14;
	v8 =	vpop (erf)  }
0xcf: {  	v17 =	vmul.f32 v19, v63;
	[tilespmem:s13+$0xFFFFFFF0] =	vst v10;
	v14 =	vld [tilespmem:s13+$0x70];
	v9 =	vpop (erf)  }
0xd0: {  	[tilespmem:s13+$0x0] =	vst v18;
	v16 =	vmul.f32 v15, v16;
	v15 =	vld [tilespmem:s13+$0x80];
	v10 =	vpop (erf)  }
.LBB2_8:
0xd1: {  	s12 =	sadd.s32 $0x190, s12;
	[tilespmem:s13+$0x10] =	vst v17;
	v4 =	vmul.f32 v4, v11;
	v11 =	vld [tilespmem:s13+$0x90]  }
0xd2: {  	s2 =	sand.u32 $0xFF0, s12;
	p0 =	slt.u32 s12, $0xE10;
	[tilespmem:s13+$0x20] =	vst v16;
	v5 =	vmul.f32 v5, v12;
	v12 =	vld [tilespmem:s13+$0xA0]  }
0xd3: {  	v16 =	vld [tilespmem:s2+$0x18980];
	[tilespmem:s13+$0x30] =	vst v4;
	v4 =	vmul.f32 v6, v13  }
0xd4: {  	v6 =	vld [tilespmem:s2+$0x18880];
	[tilespmem:s13+$0x50] =	vst v5;
	v5 =	vmul.f32 v7, v14  }
0xd5: {  	v7 =	vld [tilespmem:s2+$0x18900];
	[tilespmem:s13+$0x60] =	vst v4;
	v4 =	vmul.f32 v8, v15  }
0xd6: {  	v8 =	vld.idx.msk [tilespmem:v3+s3+$0x0], $0xffff;
	[tilespmem:s13+$0x70] =	vst v5;
	v11 =	vmul.f32 v9, v11  }
0xd7: {  	v5 =	vld.idx.msk [tilespmem:v2+s3+$0x0], $0xffff;
	[tilespmem:s13+$0x80] =	vst v4;
	v10 =	vmul.f32 v10, v12  }
0xd8: {  	v4 =	vld [tilespmem:s2+$0x1B880];
	[tilespmem:s13+$0x90] =	vst v11  }
0xd9: {  	v9 =	vld [tilespmem:s2+$0x1B900];
	[tilespmem:s13+$0xA0] =	vst v10;
	v3 =	vmov v6  }
0xda: {  	v6 =	vld [tilespmem:s2+$0x1B980];
	v2 =	vmov v7  }
0xdb: {  	s14 =	sadd.s32 $0x190, s14;
	v7 =	vld.idx.msk [tilespmem:v16+s3+$0x0], $0xffff  }
0xdc: {  	v10 =	vld [tilespmem:s14+$0xB0];
	(erf) = vrcp.f32 v8  }
0xdd: {  	v8 =	vld [tilespmem:s14+$0xFFFFFF40];
	(erf) = vrcp.f32 v5  }
0xde: {  	v5 =	vld [tilespmem:s14+$0xFFFFFF50]  }
0xdf: {  	v11 =	vld [tilespmem:s14+$0xFFFFFF60]  }
0xe0: {  	v12 =	vld [tilespmem:s14+$0xFFFFFF70]  }
0xe1: {  	v13 =	vld [tilespmem:s14+$0xFFFFFF80]  }
0xe2: {  	v14 =	vld [tilespmem:s14+$0xFFFFFF90]  }
0xe3: {  	v15 =	vld [tilespmem:s14+$0xFFFFFFA0]  }
0xe4: {  	v10 =	vld.idx.msk [tilespmem:v10+s3+$0x0], $0xffff  }
0xe5: {  	v16 =	vld [tilespmem:s14+$0xFFFFFFB0];
	v17 =	vpop (erf)  }
0xe6: {  	v18 =	vld [tilespmem:s14+$0xFFFFFFD0];
	v17 =	vmul.f32 v17, v1;
	v19 =	vpop (erf);
	v1 =	vmov v4  }
0xe7: {  	v4 =	vld [tilespmem:s14+$0xFFFFFFE0];
	v19 =	vmul.f32 v19, v0;
	v0 =	vmov v9  }
0xe8: {  	v9 =	vld [tilespmem:s14+$0xFFFFFFF0];
	[tilespmem:s11+$0x1B880] =	vst v17  }
0xe9: {  	v17 =	vld [tilespmem:s14+$0x0];
	(erf) = vrcp.f32 v7;
	[tilespmem:s11+$0x1B900] =	vst v19;
	s11 =	smov.u32 s2  }
0xea: {  	v7 =	vld [tilespmem:s14+$0x10];
	(erf) = vrcp.f32 v10  }
0xeb: {  	v10 =	vld [tilespmem:s14+$0x20]  }
0xec: {  	v19 =	vld [tilespmem:s14+$0x30]  }
0xed: {  	v20 =	vld [tilespmem:s14+$0x50]  }
0xee: {  	s13 =	sadd.s32 $0x190, s13;
	v21 =	vld [tilespmem:s14+$0x60]  }
0xef: {  	v22 =	vld [tilespmem:s13+$0xB0]  }
0xf0: {  	v23 =	vld [tilespmem:s14+$0x70]  }
0xf1: {  	v24 =	vld [tilespmem:s14+$0x80]  }
0xf2: {  	v25 =	vld [tilespmem:s14+$0x90];
	v26 =	vpop (erf)  }
0xf3: {  	v27 =	vld [tilespmem:s14+$0xA0];
	v6 =	vmul.f32 v26, v6;
	v26 =	vpop (erf)  }
0xf4: {  	v8 =	vld.idx.msk [tilespmem:v8+s3+$0x0], $0xffff;
	v22 =	vmul.f32 v26, v22  }
0xf5: {  	v5 =	vld.idx.msk [tilespmem:v5+s3+$0x0], $0xffff;
	[tilespmem:s11+$0x1B980] =	vst v6  }
0xf6: {  	v6 =	vld.idx.msk [tilespmem:v11+s3+$0x0], $0xffff;
	[tilespmem:s13+$0xB0] =	vst v22  }
0xf7: {  	v11 =	vld.idx.msk [tilespmem:v12+s3+$0x0], $0xffff  }
0xf8: {  	v12 =	vld.idx.msk [tilespmem:v13+s3+$0x0], $0xffff  }
0xf9: {  	v13 =	vld.idx.msk [tilespmem:v14+s3+$0x0], $0xffff  }
0xfa: {  	v14 =	vld.idx.msk [tilespmem:v15+s3+$0x0], $0xffff;
	(erf) = vrcp.f32 v8  }
0xfb: {  	v8 =	vld.idx.msk [tilespmem:v16+s3+$0x0], $0xffff;
	(erf) = vrcp.f32 v5  }
0xfc: {  	v5 =	vld.idx.msk [tilespmem:v18+s3+$0x0], $0xffff;
	(erf) = vrcp.f32 v6  }
0xfd: {  	v4 =	vld.idx.msk [tilespmem:v4+s3+$0x0], $0xffff;
	(erf) = vrcp.f32 v11  }
0xfe: {  	v6 =	vld.idx.msk [tilespmem:v9+s3+$0x0], $0xffff;
	(erf) = vrcp.f32 v12  }
0xff: {  	v9 =	vld.idx.msk [tilespmem:v17+s3+$0x0], $0xffff;
	(erf) = vrcp.f32 v13  }
0x100: {  	v7 =	vld.idx.msk [tilespmem:v7+s3+$0x0], $0xffff;
	(erf) = vrcp.f32 v14  }
0x101: {  	v10 =	vld.idx.msk [tilespmem:v10+s3+$0x0], $0xffff;
	(erf) = vrcp.f32 v8  }
0x102: {  	v8 =	vld.idx.msk [tilespmem:v19+s3+$0x0], $0xffff;
	(erf) = vrcp.f32 v5  }
0x103: {  	v5 =	vld.idx.msk [tilespmem:v20+s3+$0x0], $0xffff;
	v11 =	vpop (erf);
	(erf) = vrcp.f32 v4  }
0x104: {  	v4 =	vld.idx.msk [tilespmem:v21+s3+$0x0], $0xffff;
	v12 =	vpop (erf);
	(erf) = vrcp.f32 v6  }
0x105: {  	v6 =	vld.idx.msk [tilespmem:v23+s3+$0x0], $0xffff;
	v13 =	vpop (erf);
	(erf) = vrcp.f32 v9  }
0x106: {  	v9 =	vld.idx.msk [tilespmem:v24+s3+$0x0], $0xffff;
	v14 =	vpop (erf);
	(erf) = vrcp.f32 v7  }
0x107: {  	v7 =	vld.idx.msk [tilespmem:v25+s3+$0x0], $0xffff;
	v15 =	vpop (erf);
	(erf) = vrcp.f32 v10  }
0x108: {  	v10 =	vld.idx.msk [tilespmem:v27+s3+$0x0], $0xffff;
	v16 =	vpop (erf);
	(erf) = vrcp.f32 v8  }
0x109: {  	v8 =	vld [tilespmem:s13+$0xFFFFFF40];
	v17 =	vpop (erf);
	(erf) = vrcp.f32 v5  }
0x10a: {  	v5 =	vld [tilespmem:s13+$0xFFFFFF50];
	v18 =	vpop (erf);
	(erf) = vrcp.f32 v4  }
0x10b: {  	v4 =	vld [tilespmem:s13+$0xFFFFFF60];
	v19 =	vpop (erf);
	(erf) = vrcp.f32 v6  }
0x10c: {  	v6 =	vld [tilespmem:s13+$0xFFFFFF70];
	v20 =	vpop (erf);
	(erf) = vrcp.f32 v9  }
0x10d: {  	v9 =	vld [tilespmem:s13+$0xFFFFFF80];
	v21 =	vpop (erf);
	(erf) = vrcp.f32 v7  }
0x10e: {  	v7 =	vmul.f32 v11, v8;
	v8 =	vld [tilespmem:s13+$0xFFFFFF90];
	v22 =	vpop (erf);
	(erf) = vrcp.f32 v10  }
0x10f: {  	v25 =	vmul.f32 v12, v5;
	v10 =	vld [tilespmem:s13+$0xFFFFFFA0];
	v23 =	vpop (erf)  }
0x110: {  	[tilespmem:s13+$0xFFFFFF40] =	vst v7;
	v7 =	vmul.f32 v13, v4;
	v11 =	vld [tilespmem:s13+$0xFFFFFFB0];
	v24 =	vpop (erf)  }
0x111: {  	[tilespmem:s13+$0xFFFFFF50] =	vst v25;
	v25 =	vmul.f32 v14, v6;
	v12 =	vld [tilespmem:s13+$0xFFFFFFD0];
	v4 =	vpop (erf)  }
0x112: {  	[tilespmem:s13+$0xFFFFFF60] =	vst v7;
	v26 =	vmul.f32 v15, v9;
	v13 =	vld [tilespmem:s13+$0xFFFFFFE0];
	v5 =	vpop (erf)  }
0x113: {  	[tilespmem:s13+$0xFFFFFF70] =	vst v25;
	v25 =	vmul.f32 v16, v8;
	v14 =	vld [tilespmem:s13+$0xFFFFFFF0];
	v6 =	vpop (erf)  }
0x114: {  	[tilespmem:s13+$0xFFFFFF80] =	vst v26;
	v17 =	vmul.f32 v17, v10;
	v15 =	vld [tilespmem:s13+$0x0];
	v7 =	vpop (erf)  }
0x115: {  	[tilespmem:s13+$0xFFFFFF90] =	vst v25;
	v25 =	vmul.f32 v18, v11;
	v16 =	vld [tilespmem:s13+$0x10];
	v8 =	vpop (erf)  }
0x116: {  	[tilespmem:s13+$0xFFFFFFA0] =	vst v17;
	v12 =	vmul.f32 v19, v12;
	v18 =	vld [tilespmem:s13+$0x20];
	v9 =	vpop (erf)  }
.Ltmp3:
0x117: {  	[tilespmem:s13+$0xFFFFFFB0] =	vst v25;
	v13 =	vmul.f32 v20, v13;
	v11 =	vld [tilespmem:s13+$0x30];
	v10 =	vpop (erf);
	(pc) =	sbr.rel @p0 .LBB2_8-.Ltmp3, $4  }
0x118: {  	[tilespmem:s13+$0xFFFFFFD0] =	vst v12;
	v14 =	vmul.f32 v21, v14;
	v12 =	vld [tilespmem:s13+$0x50]  }
0x119: {  	[tilespmem:s13+$0xFFFFFFE0] =	vst v13;
	v15 =	vmul.f32 v22, v15;
	v13 =	vld [tilespmem:s13+$0x60]  }
0x11a: {  	[tilespmem:s13+$0xFFFFFFF0] =	vst v14;
	v17 =	vmul.f32 v23, v16;
	v14 =	vld [tilespmem:s13+$0x70]  }
0x11b: {  	[tilespmem:s13+$0x0] =	vst v15;
	v16 =	vmul.f32 v24, v18;
	v15 =	vld [tilespmem:s13+$0x80]  }
0x11c: {  	_ =	sdelay $0x3  }
0x11d: {  	v3 =	vld.idx.msk [tilespmem:v3+s3+$0x0], $0xffff  }
0x11e: {  	v2 =	vld.idx.msk [tilespmem:v2+s3+$0x0], $0xffff;
	_ =	sdelay $0x3  }
0x11f: {  	(erf) = vrcp.f32 v3  }
0x120: {  	v3 =	vld [tilespmem:s13+$0x90];
	(erf) = vrcp.f32 v2  }
0x121: {  	v2 =	vmul.f32 v4, v11  }
0x122: {  	[tilespmem:s13+$0x10] =	vst v17;
	v4 =	vmul.f32 v5, v12  }
0x123: {  	v5 =	vld [tilespmem:s13+$0xA0];
	[tilespmem:s13+$0x30] =	vst v2  }
0x124: {  	v2 =	vmul.f32 v6, v13;
	[tilespmem:s13+$0x50] =	vst v4;
	v4 =	vmul.f32 v7, v14  }
0x125: {  	[tilespmem:s13+$0x20] =	vst v16;
	v3 =	vmul.f32 v9, v3  }
0x126: {  	[tilespmem:s13+$0x60] =	vst v2;
	v2 =	vmul.f32 v8, v15  }
0x127: {  	[tilespmem:s13+$0x70] =	vst v4  }
0x128: {  	[tilespmem:s13+$0x80] =	vst v2;
	v2 =	vmul.f32 v10, v5;
	v4 =	vpop (erf)  }
0x129: {  	[tilespmem:s13+$0x90] =	vst v3;
	v1 =	vmul.f32 v4, v1;
	v3 =	vpop (erf)  }
0x12a: {  	[tilespmem:s13+$0xA0] =	vst v2;
	v0 =	vmul.f32 v3, v0  }
0x12b: {  	[tilespmem:s11+$0x1B880] =	vst v1  }
0x12c: {  	s12 =	simm.s32 $0x0;
	[tilespmem:s11+$0x1B900] =	vst v0  }
0x12d: {  	s11 =	sand.u32 $0xFF0, s12;
	s0 =	rddreg [dreg:$0xb]  }
0x12e: {  	[hbm4b:s0+s3] =	stream.linear.scatter [tilespmem:s28], [sflag:$0x3], $0xFA0, $0x38;
	[tilespmem:$0x1E800] =	vst v63  }
0x12f: {  	v4 =	vld [tilespmem:s11+$0x19980]  }
0x130: {  	s14 =	simm.s32 $0x198C0;
	v5 =	vld [tilespmem:s11+$0x1C980]  }
0x131: {  	v6 =	vld [tilespmem:s14+$0xB0]  }
0x132: {  	v7 =	vld [tilespmem:s14+$0xFFFFFF40]  }
0x133: {  	v8 =	vld [tilespmem:s14+$0xFFFFFF50]  }
0x134: {  	v9 =	vld [tilespmem:s14+$0xFFFFFF60]  }
0x135: {  	v10 =	vld [tilespmem:s14+$0xFFFFFF70]  }
0x136: {  	v11 =	vld [tilespmem:s14+$0xFFFFFF80]  }
0x137: {  	v12 =	vld [tilespmem:s14+$0xFFFFFF90]  }
0x138: {  	v13 =	vld [tilespmem:s14+$0xFFFFFFA0]  }
0x139: {  	v14 =	vld [tilespmem:s14+$0xFFFFFFB0]  }
0x13a: {  	v15 =	vld [tilespmem:s14+$0xFFFFFFD0]  }
0x13b: {  	v16 =	vld [tilespmem:s14+$0xFFFFFFE0]  }
0x13c: {  	v17 =	vld [tilespmem:s14+$0xFFFFFFF0]  }
0x13d: {  	v18 =	vld [tilespmem:s14+$0x0]  }
0x13e: {  	v19 =	vld [tilespmem:s14+$0x10]  }
0x13f: {  	v20 =	vld [tilespmem:s14+$0x20]  }
0x140: {  	v21 =	vld [tilespmem:s14+$0x30]  }
0x141: {  	v22 =	vld [tilespmem:s14+$0x50]  }
0x142: {  	s13 =	simm.s32 $0x1C8C0;
	v23 =	vld [tilespmem:s14+$0x60]  }
0x143: {  	v24 =	vld [tilespmem:s13+$0xB0]  }
0x144: {  	v25 =	vld [tilespmem:s14+$0x70]  }
0x145: {  	v26 =	vld [tilespmem:s14+$0x80]  }
0x146: {  	v27 =	vld [tilespmem:s14+$0x90]  }
0x147: {  	v28 =	vld [tilespmem:s14+$0xA0]  }
0x148: {  	v4 =	vld.idx.msk [tilespmem:v4+s3+$0x0], $0xffff  }
0x149: {  	v6 =	vld.idx.msk [tilespmem:v6+s3+$0x0], $0xffff  }
0x14a: {  	v7 =	vld.idx.msk [tilespmem:v7+s3+$0x0], $0xffff  }
0x14b: {  	v8 =	vld.idx.msk [tilespmem:v8+s3+$0x0], $0xffff  }
0x14c: {  	v9 =	vld.idx.msk [tilespmem:v9+s3+$0x0], $0xffff  }
0x14d: {  	v10 =	vld.idx.msk [tilespmem:v10+s3+$0x0], $0xffff  }
0x14e: {  	v11 =	vld.idx.msk [tilespmem:v11+s3+$0x0], $0xffff  }
0x14f: {  	v12 =	vld.idx.msk [tilespmem:v12+s3+$0x0], $0xffff  }
0x150: {  	v13 =	vld.idx.msk [tilespmem:v13+s3+$0x0], $0xffff  }
0x151: {  	v14 =	vld.idx.msk [tilespmem:v14+s3+$0x0], $0xffff  }
0x152: {  	(erf) = vrcp.f32 v4;
	v4 =	vld.idx.msk [tilespmem:v15+s3+$0x0], $0xffff  }
0x153: {  	(erf) = vrcp.f32 v6;
	v6 =	vld.idx.msk [tilespmem:v16+s3+$0x0], $0xffff  }
0x154: {  	(erf) = vrcp.f32 v7;
	v7 =	vld.idx.msk [tilespmem:v17+s3+$0x0], $0xffff  }
0x155: {  	(erf) = vrcp.f32 v8;
	v8 =	vld.idx.msk [tilespmem:v18+s3+$0x0], $0xffff  }
0x156: {  	(erf) = vrcp.f32 v9;
	v9 =	vld.idx.msk [tilespmem:v19+s3+$0x0], $0xffff  }
0x157: {  	(erf) = vrcp.f32 v10;
	v10 =	vld.idx.msk [tilespmem:v20+s3+$0x0], $0xffff  }
0x158: {  	(erf) = vrcp.f32 v11;
	v11 =	vld.idx.msk [tilespmem:v21+s3+$0x0], $0xffff  }
0x159: {  	(erf) = vrcp.f32 v12;
	v12 =	vld.idx.msk [tilespmem:v22+s3+$0x0], $0xffff  }
0x15a: {  	(erf) = vrcp.f32 v13;
	v13 =	vld.idx.msk [tilespmem:v23+s3+$0x0], $0xffff  }
0x15b: {  	v15 =	vpop (erf);
	(erf) = vrcp.f32 v14;
	v14 =	vld.idx.msk [tilespmem:v25+s3+$0x0], $0xffff  }
0x15c: {  	v16 =	vpop (erf);
	(erf) = vrcp.f32 v4;
	v4 =	vld.idx.msk [tilespmem:v26+s3+$0x0], $0xffff  }
0x15d: {  	v17 =	vpop (erf);
	(erf) = vrcp.f32 v6;
	v6 =	vld.idx.msk [tilespmem:v27+s3+$0x0], $0xffff  }
0x15e: {  	v18 =	vpop (erf);
	(erf) = vrcp.f32 v7;
	v7 =	vld.idx.msk [tilespmem:v28+s3+$0x0], $0xffff  }
0x15f: {  	v19 =	vpop (erf);
	(erf) = vrcp.f32 v8;
	v8 =	vld [tilespmem:s13+$0xFFFFFF40]  }
0x160: {  	v5 =	vmul.f32 v15, v5;
	v60 =	vpop (erf);
	(erf) = vrcp.f32 v9;
	v9 =	vld [tilespmem:s13+$0xFFFFFF50]  }
0x161: {  	v16 =	vmul.f32 v16, v24;
	v61 =	vpop (erf);
	(erf) = vrcp.f32 v10;
	v10 =	vld [tilespmem:s13+$0xFFFFFF60]  }
0x162: {  	v15 =	vpop (erf);
	(erf) = vrcp.f32 v11;
	v11 =	vld [tilespmem:s13+$0xFFFFFF70]  }
0x163: {  	v62 =	vpop (erf);
	(erf) = vrcp.f32 v12;
	v12 =	vld [tilespmem:s13+$0xFFFFFF80]  }
0x164: {  	[tilespmem:s11+$0x1C980] =	vst v5;
	v5 =	vpop (erf);
	(erf) = vrcp.f32 v13;
	v8 =	vmul.f32 v17, v8;
	v13 =	vld [tilespmem:s13+$0xFFFFFF90]  }
0x165: {  	[tilespmem:s13+$0xB0] =	vst v16;
	v16 =	vpop (erf);
	(erf) = vrcp.f32 v14;
	v9 =	vmul.f32 v18, v9;
	v14 =	vld [tilespmem:s13+$0xFFFFFFA0]  }
0x166: {  	v17 =	vpop (erf);
	(erf) = vrcp.f32 v4;
	[tilespmem:s13+$0xFFFFFF40] =	vst v8;
	v4 =	vmul.f32 v19, v10;
	v8 =	vld [tilespmem:s13+$0xFFFFFFB0]  }
0x167: {  	v10 =	vpop (erf);
	(erf) = vrcp.f32 v6;
	[tilespmem:s13+$0xFFFFFF50] =	vst v9;
	v6 =	vmul.f32 v60, v11;
	v9 =	vld [tilespmem:s13+$0xFFFFFFD0]  }
0x168: {  	v18 =	vpop (erf);
	(erf) = vrcp.f32 v7;
	[tilespmem:s13+$0xFFFFFF60] =	vst v4;
	v4 =	vmul.f32 v61, v12;
	v7 =	vld [tilespmem:s13+$0xFFFFFFE0]  }
0x169: {  	v12 =	vld [tilespmem:s13+$0xFFFFFFF0];
	[tilespmem:s13+$0xFFFFFF70] =	vst v6;
	v6 =	vmul.f32 v15, v13  }
0x16a: {  	v13 =	vld [tilespmem:s13+$0x0];
	[tilespmem:s13+$0xFFFFFF80] =	vst v4;
	v11 =	vmul.f32 v62, v14  }
0x16b: {  	v3 =	vld [tilespmem:s11+$0x19880];
	[tilespmem:s13+$0xFFFFFF90] =	vst v6;
	v8 =	vmul.f32 v5, v8  }
0x16c: {  	v2 =	vld [tilespmem:s11+$0x19900];
	[tilespmem:s13+$0xFFFFFFA0] =	vst v11;
	v9 =	vmul.f32 v16, v9  }
0x16d: {  	v1 =	vld [tilespmem:s11+$0x1C880];
	v19 =	vpop (erf);
	[tilespmem:s13+$0xFFFFFFB0] =	vst v8;
	v14 =	vmul.f32 v17, v7  }
0x16e: {  	v0 =	vld [tilespmem:s11+$0x1C900];
	v15 =	vpop (erf);
	v10 =	vmul.f32 v10, v12;
	[tilespmem:s13+$0xFFFFFFD0] =	vst v9  }
0x16f: {  	v63 =	vld [tilespmem:s13+$0x10];
	v4 =	vpop (erf);
	v18 =	vmul.f32 v18, v13;
	[tilespmem:s13+$0xFFFFFFE0] =	vst v14  }
0x170: {  	v16 =	vld [tilespmem:s13+$0x20];
	v5 =	vpop (erf);
	[tilespmem:s13+$0xFFFFFFF0] =	vst v10  }
0x171: {  	s9 =	rddreg [dreg:$0x1];
	v11 =	vld [tilespmem:s13+$0x30];
	v6 =	vpop (erf);
	[tilespmem:s13+$0x0] =	vst v18  }
0x172: {  	v12 =	vld [tilespmem:s13+$0x50];
	v7 =	vpop (erf);
	s18 =	rddreg [dreg:$0x5]  }
0x173: {  	v13 =	vld [tilespmem:s13+$0x60];
	v8 =	vpop (erf);
	s19 =	rddreg [dreg:$0xd]  }
0x174: {  	v17 =	vmul.f32 v19, v63;
	v14 =	vld [tilespmem:s13+$0x70];
	v9 =	vpop (erf);
	s20 =	rddreg [dreg:$0xe]  }
0x175: {  	v16 =	vmul.f32 v15, v16;
	v15 =	vld [tilespmem:s13+$0x80];
	s6 =	rddreg [dreg:$0x12];
	v10 =	vpop (erf)  }
.LBB2_10:
0x176: {  	s12 =	sadd.s32 $0x190, s12;
	[tilespmem:s13+$0x10] =	vst v17;
	v4 =	vmul.f32 v4, v11;
	v11 =	vld [tilespmem:s13+$0x90]  }
0x177: {  	s2 =	sand.u32 $0xFF0, s12;
	p0 =	slt.u32 s12, $0xE10;
	[tilespmem:s13+$0x20] =	vst v16;
	v5 =	vmul.f32 v5, v12;
	v12 =	vld [tilespmem:s13+$0xA0]  }
0x178: {  	v16 =	vld [tilespmem:s2+$0x19980];
	[tilespmem:s13+$0x30] =	vst v4;
	v4 =	vmul.f32 v6, v13  }
0x179: {  	v6 =	vld [tilespmem:s2+$0x19880];
	[tilespmem:s13+$0x50] =	vst v5;
	v5 =	vmul.f32 v7, v14  }
0x17a: {  	v7 =	vld [tilespmem:s2+$0x19900];
	[tilespmem:s13+$0x60] =	vst v4;
	v4 =	vmul.f32 v8, v15  }
0x17b: {  	v8 =	vld.idx.msk [tilespmem:v3+s3+$0x0], $0xffff;
	[tilespmem:s13+$0x70] =	vst v5;
	v11 =	vmul.f32 v9, v11  }
0x17c: {  	v5 =	vld.idx.msk [tilespmem:v2+s3+$0x0], $0xffff;
	[tilespmem:s13+$0x80] =	vst v4;
	v10 =	vmul.f32 v10, v12  }
0x17d: {  	v4 =	vld [tilespmem:s2+$0x1C880];
	[tilespmem:s13+$0x90] =	vst v11  }
0x17e: {  	v9 =	vld [tilespmem:s2+$0x1C900];
	[tilespmem:s13+$0xA0] =	vst v10;
	v3 =	vmov v6  }
0x17f: {  	v6 =	vld [tilespmem:s2+$0x1C980];
	v2 =	vmov v7  }
0x180: {  	s14 =	sadd.s32 $0x190, s14;
	v7 =	vld.idx.msk [tilespmem:v16+s3+$0x0], $0xffff  }
0x181: {  	v10 =	vld [tilespmem:s14+$0xB0];
	(erf) = vrcp.f32 v8  }
0x182: {  	v8 =	vld [tilespmem:s14+$0xFFFFFF40];
	(erf) = vrcp.f32 v5  }
0x183: {  	v5 =	vld [tilespmem:s14+$0xFFFFFF50]  }
0x184: {  	v11 =	vld [tilespmem:s14+$0xFFFFFF60]  }
0x185: {  	v12 =	vld [tilespmem:s14+$0xFFFFFF70]  }
0x186: {  	v13 =	vld [tilespmem:s14+$0xFFFFFF80]  }
0x187: {  	v14 =	vld [tilespmem:s14+$0xFFFFFF90]  }
0x188: {  	v15 =	vld [tilespmem:s14+$0xFFFFFFA0]  }
0x189: {  	v10 =	vld.idx.msk [tilespmem:v10+s3+$0x0], $0xffff  }
0x18a: {  	v16 =	vld [tilespmem:s14+$0xFFFFFFB0];
	v17 =	vpop (erf)  }
0x18b: {  	v18 =	vld [tilespmem:s14+$0xFFFFFFD0];
	v17 =	vmul.f32 v17, v1;
	v19 =	vpop (erf);
	v1 =	vmov v4  }
0x18c: {  	v4 =	vld [tilespmem:s14+$0xFFFFFFE0];
	v19 =	vmul.f32 v19, v0;
	v0 =	vmov v9  }
0x18d: {  	v9 =	vld [tilespmem:s14+$0xFFFFFFF0];
	[tilespmem:s11+$0x1C880] =	vst v17  }
0x18e: {  	v17 =	vld [tilespmem:s14+$0x0];
	(erf) = vrcp.f32 v7;
	[tilespmem:s11+$0x1C900] =	vst v19;
	s11 =	smov.u32 s2  }
0x18f: {  	v7 =	vld [tilespmem:s14+$0x10];
	(erf) = vrcp.f32 v10  }
0x190: {  	v10 =	vld [tilespmem:s14+$0x20]  }
0x191: {  	v19 =	vld [tilespmem:s14+$0x30]  }
0x192: {  	v20 =	vld [tilespmem:s14+$0x50]  }
0x193: {  	s13 =	sadd.s32 $0x190, s13;
	v21 =	vld [tilespmem:s14+$0x60]  }
0x194: {  	v22 =	vld [tilespmem:s13+$0xB0]  }
0x195: {  	v23 =	vld [tilespmem:s14+$0x70]  }
0x196: {  	v24 =	vld [tilespmem:s14+$0x80]  }
0x197: {  	v25 =	vld [tilespmem:s14+$0x90];
	v26 =	vpop (erf)  }
0x198: {  	v27 =	vld [tilespmem:s14+$0xA0];
	v6 =	vmul.f32 v26, v6;
	v26 =	vpop (erf)  }
0x199: {  	v8 =	vld.idx.msk [tilespmem:v8+s3+$0x0], $0xffff;
	v22 =	vmul.f32 v26, v22  }
0x19a: {  	v5 =	vld.idx.msk [tilespmem:v5+s3+$0x0], $0xffff;
	[tilespmem:s11+$0x1C980] =	vst v6  }
0x19b: {  	v6 =	vld.idx.msk [tilespmem:v11+s3+$0x0], $0xffff;
	[tilespmem:s13+$0xB0] =	vst v22  }
0x19c: {  	v11 =	vld.idx.msk [tilespmem:v12+s3+$0x0], $0xffff  }
0x19d: {  	v12 =	vld.idx.msk [tilespmem:v13+s3+$0x0], $0xffff  }
0x19e: {  	v13 =	vld.idx.msk [tilespmem:v14+s3+$0x0], $0xffff  }
0x19f: {  	v14 =	vld.idx.msk [tilespmem:v15+s3+$0x0], $0xffff;
	(erf) = vrcp.f32 v8  }
0x1a0: {  	v8 =	vld.idx.msk [tilespmem:v16+s3+$0x0], $0xffff;
	(erf) = vrcp.f32 v5  }
0x1a1: {  	v5 =	vld.idx.msk [tilespmem:v18+s3+$0x0], $0xffff;
	(erf) = vrcp.f32 v6  }
0x1a2: {  	v4 =	vld.idx.msk [tilespmem:v4+s3+$0x0], $0xffff;
	(erf) = vrcp.f32 v11  }
0x1a3: {  	v6 =	vld.idx.msk [tilespmem:v9+s3+$0x0], $0xffff;
	(erf) = vrcp.f32 v12  }
0x1a4: {  	v9 =	vld.idx.msk [tilespmem:v17+s3+$0x0], $0xffff;
	(erf) = vrcp.f32 v13  }
0x1a5: {  	v7 =	vld.idx.msk [tilespmem:v7+s3+$0x0], $0xffff;
	(erf) = vrcp.f32 v14  }
0x1a6: {  	v10 =	vld.idx.msk [tilespmem:v10+s3+$0x0], $0xffff;
	(erf) = vrcp.f32 v8  }
0x1a7: {  	v8 =	vld.idx.msk [tilespmem:v19+s3+$0x0], $0xffff;
	(erf) = vrcp.f32 v5  }
0x1a8: {  	v5 =	vld.idx.msk [tilespmem:v20+s3+$0x0], $0xffff;
	v11 =	vpop (erf);
	(erf) = vrcp.f32 v4  }
0x1a9: {  	v4 =	vld.idx.msk [tilespmem:v21+s3+$0x0], $0xffff;
	v12 =	vpop (erf);
	(erf) = vrcp.f32 v6  }
0x1aa: {  	v6 =	vld.idx.msk [tilespmem:v23+s3+$0x0], $0xffff;
	v13 =	vpop (erf);
	(erf) = vrcp.f32 v9  }
0x1ab: {  	v9 =	vld.idx.msk [tilespmem:v24+s3+$0x0], $0xffff;
	v14 =	vpop (erf);
	(erf) = vrcp.f32 v7  }
0x1ac: {  	v7 =	vld.idx.msk [tilespmem:v25+s3+$0x0], $0xffff;
	v15 =	vpop (erf);
	(erf) = vrcp.f32 v10  }
0x1ad: {  	v10 =	vld.idx.msk [tilespmem:v27+s3+$0x0], $0xffff;
	v16 =	vpop (erf);
	(erf) = vrcp.f32 v8  }
0x1ae: {  	v8 =	vld [tilespmem:s13+$0xFFFFFF40];
	v17 =	vpop (erf);
	(erf) = vrcp.f32 v5  }
0x1af: {  	v5 =	vld [tilespmem:s13+$0xFFFFFF50];
	v18 =	vpop (erf);
	(erf) = vrcp.f32 v4  }
0x1b0: {  	v4 =	vld [tilespmem:s13+$0xFFFFFF60];
	v19 =	vpop (erf);
	(erf) = vrcp.f32 v6  }
0x1b1: {  	v6 =	vld [tilespmem:s13+$0xFFFFFF70];
	v20 =	vpop (erf);
	(erf) = vrcp.f32 v9  }
0x1b2: {  	v9 =	vld [tilespmem:s13+$0xFFFFFF80];
	v21 =	vpop (erf);
	(erf) = vrcp.f32 v7  }
0x1b3: {  	v7 =	vmul.f32 v11, v8;
	v8 =	vld [tilespmem:s13+$0xFFFFFF90];
	v22 =	vpop (erf);
	(erf) = vrcp.f32 v10  }
0x1b4: {  	v25 =	vmul.f32 v12, v5;
	v10 =	vld [tilespmem:s13+$0xFFFFFFA0];
	v23 =	vpop (erf)  }
0x1b5: {  	[tilespmem:s13+$0xFFFFFF40] =	vst v7;
	v7 =	vmul.f32 v13, v4;
	v11 =	vld [tilespmem:s13+$0xFFFFFFB0];
	v24 =	vpop (erf)  }
0x1b6: {  	[tilespmem:s13+$0xFFFFFF50] =	vst v25;
	v25 =	vmul.f32 v14, v6;
	v12 =	vld [tilespmem:s13+$0xFFFFFFD0];
	v4 =	vpop (erf)  }
0x1b7: {  	[tilespmem:s13+$0xFFFFFF60] =	vst v7;
	v26 =	vmul.f32 v15, v9;
	v13 =	vld [tilespmem:s13+$0xFFFFFFE0];
	v5 =	vpop (erf)  }
0x1b8: {  	[tilespmem:s13+$0xFFFFFF70] =	vst v25;
	v25 =	vmul.f32 v16, v8;
	v14 =	vld [tilespmem:s13+$0xFFFFFFF0];
	v6 =	vpop (erf)  }
0x1b9: {  	[tilespmem:s13+$0xFFFFFF80] =	vst v26;
	v17 =	vmul.f32 v17, v10;
	v15 =	vld [tilespmem:s13+$0x0];
	v7 =	vpop (erf)  }
0x1ba: {  	[tilespmem:s13+$0xFFFFFF90] =	vst v25;
	v25 =	vmul.f32 v18, v11;
	v16 =	vld [tilespmem:s13+$0x10];
	v8 =	vpop (erf)  }
0x1bb: {  	[tilespmem:s13+$0xFFFFFFA0] =	vst v17;
	v12 =	vmul.f32 v19, v12;
	v18 =	vld [tilespmem:s13+$0x20];
	v9 =	vpop (erf)  }
.Ltmp4:
0x1bc: {  	[tilespmem:s13+$0xFFFFFFB0] =	vst v25;
	v13 =	vmul.f32 v20, v13;
	v11 =	vld [tilespmem:s13+$0x30];
	v10 =	vpop (erf);
	(pc) =	sbr.rel @p0 .LBB2_10-.Ltmp4, $4  }
0x1bd: {  	[tilespmem:s13+$0xFFFFFFD0] =	vst v12;
	v14 =	vmul.f32 v21, v14;
	v12 =	vld [tilespmem:s13+$0x50]  }
0x1be: {  	[tilespmem:s13+$0xFFFFFFE0] =	vst v13;
	v15 =	vmul.f32 v22, v15;
	v13 =	vld [tilespmem:s13+$0x60]  }
0x1bf: {  	[tilespmem:s13+$0xFFFFFFF0] =	vst v14;
	v17 =	vmul.f32 v23, v16;
	v14 =	vld [tilespmem:s13+$0x70]  }
0x1c0: {  	[tilespmem:s13+$0x0] =	vst v15;
	v16 =	vmul.f32 v24, v18;
	v15 =	vld [tilespmem:s13+$0x80]  }
0x1c1: {  	_ =	sdelay $0x3  }
0x1c2: {  	v3 =	vld.idx.msk [tilespmem:v3+s3+$0x0], $0xffff  }
0x1c3: {  	v2 =	vld.idx.msk [tilespmem:v2+s3+$0x0], $0xffff;
	_ =	sdelay $0x3  }
0x1c4: {  	(erf) = vrcp.f32 v3  }
0x1c5: {  	(erf) = vrcp.f32 v2;
	_ =	sdelay $0x1  }
0x1c6: {  	[tilespmem:s13+$0x10] =	vst v17;
	v54 =	vmul.f32 v4, v11;
	v55 =	vld [tilespmem:s13+$0x90]  }
0x1c7: {  	v57 =	vld [tilespmem:s13+$0xA0];
	[tilespmem:s13+$0x20] =	vst v16;
	v56 =	vmul.f32 v5, v12  }
0x1c8: {  	[tilespmem:s13+$0x30] =	vst v54;
	v58 =	vmul.f32 v6, v13  }
0x1c9: {  	[tilespmem:s13+$0x50] =	vst v56;
	v59 =	vmul.f32 v7, v14  }
0x1ca: {  	[tilespmem:s13+$0x60] =	vst v58;
	v60 =	vmul.f32 v8, v15  }
0x1cb: {  	[tilespmem:s13+$0x70] =	vst v59;
	v3 =	vmul.f32 v9, v55  }
0x1cc: {  	v61 =	vmul.f32 v10, v57;
	[tilespmem:s13+$0x80] =	vst v60;
	v62 =	vpop (erf)  }
0x1cd: {  	[tilespmem:s13+$0x90] =	vst v3;
	v1 =	vmul.f32 v62, v1;
	v63 =	vpop (erf)  }
0x1ce: {  	[tilespmem:s13+$0xA0] =	vst v61;
	v0 =	vmul.f32 v63, v0  }
0x1cf: {  	[tilespmem:s11+$0x1C880] =	vst v1  }
0x1d0: {  	[tilespmem:s11+$0x1C900] =	vst v0  }
0x1d1: {  	s0 =	rddreg [dreg:$0xc]  }
0x1d2: {  	s21 =	rddreg [dreg:$0xf]  }
0x1d3: {  	s22 =	rddreg [dreg:$0x10]  }
0x1d4: {  	s11 =	simm.s32 $0x0;
	s24 =	rddreg [dreg:$0x11]  }
0x1d5: {  	[hbm4b:s0+s11] =	stream.linear.scatter [tilespmem:s30], [sflag:$0x4], $0xFA0, $0x38;
	[tilespmem:$0x1E800] =	vst v63  }
.LBB2_12:
0x1d6: {  	_ =	swait.ge [sflag:s26], $0xFA0  }
0x1d7: {  	[sflag:s26] =	ssyncset.done $0x0  }
0x1d8: {  	[sflag:s26] =	ssyncadd.s32 $0xFFFFF060  }
0x1d9: {  	_ =	swait.ge [sflag:s29], $0xFA0  }
0x1da: {  	s12 =	smul.u32 $0x5DC0, s11;
	[sflag:s29] =	ssyncset.done $0x0  }
0x1db: {  	s1 =	simm.s32 $0x3;
	[sflag:s29] =	ssyncadd.s32 $0xFFFFF060  }
0x1dc: {  	s0 =	sadd.s32 s12, s19;
	_ =	swait.ge [sflag:s1], $0xFA0  }
0x1dd: {  	s13 =	sshrl.u32 s0, $0x3;
	[sflag:s1] =	ssyncset.done $0x0  }
0x1de: {  	s15 =	simm.s32 $0x0;
	s0 =	sadd.s32 s4, s13;
	[sflag:s1] =	ssyncadd.s32 $0xFFFFF060  }
0x1df: {  	[tilespmem:s28], [sflag:$0x1] =	stream.linear.gather [hbm4b:s0+s3], $0xFA0, $0x38;
	[tilespmem:$0x1E800] =	vst v63  }
0x1e0: {  	s14 =	sand.u32 $0xFF0, s15;
	s23 =	sadd.s32 s5, s13  }
0x1e1: {  	[tilespmem:s31], [sflag:$0x2] =	stream.linear.gather [hbm4b:s23+s3], $0xFA0, $0x38;
	[tilespmem:$0x1E800] =	vst v63  }
0x1e2: {  	v4 =	vld [tilespmem:s14+$0x1A980]  }
0x1e3: {  	v3 =	vld [tilespmem:s14+$0x1A880]  }
0x1e4: {  	v2 =	vld [tilespmem:s14+$0x1A900]  }
0x1e5: {  	v1 =	vld [tilespmem:s14+$0x1D880]  }
0x1e6: {  	s23 =	simm.s32 $0x1A8C0;
	v5 =	vld [tilespmem:s14+$0x1D980]  }
0x1e7: {  	v6 =	vld [tilespmem:s23+$0xB0]  }
0x1e8: {  	v7 =	vld [tilespmem:s23+$0xFFFFFF40]  }
0x1e9: {  	v8 =	vld [tilespmem:s23+$0xFFFFFF50]  }
0x1ea: {  	v9 =	vld [tilespmem:s23+$0xFFFFFF60]  }
0x1eb: {  	v10 =	vld [tilespmem:s23+$0xFFFFFF70]  }
0x1ec: {  	v11 =	vld [tilespmem:s23+$0xFFFFFF80]  }
0x1ed: {  	v12 =	vld [tilespmem:s23+$0xFFFFFF90]  }
0x1ee: {  	v13 =	vld [tilespmem:s23+$0xFFFFFFA0]  }
0x1ef: {  	v14 =	vld [tilespmem:s23+$0xFFFFFFB0]  }
0x1f0: {  	v15 =	vld [tilespmem:s23+$0xFFFFFFD0]  }
0x1f1: {  	v16 =	vld [tilespmem:s23+$0xFFFFFFE0]  }
0x1f2: {  	v17 =	vld [tilespmem:s23+$0xFFFFFFF0]  }
0x1f3: {  	v18 =	vld [tilespmem:s23+$0x0]  }
0x1f4: {  	v19 =	vld [tilespmem:s23+$0x10]  }
0x1f5: {  	v20 =	vld [tilespmem:s23+$0x20]  }
0x1f6: {  	v21 =	vld [tilespmem:s23+$0x30]  }
0x1f7: {  	v22 =	vld [tilespmem:s23+$0x50]  }
0x1f8: {  	s16 =	simm.s32 $0x1D8C0;
	v23 =	vld [tilespmem:s23+$0x60]  }
0x1f9: {  	v24 =	vld [tilespmem:s16+$0xB0]  }
0x1fa: {  	v25 =	vld [tilespmem:s23+$0x70]  }
0x1fb: {  	v26 =	vld [tilespmem:s23+$0x80]  }
0x1fc: {  	v27 =	vld [tilespmem:s23+$0x90]  }
0x1fd: {  	v28 =	vld [tilespmem:s23+$0xA0]  }
0x1fe: {  	v4 =	vld.idx.msk [tilespmem:v4+s3+$0x0], $0xffff  }
0x1ff: {  	v6 =	vld.idx.msk [tilespmem:v6+s3+$0x0], $0xffff  }
0x200: {  	v7 =	vld.idx.msk [tilespmem:v7+s3+$0x0], $0xffff  }
0x201: {  	v8 =	vld.idx.msk [tilespmem:v8+s3+$0x0], $0xffff  }
0x202: {  	v9 =	vld.idx.msk [tilespmem:v9+s3+$0x0], $0xffff  }
0x203: {  	v10 =	vld.idx.msk [tilespmem:v10+s3+$0x0], $0xffff  }
0x204: {  	v11 =	vld.idx.msk [tilespmem:v11+s3+$0x0], $0xffff  }
0x205: {  	v12 =	vld.idx.msk [tilespmem:v12+s3+$0x0], $0xffff  }
0x206: {  	v13 =	vld.idx.msk [tilespmem:v13+s3+$0x0], $0xffff  }
0x207: {  	v14 =	vld.idx.msk [tilespmem:v14+s3+$0x0], $0xffff  }
0x208: {  	(erf) = vrcp.f32 v4;
	v4 =	vld.idx.msk [tilespmem:v15+s3+$0x0], $0xffff  }
0x209: {  	(erf) = vrcp.f32 v6;
	v6 =	vld.idx.msk [tilespmem:v16+s3+$0x0], $0xffff  }
0x20a: {  	(erf) = vrcp.f32 v7;
	v7 =	vld.idx.msk [tilespmem:v17+s3+$0x0], $0xffff  }
0x20b: {  	(erf) = vrcp.f32 v8;
	v8 =	vld.idx.msk [tilespmem:v18+s3+$0x0], $0xffff  }
0x20c: {  	(erf) = vrcp.f32 v9;
	v9 =	vld.idx.msk [tilespmem:v19+s3+$0x0], $0xffff  }
0x20d: {  	(erf) = vrcp.f32 v10;
	v10 =	vld.idx.msk [tilespmem:v20+s3+$0x0], $0xffff  }
0x20e: {  	(erf) = vrcp.f32 v11;
	v11 =	vld.idx.msk [tilespmem:v21+s3+$0x0], $0xffff  }
0x20f: {  	(erf) = vrcp.f32 v12;
	v12 =	vld.idx.msk [tilespmem:v22+s3+$0x0], $0xffff  }
0x210: {  	(erf) = vrcp.f32 v13;
	v13 =	vld.idx.msk [tilespmem:v23+s3+$0x0], $0xffff  }
0x211: {  	v15 =	vpop (erf);
	(erf) = vrcp.f32 v14;
	v14 =	vld.idx.msk [tilespmem:v25+s3+$0x0], $0xffff  }
0x212: {  	v16 =	vpop (erf);
	(erf) = vrcp.f32 v4;
	v4 =	vld.idx.msk [tilespmem:v26+s3+$0x0], $0xffff  }
0x213: {  	v17 =	vpop (erf);
	(erf) = vrcp.f32 v6;
	v6 =	vld.idx.msk [tilespmem:v27+s3+$0x0], $0xffff  }
0x214: {  	v18 =	vpop (erf);
	(erf) = vrcp.f32 v7;
	v7 =	vld.idx.msk [tilespmem:v28+s3+$0x0], $0xffff  }
0x215: {  	v19 =	vpop (erf);
	(erf) = vrcp.f32 v8;
	v8 =	vld [tilespmem:s16+$0xFFFFFF40]  }
0x216: {  	v5 =	vmul.f32 v15, v5;
	v60 =	vpop (erf);
	(erf) = vrcp.f32 v9;
	v9 =	vld [tilespmem:s16+$0xFFFFFF50]  }
0x217: {  	v16 =	vmul.f32 v16, v24;
	v61 =	vpop (erf);
	(erf) = vrcp.f32 v10;
	v10 =	vld [tilespmem:s16+$0xFFFFFF60]  }
0x218: {  	v15 =	vpop (erf);
	(erf) = vrcp.f32 v11;
	v11 =	vld [tilespmem:s16+$0xFFFFFF70]  }
0x219: {  	v62 =	vpop (erf);
	(erf) = vrcp.f32 v12;
	v12 =	vld [tilespmem:s16+$0xFFFFFF80]  }
0x21a: {  	[tilespmem:s14+$0x1D980] =	vst v5;
	v5 =	vpop (erf);
	(erf) = vrcp.f32 v13;
	v8 =	vmul.f32 v17, v8;
	v13 =	vld [tilespmem:s16+$0xFFFFFF90]  }
0x21b: {  	[tilespmem:s16+$0xB0] =	vst v16;
	v16 =	vpop (erf);
	(erf) = vrcp.f32 v14;
	v9 =	vmul.f32 v18, v9;
	v14 =	vld [tilespmem:s16+$0xFFFFFFA0]  }
0x21c: {  	v17 =	vpop (erf);
	(erf) = vrcp.f32 v4;
	[tilespmem:s16+$0xFFFFFF40] =	vst v8;
	v4 =	vmul.f32 v19, v10;
	v8 =	vld [tilespmem:s16+$0xFFFFFFB0]  }
0x21d: {  	v10 =	vpop (erf);
	(erf) = vrcp.f32 v6;
	[tilespmem:s16+$0xFFFFFF50] =	vst v9;
	v6 =	vmul.f32 v60, v11;
	v9 =	vld [tilespmem:s16+$0xFFFFFFD0]  }
0x21e: {  	v18 =	vpop (erf);
	(erf) = vrcp.f32 v7;
	[tilespmem:s16+$0xFFFFFF60] =	vst v4;
	v4 =	vmul.f32 v61, v12;
	v7 =	vld [tilespmem:s16+$0xFFFFFFE0]  }
0x21f: {  	v12 =	vld [tilespmem:s16+$0xFFFFFFF0]  }
0x220: {  	v0 =	vld [tilespmem:s14+$0x1D900];
	v19 =	vpop (erf);
	[tilespmem:s16+$0xFFFFFF70] =	vst v6;
	v6 =	vmul.f32 v15, v13  }
0x221: {  	v13 =	vld [tilespmem:s16+$0x0];
	v15 =	vpop (erf);
	[tilespmem:s16+$0xFFFFFF80] =	vst v4;
	v11 =	vmul.f32 v62, v14  }
0x222: {  	v63 =	vld [tilespmem:s16+$0x10];
	[tilespmem:s16+$0xFFFFFF90] =	vst v6;
	v8 =	vmul.f32 v5, v8;
	v4 =	vpop (erf)  }
0x223: {  	[tilespmem:s16+$0xFFFFFFA0] =	vst v11;
	v9 =	vmul.f32 v16, v9;
	v16 =	vld [tilespmem:s16+$0x20];
	v5 =	vpop (erf)  }
0x224: {  	v11 =	vld [tilespmem:s16+$0x30];
	[tilespmem:s16+$0xFFFFFFB0] =	vst v8;
	v14 =	vmul.f32 v17, v7;
	v10 =	vmul.f32 v10, v12;
	v6 =	vpop (erf)  }
0x225: {  	v12 =	vld [tilespmem:s16+$0x50];
	[tilespmem:s16+$0xFFFFFFD0] =	vst v9;
	v7 =	vpop (erf)  }
0x226: {  	v18 =	vmul.f32 v18, v13;
	v13 =	vld [tilespmem:s16+$0x60];
	[tilespmem:s16+$0xFFFFFFE0] =	vst v14;
	v8 =	vpop (erf)  }
0x227: {  	v17 =	vmul.f32 v19, v63;
	[tilespmem:s16+$0xFFFFFFF0] =	vst v10;
	v14 =	vld [tilespmem:s16+$0x70];
	v9 =	vpop (erf)  }
0x228: {  	[tilespmem:s16+$0x0] =	vst v18;
	v16 =	vmul.f32 v15, v16;
	v15 =	vld [tilespmem:s16+$0x80];
	v10 =	vpop (erf)  }
.LBB2_13:
0x229: {  	s15 =	sadd.s32 $0x190, s15;
	[tilespmem:s16+$0x10] =	vst v17;
	v4 =	vmul.f32 v4, v11;
	v11 =	vld [tilespmem:s16+$0x90]  }
0x22a: {  	s2 =	sand.u32 $0xFF0, s15;
	p0 =	slt.u32 s15, $0xE10;
	[tilespmem:s16+$0x20] =	vst v16;
	v5 =	vmul.f32 v5, v12;
	v12 =	vld [tilespmem:s16+$0xA0]  }
0x22b: {  	v16 =	vld [tilespmem:s2+$0x1A980];
	[tilespmem:s16+$0x30] =	vst v4;
	v4 =	vmul.f32 v6, v13  }
0x22c: {  	v6 =	vld [tilespmem:s2+$0x1A880];
	[tilespmem:s16+$0x50] =	vst v5;
	v5 =	vmul.f32 v7, v14  }
0x22d: {  	v7 =	vld [tilespmem:s2+$0x1A900];
	[tilespmem:s16+$0x60] =	vst v4;
	v4 =	vmul.f32 v8, v15  }
0x22e: {  	v8 =	vld.idx.msk [tilespmem:v3+s3+$0x0], $0xffff;
	[tilespmem:s16+$0x70] =	vst v5;
	v11 =	vmul.f32 v9, v11  }
0x22f: {  	v5 =	vld.idx.msk [tilespmem:v2+s3+$0x0], $0xffff;
	[tilespmem:s16+$0x80] =	vst v4;
	v10 =	vmul.f32 v10, v12  }
0x230: {  	v4 =	vld [tilespmem:s2+$0x1D880];
	[tilespmem:s16+$0x90] =	vst v11  }
0x231: {  	v9 =	vld [tilespmem:s2+$0x1D900];
	[tilespmem:s16+$0xA0] =	vst v10;
	v3 =	vmov v6  }
0x232: {  	v6 =	vld [tilespmem:s2+$0x1D980];
	v2 =	vmov v7  }
0x233: {  	s23 =	sadd.s32 $0x190, s23;
	v7 =	vld.idx.msk [tilespmem:v16+s3+$0x0], $0xffff  }
0x234: {  	v10 =	vld [tilespmem:s23+$0xB0];
	(erf) = vrcp.f32 v8  }
0x235: {  	v8 =	vld [tilespmem:s23+$0xFFFFFF40];
	(erf) = vrcp.f32 v5  }
0x236: {  	v5 =	vld [tilespmem:s23+$0xFFFFFF50]  }
0x237: {  	v11 =	vld [tilespmem:s23+$0xFFFFFF60]  }
0x238: {  	v12 =	vld [tilespmem:s23+$0xFFFFFF70]  }
0x239: {  	v13 =	vld [tilespmem:s23+$0xFFFFFF80]  }
0x23a: {  	v14 =	vld [tilespmem:s23+$0xFFFFFF90]  }
0x23b: {  	v15 =	vld [tilespmem:s23+$0xFFFFFFA0]  }
0x23c: {  	v10 =	vld.idx.msk [tilespmem:v10+s3+$0x0], $0xffff  }
0x23d: {  	v16 =	vld [tilespmem:s23+$0xFFFFFFB0];
	v17 =	vpop (erf)  }
0x23e: {  	v18 =	vld [tilespmem:s23+$0xFFFFFFD0];
	v17 =	vmul.f32 v17, v1;
	v19 =	vpop (erf);
	v1 =	vmov v4  }
0x23f: {  	v4 =	vld [tilespmem:s23+$0xFFFFFFE0];
	v19 =	vmul.f32 v19, v0;
	v0 =	vmov v9  }
0x240: {  	v9 =	vld [tilespmem:s23+$0xFFFFFFF0];
	[tilespmem:s14+$0x1D880] =	vst v17  }
0x241: {  	v17 =	vld [tilespmem:s23+$0x0];
	(erf) = vrcp.f32 v7;
	[tilespmem:s14+$0x1D900] =	vst v19;
	s14 =	smov.u32 s2  }
0x242: {  	v7 =	vld [tilespmem:s23+$0x10];
	(erf) = vrcp.f32 v10  }
0x243: {  	v10 =	vld [tilespmem:s23+$0x20]  }
0x244: {  	v19 =	vld [tilespmem:s23+$0x30]  }
0x245: {  	v20 =	vld [tilespmem:s23+$0x50]  }
0x246: {  	s16 =	sadd.s32 $0x190, s16;
	v21 =	vld [tilespmem:s23+$0x60]  }
0x247: {  	v22 =	vld [tilespmem:s16+$0xB0]  }
0x248: {  	v23 =	vld [tilespmem:s23+$0x70]  }
0x249: {  	v24 =	vld [tilespmem:s23+$0x80]  }
0x24a: {  	v25 =	vld [tilespmem:s23+$0x90];
	v26 =	vpop (erf)  }
0x24b: {  	v27 =	vld [tilespmem:s23+$0xA0];
	v6 =	vmul.f32 v26, v6;
	v26 =	vpop (erf)  }
0x24c: {  	v8 =	vld.idx.msk [tilespmem:v8+s3+$0x0], $0xffff;
	v22 =	vmul.f32 v26, v22  }
0x24d: {  	v5 =	vld.idx.msk [tilespmem:v5+s3+$0x0], $0xffff;
	[tilespmem:s14+$0x1D980] =	vst v6  }
0x24e: {  	v6 =	vld.idx.msk [tilespmem:v11+s3+$0x0], $0xffff;
	[tilespmem:s16+$0xB0] =	vst v22  }
0x24f: {  	v11 =	vld.idx.msk [tilespmem:v12+s3+$0x0], $0xffff  }
0x250: {  	v12 =	vld.idx.msk [tilespmem:v13+s3+$0x0], $0xffff  }
0x251: {  	v13 =	vld.idx.msk [tilespmem:v14+s3+$0x0], $0xffff  }
0x252: {  	v14 =	vld.idx.msk [tilespmem:v15+s3+$0x0], $0xffff;
	(erf) = vrcp.f32 v8  }
0x253: {  	v8 =	vld.idx.msk [tilespmem:v16+s3+$0x0], $0xffff;
	(erf) = vrcp.f32 v5  }
0x254: {  	v5 =	vld.idx.msk [tilespmem:v18+s3+$0x0], $0xffff;
	(erf) = vrcp.f32 v6  }
0x255: {  	v4 =	vld.idx.msk [tilespmem:v4+s3+$0x0], $0xffff;
	(erf) = vrcp.f32 v11  }
0x256: {  	v6 =	vld.idx.msk [tilespmem:v9+s3+$0x0], $0xffff;
	(erf) = vrcp.f32 v12  }
0x257: {  	v9 =	vld.idx.msk [tilespmem:v17+s3+$0x0], $0xffff;
	(erf) = vrcp.f32 v13  }
0x258: {  	v7 =	vld.idx.msk [tilespmem:v7+s3+$0x0], $0xffff;
	(erf) = vrcp.f32 v14  }
0x259: {  	v10 =	vld.idx.msk [tilespmem:v10+s3+$0x0], $0xffff;
	(erf) = vrcp.f32 v8  }
0x25a: {  	v8 =	vld.idx.msk [tilespmem:v19+s3+$0x0], $0xffff;
	(erf) = vrcp.f32 v5  }
0x25b: {  	v5 =	vld.idx.msk [tilespmem:v20+s3+$0x0], $0xffff;
	v11 =	vpop (erf);
	(erf) = vrcp.f32 v4  }
0x25c: {  	v4 =	vld.idx.msk [tilespmem:v21+s3+$0x0], $0xffff;
	v12 =	vpop (erf);
	(erf) = vrcp.f32 v6  }
0x25d: {  	v6 =	vld.idx.msk [tilespmem:v23+s3+$0x0], $0xffff;
	v13 =	vpop (erf);
	(erf) = vrcp.f32 v9  }
0x25e: {  	v9 =	vld.idx.msk [tilespmem:v24+s3+$0x0], $0xffff;
	v14 =	vpop (erf);
	(erf) = vrcp.f32 v7  }
0x25f: {  	v7 =	vld.idx.msk [tilespmem:v25+s3+$0x0], $0xffff;
	v15 =	vpop (erf);
	(erf) = vrcp.f32 v10  }
0x260: {  	v10 =	vld.idx.msk [tilespmem:v27+s3+$0x0], $0xffff;
	v16 =	vpop (erf);
	(erf) = vrcp.f32 v8  }
0x261: {  	v8 =	vld [tilespmem:s16+$0xFFFFFF40];
	v17 =	vpop (erf);
	(erf) = vrcp.f32 v5  }
0x262: {  	v5 =	vld [tilespmem:s16+$0xFFFFFF50];
	v18 =	vpop (erf);
	(erf) = vrcp.f32 v4  }
0x263: {  	v4 =	vld [tilespmem:s16+$0xFFFFFF60];
	v19 =	vpop (erf);
	(erf) = vrcp.f32 v6  }
0x264: {  	v6 =	vld [tilespmem:s16+$0xFFFFFF70];
	v20 =	vpop (erf);
	(erf) = vrcp.f32 v9  }
0x265: {  	v9 =	vld [tilespmem:s16+$0xFFFFFF80];
	v21 =	vpop (erf);
	(erf) = vrcp.f32 v7  }
0x266: {  	v7 =	vmul.f32 v11, v8;
	v8 =	vld [tilespmem:s16+$0xFFFFFF90];
	v22 =	vpop (erf);
	(erf) = vrcp.f32 v10  }
0x267: {  	v25 =	vmul.f32 v12, v5;
	v10 =	vld [tilespmem:s16+$0xFFFFFFA0];
	v23 =	vpop (erf)  }
0x268: {  	[tilespmem:s16+$0xFFFFFF40] =	vst v7;
	v7 =	vmul.f32 v13, v4;
	v11 =	vld [tilespmem:s16+$0xFFFFFFB0];
	v24 =	vpop (erf)  }
0x269: {  	[tilespmem:s16+$0xFFFFFF50] =	vst v25;
	v25 =	vmul.f32 v14, v6;
	v12 =	vld [tilespmem:s16+$0xFFFFFFD0];
	v4 =	vpop (erf)  }
0x26a: {  	[tilespmem:s16+$0xFFFFFF60] =	vst v7;
	v26 =	vmul.f32 v15, v9;
	v13 =	vld [tilespmem:s16+$0xFFFFFFE0];
	v5 =	vpop (erf)  }
0x26b: {  	[tilespmem:s16+$0xFFFFFF70] =	vst v25;
	v25 =	vmul.f32 v16, v8;
	v14 =	vld [tilespmem:s16+$0xFFFFFFF0];
	v6 =	vpop (erf)  }
0x26c: {  	[tilespmem:s16+$0xFFFFFF80] =	vst v26;
	v17 =	vmul.f32 v17, v10;
	v15 =	vld [tilespmem:s16+$0x0];
	v7 =	vpop (erf)  }
0x26d: {  	[tilespmem:s16+$0xFFFFFF90] =	vst v25;
	v25 =	vmul.f32 v18, v11;
	v16 =	vld [tilespmem:s16+$0x10];
	v8 =	vpop (erf)  }
0x26e: {  	[tilespmem:s16+$0xFFFFFFA0] =	vst v17;
	v12 =	vmul.f32 v19, v12;
	v18 =	vld [tilespmem:s16+$0x20];
	v9 =	vpop (erf)  }
.Ltmp5:
0x26f: {  	[tilespmem:s16+$0xFFFFFFB0] =	vst v25;
	v13 =	vmul.f32 v20, v13;
	v11 =	vld [tilespmem:s16+$0x30];
	v10 =	vpop (erf);
	(pc) =	sbr.rel @p0 .LBB2_13-.Ltmp5, $4  }
0x270: {  	[tilespmem:s16+$0xFFFFFFD0] =	vst v12;
	v14 =	vmul.f32 v21, v14;
	v12 =	vld [tilespmem:s16+$0x50]  }
0x271: {  	[tilespmem:s16+$0xFFFFFFE0] =	vst v13;
	v15 =	vmul.f32 v22, v15;
	v13 =	vld [tilespmem:s16+$0x60]  }
0x272: {  	[tilespmem:s16+$0xFFFFFFF0] =	vst v14;
	v17 =	vmul.f32 v23, v16;
	v14 =	vld [tilespmem:s16+$0x70]  }
0x273: {  	[tilespmem:s16+$0x0] =	vst v15;
	v16 =	vmul.f32 v24, v18;
	v15 =	vld [tilespmem:s16+$0x80]  }
0x274: {  	_ =	sdelay $0x3  }
0x275: {  	v3 =	vld.idx.msk [tilespmem:v3+s3+$0x0], $0xffff  }
0x276: {  	v2 =	vld.idx.msk [tilespmem:v2+s3+$0x0], $0xffff;
	_ =	sdelay $0x3  }
0x277: {  	(erf) = vrcp.f32 v3  }
0x278: {  	v3 =	vld [tilespmem:s16+$0x90];
	(erf) = vrcp.f32 v2  }
0x279: {  	v2 =	vmul.f32 v4, v11  }
0x27a: {  	[tilespmem:s16+$0x10] =	vst v17;
	v4 =	vmul.f32 v5, v12  }
0x27b: {  	v5 =	vld [tilespmem:s16+$0xA0];
	[tilespmem:s16+$0x30] =	vst v2  }
0x27c: {  	v2 =	vmul.f32 v6, v13;
	[tilespmem:s16+$0x50] =	vst v4;
	v4 =	vmul.f32 v7, v14  }
0x27d: {  	[tilespmem:s16+$0x20] =	vst v16;
	v3 =	vmul.f32 v9, v3  }
0x27e: {  	[tilespmem:s16+$0x60] =	vst v2;
	v2 =	vmul.f32 v8, v15  }
0x27f: {  	[tilespmem:s16+$0x70] =	vst v4  }
0x280: {  	[tilespmem:s16+$0x80] =	vst v2;
	v2 =	vmul.f32 v10, v5;
	v4 =	vpop (erf)  }
0x281: {  	[tilespmem:s16+$0x90] =	vst v3;
	v1 =	vmul.f32 v4, v1;
	v3 =	vpop (erf)  }
0x282: {  	s0 =	sadd.s32 s12, s18;
	[tilespmem:s16+$0xA0] =	vst v2;
	v0 =	vmul.f32 v3, v0  }
0x283: {  	s0 =	sshrl.u32 s0, $0x3;
	[tilespmem:s14+$0x1D880] =	vst v1  }
0x284: {  	s0 =	sadd.s32 s9, s0;
	[tilespmem:s14+$0x1D900] =	vst v0  }
0x285: {  	[hbm4b:s0+s3] =	stream.linear.scatter [tilespmem:s7], [sflag:$0x3], $0xFA0, $0x38;
	[tilespmem:$0x1E800] =	vst v63  }
0x286: {  	_ =	swait.ge [sflag:s26], $0xFA0  }
0x287: {  	[sflag:s26] =	ssyncset.done $0x0  }
0x288: {  	[sflag:s26] =	ssyncadd.s32 $0xFFFFF060  }
0x289: {  	_ =	swait.ge [sflag:s29], $0xFA0  }
0x28a: {  	[sflag:s29] =	ssyncset.done $0x0  }
0x28b: {  	[sflag:s29] =	ssyncadd.s32 $0xFFFFF060  }
0x28c: {  	s16 =	sadd.s32 s12, s20;
	_ =	swait.ge [sflag:s8], $0xFA0  }
0x28d: {  	s14 =	sshrl.u32 s16, $0x3;
	[sflag:s8] =	ssyncset.done $0x0  }
0x28e: {  	s16 =	simm.s32 $0x0;
	s0 =	sadd.s32 s4, s14;
	[sflag:s8] =	ssyncadd.s32 $0xFFFFF060  }
0x28f: {  	[tilespmem:s30], [sflag:$0x1] =	stream.linear.gather [hbm4b:s0+s3], $0xFA0, $0x38;
	[tilespmem:$0x1E800] =	vst v63  }
0x290: {  	s1 =	simm.s32 $0x19800;
	s23 =	sadd.s32 s5, s14;
	s15 =	sand.u32 $0xFF0, s16  }
0x291: {  	[tilespmem:s1], [sflag:$0x2] =	stream.linear.gather [hbm4b:s23+s3], $0xFA0, $0x38;
	[tilespmem:$0x1E800] =	vst v63  }
0x292: {  	v4 =	vld [tilespmem:s15+$0x18980]  }
0x293: {  	v3 =	vld [tilespmem:s15+$0x18880]  }
0x294: {  	v2 =	vld [tilespmem:s15+$0x18900]  }
0x295: {  	v1 =	vld [tilespmem:s15+$0x1B880]  }
0x296: {  	s10 =	simm.s32 $0x188C0;
	v5 =	vld [tilespmem:s15+$0x1B980]  }
0x297: {  	v6 =	vld [tilespmem:s10+$0xB0]  }
0x298: {  	v7 =	vld [tilespmem:s10+$0xFFFFFF40]  }
0x299: {  	v8 =	vld [tilespmem:s10+$0xFFFFFF50]  }
0x29a: {  	v9 =	vld [tilespmem:s10+$0xFFFFFF60]  }
0x29b: {  	v10 =	vld [tilespmem:s10+$0xFFFFFF70]  }
0x29c: {  	v11 =	vld [tilespmem:s10+$0xFFFFFF80]  }
0x29d: {  	v12 =	vld [tilespmem:s10+$0xFFFFFF90]  }
0x29e: {  	v13 =	vld [tilespmem:s10+$0xFFFFFFA0]  }
0x29f: {  	v14 =	vld [tilespmem:s10+$0xFFFFFFB0]  }
0x2a0: {  	v15 =	vld [tilespmem:s10+$0xFFFFFFD0]  }
0x2a1: {  	v16 =	vld [tilespmem:s10+$0xFFFFFFE0]  }
0x2a2: {  	v17 =	vld [tilespmem:s10+$0xFFFFFFF0]  }
0x2a3: {  	v18 =	vld [tilespmem:s10+$0x0]  }
0x2a4: {  	v19 =	vld [tilespmem:s10+$0x10]  }
0x2a5: {  	v20 =	vld [tilespmem:s10+$0x20]  }
0x2a6: {  	v21 =	vld [tilespmem:s10+$0x30]  }
0x2a7: {  	v22 =	vld [tilespmem:s10+$0x50]  }
0x2a8: {  	s23 =	simm.s32 $0x1B8C0;
	v23 =	vld [tilespmem:s10+$0x60]  }
0x2a9: {  	v24 =	vld [tilespmem:s23+$0xB0]  }
0x2aa: {  	v25 =	vld [tilespmem:s10+$0x70]  }
0x2ab: {  	v26 =	vld [tilespmem:s10+$0x80]  }
0x2ac: {  	v27 =	vld [tilespmem:s10+$0x90]  }
0x2ad: {  	v28 =	vld [tilespmem:s10+$0xA0]  }
0x2ae: {  	v4 =	vld.idx.msk [tilespmem:v4+s3+$0x0], $0xffff  }
0x2af: {  	v6 =	vld.idx.msk [tilespmem:v6+s3+$0x0], $0xffff  }
0x2b0: {  	v7 =	vld.idx.msk [tilespmem:v7+s3+$0x0], $0xffff  }
0x2b1: {  	v8 =	vld.idx.msk [tilespmem:v8+s3+$0x0], $0xffff  }
0x2b2: {  	v9 =	vld.idx.msk [tilespmem:v9+s3+$0x0], $0xffff  }
0x2b3: {  	v10 =	vld.idx.msk [tilespmem:v10+s3+$0x0], $0xffff  }
0x2b4: {  	v11 =	vld.idx.msk [tilespmem:v11+s3+$0x0], $0xffff  }
0x2b5: {  	v12 =	vld.idx.msk [tilespmem:v12+s3+$0x0], $0xffff  }
0x2b6: {  	v13 =	vld.idx.msk [tilespmem:v13+s3+$0x0], $0xffff  }
0x2b7: {  	v14 =	vld.idx.msk [tilespmem:v14+s3+$0x0], $0xffff  }
0x2b8: {  	(erf) = vrcp.f32 v4;
	v4 =	vld.idx.msk [tilespmem:v15+s3+$0x0], $0xffff  }
0x2b9: {  	(erf) = vrcp.f32 v6;
	v6 =	vld.idx.msk [tilespmem:v16+s3+$0x0], $0xffff  }
0x2ba: {  	(erf) = vrcp.f32 v7;
	v7 =	vld.idx.msk [tilespmem:v17+s3+$0x0], $0xffff  }
0x2bb: {  	(erf) = vrcp.f32 v8;
	v8 =	vld.idx.msk [tilespmem:v18+s3+$0x0], $0xffff  }
0x2bc: {  	(erf) = vrcp.f32 v9;
	v9 =	vld.idx.msk [tilespmem:v19+s3+$0x0], $0xffff  }
0x2bd: {  	(erf) = vrcp.f32 v10;
	v10 =	vld.idx.msk [tilespmem:v20+s3+$0x0], $0xffff  }
0x2be: {  	(erf) = vrcp.f32 v11;
	v11 =	vld.idx.msk [tilespmem:v21+s3+$0x0], $0xffff  }
0x2bf: {  	(erf) = vrcp.f32 v12;
	v12 =	vld.idx.msk [tilespmem:v22+s3+$0x0], $0xffff  }
0x2c0: {  	(erf) = vrcp.f32 v13;
	v13 =	vld.idx.msk [tilespmem:v23+s3+$0x0], $0xffff  }
0x2c1: {  	v15 =	vpop (erf);
	(erf) = vrcp.f32 v14;
	v14 =	vld.idx.msk [tilespmem:v25+s3+$0x0], $0xffff  }
0x2c2: {  	v16 =	vpop (erf);
	(erf) = vrcp.f32 v4;
	v4 =	vld.idx.msk [tilespmem:v26+s3+$0x0], $0xffff  }
0x2c3: {  	v17 =	vpop (erf);
	(erf) = vrcp.f32 v6;
	v6 =	vld.idx.msk [tilespmem:v27+s3+$0x0], $0xffff  }
0x2c4: {  	v18 =	vpop (erf);
	(erf) = vrcp.f32 v7;
	v7 =	vld.idx.msk [tilespmem:v28+s3+$0x0], $0xffff  }
0x2c5: {  	v19 =	vpop (erf);
	(erf) = vrcp.f32 v8;
	v8 =	vld [tilespmem:s23+$0xFFFFFF40]  }
0x2c6: {  	v5 =	vmul.f32 v15, v5;
	v60 =	vpop (erf);
	(erf) = vrcp.f32 v9;
	v9 =	vld [tilespmem:s23+$0xFFFFFF50]  }
0x2c7: {  	v16 =	vmul.f32 v16, v24;
	v61 =	vpop (erf);
	(erf) = vrcp.f32 v10;
	v10 =	vld [tilespmem:s23+$0xFFFFFF60]  }
0x2c8: {  	v15 =	vpop (erf);
	(erf) = vrcp.f32 v11;
	v11 =	vld [tilespmem:s23+$0xFFFFFF70]  }
0x2c9: {  	v62 =	vpop (erf);
	(erf) = vrcp.f32 v12;
	v12 =	vld [tilespmem:s23+$0xFFFFFF80]  }
0x2ca: {  	[tilespmem:s15+$0x1B980] =	vst v5;
	v5 =	vpop (erf);
	(erf) = vrcp.f32 v13;
	v8 =	vmul.f32 v17, v8;
	v13 =	vld [tilespmem:s23+$0xFFFFFF90]  }
0x2cb: {  	[tilespmem:s23+$0xB0] =	vst v16;
	v16 =	vpop (erf);
	(erf) = vrcp.f32 v14;
	v9 =	vmul.f32 v18, v9;
	v14 =	vld [tilespmem:s23+$0xFFFFFFA0]  }
0x2cc: {  	v17 =	vpop (erf);
	(erf) = vrcp.f32 v4;
	[tilespmem:s23+$0xFFFFFF40] =	vst v8;
	v4 =	vmul.f32 v19, v10;
	v8 =	vld [tilespmem:s23+$0xFFFFFFB0]  }
0x2cd: {  	v10 =	vpop (erf);
	(erf) = vrcp.f32 v6;
	[tilespmem:s23+$0xFFFFFF50] =	vst v9;
	v6 =	vmul.f32 v60, v11;
	v9 =	vld [tilespmem:s23+$0xFFFFFFD0]  }
0x2ce: {  	v18 =	vpop (erf);
	(erf) = vrcp.f32 v7;
	[tilespmem:s23+$0xFFFFFF60] =	vst v4;
	v4 =	vmul.f32 v61, v12;
	v7 =	vld [tilespmem:s23+$0xFFFFFFE0]  }
0x2cf: {  	v12 =	vld [tilespmem:s23+$0xFFFFFFF0]  }
0x2d0: {  	v0 =	vld [tilespmem:s15+$0x1B900];
	v19 =	vpop (erf);
	[tilespmem:s23+$0xFFFFFF70] =	vst v6;
	v6 =	vmul.f32 v15, v13  }
0x2d1: {  	v13 =	vld [tilespmem:s23+$0x0];
	v15 =	vpop (erf);
	[tilespmem:s23+$0xFFFFFF80] =	vst v4;
	v11 =	vmul.f32 v62, v14  }
0x2d2: {  	v63 =	vld [tilespmem:s23+$0x10];
	[tilespmem:s23+$0xFFFFFF90] =	vst v6;
	v8 =	vmul.f32 v5, v8;
	v4 =	vpop (erf)  }
0x2d3: {  	[tilespmem:s23+$0xFFFFFFA0] =	vst v11;
	v9 =	vmul.f32 v16, v9;
	v16 =	vld [tilespmem:s23+$0x20];
	v5 =	vpop (erf)  }
0x2d4: {  	v11 =	vld [tilespmem:s23+$0x30];
	[tilespmem:s23+$0xFFFFFFB0] =	vst v8;
	v14 =	vmul.f32 v17, v7;
	v10 =	vmul.f32 v10, v12;
	v6 =	vpop (erf)  }
0x2d5: {  	v12 =	vld [tilespmem:s23+$0x50];
	[tilespmem:s23+$0xFFFFFFD0] =	vst v9;
	v7 =	vpop (erf)  }
0x2d6: {  	v18 =	vmul.f32 v18, v13;
	v13 =	vld [tilespmem:s23+$0x60];
	[tilespmem:s23+$0xFFFFFFE0] =	vst v14;
	v8 =	vpop (erf)  }
0x2d7: {  	v17 =	vmul.f32 v19, v63;
	[tilespmem:s23+$0xFFFFFFF0] =	vst v10;
	v14 =	vld [tilespmem:s23+$0x70];
	v9 =	vpop (erf)  }
0x2d8: {  	[tilespmem:s23+$0x0] =	vst v18;
	v16 =	vmul.f32 v15, v16;
	v15 =	vld [tilespmem:s23+$0x80];
	v10 =	vpop (erf)  }
.LBB2_15:
0x2d9: {  	s16 =	sadd.s32 $0x190, s16;
	[tilespmem:s23+$0x10] =	vst v17;
	v4 =	vmul.f32 v4, v11;
	v11 =	vld [tilespmem:s23+$0x90]  }
0x2da: {  	s2 =	sand.u32 $0xFF0, s16;
	p0 =	slt.u32 s16, $0xE10;
	[tilespmem:s23+$0x20] =	vst v16;
	v5 =	vmul.f32 v5, v12;
	v12 =	vld [tilespmem:s23+$0xA0]  }
0x2db: {  	v16 =	vld [tilespmem:s2+$0x18980];
	[tilespmem:s23+$0x30] =	vst v4;
	v4 =	vmul.f32 v6, v13  }
0x2dc: {  	v6 =	vld [tilespmem:s2+$0x18880];
	[tilespmem:s23+$0x50] =	vst v5;
	v5 =	vmul.f32 v7, v14  }
0x2dd: {  	v7 =	vld [tilespmem:s2+$0x18900];
	[tilespmem:s23+$0x60] =	vst v4;
	v4 =	vmul.f32 v8, v15  }
0x2de: {  	v8 =	vld.idx.msk [tilespmem:v3+s3+$0x0], $0xffff;
	[tilespmem:s23+$0x70] =	vst v5;
	v11 =	vmul.f32 v9, v11  }
0x2df: {  	v5 =	vld.idx.msk [tilespmem:v2+s3+$0x0], $0xffff;
	[tilespmem:s23+$0x80] =	vst v4;
	v10 =	vmul.f32 v10, v12  }
0x2e0: {  	v4 =	vld [tilespmem:s2+$0x1B880];
	[tilespmem:s23+$0x90] =	vst v11  }
0x2e1: {  	v9 =	vld [tilespmem:s2+$0x1B900];
	[tilespmem:s23+$0xA0] =	vst v10;
	v3 =	vmov v6  }
0x2e2: {  	v6 =	vld [tilespmem:s2+$0x1B980];
	v2 =	vmov v7  }
0x2e3: {  	s10 =	sadd.s32 $0x190, s10;
	v7 =	vld.idx.msk [tilespmem:v16+s3+$0x0], $0xffff  }
0x2e4: {  	v10 =	vld [tilespmem:s10+$0xB0];
	(erf) = vrcp.f32 v8  }
0x2e5: {  	v8 =	vld [tilespmem:s10+$0xFFFFFF40];
	(erf) = vrcp.f32 v5  }
0x2e6: {  	v5 =	vld [tilespmem:s10+$0xFFFFFF50]  }
0x2e7: {  	v11 =	vld [tilespmem:s10+$0xFFFFFF60]  }
0x2e8: {  	v12 =	vld [tilespmem:s10+$0xFFFFFF70]  }
0x2e9: {  	v13 =	vld [tilespmem:s10+$0xFFFFFF80]  }
0x2ea: {  	v14 =	vld [tilespmem:s10+$0xFFFFFF90]  }
0x2eb: {  	v15 =	vld [tilespmem:s10+$0xFFFFFFA0]  }
0x2ec: {  	v10 =	vld.idx.msk [tilespmem:v10+s3+$0x0], $0xffff  }
0x2ed: {  	v16 =	vld [tilespmem:s10+$0xFFFFFFB0];
	v17 =	vpop (erf)  }
0x2ee: {  	v18 =	vld [tilespmem:s10+$0xFFFFFFD0];
	v17 =	vmul.f32 v17, v1;
	v19 =	vpop (erf);
	v1 =	vmov v4  }
0x2ef: {  	v4 =	vld [tilespmem:s10+$0xFFFFFFE0];
	v19 =	vmul.f32 v19, v0;
	v0 =	vmov v9  }
0x2f0: {  	v9 =	vld [tilespmem:s10+$0xFFFFFFF0];
	[tilespmem:s15+$0x1B880] =	vst v17  }
0x2f1: {  	v17 =	vld [tilespmem:s10+$0x0];
	(erf) = vrcp.f32 v7;
	[tilespmem:s15+$0x1B900] =	vst v19;
	s15 =	smov.u32 s2  }
0x2f2: {  	v7 =	vld [tilespmem:s10+$0x10];
	(erf) = vrcp.f32 v10  }
0x2f3: {  	v10 =	vld [tilespmem:s10+$0x20]  }
0x2f4: {  	v19 =	vld [tilespmem:s10+$0x30]  }
0x2f5: {  	v20 =	vld [tilespmem:s10+$0x50]  }
0x2f6: {  	s23 =	sadd.s32 $0x190, s23;
	v21 =	vld [tilespmem:s10+$0x60]  }
0x2f7: {  	v22 =	vld [tilespmem:s23+$0xB0]  }
0x2f8: {  	v23 =	vld [tilespmem:s10+$0x70]  }
0x2f9: {  	v24 =	vld [tilespmem:s10+$0x80]  }
0x2fa: {  	v25 =	vld [tilespmem:s10+$0x90];
	v26 =	vpop (erf)  }
0x2fb: {  	v27 =	vld [tilespmem:s10+$0xA0];
	v6 =	vmul.f32 v26, v6;
	v26 =	vpop (erf)  }
0x2fc: {  	v8 =	vld.idx.msk [tilespmem:v8+s3+$0x0], $0xffff;
	v22 =	vmul.f32 v26, v22  }
0x2fd: {  	v5 =	vld.idx.msk [tilespmem:v5+s3+$0x0], $0xffff;
	[tilespmem:s15+$0x1B980] =	vst v6  }
0x2fe: {  	v6 =	vld.idx.msk [tilespmem:v11+s3+$0x0], $0xffff;
	[tilespmem:s23+$0xB0] =	vst v22  }
0x2ff: {  	v11 =	vld.idx.msk [tilespmem:v12+s3+$0x0], $0xffff  }
0x300: {  	v12 =	vld.idx.msk [tilespmem:v13+s3+$0x0], $0xffff  }
0x301: {  	v13 =	vld.idx.msk [tilespmem:v14+s3+$0x0], $0xffff  }
0x302: {  	v14 =	vld.idx.msk [tilespmem:v15+s3+$0x0], $0xffff;
	(erf) = vrcp.f32 v8  }
0x303: {  	v8 =	vld.idx.msk [tilespmem:v16+s3+$0x0], $0xffff;
	(erf) = vrcp.f32 v5  }
0x304: {  	v5 =	vld.idx.msk [tilespmem:v18+s3+$0x0], $0xffff;
	(erf) = vrcp.f32 v6  }
0x305: {  	v4 =	vld.idx.msk [tilespmem:v4+s3+$0x0], $0xffff;
	(erf) = vrcp.f32 v11  }
0x306: {  	v6 =	vld.idx.msk [tilespmem:v9+s3+$0x0], $0xffff;
	(erf) = vrcp.f32 v12  }
0x307: {  	v9 =	vld.idx.msk [tilespmem:v17+s3+$0x0], $0xffff;
	(erf) = vrcp.f32 v13  }
0x308: {  	v7 =	vld.idx.msk [tilespmem:v7+s3+$0x0], $0xffff;
	(erf) = vrcp.f32 v14  }
0x309: {  	v10 =	vld.idx.msk [tilespmem:v10+s3+$0x0], $0xffff;
	(erf) = vrcp.f32 v8  }
0x30a: {  	v8 =	vld.idx.msk [tilespmem:v19+s3+$0x0], $0xffff;
	(erf) = vrcp.f32 v5  }
0x30b: {  	v5 =	vld.idx.msk [tilespmem:v20+s3+$0x0], $0xffff;
	v11 =	vpop (erf);
	(erf) = vrcp.f32 v4  }
0x30c: {  	v4 =	vld.idx.msk [tilespmem:v21+s3+$0x0], $0xffff;
	v12 =	vpop (erf);
	(erf) = vrcp.f32 v6  }
0x30d: {  	v6 =	vld.idx.msk [tilespmem:v23+s3+$0x0], $0xffff;
	v13 =	vpop (erf);
	(erf) = vrcp.f32 v9  }
0x30e: {  	v9 =	vld.idx.msk [tilespmem:v24+s3+$0x0], $0xffff;
	v14 =	vpop (erf);
	(erf) = vrcp.f32 v7  }
0x30f: {  	v7 =	vld.idx.msk [tilespmem:v25+s3+$0x0], $0xffff;
	v15 =	vpop (erf);
	(erf) = vrcp.f32 v10  }
0x310: {  	v10 =	vld.idx.msk [tilespmem:v27+s3+$0x0], $0xffff;
	v16 =	vpop (erf);
	(erf) = vrcp.f32 v8  }
0x311: {  	v8 =	vld [tilespmem:s23+$0xFFFFFF40];
	v17 =	vpop (erf);
	(erf) = vrcp.f32 v5  }
0x312: {  	v5 =	vld [tilespmem:s23+$0xFFFFFF50];
	v18 =	vpop (erf);
	(erf) = vrcp.f32 v4  }
0x313: {  	v4 =	vld [tilespmem:s23+$0xFFFFFF60];
	v19 =	vpop (erf);
	(erf) = vrcp.f32 v6  }
0x314: {  	v6 =	vld [tilespmem:s23+$0xFFFFFF70];
	v20 =	vpop (erf);
	(erf) = vrcp.f32 v9  }
0x315: {  	v9 =	vld [tilespmem:s23+$0xFFFFFF80];
	v21 =	vpop (erf);
	(erf) = vrcp.f32 v7  }
0x316: {  	v7 =	vmul.f32 v11, v8;
	v8 =	vld [tilespmem:s23+$0xFFFFFF90];
	v22 =	vpop (erf);
	(erf) = vrcp.f32 v10  }
0x317: {  	v25 =	vmul.f32 v12, v5;
	v10 =	vld [tilespmem:s23+$0xFFFFFFA0];
	v23 =	vpop (erf)  }
0x318: {  	[tilespmem:s23+$0xFFFFFF40] =	vst v7;
	v7 =	vmul.f32 v13, v4;
	v11 =	vld [tilespmem:s23+$0xFFFFFFB0];
	v24 =	vpop (erf)  }
0x319: {  	[tilespmem:s23+$0xFFFFFF50] =	vst v25;
	v25 =	vmul.f32 v14, v6;
	v12 =	vld [tilespmem:s23+$0xFFFFFFD0];
	v4 =	vpop (erf)  }
0x31a: {  	[tilespmem:s23+$0xFFFFFF60] =	vst v7;
	v26 =	vmul.f32 v15, v9;
	v13 =	vld [tilespmem:s23+$0xFFFFFFE0];
	v5 =	vpop (erf)  }
0x31b: {  	[tilespmem:s23+$0xFFFFFF70] =	vst v25;
	v25 =	vmul.f32 v16, v8;
	v14 =	vld [tilespmem:s23+$0xFFFFFFF0];
	v6 =	vpop (erf)  }
0x31c: {  	[tilespmem:s23+$0xFFFFFF80] =	vst v26;
	v17 =	vmul.f32 v17, v10;
	v15 =	vld [tilespmem:s23+$0x0];
	v7 =	vpop (erf)  }
0x31d: {  	[tilespmem:s23+$0xFFFFFF90] =	vst v25;
	v25 =	vmul.f32 v18, v11;
	v16 =	vld [tilespmem:s23+$0x10];
	v8 =	vpop (erf)  }
0x31e: {  	[tilespmem:s23+$0xFFFFFFA0] =	vst v17;
	v12 =	vmul.f32 v19, v12;
	v18 =	vld [tilespmem:s23+$0x20];
	v9 =	vpop (erf)  }
.Ltmp6:
0x31f: {  	[tilespmem:s23+$0xFFFFFFB0] =	vst v25;
	v13 =	vmul.f32 v20, v13;
	v11 =	vld [tilespmem:s23+$0x30];
	v10 =	vpop (erf);
	(pc) =	sbr.rel @p0 .LBB2_15-.Ltmp6, $4  }
0x320: {  	[tilespmem:s23+$0xFFFFFFD0] =	vst v12;
	v14 =	vmul.f32 v21, v14;
	v12 =	vld [tilespmem:s23+$0x50]  }
0x321: {  	[tilespmem:s23+$0xFFFFFFE0] =	vst v13;
	v15 =	vmul.f32 v22, v15;
	v13 =	vld [tilespmem:s23+$0x60]  }
0x322: {  	[tilespmem:s23+$0xFFFFFFF0] =	vst v14;
	v17 =	vmul.f32 v23, v16;
	v14 =	vld [tilespmem:s23+$0x70]  }
0x323: {  	[tilespmem:s23+$0x0] =	vst v15;
	v16 =	vmul.f32 v24, v18;
	v15 =	vld [tilespmem:s23+$0x80]  }
0x324: {  	_ =	sdelay $0x3  }
0x325: {  	v3 =	vld.idx.msk [tilespmem:v3+s3+$0x0], $0xffff  }
0x326: {  	v2 =	vld.idx.msk [tilespmem:v2+s3+$0x0], $0xffff;
	_ =	sdelay $0x3  }
0x327: {  	(erf) = vrcp.f32 v3  }
0x328: {  	v3 =	vld [tilespmem:s23+$0x90];
	(erf) = vrcp.f32 v2  }
0x329: {  	v2 =	vmul.f32 v4, v11  }
0x32a: {  	[tilespmem:s23+$0x10] =	vst v17;
	v4 =	vmul.f32 v5, v12  }
0x32b: {  	v5 =	vld [tilespmem:s23+$0xA0];
	[tilespmem:s23+$0x30] =	vst v2  }
0x32c: {  	v2 =	vmul.f32 v6, v13;
	[tilespmem:s23+$0x50] =	vst v4;
	v4 =	vmul.f32 v7, v14  }
0x32d: {  	[tilespmem:s23+$0x20] =	vst v16;
	v3 =	vmul.f32 v9, v3  }
0x32e: {  	[tilespmem:s23+$0x60] =	vst v2;
	v2 =	vmul.f32 v8, v15  }
0x32f: {  	[tilespmem:s23+$0x70] =	vst v4  }
0x330: {  	[tilespmem:s23+$0x80] =	vst v2;
	v2 =	vmul.f32 v10, v5;
	v4 =	vpop (erf)  }
0x331: {  	[tilespmem:s23+$0x90] =	vst v3;
	v1 =	vmul.f32 v4, v1;
	v3 =	vpop (erf)  }
0x332: {  	[tilespmem:s23+$0xA0] =	vst v2;
	v0 =	vmul.f32 v3, v0  }
0x333: {  	[tilespmem:s15+$0x1B880] =	vst v1  }
0x334: {  	s0 =	sadd.s32 s9, s13;
	[tilespmem:s15+$0x1B900] =	vst v0  }
0x335: {  	[hbm4b:s0+s3] =	stream.linear.scatter [tilespmem:s28], [sflag:$0x4], $0xFA0, $0x38;
	[tilespmem:$0x1E800] =	vst v63  }
0x336: {  	_ =	swait.ge [sflag:s26], $0xFA0  }
0x337: {  	[sflag:s26] =	ssyncset.done $0x0  }
0x338: {  	[sflag:s26] =	ssyncadd.s32 $0xFFFFF060  }
0x339: {  	_ =	swait.ge [sflag:s29], $0xFA0  }
0x33a: {  	[sflag:s29] =	ssyncset.done $0x0  }
0x33b: {  	s1 =	simm.s32 $0x3;
	[sflag:s29] =	ssyncadd.s32 $0xFFFFF060  }
0x33c: {  	s15 =	sadd.s32 s12, s21;
	_ =	swait.ge [sflag:s1], $0xFA0  }
0x33d: {  	s13 =	sshrl.u32 s15, $0x3;
	[sflag:s1] =	ssyncset.done $0x0  }
0x33e: {  	s0 =	sadd.s32 s4, s13;
	[sflag:s1] =	ssyncadd.s32 $0xFFFFF060  }
0x33f: {  	[tilespmem:s7], [sflag:$0x1] =	stream.linear.gather [hbm4b:s0+s3], $0xFA0, $0x38;
	[tilespmem:$0x1E800] =	vst v63  }
0x340: {  	s10 =	simm.s32 $0x198C0;
	s23 =	simm.s32 $0x1A800;
	s16 =	sadd.s32 s5, s13  }
0x341: {  	[tilespmem:s23], [sflag:$0x2] =	stream.linear.gather [hbm4b:s16+s3], $0xFA0, $0x38;
	[tilespmem:$0x1E800] =	vst v63  }
0x342: {  	v6 =	vld [tilespmem:s10+$0xB0]  }
0x343: {  	v7 =	vld [tilespmem:s10+$0xFFFFFF40]  }
0x344: {  	v8 =	vld [tilespmem:s10+$0xFFFFFF50]  }
0x345: {  	v9 =	vld [tilespmem:s10+$0xFFFFFF60]  }
0x346: {  	v10 =	vld [tilespmem:s10+$0xFFFFFF70]  }
0x347: {  	v11 =	vld [tilespmem:s10+$0xFFFFFF80]  }
0x348: {  	v12 =	vld [tilespmem:s10+$0xFFFFFF90]  }
0x349: {  	v13 =	vld [tilespmem:s10+$0xFFFFFFA0]  }
0x34a: {  	v14 =	vld [tilespmem:s10+$0xFFFFFFB0]  }
0x34b: {  	v15 =	vld [tilespmem:s10+$0xFFFFFFD0]  }
0x34c: {  	v16 =	vld [tilespmem:s10+$0xFFFFFFE0]  }
0x34d: {  	v17 =	vld [tilespmem:s10+$0xFFFFFFF0]  }
0x34e: {  	v18 =	vld [tilespmem:s10+$0x0]  }
0x34f: {  	v19 =	vld [tilespmem:s10+$0x10]  }
0x350: {  	v20 =	vld [tilespmem:s10+$0x20]  }
0x351: {  	v21 =	vld [tilespmem:s10+$0x30]  }
0x352: {  	v22 =	vld [tilespmem:s10+$0x50]  }
0x353: {  	s23 =	simm.s32 $0x1C8C0;
	v23 =	vld [tilespmem:s10+$0x60]  }
0x354: {  	v24 =	vld [tilespmem:s23+$0xB0]  }
0x355: {  	v25 =	vld [tilespmem:s10+$0x70]  }
0x356: {  	v26 =	vld [tilespmem:s10+$0x80]  }
0x357: {  	v27 =	vld [tilespmem:s10+$0x90]  }
0x358: {  	s16 =	simm.s32 $0x0;
	v28 =	vld [tilespmem:s10+$0xA0]  }
0x359: {  	s15 =	sand.u32 $0xFF0, s16;
	v63 =	vld [tilespmem:s23+$0x10]  }
0x35a: {  	v4 =	vld [tilespmem:s15+$0x19980]  }
0x35b: {  	v3 =	vld [tilespmem:s15+$0x19880]  }
0x35c: {  	v2 =	vld [tilespmem:s15+$0x19900]  }
0x35d: {  	v5 =	vld [tilespmem:s15+$0x1C980]  }
0x35e: {  	v6 =	vld.idx.msk [tilespmem:v6+s3+$0x0], $0xffff  }
0x35f: {  	v7 =	vld.idx.msk [tilespmem:v7+s3+$0x0], $0xffff  }
0x360: {  	v8 =	vld.idx.msk [tilespmem:v8+s3+$0x0], $0xffff  }
0x361: {  	v9 =	vld.idx.msk [tilespmem:v9+s3+$0x0], $0xffff  }
0x362: {  	v10 =	vld.idx.msk [tilespmem:v10+s3+$0x0], $0xffff  }
0x363: {  	v4 =	vld.idx.msk [tilespmem:v4+s3+$0x0], $0xffff  }
0x364: {  	v11 =	vld.idx.msk [tilespmem:v11+s3+$0x0], $0xffff  }
0x365: {  	v12 =	vld.idx.msk [tilespmem:v12+s3+$0x0], $0xffff  }
0x366: {  	v13 =	vld.idx.msk [tilespmem:v13+s3+$0x0], $0xffff  }
0x367: {  	v14 =	vld.idx.msk [tilespmem:v14+s3+$0x0], $0xffff  }
0x368: {  	(erf) = vrcp.f32 v4;
	v4 =	vld.idx.msk [tilespmem:v15+s3+$0x0], $0xffff  }
0x369: {  	(erf) = vrcp.f32 v6;
	v6 =	vld.idx.msk [tilespmem:v16+s3+$0x0], $0xffff  }
0x36a: {  	(erf) = vrcp.f32 v7;
	v7 =	vld.idx.msk [tilespmem:v17+s3+$0x0], $0xffff  }
0x36b: {  	(erf) = vrcp.f32 v8;
	v8 =	vld.idx.msk [tilespmem:v18+s3+$0x0], $0xffff  }
0x36c: {  	(erf) = vrcp.f32 v9;
	v9 =	vld.idx.msk [tilespmem:v19+s3+$0x0], $0xffff  }
0x36d: {  	(erf) = vrcp.f32 v10;
	v10 =	vld.idx.msk [tilespmem:v20+s3+$0x0], $0xffff  }
0x36e: {  	(erf) = vrcp.f32 v11;
	v11 =	vld.idx.msk [tilespmem:v21+s3+$0x0], $0xffff  }
0x36f: {  	(erf) = vrcp.f32 v12;
	v12 =	vld.idx.msk [tilespmem:v22+s3+$0x0], $0xffff  }
0x370: {  	(erf) = vrcp.f32 v13;
	v13 =	vld.idx.msk [tilespmem:v23+s3+$0x0], $0xffff  }
0x371: {  	v15 =	vpop (erf);
	(erf) = vrcp.f32 v14;
	v14 =	vld.idx.msk [tilespmem:v25+s3+$0x0], $0xffff  }
0x372: {  	v16 =	vpop (erf);
	(erf) = vrcp.f32 v4;
	v4 =	vld.idx.msk [tilespmem:v26+s3+$0x0], $0xffff  }
0x373: {  	v17 =	vpop (erf);
	(erf) = vrcp.f32 v6;
	v6 =	vld.idx.msk [tilespmem:v27+s3+$0x0], $0xffff  }
0x374: {  	v18 =	vpop (erf);
	(erf) = vrcp.f32 v7;
	v7 =	vld.idx.msk [tilespmem:v28+s3+$0x0], $0xffff  }
0x375: {  	v19 =	vpop (erf);
	(erf) = vrcp.f32 v8;
	v8 =	vld [tilespmem:s23+$0xFFFFFF40]  }
0x376: {  	v5 =	vmul.f32 v15, v5;
	v60 =	vpop (erf);
	(erf) = vrcp.f32 v9;
	v9 =	vld [tilespmem:s23+$0xFFFFFF50]  }
0x377: {  	v16 =	vmul.f32 v16, v24;
	v61 =	vpop (erf);
	(erf) = vrcp.f32 v10;
	v10 =	vld [tilespmem:s23+$0xFFFFFF60]  }
0x378: {  	v15 =	vpop (erf);
	(erf) = vrcp.f32 v11;
	v11 =	vld [tilespmem:s23+$0xFFFFFF70]  }
0x379: {  	v62 =	vpop (erf);
	(erf) = vrcp.f32 v12;
	v12 =	vld [tilespmem:s23+$0xFFFFFF80]  }
0x37a: {  	[tilespmem:s15+$0x1C980] =	vst v5;
	v5 =	vpop (erf);
	(erf) = vrcp.f32 v13;
	v8 =	vmul.f32 v17, v8;
	v13 =	vld [tilespmem:s23+$0xFFFFFF90]  }
0x37b: {  	[tilespmem:s23+$0xB0] =	vst v16;
	v16 =	vpop (erf);
	(erf) = vrcp.f32 v14;
	v9 =	vmul.f32 v18, v9;
	v14 =	vld [tilespmem:s23+$0xFFFFFFA0]  }
0x37c: {  	v17 =	vpop (erf);
	(erf) = vrcp.f32 v4;
	[tilespmem:s23+$0xFFFFFF40] =	vst v8;
	v4 =	vmul.f32 v19, v10;
	v8 =	vld [tilespmem:s23+$0xFFFFFFB0]  }
0x37d: {  	v10 =	vpop (erf);
	(erf) = vrcp.f32 v6;
	[tilespmem:s23+$0xFFFFFF50] =	vst v9;
	v6 =	vmul.f32 v60, v11;
	v9 =	vld [tilespmem:s23+$0xFFFFFFD0]  }
0x37e: {  	v18 =	vpop (erf);
	(erf) = vrcp.f32 v7;
	[tilespmem:s23+$0xFFFFFF60] =	vst v4;
	v4 =	vmul.f32 v61, v12;
	v7 =	vld [tilespmem:s23+$0xFFFFFFE0]  }
0x37f: {  	v12 =	vld [tilespmem:s23+$0xFFFFFFF0]  }
0x380: {  	v1 =	vld [tilespmem:s15+$0x1C880];
	v19 =	vpop (erf);
	[tilespmem:s23+$0xFFFFFF70] =	vst v6;
	v6 =	vmul.f32 v15, v13  }
0x381: {  	v13 =	vld [tilespmem:s23+$0x0];
	v15 =	vpop (erf);
	[tilespmem:s23+$0xFFFFFF80] =	vst v4;
	v11 =	vmul.f32 v62, v14  }
0x382: {  	v0 =	vld [tilespmem:s15+$0x1C900];
	[tilespmem:s23+$0xFFFFFF90] =	vst v6;
	v8 =	vmul.f32 v5, v8;
	v4 =	vpop (erf)  }
0x383: {  	[tilespmem:s23+$0xFFFFFFA0] =	vst v11;
	v9 =	vmul.f32 v16, v9;
	v16 =	vld [tilespmem:s23+$0x20];
	v5 =	vpop (erf)  }
0x384: {  	v11 =	vld [tilespmem:s23+$0x30];
	[tilespmem:s23+$0xFFFFFFB0] =	vst v8;
	v14 =	vmul.f32 v17, v7;
	v10 =	vmul.f32 v10, v12;
	v6 =	vpop (erf)  }
0x385: {  	v12 =	vld [tilespmem:s23+$0x50];
	[tilespmem:s23+$0xFFFFFFD0] =	vst v9;
	v7 =	vpop (erf)  }
0x386: {  	v18 =	vmul.f32 v18, v13;
	v13 =	vld [tilespmem:s23+$0x60];
	[tilespmem:s23+$0xFFFFFFE0] =	vst v14;
	v8 =	vpop (erf)  }
0x387: {  	v17 =	vmul.f32 v19, v63;
	[tilespmem:s23+$0xFFFFFFF0] =	vst v10;
	v14 =	vld [tilespmem:s23+$0x70];
	v9 =	vpop (erf)  }
0x388: {  	[tilespmem:s23+$0x0] =	vst v18;
	v16 =	vmul.f32 v15, v16;
	v15 =	vld [tilespmem:s23+$0x80];
	v10 =	vpop (erf)  }
.LBB2_17:
0x389: {  	s16 =	sadd.s32 $0x190, s16;
	[tilespmem:s23+$0x10] =	vst v17;
	v4 =	vmul.f32 v4, v11;
	v11 =	vld [tilespmem:s23+$0x90]  }
0x38a: {  	s2 =	sand.u32 $0xFF0, s16;
	p0 =	slt.u32 s16, $0xE10;
	[tilespmem:s23+$0x20] =	vst v16;
	v5 =	vmul.f32 v5, v12;
	v12 =	vld [tilespmem:s23+$0xA0]  }
0x38b: {  	v16 =	vld [tilespmem:s2+$0x19980];
	[tilespmem:s23+$0x30] =	vst v4;
	v4 =	vmul.f32 v6, v13  }
0x38c: {  	v6 =	vld [tilespmem:s2+$0x19880];
	[tilespmem:s23+$0x50] =	vst v5;
	v5 =	vmul.f32 v7, v14  }
0x38d: {  	v7 =	vld [tilespmem:s2+$0x19900];
	[tilespmem:s23+$0x60] =	vst v4;
	v4 =	vmul.f32 v8, v15  }
0x38e: {  	v8 =	vld.idx.msk [tilespmem:v3+s3+$0x0], $0xffff;
	[tilespmem:s23+$0x70] =	vst v5;
	v11 =	vmul.f32 v9, v11  }
0x38f: {  	v5 =	vld.idx.msk [tilespmem:v2+s3+$0x0], $0xffff;
	[tilespmem:s23+$0x80] =	vst v4;
	v10 =	vmul.f32 v10, v12  }
0x390: {  	v4 =	vld [tilespmem:s2+$0x1C880];
	[tilespmem:s23+$0x90] =	vst v11  }
0x391: {  	v9 =	vld [tilespmem:s2+$0x1C900];
	[tilespmem:s23+$0xA0] =	vst v10;
	v3 =	vmov v6  }
0x392: {  	v6 =	vld [tilespmem:s2+$0x1C980];
	v2 =	vmov v7  }
0x393: {  	s10 =	sadd.s32 $0x190, s10;
	v7 =	vld.idx.msk [tilespmem:v16+s3+$0x0], $0xffff  }
0x394: {  	v10 =	vld [tilespmem:s10+$0xB0];
	(erf) = vrcp.f32 v8  }
0x395: {  	v8 =	vld [tilespmem:s10+$0xFFFFFF40];
	(erf) = vrcp.f32 v5  }
0x396: {  	v5 =	vld [tilespmem:s10+$0xFFFFFF50]  }
0x397: {  	v11 =	vld [tilespmem:s10+$0xFFFFFF60]  }
0x398: {  	v12 =	vld [tilespmem:s10+$0xFFFFFF70]  }
0x399: {  	v13 =	vld [tilespmem:s10+$0xFFFFFF80]  }
0x39a: {  	v14 =	vld [tilespmem:s10+$0xFFFFFF90]  }
0x39b: {  	v15 =	vld [tilespmem:s10+$0xFFFFFFA0]  }
0x39c: {  	v10 =	vld.idx.msk [tilespmem:v10+s3+$0x0], $0xffff  }
0x39d: {  	v16 =	vld [tilespmem:s10+$0xFFFFFFB0];
	v17 =	vpop (erf)  }
0x39e: {  	v18 =	vld [tilespmem:s10+$0xFFFFFFD0];
	v17 =	vmul.f32 v17, v1;
	v19 =	vpop (erf);
	v1 =	vmov v4  }
0x39f: {  	v4 =	vld [tilespmem:s10+$0xFFFFFFE0];
	v19 =	vmul.f32 v19, v0;
	v0 =	vmov v9  }
0x3a0: {  	v9 =	vld [tilespmem:s10+$0xFFFFFFF0];
	[tilespmem:s15+$0x1C880] =	vst v17  }
0x3a1: {  	v17 =	vld [tilespmem:s10+$0x0];
	(erf) = vrcp.f32 v7;
	[tilespmem:s15+$0x1C900] =	vst v19;
	s15 =	smov.u32 s2  }
0x3a2: {  	v7 =	vld [tilespmem:s10+$0x10];
	(erf) = vrcp.f32 v10  }
0x3a3: {  	v10 =	vld [tilespmem:s10+$0x20]  }
0x3a4: {  	v19 =	vld [tilespmem:s10+$0x30]  }
0x3a5: {  	v20 =	vld [tilespmem:s10+$0x50]  }
0x3a6: {  	s23 =	sadd.s32 $0x190, s23;
	v21 =	vld [tilespmem:s10+$0x60]  }
0x3a7: {  	v22 =	vld [tilespmem:s23+$0xB0]  }
0x3a8: {  	v23 =	vld [tilespmem:s10+$0x70]  }
0x3a9: {  	v24 =	vld [tilespmem:s10+$0x80]  }
0x3aa: {  	v25 =	vld [tilespmem:s10+$0x90];
	v26 =	vpop (erf)  }
0x3ab: {  	v27 =	vld [tilespmem:s10+$0xA0];
	v6 =	vmul.f32 v26, v6;
	v26 =	vpop (erf)  }
0x3ac: {  	v8 =	vld.idx.msk [tilespmem:v8+s3+$0x0], $0xffff;
	v22 =	vmul.f32 v26, v22  }
0x3ad: {  	v5 =	vld.idx.msk [tilespmem:v5+s3+$0x0], $0xffff;
	[tilespmem:s15+$0x1C980] =	vst v6  }
0x3ae: {  	v6 =	vld.idx.msk [tilespmem:v11+s3+$0x0], $0xffff;
	[tilespmem:s23+$0xB0] =	vst v22  }
0x3af: {  	v11 =	vld.idx.msk [tilespmem:v12+s3+$0x0], $0xffff  }
0x3b0: {  	v12 =	vld.idx.msk [tilespmem:v13+s3+$0x0], $0xffff  }
0x3b1: {  	v13 =	vld.idx.msk [tilespmem:v14+s3+$0x0], $0xffff  }
0x3b2: {  	v14 =	vld.idx.msk [tilespmem:v15+s3+$0x0], $0xffff;
	(erf) = vrcp.f32 v8  }
0x3b3: {  	v8 =	vld.idx.msk [tilespmem:v16+s3+$0x0], $0xffff;
	(erf) = vrcp.f32 v5  }
0x3b4: {  	v5 =	vld.idx.msk [tilespmem:v18+s3+$0x0], $0xffff;
	(erf) = vrcp.f32 v6  }
0x3b5: {  	v4 =	vld.idx.msk [tilespmem:v4+s3+$0x0], $0xffff;
	(erf) = vrcp.f32 v11  }
0x3b6: {  	v6 =	vld.idx.msk [tilespmem:v9+s3+$0x0], $0xffff;
	(erf) = vrcp.f32 v12  }
0x3b7: {  	v9 =	vld.idx.msk [tilespmem:v17+s3+$0x0], $0xffff;
	(erf) = vrcp.f32 v13  }
0x3b8: {  	v7 =	vld.idx.msk [tilespmem:v7+s3+$0x0], $0xffff;
	(erf) = vrcp.f32 v14  }
0x3b9: {  	v10 =	vld.idx.msk [tilespmem:v10+s3+$0x0], $0xffff;
	(erf) = vrcp.f32 v8  }
0x3ba: {  	v8 =	vld.idx.msk [tilespmem:v19+s3+$0x0], $0xffff;
	(erf) = vrcp.f32 v5  }
0x3bb: {  	v5 =	vld.idx.msk [tilespmem:v20+s3+$0x0], $0xffff;
	v11 =	vpop (erf);
	(erf) = vrcp.f32 v4  }
0x3bc: {  	v4 =	vld.idx.msk [tilespmem:v21+s3+$0x0], $0xffff;
	v12 =	vpop (erf);
	(erf) = vrcp.f32 v6  }
0x3bd: {  	v6 =	vld.idx.msk [tilespmem:v23+s3+$0x0], $0xffff;
	v13 =	vpop (erf);
	(erf) = vrcp.f32 v9  }
0x3be: {  	v9 =	vld.idx.msk [tilespmem:v24+s3+$0x0], $0xffff;
	v14 =	vpop (erf);
	(erf) = vrcp.f32 v7  }
0x3bf: {  	v7 =	vld.idx.msk [tilespmem:v25+s3+$0x0], $0xffff;
	v15 =	vpop (erf);
	(erf) = vrcp.f32 v10  }
0x3c0: {  	v10 =	vld.idx.msk [tilespmem:v27+s3+$0x0], $0xffff;
	v16 =	vpop (erf);
	(erf) = vrcp.f32 v8  }
0x3c1: {  	v8 =	vld [tilespmem:s23+$0xFFFFFF40];
	v17 =	vpop (erf);
	(erf) = vrcp.f32 v5  }
0x3c2: {  	v5 =	vld [tilespmem:s23+$0xFFFFFF50];
	v18 =	vpop (erf);
	(erf) = vrcp.f32 v4  }
0x3c3: {  	v4 =	vld [tilespmem:s23+$0xFFFFFF60];
	v19 =	vpop (erf);
	(erf) = vrcp.f32 v6  }
0x3c4: {  	v6 =	vld [tilespmem:s23+$0xFFFFFF70];
	v20 =	vpop (erf);
	(erf) = vrcp.f32 v9  }
0x3c5: {  	v9 =	vld [tilespmem:s23+$0xFFFFFF80];
	v21 =	vpop (erf);
	(erf) = vrcp.f32 v7  }
0x3c6: {  	v7 =	vmul.f32 v11, v8;
	v8 =	vld [tilespmem:s23+$0xFFFFFF90];
	v22 =	vpop (erf);
	(erf) = vrcp.f32 v10  }
0x3c7: {  	v25 =	vmul.f32 v12, v5;
	v10 =	vld [tilespmem:s23+$0xFFFFFFA0];
	v23 =	vpop (erf)  }
0x3c8: {  	[tilespmem:s23+$0xFFFFFF40] =	vst v7;
	v7 =	vmul.f32 v13, v4;
	v11 =	vld [tilespmem:s23+$0xFFFFFFB0];
	v24 =	vpop (erf)  }
0x3c9: {  	[tilespmem:s23+$0xFFFFFF50] =	vst v25;
	v25 =	vmul.f32 v14, v6;
	v12 =	vld [tilespmem:s23+$0xFFFFFFD0];
	v4 =	vpop (erf)  }
0x3ca: {  	[tilespmem:s23+$0xFFFFFF60] =	vst v7;
	v26 =	vmul.f32 v15, v9;
	v13 =	vld [tilespmem:s23+$0xFFFFFFE0];
	v5 =	vpop (erf)  }
0x3cb: {  	[tilespmem:s23+$0xFFFFFF70] =	vst v25;
	v25 =	vmul.f32 v16, v8;
	v14 =	vld [tilespmem:s23+$0xFFFFFFF0];
	v6 =	vpop (erf)  }
0x3cc: {  	[tilespmem:s23+$0xFFFFFF80] =	vst v26;
	v17 =	vmul.f32 v17, v10;
	v15 =	vld [tilespmem:s23+$0x0];
	v7 =	vpop (erf)  }
0x3cd: {  	[tilespmem:s23+$0xFFFFFF90] =	vst v25;
	v25 =	vmul.f32 v18, v11;
	v16 =	vld [tilespmem:s23+$0x10];
	v8 =	vpop (erf)  }
0x3ce: {  	[tilespmem:s23+$0xFFFFFFA0] =	vst v17;
	v12 =	vmul.f32 v19, v12;
	v18 =	vld [tilespmem:s23+$0x20];
	v9 =	vpop (erf)  }
.Ltmp7:
0x3cf: {  	[tilespmem:s23+$0xFFFFFFB0] =	vst v25;
	v13 =	vmul.f32 v20, v13;
	v11 =	vld [tilespmem:s23+$0x30];
	v10 =	vpop (erf);
	(pc) =	sbr.rel @p0 .LBB2_17-.Ltmp7, $4  }
0x3d0: {  	[tilespmem:s23+$0xFFFFFFD0] =	vst v12;
	v14 =	vmul.f32 v21, v14;
	v12 =	vld [tilespmem:s23+$0x50]  }
0x3d1: {  	[tilespmem:s23+$0xFFFFFFE0] =	vst v13;
	v15 =	vmul.f32 v22, v15;
	v13 =	vld [tilespmem:s23+$0x60]  }
0x3d2: {  	[tilespmem:s23+$0xFFFFFFF0] =	vst v14;
	v17 =	vmul.f32 v23, v16;
	v14 =	vld [tilespmem:s23+$0x70]  }
0x3d3: {  	[tilespmem:s23+$0x0] =	vst v15;
	v16 =	vmul.f32 v24, v18;
	v15 =	vld [tilespmem:s23+$0x80]  }
0x3d4: {  	_ =	sdelay $0x3  }
0x3d5: {  	v3 =	vld.idx.msk [tilespmem:v3+s3+$0x0], $0xffff  }
0x3d6: {  	v2 =	vld.idx.msk [tilespmem:v2+s3+$0x0], $0xffff;
	_ =	sdelay $0x3  }
0x3d7: {  	(erf) = vrcp.f32 v3  }
0x3d8: {  	v3 =	vld [tilespmem:s23+$0x90];
	(erf) = vrcp.f32 v2  }
0x3d9: {  	v2 =	vmul.f32 v4, v11  }
0x3da: {  	[tilespmem:s23+$0x10] =	vst v17;
	v4 =	vmul.f32 v5, v12  }
0x3db: {  	v5 =	vld [tilespmem:s23+$0xA0];
	[tilespmem:s23+$0x30] =	vst v2  }
0x3dc: {  	v2 =	vmul.f32 v6, v13;
	[tilespmem:s23+$0x50] =	vst v4;
	v4 =	vmul.f32 v7, v14  }
0x3dd: {  	[tilespmem:s23+$0x20] =	vst v16;
	v3 =	vmul.f32 v9, v3  }
0x3de: {  	[tilespmem:s23+$0x60] =	vst v2;
	v2 =	vmul.f32 v8, v15  }
0x3df: {  	[tilespmem:s23+$0x70] =	vst v4  }
0x3e0: {  	[tilespmem:s23+$0x80] =	vst v2;
	v2 =	vmul.f32 v10, v5;
	v4 =	vpop (erf)  }
0x3e1: {  	[tilespmem:s23+$0x90] =	vst v3;
	v1 =	vmul.f32 v4, v1;
	v3 =	vpop (erf)  }
0x3e2: {  	[tilespmem:s23+$0xA0] =	vst v2;
	v0 =	vmul.f32 v3, v0  }
0x3e3: {  	[tilespmem:s15+$0x1C880] =	vst v1  }
0x3e4: {  	s0 =	sadd.s32 s9, s14;
	[tilespmem:s15+$0x1C900] =	vst v0  }
0x3e5: {  	[hbm4b:s0+s3] =	stream.linear.scatter [tilespmem:s30], [sflag:$0x3], $0xFA0, $0x38;
	[tilespmem:$0x1E800] =	vst v63  }
0x3e6: {  	_ =	swait.ge [sflag:s26], $0xFA0  }
0x3e7: {  	[sflag:s26] =	ssyncset.done $0x0  }
0x3e8: {  	[sflag:s26] =	ssyncadd.s32 $0xFFFFF060  }
0x3e9: {  	_ =	swait.ge [sflag:s29], $0xFA0  }
0x3ea: {  	[sflag:s29] =	ssyncset.done $0x0  }
0x3eb: {  	[sflag:s29] =	ssyncadd.s32 $0xFFFFF060  }
0x3ec: {  	s16 =	sadd.s32 s12, s22;
	_ =	swait.ge [sflag:s8], $0xFA0  }
0x3ed: {  	s14 =	sshrl.u32 s16, $0x3;
	[sflag:s8] =	ssyncset.done $0x0  }
0x3ee: {  	s16 =	simm.s32 $0x0;
	s0 =	sadd.s32 s4, s14;
	[sflag:s8] =	ssyncadd.s32 $0xFFFFF060  }
0x3ef: {  	[tilespmem:s28], [sflag:$0x1] =	stream.linear.gather [hbm4b:s0+s3], $0xFA0, $0x38;
	[tilespmem:$0x1E800] =	vst v63  }
0x3f0: {  	s23 =	sadd.s32 s5, s14;
	s15 =	sand.u32 $0xFF0, s16  }
0x3f1: {  	[tilespmem:s31], [sflag:$0x2] =	stream.linear.gather [hbm4b:s23+s3], $0xFA0, $0x38;
	[tilespmem:$0x1E800] =	vst v63  }
0x3f2: {  	v4 =	vld [tilespmem:s15+$0x1A980]  }
0x3f3: {  	v3 =	vld [tilespmem:s15+$0x1A880]  }
0x3f4: {  	v2 =	vld [tilespmem:s15+$0x1A900]  }
0x3f5: {  	v1 =	vld [tilespmem:s15+$0x1D880]  }
0x3f6: {  	s10 =	simm.s32 $0x1A8C0;
	v5 =	vld [tilespmem:s15+$0x1D980]  }
0x3f7: {  	v6 =	vld [tilespmem:s10+$0xB0]  }
0x3f8: {  	v7 =	vld [tilespmem:s10+$0xFFFFFF40]  }
0x3f9: {  	v8 =	vld [tilespmem:s10+$0xFFFFFF50]  }
0x3fa: {  	v9 =	vld [tilespmem:s10+$0xFFFFFF60]  }
0x3fb: {  	v10 =	vld [tilespmem:s10+$0xFFFFFF70]  }
0x3fc: {  	v11 =	vld [tilespmem:s10+$0xFFFFFF80]  }
0x3fd: {  	v12 =	vld [tilespmem:s10+$0xFFFFFF90]  }
0x3fe: {  	v13 =	vld [tilespmem:s10+$0xFFFFFFA0]  }
0x3ff: {  	v14 =	vld [tilespmem:s10+$0xFFFFFFB0]  }
0x400: {  	v15 =	vld [tilespmem:s10+$0xFFFFFFD0]  }
0x401: {  	v16 =	vld [tilespmem:s10+$0xFFFFFFE0]  }
0x402: {  	v17 =	vld [tilespmem:s10+$0xFFFFFFF0]  }
0x403: {  	v18 =	vld [tilespmem:s10+$0x0]  }
0x404: {  	v19 =	vld [tilespmem:s10+$0x10]  }
0x405: {  	v20 =	vld [tilespmem:s10+$0x20]  }
0x406: {  	v21 =	vld [tilespmem:s10+$0x30]  }
0x407: {  	v22 =	vld [tilespmem:s10+$0x50]  }
0x408: {  	s23 =	simm.s32 $0x1D8C0;
	v23 =	vld [tilespmem:s10+$0x60]  }
0x409: {  	v24 =	vld [tilespmem:s23+$0xB0]  }
0x40a: {  	v25 =	vld [tilespmem:s10+$0x70]  }
0x40b: {  	v26 =	vld [tilespmem:s10+$0x80]  }
0x40c: {  	v27 =	vld [tilespmem:s10+$0x90]  }
0x40d: {  	v28 =	vld [tilespmem:s10+$0xA0]  }
0x40e: {  	v4 =	vld.idx.msk [tilespmem:v4+s3+$0x0], $0xffff  }
0x40f: {  	v6 =	vld.idx.msk [tilespmem:v6+s3+$0x0], $0xffff  }
0x410: {  	v7 =	vld.idx.msk [tilespmem:v7+s3+$0x0], $0xffff  }
0x411: {  	v8 =	vld.idx.msk [tilespmem:v8+s3+$0x0], $0xffff  }
0x412: {  	v9 =	vld.idx.msk [tilespmem:v9+s3+$0x0], $0xffff  }
0x413: {  	v10 =	vld.idx.msk [tilespmem:v10+s3+$0x0], $0xffff  }
0x414: {  	v11 =	vld.idx.msk [tilespmem:v11+s3+$0x0], $0xffff  }
0x415: {  	v12 =	vld.idx.msk [tilespmem:v12+s3+$0x0], $0xffff  }
0x416: {  	v13 =	vld.idx.msk [tilespmem:v13+s3+$0x0], $0xffff  }
0x417: {  	v14 =	vld.idx.msk [tilespmem:v14+s3+$0x0], $0xffff  }
0x418: {  	(erf) = vrcp.f32 v4;
	v4 =	vld.idx.msk [tilespmem:v15+s3+$0x0], $0xffff  }
0x419: {  	(erf) = vrcp.f32 v6;
	v6 =	vld.idx.msk [tilespmem:v16+s3+$0x0], $0xffff  }
0x41a: {  	(erf) = vrcp.f32 v7;
	v7 =	vld.idx.msk [tilespmem:v17+s3+$0x0], $0xffff  }
0x41b: {  	(erf) = vrcp.f32 v8;
	v8 =	vld.idx.msk [tilespmem:v18+s3+$0x0], $0xffff  }
0x41c: {  	(erf) = vrcp.f32 v9;
	v9 =	vld.idx.msk [tilespmem:v19+s3+$0x0], $0xffff  }
0x41d: {  	(erf) = vrcp.f32 v10;
	v10 =	vld.idx.msk [tilespmem:v20+s3+$0x0], $0xffff  }
0x41e: {  	(erf) = vrcp.f32 v11;
	v11 =	vld.idx.msk [tilespmem:v21+s3+$0x0], $0xffff  }
0x41f: {  	(erf) = vrcp.f32 v12;
	v12 =	vld.idx.msk [tilespmem:v22+s3+$0x0], $0xffff  }
0x420: {  	(erf) = vrcp.f32 v13;
	v13 =	vld.idx.msk [tilespmem:v23+s3+$0x0], $0xffff  }
0x421: {  	v15 =	vpop (erf);
	(erf) = vrcp.f32 v14;
	v14 =	vld.idx.msk [tilespmem:v25+s3+$0x0], $0xffff  }
0x422: {  	v16 =	vpop (erf);
	(erf) = vrcp.f32 v4;
	v4 =	vld.idx.msk [tilespmem:v26+s3+$0x0], $0xffff  }
0x423: {  	v17 =	vpop (erf);
	(erf) = vrcp.f32 v6;
	v6 =	vld.idx.msk [tilespmem:v27+s3+$0x0], $0xffff  }
0x424: {  	v18 =	vpop (erf);
	(erf) = vrcp.f32 v7;
	v7 =	vld.idx.msk [tilespmem:v28+s3+$0x0], $0xffff  }
0x425: {  	v19 =	vpop (erf);
	(erf) = vrcp.f32 v8;
	v8 =	vld [tilespmem:s23+$0xFFFFFF40]  }
0x426: {  	v5 =	vmul.f32 v15, v5;
	v60 =	vpop (erf);
	(erf) = vrcp.f32 v9;
	v9 =	vld [tilespmem:s23+$0xFFFFFF50]  }
0x427: {  	v16 =	vmul.f32 v16, v24;
	v61 =	vpop (erf);
	(erf) = vrcp.f32 v10;
	v10 =	vld [tilespmem:s23+$0xFFFFFF60]  }
0x428: {  	v15 =	vpop (erf);
	(erf) = vrcp.f32 v11;
	v11 =	vld [tilespmem:s23+$0xFFFFFF70]  }
0x429: {  	v62 =	vpop (erf);
	(erf) = vrcp.f32 v12;
	v12 =	vld [tilespmem:s23+$0xFFFFFF80]  }
0x42a: {  	[tilespmem:s15+$0x1D980] =	vst v5;
	v5 =	vpop (erf);
	(erf) = vrcp.f32 v13;
	v8 =	vmul.f32 v17, v8;
	v13 =	vld [tilespmem:s23+$0xFFFFFF90]  }
0x42b: {  	[tilespmem:s23+$0xB0] =	vst v16;
	v16 =	vpop (erf);
	(erf) = vrcp.f32 v14;
	v9 =	vmul.f32 v18, v9;
	v14 =	vld [tilespmem:s23+$0xFFFFFFA0]  }
0x42c: {  	v17 =	vpop (erf);
	(erf) = vrcp.f32 v4;
	[tilespmem:s23+$0xFFFFFF40] =	vst v8;
	v4 =	vmul.f32 v19, v10;
	v8 =	vld [tilespmem:s23+$0xFFFFFFB0]  }
0x42d: {  	v10 =	vpop (erf);
	(erf) = vrcp.f32 v6;
	[tilespmem:s23+$0xFFFFFF50] =	vst v9;
	v6 =	vmul.f32 v60, v11;
	v9 =	vld [tilespmem:s23+$0xFFFFFFD0]  }
0x42e: {  	v18 =	vpop (erf);
	(erf) = vrcp.f32 v7;
	[tilespmem:s23+$0xFFFFFF60] =	vst v4;
	v4 =	vmul.f32 v61, v12;
	v7 =	vld [tilespmem:s23+$0xFFFFFFE0]  }
0x42f: {  	v12 =	vld [tilespmem:s23+$0xFFFFFFF0]  }
0x430: {  	v0 =	vld [tilespmem:s15+$0x1D900];
	v19 =	vpop (erf);
	[tilespmem:s23+$0xFFFFFF70] =	vst v6;
	v6 =	vmul.f32 v15, v13  }
0x431: {  	v13 =	vld [tilespmem:s23+$0x0];
	v15 =	vpop (erf);
	[tilespmem:s23+$0xFFFFFF80] =	vst v4;
	v11 =	vmul.f32 v62, v14  }
0x432: {  	v63 =	vld [tilespmem:s23+$0x10];
	[tilespmem:s23+$0xFFFFFF90] =	vst v6;
	v8 =	vmul.f32 v5, v8;
	v4 =	vpop (erf)  }
0x433: {  	[tilespmem:s23+$0xFFFFFFA0] =	vst v11;
	v9 =	vmul.f32 v16, v9;
	v16 =	vld [tilespmem:s23+$0x20];
	v5 =	vpop (erf)  }
0x434: {  	v11 =	vld [tilespmem:s23+$0x30];
	[tilespmem:s23+$0xFFFFFFB0] =	vst v8;
	v14 =	vmul.f32 v17, v7;
	v10 =	vmul.f32 v10, v12;
	v6 =	vpop (erf)  }
0x435: {  	v12 =	vld [tilespmem:s23+$0x50];
	[tilespmem:s23+$0xFFFFFFD0] =	vst v9;
	v7 =	vpop (erf)  }
0x436: {  	v18 =	vmul.f32 v18, v13;
	v13 =	vld [tilespmem:s23+$0x60];
	[tilespmem:s23+$0xFFFFFFE0] =	vst v14;
	v8 =	vpop (erf)  }
0x437: {  	v17 =	vmul.f32 v19, v63;
	[tilespmem:s23+$0xFFFFFFF0] =	vst v10;
	v14 =	vld [tilespmem:s23+$0x70];
	v9 =	vpop (erf)  }
0x438: {  	[tilespmem:s23+$0x0] =	vst v18;
	v16 =	vmul.f32 v15, v16;
	v15 =	vld [tilespmem:s23+$0x80];
	v10 =	vpop (erf)  }
.LBB2_19:
0x439: {  	s16 =	sadd.s32 $0x190, s16;
	[tilespmem:s23+$0x10] =	vst v17;
	v4 =	vmul.f32 v4, v11;
	v11 =	vld [tilespmem:s23+$0x90]  }
0x43a: {  	s2 =	sand.u32 $0xFF0, s16;
	p0 =	slt.u32 s16, $0xE10;
	[tilespmem:s23+$0x20] =	vst v16;
	v5 =	vmul.f32 v5, v12;
	v12 =	vld [tilespmem:s23+$0xA0]  }
0x43b: {  	v16 =	vld [tilespmem:s2+$0x1A980];
	[tilespmem:s23+$0x30] =	vst v4;
	v4 =	vmul.f32 v6, v13  }
0x43c: {  	v6 =	vld [tilespmem:s2+$0x1A880];
	[tilespmem:s23+$0x50] =	vst v5;
	v5 =	vmul.f32 v7, v14  }
0x43d: {  	v7 =	vld [tilespmem:s2+$0x1A900];
	[tilespmem:s23+$0x60] =	vst v4;
	v4 =	vmul.f32 v8, v15  }
0x43e: {  	v8 =	vld.idx.msk [tilespmem:v3+s3+$0x0], $0xffff;
	[tilespmem:s23+$0x70] =	vst v5;
	v11 =	vmul.f32 v9, v11  }
0x43f: {  	v5 =	vld.idx.msk [tilespmem:v2+s3+$0x0], $0xffff;
	[tilespmem:s23+$0x80] =	vst v4;
	v10 =	vmul.f32 v10, v12  }
0x440: {  	v4 =	vld [tilespmem:s2+$0x1D880];
	[tilespmem:s23+$0x90] =	vst v11  }
0x441: {  	v9 =	vld [tilespmem:s2+$0x1D900];
	[tilespmem:s23+$0xA0] =	vst v10;
	v3 =	vmov v6  }
0x442: {  	v6 =	vld [tilespmem:s2+$0x1D980];
	v2 =	vmov v7  }
0x443: {  	s10 =	sadd.s32 $0x190, s10;
	v7 =	vld.idx.msk [tilespmem:v16+s3+$0x0], $0xffff  }
0x444: {  	v10 =	vld [tilespmem:s10+$0xB0];
	(erf) = vrcp.f32 v8  }
0x445: {  	v8 =	vld [tilespmem:s10+$0xFFFFFF40];
	(erf) = vrcp.f32 v5  }
0x446: {  	v5 =	vld [tilespmem:s10+$0xFFFFFF50]  }
0x447: {  	v11 =	vld [tilespmem:s10+$0xFFFFFF60]  }
0x448: {  	v12 =	vld [tilespmem:s10+$0xFFFFFF70]  }
0x449: {  	v13 =	vld [tilespmem:s10+$0xFFFFFF80]  }
0x44a: {  	v14 =	vld [tilespmem:s10+$0xFFFFFF90]  }
0x44b: {  	v15 =	vld [tilespmem:s10+$0xFFFFFFA0]  }
0x44c: {  	v10 =	vld.idx.msk [tilespmem:v10+s3+$0x0], $0xffff  }
0x44d: {  	v16 =	vld [tilespmem:s10+$0xFFFFFFB0];
	v17 =	vpop (erf)  }
0x44e: {  	v18 =	vld [tilespmem:s10+$0xFFFFFFD0];
	v17 =	vmul.f32 v17, v1;
	v19 =	vpop (erf);
	v1 =	vmov v4  }
0x44f: {  	v4 =	vld [tilespmem:s10+$0xFFFFFFE0];
	v19 =	vmul.f32 v19, v0;
	v0 =	vmov v9  }
0x450: {  	v9 =	vld [tilespmem:s10+$0xFFFFFFF0];
	[tilespmem:s15+$0x1D880] =	vst v17  }
0x451: {  	v17 =	vld [tilespmem:s10+$0x0];
	(erf) = vrcp.f32 v7;
	[tilespmem:s15+$0x1D900] =	vst v19;
	s15 =	smov.u32 s2  }
0x452: {  	v7 =	vld [tilespmem:s10+$0x10];
	(erf) = vrcp.f32 v10  }
0x453: {  	v10 =	vld [tilespmem:s10+$0x20]  }
0x454: {  	v19 =	vld [tilespmem:s10+$0x30]  }
0x455: {  	v20 =	vld [tilespmem:s10+$0x50]  }
0x456: {  	s23 =	sadd.s32 $0x190, s23;
	v21 =	vld [tilespmem:s10+$0x60]  }
0x457: {  	v22 =	vld [tilespmem:s23+$0xB0]  }
0x458: {  	v23 =	vld [tilespmem:s10+$0x70]  }
0x459: {  	v24 =	vld [tilespmem:s10+$0x80]  }
0x45a: {  	v25 =	vld [tilespmem:s10+$0x90];
	v26 =	vpop (erf)  }
0x45b: {  	v27 =	vld [tilespmem:s10+$0xA0];
	v6 =	vmul.f32 v26, v6;
	v26 =	vpop (erf)  }
0x45c: {  	v8 =	vld.idx.msk [tilespmem:v8+s3+$0x0], $0xffff;
	v22 =	vmul.f32 v26, v22  }
0x45d: {  	v5 =	vld.idx.msk [tilespmem:v5+s3+$0x0], $0xffff;
	[tilespmem:s15+$0x1D980] =	vst v6  }
0x45e: {  	v6 =	vld.idx.msk [tilespmem:v11+s3+$0x0], $0xffff;
	[tilespmem:s23+$0xB0] =	vst v22  }
0x45f: {  	v11 =	vld.idx.msk [tilespmem:v12+s3+$0x0], $0xffff  }
0x460: {  	v12 =	vld.idx.msk [tilespmem:v13+s3+$0x0], $0xffff  }
0x461: {  	v13 =	vld.idx.msk [tilespmem:v14+s3+$0x0], $0xffff  }
0x462: {  	v14 =	vld.idx.msk [tilespmem:v15+s3+$0x0], $0xffff;
	(erf) = vrcp.f32 v8  }
0x463: {  	v8 =	vld.idx.msk [tilespmem:v16+s3+$0x0], $0xffff;
	(erf) = vrcp.f32 v5  }
0x464: {  	v5 =	vld.idx.msk [tilespmem:v18+s3+$0x0], $0xffff;
	(erf) = vrcp.f32 v6  }
0x465: {  	v4 =	vld.idx.msk [tilespmem:v4+s3+$0x0], $0xffff;
	(erf) = vrcp.f32 v11  }
0x466: {  	v6 =	vld.idx.msk [tilespmem:v9+s3+$0x0], $0xffff;
	(erf) = vrcp.f32 v12  }
0x467: {  	v9 =	vld.idx.msk [tilespmem:v17+s3+$0x0], $0xffff;
	(erf) = vrcp.f32 v13  }
0x468: {  	v7 =	vld.idx.msk [tilespmem:v7+s3+$0x0], $0xffff;
	(erf) = vrcp.f32 v14  }
0x469: {  	v10 =	vld.idx.msk [tilespmem:v10+s3+$0x0], $0xffff;
	(erf) = vrcp.f32 v8  }
0x46a: {  	v8 =	vld.idx.msk [tilespmem:v19+s3+$0x0], $0xffff;
	(erf) = vrcp.f32 v5  }
0x46b: {  	v5 =	vld.idx.msk [tilespmem:v20+s3+$0x0], $0xffff;
	v11 =	vpop (erf);
	(erf) = vrcp.f32 v4  }
0x46c: {  	v4 =	vld.idx.msk [tilespmem:v21+s3+$0x0], $0xffff;
	v12 =	vpop (erf);
	(erf) = vrcp.f32 v6  }
0x46d: {  	v6 =	vld.idx.msk [tilespmem:v23+s3+$0x0], $0xffff;
	v13 =	vpop (erf);
	(erf) = vrcp.f32 v9  }
0x46e: {  	v9 =	vld.idx.msk [tilespmem:v24+s3+$0x0], $0xffff;
	v14 =	vpop (erf);
	(erf) = vrcp.f32 v7  }
0x46f: {  	v7 =	vld.idx.msk [tilespmem:v25+s3+$0x0], $0xffff;
	v15 =	vpop (erf);
	(erf) = vrcp.f32 v10  }
0x470: {  	v10 =	vld.idx.msk [tilespmem:v27+s3+$0x0], $0xffff;
	v16 =	vpop (erf);
	(erf) = vrcp.f32 v8  }
0x471: {  	v8 =	vld [tilespmem:s23+$0xFFFFFF40];
	v17 =	vpop (erf);
	(erf) = vrcp.f32 v5  }
0x472: {  	v5 =	vld [tilespmem:s23+$0xFFFFFF50];
	v18 =	vpop (erf);
	(erf) = vrcp.f32 v4  }
0x473: {  	v4 =	vld [tilespmem:s23+$0xFFFFFF60];
	v19 =	vpop (erf);
	(erf) = vrcp.f32 v6  }
0x474: {  	v6 =	vld [tilespmem:s23+$0xFFFFFF70];
	v20 =	vpop (erf);
	(erf) = vrcp.f32 v9  }
0x475: {  	v9 =	vld [tilespmem:s23+$0xFFFFFF80];
	v21 =	vpop (erf);
	(erf) = vrcp.f32 v7  }
0x476: {  	v7 =	vmul.f32 v11, v8;
	v8 =	vld [tilespmem:s23+$0xFFFFFF90];
	v22 =	vpop (erf);
	(erf) = vrcp.f32 v10  }
0x477: {  	v25 =	vmul.f32 v12, v5;
	v10 =	vld [tilespmem:s23+$0xFFFFFFA0];
	v23 =	vpop (erf)  }
0x478: {  	[tilespmem:s23+$0xFFFFFF40] =	vst v7;
	v7 =	vmul.f32 v13, v4;
	v11 =	vld [tilespmem:s23+$0xFFFFFFB0];
	v24 =	vpop (erf)  }
0x479: {  	[tilespmem:s23+$0xFFFFFF50] =	vst v25;
	v25 =	vmul.f32 v14, v6;
	v12 =	vld [tilespmem:s23+$0xFFFFFFD0];
	v4 =	vpop (erf)  }
0x47a: {  	[tilespmem:s23+$0xFFFFFF60] =	vst v7;
	v26 =	vmul.f32 v15, v9;
	v13 =	vld [tilespmem:s23+$0xFFFFFFE0];
	v5 =	vpop (erf)  }
0x47b: {  	[tilespmem:s23+$0xFFFFFF70] =	vst v25;
	v25 =	vmul.f32 v16, v8;
	v14 =	vld [tilespmem:s23+$0xFFFFFFF0];
	v6 =	vpop (erf)  }
0x47c: {  	[tilespmem:s23+$0xFFFFFF80] =	vst v26;
	v17 =	vmul.f32 v17, v10;
	v15 =	vld [tilespmem:s23+$0x0];
	v7 =	vpop (erf)  }
0x47d: {  	[tilespmem:s23+$0xFFFFFF90] =	vst v25;
	v25 =	vmul.f32 v18, v11;
	v16 =	vld [tilespmem:s23+$0x10];
	v8 =	vpop (erf)  }
0x47e: {  	[tilespmem:s23+$0xFFFFFFA0] =	vst v17;
	v12 =	vmul.f32 v19, v12;
	v18 =	vld [tilespmem:s23+$0x20];
	v9 =	vpop (erf)  }
.Ltmp8:
0x47f: {  	[tilespmem:s23+$0xFFFFFFB0] =	vst v25;
	v13 =	vmul.f32 v20, v13;
	v11 =	vld [tilespmem:s23+$0x30];
	v10 =	vpop (erf);
	(pc) =	sbr.rel @p0 .LBB2_19-.Ltmp8, $4  }
0x480: {  	[tilespmem:s23+$0xFFFFFFD0] =	vst v12;
	v14 =	vmul.f32 v21, v14;
	v12 =	vld [tilespmem:s23+$0x50]  }
0x481: {  	[tilespmem:s23+$0xFFFFFFE0] =	vst v13;
	v15 =	vmul.f32 v22, v15;
	v13 =	vld [tilespmem:s23+$0x60]  }
0x482: {  	[tilespmem:s23+$0xFFFFFFF0] =	vst v14;
	v17 =	vmul.f32 v23, v16;
	v14 =	vld [tilespmem:s23+$0x70]  }
0x483: {  	[tilespmem:s23+$0x0] =	vst v15;
	v16 =	vmul.f32 v24, v18;
	v15 =	vld [tilespmem:s23+$0x80]  }
0x484: {  	_ =	sdelay $0x3  }
0x485: {  	v3 =	vld.idx.msk [tilespmem:v3+s3+$0x0], $0xffff  }
0x486: {  	v2 =	vld.idx.msk [tilespmem:v2+s3+$0x0], $0xffff;
	_ =	sdelay $0x3  }
0x487: {  	(erf) = vrcp.f32 v3  }
0x488: {  	v3 =	vld [tilespmem:s23+$0x90];
	(erf) = vrcp.f32 v2  }
0x489: {  	v2 =	vmul.f32 v4, v11  }
0x48a: {  	[tilespmem:s23+$0x10] =	vst v17;
	v4 =	vmul.f32 v5, v12  }
0x48b: {  	v5 =	vld [tilespmem:s23+$0xA0];
	[tilespmem:s23+$0x30] =	vst v2  }
0x48c: {  	v2 =	vmul.f32 v6, v13;
	[tilespmem:s23+$0x50] =	vst v4;
	v4 =	vmul.f32 v7, v14  }
0x48d: {  	[tilespmem:s23+$0x20] =	vst v16;
	v3 =	vmul.f32 v9, v3  }
0x48e: {  	[tilespmem:s23+$0x60] =	vst v2;
	v2 =	vmul.f32 v8, v15  }
0x48f: {  	[tilespmem:s23+$0x70] =	vst v4  }
0x490: {  	[tilespmem:s23+$0x80] =	vst v2;
	v2 =	vmul.f32 v10, v5;
	v4 =	vpop (erf)  }
0x491: {  	[tilespmem:s23+$0x90] =	vst v3;
	v1 =	vmul.f32 v4, v1;
	v3 =	vpop (erf)  }
0x492: {  	[tilespmem:s23+$0xA0] =	vst v2;
	v0 =	vmul.f32 v3, v0  }
0x493: {  	[tilespmem:s15+$0x1D880] =	vst v1  }
0x494: {  	s0 =	sadd.s32 s9, s13;
	[tilespmem:s15+$0x1D900] =	vst v0  }
0x495: {  	[hbm4b:s0+s3] =	stream.linear.scatter [tilespmem:s7], [sflag:$0x4], $0xFA0, $0x38;
	[tilespmem:$0x1E800] =	vst v63  }
0x496: {  	_ =	swait.ge [sflag:s26], $0xFA0  }
0x497: {  	[sflag:s26] =	ssyncset.done $0x0  }
0x498: {  	[sflag:s26] =	ssyncadd.s32 $0xFFFFF060  }
0x499: {  	_ =	swait.ge [sflag:s29], $0xFA0  }
0x49a: {  	[sflag:s29] =	ssyncset.done $0x0  }
0x49b: {  	s1 =	simm.s32 $0x3;
	[sflag:s29] =	ssyncadd.s32 $0xFFFFF060  }
0x49c: {  	s15 =	sadd.s32 s12, s24;
	_ =	swait.ge [sflag:s1], $0xFA0  }
0x49d: {  	s13 =	sshrl.u32 s15, $0x3;
	[sflag:s1] =	ssyncset.done $0x0  }
0x49e: {  	s0 =	sadd.s32 s4, s13;
	[sflag:s1] =	ssyncadd.s32 $0xFFFFF060  }
0x49f: {  	[tilespmem:s30], [sflag:$0x1] =	stream.linear.gather [hbm4b:s0+s3], $0xFA0, $0x38;
	[tilespmem:$0x1E800] =	vst v63  }
0x4a0: {  	s10 =	simm.s32 $0x188C0;
	s23 =	simm.s32 $0x19800;
	s16 =	sadd.s32 s5, s13  }
0x4a1: {  	[tilespmem:s23], [sflag:$0x2] =	stream.linear.gather [hbm4b:s16+s3], $0xFA0, $0x38;
	[tilespmem:$0x1E800] =	vst v63  }
0x4a2: {  	v6 =	vld [tilespmem:s10+$0xB0]  }
0x4a3: {  	v7 =	vld [tilespmem:s10+$0xFFFFFF40]  }
0x4a4: {  	v8 =	vld [tilespmem:s10+$0xFFFFFF50]  }
0x4a5: {  	v9 =	vld [tilespmem:s10+$0xFFFFFF60]  }
0x4a6: {  	v10 =	vld [tilespmem:s10+$0xFFFFFF70]  }
0x4a7: {  	v11 =	vld [tilespmem:s10+$0xFFFFFF80]  }
0x4a8: {  	v12 =	vld [tilespmem:s10+$0xFFFFFF90]  }
0x4a9: {  	v13 =	vld [tilespmem:s10+$0xFFFFFFA0]  }
0x4aa: {  	v14 =	vld [tilespmem:s10+$0xFFFFFFB0]  }
0x4ab: {  	v15 =	vld [tilespmem:s10+$0xFFFFFFD0]  }
0x4ac: {  	v16 =	vld [tilespmem:s10+$0xFFFFFFE0]  }
0x4ad: {  	v17 =	vld [tilespmem:s10+$0xFFFFFFF0]  }
0x4ae: {  	v18 =	vld [tilespmem:s10+$0x0]  }
0x4af: {  	v19 =	vld [tilespmem:s10+$0x10]  }
0x4b0: {  	v20 =	vld [tilespmem:s10+$0x20]  }
0x4b1: {  	v21 =	vld [tilespmem:s10+$0x30]  }
0x4b2: {  	v22 =	vld [tilespmem:s10+$0x50]  }
0x4b3: {  	s23 =	simm.s32 $0x1B8C0;
	v23 =	vld [tilespmem:s10+$0x60]  }
0x4b4: {  	v24 =	vld [tilespmem:s23+$0xB0]  }
0x4b5: {  	v25 =	vld [tilespmem:s10+$0x70]  }
0x4b6: {  	v26 =	vld [tilespmem:s10+$0x80]  }
0x4b7: {  	v27 =	vld [tilespmem:s10+$0x90]  }
0x4b8: {  	s16 =	simm.s32 $0x0;
	v28 =	vld [tilespmem:s10+$0xA0]  }
0x4b9: {  	s15 =	sand.u32 $0xFF0, s16;
	v63 =	vld [tilespmem:s23+$0x10]  }
0x4ba: {  	v4 =	vld [tilespmem:s15+$0x18980]  }
0x4bb: {  	v3 =	vld [tilespmem:s15+$0x18880]  }
0x4bc: {  	v2 =	vld [tilespmem:s15+$0x18900]  }
0x4bd: {  	v5 =	vld [tilespmem:s15+$0x1B980]  }
0x4be: {  	v6 =	vld.idx.msk [tilespmem:v6+s3+$0x0], $0xffff  }
0x4bf: {  	v7 =	vld.idx.msk [tilespmem:v7+s3+$0x0], $0xffff  }
0x4c0: {  	v8 =	vld.idx.msk [tilespmem:v8+s3+$0x0], $0xffff  }
0x4c1: {  	v9 =	vld.idx.msk [tilespmem:v9+s3+$0x0], $0xffff  }
0x4c2: {  	v10 =	vld.idx.msk [tilespmem:v10+s3+$0x0], $0xffff  }
0x4c3: {  	v4 =	vld.idx.msk [tilespmem:v4+s3+$0x0], $0xffff  }
0x4c4: {  	v11 =	vld.idx.msk [tilespmem:v11+s3+$0x0], $0xffff  }
0x4c5: {  	v12 =	vld.idx.msk [tilespmem:v12+s3+$0x0], $0xffff  }
0x4c6: {  	v13 =	vld.idx.msk [tilespmem:v13+s3+$0x0], $0xffff  }
0x4c7: {  	v14 =	vld.idx.msk [tilespmem:v14+s3+$0x0], $0xffff  }
0x4c8: {  	(erf) = vrcp.f32 v4;
	v4 =	vld.idx.msk [tilespmem:v15+s3+$0x0], $0xffff  }
0x4c9: {  	(erf) = vrcp.f32 v6;
	v6 =	vld.idx.msk [tilespmem:v16+s3+$0x0], $0xffff  }
0x4ca: {  	(erf) = vrcp.f32 v7;
	v7 =	vld.idx.msk [tilespmem:v17+s3+$0x0], $0xffff  }
0x4cb: {  	(erf) = vrcp.f32 v8;
	v8 =	vld.idx.msk [tilespmem:v18+s3+$0x0], $0xffff  }
0x4cc: {  	(erf) = vrcp.f32 v9;
	v9 =	vld.idx.msk [tilespmem:v19+s3+$0x0], $0xffff  }
0x4cd: {  	(erf) = vrcp.f32 v10;
	v10 =	vld.idx.msk [tilespmem:v20+s3+$0x0], $0xffff  }
0x4ce: {  	(erf) = vrcp.f32 v11;
	v11 =	vld.idx.msk [tilespmem:v21+s3+$0x0], $0xffff  }
0x4cf: {  	(erf) = vrcp.f32 v12;
	v12 =	vld.idx.msk [tilespmem:v22+s3+$0x0], $0xffff  }
0x4d0: {  	(erf) = vrcp.f32 v13;
	v13 =	vld.idx.msk [tilespmem:v23+s3+$0x0], $0xffff  }
0x4d1: {  	v15 =	vpop (erf);
	(erf) = vrcp.f32 v14;
	v14 =	vld.idx.msk [tilespmem:v25+s3+$0x0], $0xffff  }
0x4d2: {  	v16 =	vpop (erf);
	(erf) = vrcp.f32 v4;
	v4 =	vld.idx.msk [tilespmem:v26+s3+$0x0], $0xffff  }
0x4d3: {  	v17 =	vpop (erf);
	(erf) = vrcp.f32 v6;
	v6 =	vld.idx.msk [tilespmem:v27+s3+$0x0], $0xffff  }
0x4d4: {  	v18 =	vpop (erf);
	(erf) = vrcp.f32 v7;
	v7 =	vld.idx.msk [tilespmem:v28+s3+$0x0], $0xffff  }
0x4d5: {  	v19 =	vpop (erf);
	(erf) = vrcp.f32 v8;
	v8 =	vld [tilespmem:s23+$0xFFFFFF40]  }
0x4d6: {  	v5 =	vmul.f32 v15, v5;
	v60 =	vpop (erf);
	(erf) = vrcp.f32 v9;
	v9 =	vld [tilespmem:s23+$0xFFFFFF50]  }
0x4d7: {  	v16 =	vmul.f32 v16, v24;
	v61 =	vpop (erf);
	(erf) = vrcp.f32 v10;
	v10 =	vld [tilespmem:s23+$0xFFFFFF60]  }
0x4d8: {  	v15 =	vpop (erf);
	(erf) = vrcp.f32 v11;
	v11 =	vld [tilespmem:s23+$0xFFFFFF70]  }
0x4d9: {  	v62 =	vpop (erf);
	(erf) = vrcp.f32 v12;
	v12 =	vld [tilespmem:s23+$0xFFFFFF80]  }
0x4da: {  	[tilespmem:s15+$0x1B980] =	vst v5;
	v5 =	vpop (erf);
	(erf) = vrcp.f32 v13;
	v8 =	vmul.f32 v17, v8;
	v13 =	vld [tilespmem:s23+$0xFFFFFF90]  }
0x4db: {  	[tilespmem:s23+$0xB0] =	vst v16;
	v16 =	vpop (erf);
	(erf) = vrcp.f32 v14;
	v9 =	vmul.f32 v18, v9;
	v14 =	vld [tilespmem:s23+$0xFFFFFFA0]  }
0x4dc: {  	v17 =	vpop (erf);
	(erf) = vrcp.f32 v4;
	[tilespmem:s23+$0xFFFFFF40] =	vst v8;
	v4 =	vmul.f32 v19, v10;
	v8 =	vld [tilespmem:s23+$0xFFFFFFB0]  }
0x4dd: {  	v10 =	vpop (erf);
	(erf) = vrcp.f32 v6;
	[tilespmem:s23+$0xFFFFFF50] =	vst v9;
	v6 =	vmul.f32 v60, v11;
	v9 =	vld [tilespmem:s23+$0xFFFFFFD0]  }
0x4de: {  	v18 =	vpop (erf);
	(erf) = vrcp.f32 v7;
	[tilespmem:s23+$0xFFFFFF60] =	vst v4;
	v4 =	vmul.f32 v61, v12;
	v7 =	vld [tilespmem:s23+$0xFFFFFFE0]  }
0x4df: {  	v12 =	vld [tilespmem:s23+$0xFFFFFFF0]  }
0x4e0: {  	v1 =	vld [tilespmem:s15+$0x1B880];
	v19 =	vpop (erf);
	[tilespmem:s23+$0xFFFFFF70] =	vst v6;
	v6 =	vmul.f32 v15, v13  }
0x4e1: {  	v13 =	vld [tilespmem:s23+$0x0];
	v15 =	vpop (erf);
	[tilespmem:s23+$0xFFFFFF80] =	vst v4;
	v11 =	vmul.f32 v62, v14  }
0x4e2: {  	v0 =	vld [tilespmem:s15+$0x1B900];
	[tilespmem:s23+$0xFFFFFF90] =	vst v6;
	v8 =	vmul.f32 v5, v8;
	v4 =	vpop (erf)  }
0x4e3: {  	[tilespmem:s23+$0xFFFFFFA0] =	vst v11;
	v9 =	vmul.f32 v16, v9;
	v16 =	vld [tilespmem:s23+$0x20];
	v5 =	vpop (erf)  }
0x4e4: {  	v11 =	vld [tilespmem:s23+$0x30];
	[tilespmem:s23+$0xFFFFFFB0] =	vst v8;
	v14 =	vmul.f32 v17, v7;
	v10 =	vmul.f32 v10, v12;
	v6 =	vpop (erf)  }
0x4e5: {  	v12 =	vld [tilespmem:s23+$0x50];
	[tilespmem:s23+$0xFFFFFFD0] =	vst v9;
	v7 =	vpop (erf)  }
0x4e6: {  	v18 =	vmul.f32 v18, v13;
	v13 =	vld [tilespmem:s23+$0x60];
	[tilespmem:s23+$0xFFFFFFE0] =	vst v14;
	v8 =	vpop (erf)  }
0x4e7: {  	v17 =	vmul.f32 v19, v63;
	[tilespmem:s23+$0xFFFFFFF0] =	vst v10;
	v14 =	vld [tilespmem:s23+$0x70];
	v9 =	vpop (erf)  }
0x4e8: {  	[tilespmem:s23+$0x0] =	vst v18;
	v16 =	vmul.f32 v15, v16;
	v15 =	vld [tilespmem:s23+$0x80];
	v10 =	vpop (erf)  }
.LBB2_21:
0x4e9: {  	s16 =	sadd.s32 $0x190, s16;
	[tilespmem:s23+$0x10] =	vst v17;
	v4 =	vmul.f32 v4, v11;
	v11 =	vld [tilespmem:s23+$0x90]  }
0x4ea: {  	s2 =	sand.u32 $0xFF0, s16;
	p0 =	slt.u32 s16, $0xE10;
	[tilespmem:s23+$0x20] =	vst v16;
	v5 =	vmul.f32 v5, v12;
	v12 =	vld [tilespmem:s23+$0xA0]  }
0x4eb: {  	v16 =	vld [tilespmem:s2+$0x18980];
	[tilespmem:s23+$0x30] =	vst v4;
	v4 =	vmul.f32 v6, v13  }
0x4ec: {  	v6 =	vld [tilespmem:s2+$0x18880];
	[tilespmem:s23+$0x50] =	vst v5;
	v5 =	vmul.f32 v7, v14  }
0x4ed: {  	v7 =	vld [tilespmem:s2+$0x18900];
	[tilespmem:s23+$0x60] =	vst v4;
	v4 =	vmul.f32 v8, v15  }
0x4ee: {  	v8 =	vld.idx.msk [tilespmem:v3+s3+$0x0], $0xffff;
	[tilespmem:s23+$0x70] =	vst v5;
	v11 =	vmul.f32 v9, v11  }
0x4ef: {  	v5 =	vld.idx.msk [tilespmem:v2+s3+$0x0], $0xffff;
	[tilespmem:s23+$0x80] =	vst v4;
	v10 =	vmul.f32 v10, v12  }
0x4f0: {  	v4 =	vld [tilespmem:s2+$0x1B880];
	[tilespmem:s23+$0x90] =	vst v11  }
0x4f1: {  	v9 =	vld [tilespmem:s2+$0x1B900];
	[tilespmem:s23+$0xA0] =	vst v10;
	v3 =	vmov v6  }
0x4f2: {  	v6 =	vld [tilespmem:s2+$0x1B980];
	v2 =	vmov v7  }
0x4f3: {  	s10 =	sadd.s32 $0x190, s10;
	v7 =	vld.idx.msk [tilespmem:v16+s3+$0x0], $0xffff  }
0x4f4: {  	v10 =	vld [tilespmem:s10+$0xB0];
	(erf) = vrcp.f32 v8  }
0x4f5: {  	v8 =	vld [tilespmem:s10+$0xFFFFFF40];
	(erf) = vrcp.f32 v5  }
0x4f6: {  	v5 =	vld [tilespmem:s10+$0xFFFFFF50]  }
0x4f7: {  	v11 =	vld [tilespmem:s10+$0xFFFFFF60]  }
0x4f8: {  	v12 =	vld [tilespmem:s10+$0xFFFFFF70]  }
0x4f9: {  	v13 =	vld [tilespmem:s10+$0xFFFFFF80]  }
0x4fa: {  	v14 =	vld [tilespmem:s10+$0xFFFFFF90]  }
0x4fb: {  	v15 =	vld [tilespmem:s10+$0xFFFFFFA0]  }
0x4fc: {  	v10 =	vld.idx.msk [tilespmem:v10+s3+$0x0], $0xffff  }
0x4fd: {  	v16 =	vld [tilespmem:s10+$0xFFFFFFB0];
	v17 =	vpop (erf)  }
0x4fe: {  	v18 =	vld [tilespmem:s10+$0xFFFFFFD0];
	v17 =	vmul.f32 v17, v1;
	v19 =	vpop (erf);
	v1 =	vmov v4  }
0x4ff: {  	v4 =	vld [tilespmem:s10+$0xFFFFFFE0];
	v19 =	vmul.f32 v19, v0;
	v0 =	vmov v9  }
0x500: {  	v9 =	vld [tilespmem:s10+$0xFFFFFFF0];
	[tilespmem:s15+$0x1B880] =	vst v17  }
0x501: {  	v17 =	vld [tilespmem:s10+$0x0];
	(erf) = vrcp.f32 v7;
	[tilespmem:s15+$0x1B900] =	vst v19;
	s15 =	smov.u32 s2  }
0x502: {  	v7 =	vld [tilespmem:s10+$0x10];
	(erf) = vrcp.f32 v10  }
0x503: {  	v10 =	vld [tilespmem:s10+$0x20]  }
0x504: {  	v19 =	vld [tilespmem:s10+$0x30]  }
0x505: {  	v20 =	vld [tilespmem:s10+$0x50]  }
0x506: {  	s23 =	sadd.s32 $0x190, s23;
	v21 =	vld [tilespmem:s10+$0x60]  }
0x507: {  	v22 =	vld [tilespmem:s23+$0xB0]  }
0x508: {  	v23 =	vld [tilespmem:s10+$0x70]  }
0x509: {  	v24 =	vld [tilespmem:s10+$0x80]  }
0x50a: {  	v25 =	vld [tilespmem:s10+$0x90];
	v26 =	vpop (erf)  }
0x50b: {  	v27 =	vld [tilespmem:s10+$0xA0];
	v6 =	vmul.f32 v26, v6;
	v26 =	vpop (erf)  }
0x50c: {  	v8 =	vld.idx.msk [tilespmem:v8+s3+$0x0], $0xffff;
	v22 =	vmul.f32 v26, v22  }
0x50d: {  	v5 =	vld.idx.msk [tilespmem:v5+s3+$0x0], $0xffff;
	[tilespmem:s15+$0x1B980] =	vst v6  }
0x50e: {  	v6 =	vld.idx.msk [tilespmem:v11+s3+$0x0], $0xffff;
	[tilespmem:s23+$0xB0] =	vst v22  }
0x50f: {  	v11 =	vld.idx.msk [tilespmem:v12+s3+$0x0], $0xffff  }
0x510: {  	v12 =	vld.idx.msk [tilespmem:v13+s3+$0x0], $0xffff  }
0x511: {  	v13 =	vld.idx.msk [tilespmem:v14+s3+$0x0], $0xffff  }
0x512: {  	v14 =	vld.idx.msk [tilespmem:v15+s3+$0x0], $0xffff;
	(erf) = vrcp.f32 v8  }
0x513: {  	v8 =	vld.idx.msk [tilespmem:v16+s3+$0x0], $0xffff;
	(erf) = vrcp.f32 v5  }
0x514: {  	v5 =	vld.idx.msk [tilespmem:v18+s3+$0x0], $0xffff;
	(erf) = vrcp.f32 v6  }
0x515: {  	v4 =	vld.idx.msk [tilespmem:v4+s3+$0x0], $0xffff;
	(erf) = vrcp.f32 v11  }
0x516: {  	v6 =	vld.idx.msk [tilespmem:v9+s3+$0x0], $0xffff;
	(erf) = vrcp.f32 v12  }
0x517: {  	v9 =	vld.idx.msk [tilespmem:v17+s3+$0x0], $0xffff;
	(erf) = vrcp.f32 v13  }
0x518: {  	v7 =	vld.idx.msk [tilespmem:v7+s3+$0x0], $0xffff;
	(erf) = vrcp.f32 v14  }
0x519: {  	v10 =	vld.idx.msk [tilespmem:v10+s3+$0x0], $0xffff;
	(erf) = vrcp.f32 v8  }
0x51a: {  	v8 =	vld.idx.msk [tilespmem:v19+s3+$0x0], $0xffff;
	(erf) = vrcp.f32 v5  }
0x51b: {  	v5 =	vld.idx.msk [tilespmem:v20+s3+$0x0], $0xffff;
	v11 =	vpop (erf);
	(erf) = vrcp.f32 v4  }
0x51c: {  	v4 =	vld.idx.msk [tilespmem:v21+s3+$0x0], $0xffff;
	v12 =	vpop (erf);
	(erf) = vrcp.f32 v6  }
0x51d: {  	v6 =	vld.idx.msk [tilespmem:v23+s3+$0x0], $0xffff;
	v13 =	vpop (erf);
	(erf) = vrcp.f32 v9  }
0x51e: {  	v9 =	vld.idx.msk [tilespmem:v24+s3+$0x0], $0xffff;
	v14 =	vpop (erf);
	(erf) = vrcp.f32 v7  }
0x51f: {  	v7 =	vld.idx.msk [tilespmem:v25+s3+$0x0], $0xffff;
	v15 =	vpop (erf);
	(erf) = vrcp.f32 v10  }
0x520: {  	v10 =	vld.idx.msk [tilespmem:v27+s3+$0x0], $0xffff;
	v16 =	vpop (erf);
	(erf) = vrcp.f32 v8  }
0x521: {  	v8 =	vld [tilespmem:s23+$0xFFFFFF40];
	v17 =	vpop (erf);
	(erf) = vrcp.f32 v5  }
0x522: {  	v5 =	vld [tilespmem:s23+$0xFFFFFF50];
	v18 =	vpop (erf);
	(erf) = vrcp.f32 v4  }
0x523: {  	v4 =	vld [tilespmem:s23+$0xFFFFFF60];
	v19 =	vpop (erf);
	(erf) = vrcp.f32 v6  }
0x524: {  	v6 =	vld [tilespmem:s23+$0xFFFFFF70];
	v20 =	vpop (erf);
	(erf) = vrcp.f32 v9  }
0x525: {  	v9 =	vld [tilespmem:s23+$0xFFFFFF80];
	v21 =	vpop (erf);
	(erf) = vrcp.f32 v7  }
0x526: {  	v7 =	vmul.f32 v11, v8;
	v8 =	vld [tilespmem:s23+$0xFFFFFF90];
	v22 =	vpop (erf);
	(erf) = vrcp.f32 v10  }
0x527: {  	v25 =	vmul.f32 v12, v5;
	v10 =	vld [tilespmem:s23+$0xFFFFFFA0];
	v23 =	vpop (erf)  }
0x528: {  	[tilespmem:s23+$0xFFFFFF40] =	vst v7;
	v7 =	vmul.f32 v13, v4;
	v11 =	vld [tilespmem:s23+$0xFFFFFFB0];
	v24 =	vpop (erf)  }
0x529: {  	[tilespmem:s23+$0xFFFFFF50] =	vst v25;
	v25 =	vmul.f32 v14, v6;
	v12 =	vld [tilespmem:s23+$0xFFFFFFD0];
	v4 =	vpop (erf)  }
0x52a: {  	[tilespmem:s23+$0xFFFFFF60] =	vst v7;
	v26 =	vmul.f32 v15, v9;
	v13 =	vld [tilespmem:s23+$0xFFFFFFE0];
	v5 =	vpop (erf)  }
0x52b: {  	[tilespmem:s23+$0xFFFFFF70] =	vst v25;
	v25 =	vmul.f32 v16, v8;
	v14 =	vld [tilespmem:s23+$0xFFFFFFF0];
	v6 =	vpop (erf)  }
0x52c: {  	[tilespmem:s23+$0xFFFFFF80] =	vst v26;
	v17 =	vmul.f32 v17, v10;
	v15 =	vld [tilespmem:s23+$0x0];
	v7 =	vpop (erf)  }
0x52d: {  	[tilespmem:s23+$0xFFFFFF90] =	vst v25;
	v25 =	vmul.f32 v18, v11;
	v16 =	vld [tilespmem:s23+$0x10];
	v8 =	vpop (erf)  }
0x52e: {  	[tilespmem:s23+$0xFFFFFFA0] =	vst v17;
	v12 =	vmul.f32 v19, v12;
	v18 =	vld [tilespmem:s23+$0x20];
	v9 =	vpop (erf)  }
.Ltmp9:
0x52f: {  	[tilespmem:s23+$0xFFFFFFB0] =	vst v25;
	v13 =	vmul.f32 v20, v13;
	v11 =	vld [tilespmem:s23+$0x30];
	v10 =	vpop (erf);
	(pc) =	sbr.rel @p0 .LBB2_21-.Ltmp9, $4  }
0x530: {  	[tilespmem:s23+$0xFFFFFFD0] =	vst v12;
	v14 =	vmul.f32 v21, v14;
	v12 =	vld [tilespmem:s23+$0x50]  }
0x531: {  	[tilespmem:s23+$0xFFFFFFE0] =	vst v13;
	v15 =	vmul.f32 v22, v15;
	v13 =	vld [tilespmem:s23+$0x60]  }
0x532: {  	[tilespmem:s23+$0xFFFFFFF0] =	vst v14;
	v17 =	vmul.f32 v23, v16;
	v14 =	vld [tilespmem:s23+$0x70]  }
0x533: {  	[tilespmem:s23+$0x0] =	vst v15;
	v16 =	vmul.f32 v24, v18;
	v15 =	vld [tilespmem:s23+$0x80]  }
0x534: {  	_ =	sdelay $0x3  }
0x535: {  	v3 =	vld.idx.msk [tilespmem:v3+s3+$0x0], $0xffff  }
0x536: {  	v2 =	vld.idx.msk [tilespmem:v2+s3+$0x0], $0xffff;
	_ =	sdelay $0x3  }
0x537: {  	(erf) = vrcp.f32 v3  }
0x538: {  	v3 =	vld [tilespmem:s23+$0x90];
	(erf) = vrcp.f32 v2  }
0x539: {  	v2 =	vmul.f32 v4, v11  }
0x53a: {  	[tilespmem:s23+$0x10] =	vst v17;
	v4 =	vmul.f32 v5, v12  }
0x53b: {  	v5 =	vld [tilespmem:s23+$0xA0];
	[tilespmem:s23+$0x30] =	vst v2  }
0x53c: {  	v2 =	vmul.f32 v6, v13;
	[tilespmem:s23+$0x50] =	vst v4;
	v4 =	vmul.f32 v7, v14  }
0x53d: {  	[tilespmem:s23+$0x20] =	vst v16;
	v3 =	vmul.f32 v9, v3  }
0x53e: {  	[tilespmem:s23+$0x60] =	vst v2;
	v2 =	vmul.f32 v8, v15  }
0x53f: {  	[tilespmem:s23+$0x70] =	vst v4  }
0x540: {  	[tilespmem:s23+$0x80] =	vst v2;
	v2 =	vmul.f32 v10, v5;
	v4 =	vpop (erf)  }
0x541: {  	[tilespmem:s23+$0x90] =	vst v3;
	v1 =	vmul.f32 v4, v1;
	v3 =	vpop (erf)  }
0x542: {  	[tilespmem:s23+$0xA0] =	vst v2;
	v0 =	vmul.f32 v3, v0  }
0x543: {  	[tilespmem:s15+$0x1B880] =	vst v1  }
0x544: {  	s0 =	sadd.s32 s9, s14;
	[tilespmem:s15+$0x1B900] =	vst v0  }
0x545: {  	[hbm4b:s0+s3] =	stream.linear.scatter [tilespmem:s28], [sflag:$0x3], $0xFA0, $0x38;
	[tilespmem:$0x1E800] =	vst v63  }
0x546: {  	_ =	swait.ge [sflag:s26], $0xFA0  }
0x547: {  	[sflag:s26] =	ssyncset.done $0x0  }
0x548: {  	[sflag:s26] =	ssyncadd.s32 $0xFFFFF060  }
0x549: {  	_ =	swait.ge [sflag:s29], $0xFA0  }
0x54a: {  	[sflag:s29] =	ssyncset.done $0x0  }
0x54b: {  	p0 =	seq.s32 s11, $0x7;
	[sflag:s29] =	ssyncadd.s32 $0xFFFFF060  }
0x54c: {  	s14 =	simm.s32 $0x0;
	s0 =	sadd.s32 @!p0 s12, s6;
	_ =	swait.ge [sflag:s8], $0xFA0  }
0x54d: {  	s2 =	simm.s32 @!p0 $0x0;
	s0 =	sshrl.u32 @!p0 s0, $0x3;
	[sflag:s8] =	ssyncset.done $0x0  }
0x54e: {  	s7 =	simm.s32 @!p0 $0x1D800;
	s1 =	sadd.s32 @!p0 s4, s0;
	[sflag:s8] =	ssyncadd.s32 $0xFFFFF060  }
0x54f: {  	[tilespmem:s7], [sflag:$0x1] =	stream.linear.gather @!p0 [hbm4b:s1+s2], $0xFA0, $0x38;
	[tilespmem:$0x1E800] =	vst v63  }
0x550: {  	s12 =	sand.u32 $0xFF0, s14;
	s0 =	sadd.s32 @!p0 s5, s0;
	s1 =	simm.s32 @!p0 $0x1A800  }
0x551: {  	[tilespmem:s1], [sflag:$0x2] =	stream.linear.gather @!p0 [hbm4b:s0+s2], $0xFA0, $0x38;
	[tilespmem:$0x1E800] =	vst v63  }
0x552: {  	v4 =	vld [tilespmem:s12+$0x19980]  }
0x553: {  	v3 =	vld [tilespmem:s12+$0x19880]  }
0x554: {  	v2 =	vld [tilespmem:s12+$0x19900]  }
0x555: {  	v1 =	vld [tilespmem:s12+$0x1C880]  }
0x556: {  	s10 =	simm.s32 $0x198C0;
	v5 =	vld [tilespmem:s12+$0x1C980]  }
0x557: {  	v6 =	vld [tilespmem:s10+$0xB0]  }
0x558: {  	v7 =	vld [tilespmem:s10+$0xFFFFFF40]  }
0x559: {  	v8 =	vld [tilespmem:s10+$0xFFFFFF50]  }
0x55a: {  	v9 =	vld [tilespmem:s10+$0xFFFFFF60]  }
0x55b: {  	v10 =	vld [tilespmem:s10+$0xFFFFFF70]  }
0x55c: {  	v11 =	vld [tilespmem:s10+$0xFFFFFF80]  }
0x55d: {  	v12 =	vld [tilespmem:s10+$0xFFFFFF90]  }
0x55e: {  	v13 =	vld [tilespmem:s10+$0xFFFFFFA0]  }
0x55f: {  	v14 =	vld [tilespmem:s10+$0xFFFFFFB0]  }
0x560: {  	v15 =	vld [tilespmem:s10+$0xFFFFFFD0]  }
0x561: {  	v16 =	vld [tilespmem:s10+$0xFFFFFFE0]  }
0x562: {  	v17 =	vld [tilespmem:s10+$0xFFFFFFF0]  }
0x563: {  	v18 =	vld [tilespmem:s10+$0x0]  }
0x564: {  	v19 =	vld [tilespmem:s10+$0x10]  }
0x565: {  	v20 =	vld [tilespmem:s10+$0x20]  }
0x566: {  	v21 =	vld [tilespmem:s10+$0x30]  }
0x567: {  	v22 =	vld [tilespmem:s10+$0x50]  }
0x568: {  	s15 =	simm.s32 $0x1C8C0;
	v23 =	vld [tilespmem:s10+$0x60]  }
0x569: {  	v24 =	vld [tilespmem:s15+$0xB0]  }
0x56a: {  	v25 =	vld [tilespmem:s10+$0x70]  }
0x56b: {  	v26 =	vld [tilespmem:s10+$0x80]  }
0x56c: {  	v27 =	vld [tilespmem:s10+$0x90]  }
0x56d: {  	v28 =	vld [tilespmem:s10+$0xA0]  }
0x56e: {  	v4 =	vld.idx.msk [tilespmem:v4+s3+$0x0], $0xffff  }
0x56f: {  	v6 =	vld.idx.msk [tilespmem:v6+s3+$0x0], $0xffff  }
0x570: {  	v7 =	vld.idx.msk [tilespmem:v7+s3+$0x0], $0xffff  }
0x571: {  	v8 =	vld.idx.msk [tilespmem:v8+s3+$0x0], $0xffff  }
0x572: {  	v9 =	vld.idx.msk [tilespmem:v9+s3+$0x0], $0xffff  }
0x573: {  	v10 =	vld.idx.msk [tilespmem:v10+s3+$0x0], $0xffff  }
0x574: {  	v11 =	vld.idx.msk [tilespmem:v11+s3+$0x0], $0xffff  }
0x575: {  	v12 =	vld.idx.msk [tilespmem:v12+s3+$0x0], $0xffff  }
0x576: {  	v13 =	vld.idx.msk [tilespmem:v13+s3+$0x0], $0xffff  }
0x577: {  	v14 =	vld.idx.msk [tilespmem:v14+s3+$0x0], $0xffff  }
0x578: {  	(erf) = vrcp.f32 v4;
	v4 =	vld.idx.msk [tilespmem:v15+s3+$0x0], $0xffff  }
0x579: {  	(erf) = vrcp.f32 v6;
	v6 =	vld.idx.msk [tilespmem:v16+s3+$0x0], $0xffff  }
0x57a: {  	(erf) = vrcp.f32 v7;
	v7 =	vld.idx.msk [tilespmem:v17+s3+$0x0], $0xffff  }
0x57b: {  	(erf) = vrcp.f32 v8;
	v8 =	vld.idx.msk [tilespmem:v18+s3+$0x0], $0xffff  }
0x57c: {  	(erf) = vrcp.f32 v9;
	v9 =	vld.idx.msk [tilespmem:v19+s3+$0x0], $0xffff  }
0x57d: {  	(erf) = vrcp.f32 v10;
	v10 =	vld.idx.msk [tilespmem:v20+s3+$0x0], $0xffff  }
0x57e: {  	(erf) = vrcp.f32 v11;
	v11 =	vld.idx.msk [tilespmem:v21+s3+$0x0], $0xffff  }
0x57f: {  	(erf) = vrcp.f32 v12;
	v12 =	vld.idx.msk [tilespmem:v22+s3+$0x0], $0xffff  }
0x580: {  	(erf) = vrcp.f32 v13;
	v13 =	vld.idx.msk [tilespmem:v23+s3+$0x0], $0xffff  }
0x581: {  	v15 =	vpop (erf);
	(erf) = vrcp.f32 v14;
	v14 =	vld.idx.msk [tilespmem:v25+s3+$0x0], $0xffff  }
0x582: {  	v16 =	vpop (erf);
	(erf) = vrcp.f32 v4;
	v4 =	vld.idx.msk [tilespmem:v26+s3+$0x0], $0xffff  }
0x583: {  	v17 =	vpop (erf);
	(erf) = vrcp.f32 v6;
	v6 =	vld.idx.msk [tilespmem:v27+s3+$0x0], $0xffff  }
0x584: {  	v18 =	vpop (erf);
	(erf) = vrcp.f32 v7;
	v7 =	vld.idx.msk [tilespmem:v28+s3+$0x0], $0xffff  }
0x585: {  	v19 =	vpop (erf);
	(erf) = vrcp.f32 v8;
	v8 =	vld [tilespmem:s15+$0xFFFFFF40]  }
0x586: {  	v5 =	vmul.f32 v15, v5;
	v60 =	vpop (erf);
	(erf) = vrcp.f32 v9;
	v9 =	vld [tilespmem:s15+$0xFFFFFF50]  }
0x587: {  	v16 =	vmul.f32 v16, v24;
	v61 =	vpop (erf);
	(erf) = vrcp.f32 v10;
	v10 =	vld [tilespmem:s15+$0xFFFFFF60]  }
0x588: {  	v15 =	vpop (erf);
	(erf) = vrcp.f32 v11;
	v11 =	vld [tilespmem:s15+$0xFFFFFF70]  }
0x589: {  	v62 =	vpop (erf);
	(erf) = vrcp.f32 v12;
	v12 =	vld [tilespmem:s15+$0xFFFFFF80]  }
0x58a: {  	[tilespmem:s12+$0x1C980] =	vst v5;
	v5 =	vpop (erf);
	(erf) = vrcp.f32 v13;
	v8 =	vmul.f32 v17, v8;
	v13 =	vld [tilespmem:s15+$0xFFFFFF90]  }
0x58b: {  	[tilespmem:s15+$0xB0] =	vst v16;
	v16 =	vpop (erf);
	(erf) = vrcp.f32 v14;
	v9 =	vmul.f32 v18, v9;
	v14 =	vld [tilespmem:s15+$0xFFFFFFA0]  }
0x58c: {  	v17 =	vpop (erf);
	(erf) = vrcp.f32 v4;
	[tilespmem:s15+$0xFFFFFF40] =	vst v8;
	v4 =	vmul.f32 v19, v10;
	v8 =	vld [tilespmem:s15+$0xFFFFFFB0]  }
0x58d: {  	v10 =	vpop (erf);
	(erf) = vrcp.f32 v6;
	[tilespmem:s15+$0xFFFFFF50] =	vst v9;
	v6 =	vmul.f32 v60, v11;
	v9 =	vld [tilespmem:s15+$0xFFFFFFD0]  }
0x58e: {  	v18 =	vpop (erf);
	(erf) = vrcp.f32 v7;
	[tilespmem:s15+$0xFFFFFF60] =	vst v4;
	v4 =	vmul.f32 v61, v12;
	v7 =	vld [tilespmem:s15+$0xFFFFFFE0]  }
0x58f: {  	v12 =	vld [tilespmem:s15+$0xFFFFFFF0]  }
0x590: {  	v0 =	vld [tilespmem:s12+$0x1C900];
	v19 =	vpop (erf);
	[tilespmem:s15+$0xFFFFFF70] =	vst v6;
	v6 =	vmul.f32 v15, v13  }
0x591: {  	v13 =	vld [tilespmem:s15+$0x0];
	v15 =	vpop (erf);
	[tilespmem:s15+$0xFFFFFF80] =	vst v4;
	v11 =	vmul.f32 v62, v14  }
0x592: {  	v63 =	vld [tilespmem:s15+$0x10];
	[tilespmem:s15+$0xFFFFFF90] =	vst v6;
	v8 =	vmul.f32 v5, v8;
	v4 =	vpop (erf)  }
0x593: {  	[tilespmem:s15+$0xFFFFFFA0] =	vst v11;
	v9 =	vmul.f32 v16, v9;
	v16 =	vld [tilespmem:s15+$0x20];
	v5 =	vpop (erf)  }
0x594: {  	v11 =	vld [tilespmem:s15+$0x30];
	[tilespmem:s15+$0xFFFFFFB0] =	vst v8;
	v14 =	vmul.f32 v17, v7;
	v10 =	vmul.f32 v10, v12;
	v6 =	vpop (erf)  }
0x595: {  	v12 =	vld [tilespmem:s15+$0x50];
	[tilespmem:s15+$0xFFFFFFD0] =	vst v9;
	v7 =	vpop (erf)  }
0x596: {  	v18 =	vmul.f32 v18, v13;
	v13 =	vld [tilespmem:s15+$0x60];
	[tilespmem:s15+$0xFFFFFFE0] =	vst v14;
	v8 =	vpop (erf)  }
0x597: {  	v17 =	vmul.f32 v19, v63;
	[tilespmem:s15+$0xFFFFFFF0] =	vst v10;
	v14 =	vld [tilespmem:s15+$0x70];
	v9 =	vpop (erf)  }
0x598: {  	[tilespmem:s15+$0x0] =	vst v18;
	v16 =	vmul.f32 v15, v16;
	v15 =	vld [tilespmem:s15+$0x80];
	v10 =	vpop (erf)  }
.LBB2_23:
0x599: {  	s14 =	sadd.s32 $0x190, s14;
	[tilespmem:s15+$0x10] =	vst v17;
	v4 =	vmul.f32 v4, v11;
	v11 =	vld [tilespmem:s15+$0x90]  }
0x59a: {  	s2 =	sand.u32 $0xFF0, s14;
	p0 =	slt.u32 s14, $0xE10;
	[tilespmem:s15+$0x20] =	vst v16;
	v5 =	vmul.f32 v5, v12;
	v12 =	vld [tilespmem:s15+$0xA0]  }
0x59b: {  	v16 =	vld [tilespmem:s2+$0x19980];
	[tilespmem:s15+$0x30] =	vst v4;
	v4 =	vmul.f32 v6, v13  }
0x59c: {  	v6 =	vld [tilespmem:s2+$0x19880];
	[tilespmem:s15+$0x50] =	vst v5;
	v5 =	vmul.f32 v7, v14  }
0x59d: {  	v7 =	vld [tilespmem:s2+$0x19900];
	[tilespmem:s15+$0x60] =	vst v4;
	v4 =	vmul.f32 v8, v15  }
0x59e: {  	v8 =	vld.idx.msk [tilespmem:v3+s3+$0x0], $0xffff;
	[tilespmem:s15+$0x70] =	vst v5;
	v11 =	vmul.f32 v9, v11  }
0x59f: {  	v5 =	vld.idx.msk [tilespmem:v2+s3+$0x0], $0xffff;
	[tilespmem:s15+$0x80] =	vst v4;
	v10 =	vmul.f32 v10, v12  }
0x5a0: {  	v4 =	vld [tilespmem:s2+$0x1C880];
	[tilespmem:s15+$0x90] =	vst v11  }
0x5a1: {  	v9 =	vld [tilespmem:s2+$0x1C900];
	[tilespmem:s15+$0xA0] =	vst v10;
	v3 =	vmov v6  }
0x5a2: {  	v6 =	vld [tilespmem:s2+$0x1C980];
	v2 =	vmov v7  }
0x5a3: {  	s10 =	sadd.s32 $0x190, s10;
	v7 =	vld.idx.msk [tilespmem:v16+s3+$0x0], $0xffff  }
0x5a4: {  	v10 =	vld [tilespmem:s10+$0xB0];
	(erf) = vrcp.f32 v8  }
0x5a5: {  	v8 =	vld [tilespmem:s10+$0xFFFFFF40];
	(erf) = vrcp.f32 v5  }
0x5a6: {  	v5 =	vld [tilespmem:s10+$0xFFFFFF50]  }
0x5a7: {  	v11 =	vld [tilespmem:s10+$0xFFFFFF60]  }
0x5a8: {  	v12 =	vld [tilespmem:s10+$0xFFFFFF70]  }
0x5a9: {  	v13 =	vld [tilespmem:s10+$0xFFFFFF80]  }
0x5aa: {  	v14 =	vld [tilespmem:s10+$0xFFFFFF90]  }
0x5ab: {  	v15 =	vld [tilespmem:s10+$0xFFFFFFA0]  }
0x5ac: {  	v10 =	vld.idx.msk [tilespmem:v10+s3+$0x0], $0xffff  }
0x5ad: {  	v16 =	vld [tilespmem:s10+$0xFFFFFFB0];
	v17 =	vpop (erf)  }
0x5ae: {  	v18 =	vld [tilespmem:s10+$0xFFFFFFD0];
	v17 =	vmul.f32 v17, v1;
	v19 =	vpop (erf);
	v1 =	vmov v4  }
0x5af: {  	v4 =	vld [tilespmem:s10+$0xFFFFFFE0];
	v19 =	vmul.f32 v19, v0;
	v0 =	vmov v9  }
0x5b0: {  	v9 =	vld [tilespmem:s10+$0xFFFFFFF0];
	[tilespmem:s12+$0x1C880] =	vst v17  }
0x5b1: {  	v17 =	vld [tilespmem:s10+$0x0];
	(erf) = vrcp.f32 v7;
	[tilespmem:s12+$0x1C900] =	vst v19;
	s12 =	smov.u32 s2  }
0x5b2: {  	v7 =	vld [tilespmem:s10+$0x10];
	(erf) = vrcp.f32 v10  }
0x5b3: {  	v10 =	vld [tilespmem:s10+$0x20]  }
0x5b4: {  	v19 =	vld [tilespmem:s10+$0x30]  }
0x5b5: {  	v20 =	vld [tilespmem:s10+$0x50]  }
0x5b6: {  	s15 =	sadd.s32 $0x190, s15;
	v21 =	vld [tilespmem:s10+$0x60]  }
0x5b7: {  	v22 =	vld [tilespmem:s15+$0xB0]  }
0x5b8: {  	v23 =	vld [tilespmem:s10+$0x70]  }
0x5b9: {  	v24 =	vld [tilespmem:s10+$0x80]  }
0x5ba: {  	v25 =	vld [tilespmem:s10+$0x90];
	v26 =	vpop (erf)  }
0x5bb: {  	v27 =	vld [tilespmem:s10+$0xA0];
	v6 =	vmul.f32 v26, v6;
	v26 =	vpop (erf)  }
0x5bc: {  	v8 =	vld.idx.msk [tilespmem:v8+s3+$0x0], $0xffff;
	v22 =	vmul.f32 v26, v22  }
0x5bd: {  	v5 =	vld.idx.msk [tilespmem:v5+s3+$0x0], $0xffff;
	[tilespmem:s12+$0x1C980] =	vst v6  }
0x5be: {  	v6 =	vld.idx.msk [tilespmem:v11+s3+$0x0], $0xffff;
	[tilespmem:s15+$0xB0] =	vst v22  }
0x5bf: {  	v11 =	vld.idx.msk [tilespmem:v12+s3+$0x0], $0xffff  }
0x5c0: {  	v12 =	vld.idx.msk [tilespmem:v13+s3+$0x0], $0xffff  }
0x5c1: {  	v13 =	vld.idx.msk [tilespmem:v14+s3+$0x0], $0xffff  }
0x5c2: {  	v14 =	vld.idx.msk [tilespmem:v15+s3+$0x0], $0xffff;
	(erf) = vrcp.f32 v8  }
0x5c3: {  	v8 =	vld.idx.msk [tilespmem:v16+s3+$0x0], $0xffff;
	(erf) = vrcp.f32 v5  }
0x5c4: {  	v5 =	vld.idx.msk [tilespmem:v18+s3+$0x0], $0xffff;
	(erf) = vrcp.f32 v6  }
0x5c5: {  	v4 =	vld.idx.msk [tilespmem:v4+s3+$0x0], $0xffff;
	(erf) = vrcp.f32 v11  }
0x5c6: {  	v6 =	vld.idx.msk [tilespmem:v9+s3+$0x0], $0xffff;
	(erf) = vrcp.f32 v12  }
0x5c7: {  	v9 =	vld.idx.msk [tilespmem:v17+s3+$0x0], $0xffff;
	(erf) = vrcp.f32 v13  }
0x5c8: {  	v7 =	vld.idx.msk [tilespmem:v7+s3+$0x0], $0xffff;
	(erf) = vrcp.f32 v14  }
0x5c9: {  	v10 =	vld.idx.msk [tilespmem:v10+s3+$0x0], $0xffff;
	(erf) = vrcp.f32 v8  }
0x5ca: {  	v8 =	vld.idx.msk [tilespmem:v19+s3+$0x0], $0xffff;
	(erf) = vrcp.f32 v5  }
0x5cb: {  	v5 =	vld.idx.msk [tilespmem:v20+s3+$0x0], $0xffff;
	v11 =	vpop (erf);
	(erf) = vrcp.f32 v4  }
0x5cc: {  	v4 =	vld.idx.msk [tilespmem:v21+s3+$0x0], $0xffff;
	v12 =	vpop (erf);
	(erf) = vrcp.f32 v6  }
0x5cd: {  	v6 =	vld.idx.msk [tilespmem:v23+s3+$0x0], $0xffff;
	v13 =	vpop (erf);
	(erf) = vrcp.f32 v9  }
0x5ce: {  	v9 =	vld.idx.msk [tilespmem:v24+s3+$0x0], $0xffff;
	v14 =	vpop (erf);
	(erf) = vrcp.f32 v7  }
0x5cf: {  	v7 =	vld.idx.msk [tilespmem:v25+s3+$0x0], $0xffff;
	v15 =	vpop (erf);
	(erf) = vrcp.f32 v10  }
0x5d0: {  	v10 =	vld.idx.msk [tilespmem:v27+s3+$0x0], $0xffff;
	v16 =	vpop (erf);
	(erf) = vrcp.f32 v8  }
0x5d1: {  	v8 =	vld [tilespmem:s15+$0xFFFFFF40];
	v17 =	vpop (erf);
	(erf) = vrcp.f32 v5  }
0x5d2: {  	v5 =	vld [tilespmem:s15+$0xFFFFFF50];
	v18 =	vpop (erf);
	(erf) = vrcp.f32 v4  }
0x5d3: {  	v4 =	vld [tilespmem:s15+$0xFFFFFF60];
	v19 =	vpop (erf);
	(erf) = vrcp.f32 v6  }
0x5d4: {  	v6 =	vld [tilespmem:s15+$0xFFFFFF70];
	v20 =	vpop (erf);
	(erf) = vrcp.f32 v9  }
0x5d5: {  	v9 =	vld [tilespmem:s15+$0xFFFFFF80];
	v21 =	vpop (erf);
	(erf) = vrcp.f32 v7  }
0x5d6: {  	v7 =	vmul.f32 v11, v8;
	v8 =	vld [tilespmem:s15+$0xFFFFFF90];
	v22 =	vpop (erf);
	(erf) = vrcp.f32 v10  }
0x5d7: {  	v25 =	vmul.f32 v12, v5;
	v10 =	vld [tilespmem:s15+$0xFFFFFFA0];
	v23 =	vpop (erf)  }
0x5d8: {  	[tilespmem:s15+$0xFFFFFF40] =	vst v7;
	v7 =	vmul.f32 v13, v4;
	v11 =	vld [tilespmem:s15+$0xFFFFFFB0];
	v24 =	vpop (erf)  }
0x5d9: {  	[tilespmem:s15+$0xFFFFFF50] =	vst v25;
	v25 =	vmul.f32 v14, v6;
	v12 =	vld [tilespmem:s15+$0xFFFFFFD0];
	v4 =	vpop (erf)  }
0x5da: {  	[tilespmem:s15+$0xFFFFFF60] =	vst v7;
	v26 =	vmul.f32 v15, v9;
	v13 =	vld [tilespmem:s15+$0xFFFFFFE0];
	v5 =	vpop (erf)  }
0x5db: {  	[tilespmem:s15+$0xFFFFFF70] =	vst v25;
	v25 =	vmul.f32 v16, v8;
	v14 =	vld [tilespmem:s15+$0xFFFFFFF0];
	v6 =	vpop (erf)  }
0x5dc: {  	[tilespmem:s15+$0xFFFFFF80] =	vst v26;
	v17 =	vmul.f32 v17, v10;
	v15 =	vld [tilespmem:s15+$0x0];
	v7 =	vpop (erf)  }
0x5dd: {  	[tilespmem:s15+$0xFFFFFF90] =	vst v25;
	v25 =	vmul.f32 v18, v11;
	v16 =	vld [tilespmem:s15+$0x10];
	v8 =	vpop (erf)  }
0x5de: {  	[tilespmem:s15+$0xFFFFFFA0] =	vst v17;
	v12 =	vmul.f32 v19, v12;
	v18 =	vld [tilespmem:s15+$0x20];
	v9 =	vpop (erf)  }
.Ltmp10:
0x5df: {  	[tilespmem:s15+$0xFFFFFFB0] =	vst v25;
	v13 =	vmul.f32 v20, v13;
	v11 =	vld [tilespmem:s15+$0x30];
	v10 =	vpop (erf);
	(pc) =	sbr.rel @p0 .LBB2_23-.Ltmp10, $4  }
0x5e0: {  	[tilespmem:s15+$0xFFFFFFD0] =	vst v12;
	v14 =	vmul.f32 v21, v14;
	v12 =	vld [tilespmem:s15+$0x50]  }
0x5e1: {  	[tilespmem:s15+$0xFFFFFFE0] =	vst v13;
	v15 =	vmul.f32 v22, v15;
	v13 =	vld [tilespmem:s15+$0x60]  }
0x5e2: {  	[tilespmem:s15+$0xFFFFFFF0] =	vst v14;
	v17 =	vmul.f32 v23, v16;
	v14 =	vld [tilespmem:s15+$0x70]  }
0x5e3: {  	[tilespmem:s15+$0x0] =	vst v15;
	v16 =	vmul.f32 v24, v18;
	v15 =	vld [tilespmem:s15+$0x80]  }
0x5e4: {  	_ =	sdelay $0x3  }
0x5e5: {  	v3 =	vld.idx.msk [tilespmem:v3+s3+$0x0], $0xffff  }
0x5e6: {  	v2 =	vld.idx.msk [tilespmem:v2+s3+$0x0], $0xffff;
	_ =	sdelay $0x3  }
0x5e7: {  	(erf) = vrcp.f32 v3  }
0x5e8: {  	(erf) = vrcp.f32 v2;
	_ =	sdelay $0x1  }
0x5e9: {  	[tilespmem:s15+$0x10] =	vst v17;
	v54 =	vmul.f32 v4, v11;
	v55 =	vld [tilespmem:s15+$0x90]  }
0x5ea: {  	v57 =	vld [tilespmem:s15+$0xA0];
	[tilespmem:s15+$0x20] =	vst v16;
	v56 =	vmul.f32 v5, v12  }
0x5eb: {  	[tilespmem:s15+$0x30] =	vst v54;
	v58 =	vmul.f32 v6, v13  }
0x5ec: {  	[tilespmem:s15+$0x50] =	vst v56;
	v59 =	vmul.f32 v7, v14  }
0x5ed: {  	[tilespmem:s15+$0x60] =	vst v58;
	v60 =	vmul.f32 v8, v15  }
0x5ee: {  	s11 =	sadd.s32 $0x1, s11;
	[tilespmem:s15+$0x70] =	vst v59;
	v3 =	vmul.f32 v9, v55  }
0x5ef: {  	p0 =	sne.s32 s11, $0x8;
	v61 =	vmul.f32 v10, v57;
	[tilespmem:s15+$0x80] =	vst v60;
	v62 =	vpop (erf)  }
.Ltmp11:
0x5f0: {  	[tilespmem:s15+$0x90] =	vst v3;
	v1 =	vmul.f32 v62, v1;
	v63 =	vpop (erf);
	(pc) =	sbr.rel @p0 .LBB2_12-.Ltmp11, $4  }
0x5f1: {  	[tilespmem:s15+$0xA0] =	vst v61;
	v0 =	vmul.f32 v63, v0  }
0x5f2: {  	[tilespmem:s12+$0x1C880] =	vst v1  }
0x5f3: {  	s0 =	sadd.s32 s9, s13;
	s7 =	simm.s32 $0x1D800;
	[tilespmem:s12+$0x1C900] =	vst v0  }
0x5f4: {  	[hbm4b:s0+s3] =	stream.linear.scatter [tilespmem:s30], [sflag:$0x4], $0xFA0, $0x38;
	[tilespmem:$0x1E800] =	vst v63  }
0x5f5: {  	s0 =	simm.s32 $0x3  }
0x5f6: {  	_ =	swait.ge [sflag:s0], $0xFA0  }
0x5f7: {  	[sflag:s0] =	ssyncset.done $0x0  }
0x5f8: {  	[sflag:s0] =	ssyncadd.s32 $0xFFFFF060  }
0x5f9: {  	_ =	swait.ge [sflag:s8], $0xFA0  }
0x5fa: {  	s1 =	rddreg [dreg:$0x14]  }
0x5fb: {  	s31 =	rddreg [dreg:$0x13];
	s1 =	sadd.s32 $0x1, s1  }
0x5fc: {  	p0 =	sne.s32 s1, s31  }
.Ltmp12:
0x5fd: {  	_ = 	snop;
	(pc) =	sbr.rel @p0 .LBB2_1-.Ltmp12, $3  }
0x5fe: {  	_ =	sdelay $0x1  }
0x5ff: {  	[sflag:s8] =	ssyncset.done $0x0  }
0x600: {  	[sflag:s8] =	ssyncadd.s32 $0xFFFFF060  }
0x601: {  	_ =	sfence.sel $0x180000  }
0x602: {  	[bflag:$0x0] =	sbarrier.arrive $0xFFFF  }
0x603: {  	_ =	strace $0x9000004D  }
0x604: {  	s0 =	stileid.u32;
	[bflag:$0x2] =	sbarrier.arrive $0xFFFF  }
0x605: {  	p0 =	sne.s32 s0, $0x0;
	s0 =	rddreg [dreg:$0x2]  }
0x606: {  	s0 =	sadd.s32 @!p0 $0x100000, s0  }
0x607: {  	[sflag:s0] =	ssyncadd.tile.s32 @!p0 $0x1;
	_ =	shalt  }
.Lfunc_end2:
_tile_overlayer_lowered:
.L_overlay_start_2:
0x608: {  	(tag) =	ssettag $0x2  }
0x609: {  	s0 =	rddreg [dreg:$0x0];
	s2 =	stileid.u32  }
0x60a: {  	s1 =	rddreg [dreg:$0x1];
	p0 =	sne.s32 s2, $0x0  }
0x60b: {  	s3 =	rddreg [dreg:$0x2];
	[bflag:$0x3] =	sbarrier.arrive $0xFFFF;
	s2 =	simm.s32 @!p0 $0x1C05  }
0x60c: {  	[timem:s3], [sflag:s2] =	dma.local @!p0 [hbm:s0], s1  }
0x60d: {  	s0 =	simm.s32 @!p0 $0x5  }
0x60e: {  	_ =	swait.ge @!p0 [sflag:s0], s1  }
0x60f: {  	s1 =	ssub.s32 @!p0 $0x0, s1;
	[sflag:s0] =	ssyncset.done @!p0 $0x0  }
0x610: {  	[sflag:s0] =	ssyncadd.s32 @!p0 s1  }
0x611: {  	[bflag:$0x3] =	sbarrier.arrive $0xFFFF  }
0x612: {  	_ =	shalt  }

// kernel: sparse-core-data-format-call.cloned.1.call-start
scs
called_computation_lowered:
.L_overlay_start_0:
0x0: {  	s2 =	sld [smem:$0x3FD9]  }
0x1: {  	s3 =	sld [smem:$0x3FFE];
	_ =	sdelay $0x1  }
0x2: {  	s1 =	srdreg.scid  }
0x3: {  	s0 =	sand.u32 $0x1, s1  }
0x4: {  	s18 =	sshll.u32 s0, $0xA;
	s2 =	sadd.s32 s3, s2  }
0x5: {  	s2 =	sadd.s32 s2, s18  }
0x6: {  	[smem:$0x3FC6] =	sst s2  }
0x7: {  	_ = 	snop  }
0x8: {  	s2 =	sld [smem:$0x3FC8];
	(tm) =	ssettm $0x1  }
0x9: {  	s19 =	sld [smem:$0x3FFB];
	_ =	sdelay $0x3  }
0xa: {  	_ =	strace s19  }
0xb: {  	s3 =	sld [smem:$0x3FFC];
	_ =	sdelay $0x3  }
0xc: {  	_ =	strace s3  }
0xd: {  	s3 =	sld [smem:$0x3FFD];
	_ =	sdelay $0x3  }
0xe: {  	_ =	strace s3  }
0xf: {  	_ =	strace $0x8FFFFFFF  }
0x10: {  	s20 =	sld [smem:$0x3FDB];
	_ =	sdelay $0x1  }
0x11: {  	s4 =	simm.s32 $_scs_section_size  }
0x12: {  	s5 =	simm.s32 $_size__tile_overlayer_lowered;
	s6 =	simm.s32 $_tile_overlayer_lowered  }
0x13: {  	s23 =	simm.s32 $0x1BFF;
	s22 =	sshll.u32 s6, $0x1;
	s3 =	sadd.s32 s4, s20  }
0x14: {  	s7 =	simm.s32 $0x0;
	s21 =	sshll.u32 s5, $0x1;
	s5 =	sadd.s32 s22, s3  }
0x15: {  	[timem:s7], [sflag:s23] =	dma.local [hbm:s5], s21  }
0x16: {  	_ =	swait.ge [sflag:s23], s21  }
0x17: {  	s4 =	ssub.s32 $0x0, s21;
	[sflag:s23] =	ssyncset.done $0x0  }
0x18: {  	[sflag:s23] =	ssyncadd.s32 s4;
	_ =	sdelay $0x1  }
0x19: {  	s24 =	simm.s32 $0x1B8B  }
0x1a: {  	_ =	swait.ge [sflag:s24], $0x1  }
0x1b: {  	[sflag:s24] =	ssyncset.done $0x0  }
0x1c: {  	s26 =	simm.s32 $0x1B8E;
	s25 =	sld [smem:$0x3FFE];
	[sflag:s24] =	ssyncadd.s32 $0xFFFFFFFF  }
0x1d: {  	s27 =	simm.s32 $execute0_lowered;
	[smem:$0x3FD2] =	sst s26  }
0x1e: {  	s5 =	sshll.u32 s27, $0x1;
	_ =	strace $0x80000046;
	[dreg:$0x1] =	wrdreg $0xFFFFFFFF  }
0x1f: {  	s28 =	simm.s32 $_size_execute0_lowered;
	s3 =	sadd.s32 s3, s5;
	[dreg:$0x0] =	wrdreg $0x0  }
0x20: {  	s5 =	sshll.u32 s28, $0x1;
	[dreg:$0x2] =	wrdreg s3  }
0x21: {  	[dreg:$0x3] =	wrdreg s5  }
0x22: {  	[dreg:$0x4] =	wrdreg $0xC0  }
0x23: {  	_ =	task [dreg:s7], $0x5FFFF  }
0x24: {  	[dreg:$0x1] =	wrdreg $0xFFFFFFFF  }
0x25: {  	[dreg:$0x0] =	wrdreg $0x60  }
0x26: {  	[dreg:$0x2] =	wrdreg s2  }
0x27: {  	[dreg:$0x3] =	wrdreg s25  }
0x28: {  	[dreg:$0x4] =	wrdreg $0x9  }
0x29: {  	_ =	task.clear_ibuf [dreg:s7], $0x5FFFF;
	_ =	strace $0x90000046  }
0x2a: {  	s29 =	simm.s32 $0x9;
	_ =	strace $0x80000048  }
0x2b: {  	_ =	swait.ge [sflag:s29], $0x1  }
0x2c: {  	[sflag:s29] =	ssyncadd.s32 $0xFFFFFFFF  }
0x2d: {  	_ =	strace $0x90000048  }
0x2e: {  	_ =	sfence  }
0x2f: {  	s30 =	sld [smem:$0x0];
	_ =	sdelay $0x2  }
0x30: {  	s31 =	sshll.u32 s1, $0xD;
	s1 =	sshrl.u32 s1, $0x2  }
0x31: {  	s3 =	sand.u32 $0x4000, s31;
	s1 =	sadd.s32 s1, s30  }
0x32: {  	s0 =	sor.u32 s3, s0;
	s1 =	sshll.u32 s1, $0x11  }
0x33: {  	s0 =	sor.u32 s1, s0  }
0x34: {  	s0 =	sadd.s32 $0x8F2B, s0  }
0x35: {  	[sflag:s0] =	ssyncadd.remote.s32 $0x1  }
0x36: {  	_ =	sfence.sel $0xFFFF  }
0x37: {  	[dreg:$0x0] =	wrdreg $0xFFFFFFFF;
	(pc) =	sbr.abs _section_cstart, $3  }
0x38: {  	[dreg:$0x1] =	wrdreg $0xFFFFFFFF  }
0x39: {  	_ =	task.clear_ibuf [dreg:s7], $0x2FFFF;
	_ =	strace $0x9FFFFFFF  }
0x3a: {  	(tm) =	ssettm $0x7FFFFFFF  }
0x3b: {  	_ =	shalt  }
tec
execute0_lowered:
.L_overlay_start_1:
0x0: {  	(tag) =	ssettag $0x1  }
0x1: {  	s0 =	stileid.u32;
	s7 =	rddreg [dreg:$0x0]  }
0x2: {  	s1 =	srdreg.scid;
	s4 =	rddreg [dreg:$0x1]  }
0x3: {  	s30 =	simm.s32 $0x2;
	s10 =	simm.s32 $0x0;
	s14 =	simm.s32 $0x0  }
0x4: {  	s15 =	simm.s32 $0x0;
	s11 =	simm.s32 $0x0;
	s13 =	simm.s32 $0x0  }
0x5: {  	s2 =	sand.u32 $0x1, s1;
	s3 =	sshll.u32 s0, $0x7;
	s1 =	rddreg [dreg:$0x2]  }
0x6: {  	_ =	strace $0x80000047;
	s5 =	ssub.s32 $0xC300, s3;
	s6 =	ssub.s32 $0x2, s2  }
.Ltmp0:
0x7: {  	s5 =	sshrl.u32 s5, $0xB;
	s8 =	sshrl.u32 s6, $0x1;
	(pc) =	sbr.rel .LBB1_1-.Ltmp0, $4  }
0x8: {  	s4 =	sadd.s32 $0x1000, s4;
	s9 =	sadd.s32 $0x1, s5;
	s6 =	ssub.s32 s6, s8  }
0x9: {  	s31 =	sshll.u32 s2, $0x4;
	s5 =	simm.s32 $0x1;
	s6 =	smul.u32 s9, s6  }
0xa: {  	s12 =	smov.u32 s3;
	s7 =	sadd.s32 s7, s31;
	[sflag:s5] =	ssyncpa.u1 $0x0  }
0xb: {  	s9 =	simm.s32 $0x0;
	[sflag:s30] =	ssyncpa.u1 $0x0;
	s8 =	sadd.s32 $0x1, s6  }
.LBB1_4:
0xc: {  	s21 =	simm.s32 $0x0  }
.LBB1_8:
0xd: {  	_ =	sdelay $0x3  }
0xe: {  	v6 =	vld [tilespmem:s18+$0xFFFFFFC0];
	[tilespmem:v0+s20+$0x30 ss:$0x1] =	vst.idx.msk @p0 $0xffff, v2  }
0xf: {  	v58 =	vld [tilespmem:s18+$0xFFFFFFD0];
	[tilespmem:v0+s20+$0x40 ss:$0x1] =	vst.idx.msk @p0 $0xffff, v3;
	s21 =	sadd.s32 @p0 $0x80, s21  }
0x10: {  	v59 =	vld [tilespmem:s18+$0xFFFFFFE0];
	[tilespmem:v0+s20+$0x50 ss:$0x1] =	vst.idx.msk @p0 $0xffff, v5;
	s19 =	smov.u32 @p0 s21  }
0x11: {  	v60 =	vld [tilespmem:s18+$0xFFFFFFF0];
	[tilespmem:v0+s20+$0x60 ss:$0x1] =	vst.idx.msk @p0 $0xffff, v4;
	s19 =	sand.u32 $0x3F80, s19  }
0x12: {  	v61 =	vld [tilespmem:s18+$0x0];
	[tilespmem:v0+s19+$0x70 ss:$0x1] =	vst.idx.msk $0xffff, v1  }
0x13: {  	v62 =	vld [tilespmem:s18+$0x10];
	[tilespmem:v0+s19+$0x0 ss:$0x1] =	vst.idx.msk $0xffff, v6  }
0x14: {  	v63 =	vld [tilespmem:s18+$0x20];
	[tilespmem:v0+s19+$0x10 ss:$0x1] =	vst.idx.msk $0xffff, v58  }
0x15: {  	[tilespmem:v0+s19+$0x20 ss:$0x1] =	vst.idx.msk $0xffff, v59  }
0x16: {  	[tilespmem:v0+s19+$0x30 ss:$0x1] =	vst.idx.msk $0xffff, v60  }
0x17: {  	[tilespmem:v0+s19+$0x40 ss:$0x1] =	vst.idx.msk $0xffff, v61  }
0x18: {  	[tilespmem:v0+s19+$0x50 ss:$0x1] =	vst.idx.msk $0xffff, v62  }
0x19: {  	[tilespmem:v0+s19+$0x60 ss:$0x1] =	vst.idx.msk $0xffff, v63  }
.LBB1_9:
0x1a: {  	s18 =	sand.u32 $0x1FFFFFF, s11  }
0x1b: {  	s19 =	smulhi.u32 $0x14F8B59, s18;
	_ =	sdelay $0x1  }
0x1c: {  	s19 =	sshrl.u32 s19, $0x8  }
0x1d: {  	s19 =	smul.u32 $0xC350, s19  }
0x1e: {  	s15 =	smul.u32 $0xC3500, s15  }
0x1f: {  	s18 =	ssub.s32 s18, s19  }
0x20: {  	s15 =	sadd.s32 s4, s15;
	s18 =	sshll.u32 s18, $0x4  }
0x21: {  	s15 =	sadd.s32 s18, s15  }
0x22: {  	[hbm4b:s15+s9] =	stream.linear.scatter [tilespmem:s17], [sflag:$0x2], s16, $0x38;
	[tilespmem:$0x10000] =	vst v63  }
.LBB1_10:
0x23: {  	p0 =	slt.u32 s13, $0x2  }
0x24: {  	p1 =	sgt.s32 @!p0 s14, $0xC2D0  }
0x25: {  	s15 =	smov.u32 s14;
	s16 =	sshra.s32 @!p0 s14, $0x1F;
	p1 =	por !p1, p0  }
0x26: {  	s14 =	sand.u32 @!p0 s16, s14;
	s15 =	simm.s32 @p1 $0xC2D0  }
0x27: {  	s14 =	ssub.s32 @!p0 s15, s14  }
0x28: {  	s14 =	sadd.s32 @!p0 $0xFFFF3D30, s14  }
0x29: {  	s15 =	sshll.u32 @!p0 s14, $0x7  }
0x2a: {  	p1 =	sgt.s32 @!p0 s14, $0x7F;
	s14 =	ssub.s32 @!p0 $0x4000, s15  }
0x2b: {  	s16 =	sadd.s32 $0x800, s12;
	p1 =	por !p1, p0;
	s14 =	sand.u32 @!p0 $0x3FFFFF80, s14  }
0x2c: {  	s14 =	simm.s32 @!p1 $0x0;
	p1 =	sgt.s32 s16, $0xC34F  }
0x2d: {  	s16 =	smov.u32 @p1 s3;
	p1 =	sne.s32 s13, s8  }
.Ltmp1:
0x2e: {  	_ = 	snop;
	(pc) =	sbr.rel @!p1 .LBB1_11-.Ltmp1, $4  }
0x2f: {  	s10 =	sadd.s32 $0x4000, s10;
	s15 =	simm.s32 @!p0 $0x2  }
0x30: {  	_ =	swait.ge @!p0 [sflag:s15], s14;
	s17 =	ssub.s32 @!p0 $0x0, s14;
	s14 =	smov.u32 s11  }
0x31: {  	s13 =	sadd.s32 $0x1, s13;
	s11 =	smov.u32 s12;
	[sflag:s15] =	ssyncset.done @!p0 $0x0  }
0x32: {  	s12 =	smov.u32 s16;
	[sflag:s15] =	ssyncadd.s32 @!p0 s17;
	s15 =	smov.u32 s2  }
.LBB1_1:
0x33: {  	p0 =	sge.u32 s13, s6  }
0x34: {  	p1 =	sgt.s32 @!p0 s12, $0xC2D0  }
0x35: {  	s16 =	smov.u32 s12;
	s17 =	sshra.s32 @!p0 s12, $0x1F;
	p1 =	por !p1, p0  }
0x36: {  	s17 =	sand.u32 @!p0 s17, s12;
	s16 =	simm.s32 @p1 $0xC2D0  }
0x37: {  	s16 =	ssub.s32 @!p0 s16, s17  }
0x38: {  	s31 =	sadd.s32 $0xFFFFFFFF, s13;
	s18 =	sxor.u32 @!p0 $0xFFFFFFFF, s13;
	s16 =	sadd.s32 @!p0 $0xFFFF3D30, s16  }
0x39: {  	s19 =	simm.s32 @!p0 $0x80;
	s20 =	simm.s32 @!p0 $0x100;
	s17 =	sshll.u32 @!p0 s16, $0x7  }
0x3a: {  	p1 =	sgt.s32 @!p0 s16, $0x7F;
	s16 =	ssub.s32 @!p0 $0x4000, s17;
	s17 =	sshll.u32 @!p0 s18, $0xE  }
0x3b: {  	p1 =	por !p1, p0;
	s18 =	sshll.u32 @!p0 s12, $0x5;
	s16 =	sand.u32 @!p0 $0x3FFFFF80, s16  }
0x3c: {  	s17 =	sand.u32 @!p0 $0x4000, s17;
	s18 =	sadd.s32 @!p0 s18, s7;
	s16 =	simm.s32 @!p1 $0x0  }
0x3d: {  	[tilespmem:s17], [sflag:$0x1] =	stream.strided.gather @!p0 [hbm4b:s18+s19], s16, s20, s19, $0x38;
	[tilespmem:$0x10000] =	vst v63  }
0x3e: {  	p0 =	sge.u32 s31, s6  }
.Ltmp2:
0x3f: {  	_ = 	snop;
	(pc) =	sbr.rel @p0 .LBB1_10-.Ltmp2, $1  }
0x40: {  	_ =	sdelay $0x3  }
0x41: {  	p0 =	sgt.s32 s11, $0xC2D0;
	s16 =	smov.u32 s11;
	s17 =	sshra.s32 s11, $0x1F  }
0x42: {  	s16 =	simm.s32 @!p0 $0xC2D0;
	s17 =	sand.u32 s17, s11  }
0x43: {  	s16 =	ssub.s32 s16, s17  }
0x44: {  	s16 =	sadd.s32 $0xFFFF3D30, s16  }
0x45: {  	s30 =	sshll.u32 s16, $0x7  }
0x46: {  	s17 =	ssub.s32 $0x4000, s30  }
0x47: {  	p0 =	sgt.s32 s16, $0x7F;
	s16 =	sand.u32 $0x3FFFFF80, s17;
	s17 =	sadd.s32 $0x80, s11  }
0x48: {  	s16 =	simm.s32 @p0 $0x0;
	p0 =	slt.s32 s17, $0xC350  }
0x49: {  	s17 =	simm.s32 @!p0 $0xC350  }
0x4a: {  	s20 =	ssub.s32 s17, s11  }
0x4b: {  	p0 =	slt.s32 s20, $0x1  }
.Ltmp3:
0x4c: {  	_ = 	snop;
	(pc) =	sbr.rel @p0 .LBB1_9-.Ltmp3, $4  }
0x4d: {  	_ = 	snop  }
0x4e: {  	s19 =	sshll.u32 s13, $0xE;
	_ =	swait.ge [sflag:s5], s16  }
0x4f: {  	s31 =	sand.u32 $0x4000, s19;
	s18 =	ssub.s32 $0x0, s16;
	[sflag:s5] =	ssyncset.done $0x0  }
0x50: {  	s17 =	sor.u32 $0x8000, s31;
	[sflag:s5] =	ssyncadd.s32 s18  }
0x51: {  	p1 =	sne.s32 s20, $0x1  }
.Ltmp4:
0x52: {  	v0 =	vmov s17;
	(pc) =	sbr.rel @!p1 .LBB1_4-.Ltmp4, $4  }
0x53: {  	_ = 	snop  }
0x54: {  	s18 =	sand.u32 $0x4000, s10  }
0x55: {  	s18 =	sor.u32 $0x40, s18  }
0x56: {  	s19 =	simm.s32 $0x0;
	s21 =	sadd.s32 $0xFFFFFFFF, s20;
	p0 =	por $0x0, $0x0;
	v1 =	vld [tilespmem:s18+$0x30]  }
0x57: {  	v4 =	vld [tilespmem:s18+$0xFFFFFFC0]  }
0x58: {  	v6 =	vld [tilespmem:s18+$0xFFFFFFD0]  }
0x59: {  	v7 =	vld [tilespmem:s18+$0xFFFFFFE0];
	p1 =	sne.s32 s21, $0x1  }
.Ltmp5:
0x5a: {  	v2 =	vld [tilespmem:s18+$0xFFFFFFF0];
	s20 =	sand.u32 $0x3F80, s19;
	(pc) =	sbr.rel @!p1 .LBB1_6-.Ltmp5, $4  }
0x5b: {  	v3 =	vld [tilespmem:s18+$0x0];
	[tilespmem:v0+s20+$0x70 ss:$0x1] =	vst.idx.msk $0xffff, v1  }
0x5c: {  	v5 =	vld [tilespmem:s18+$0x10];
	[tilespmem:v0+s20+$0x0 ss:$0x1] =	vst.idx.msk $0xffff, v4  }
0x5d: {  	v4 =	vld [tilespmem:s18+$0x20];
	[tilespmem:v0+s20+$0x10 ss:$0x1] =	vst.idx.msk $0xffff, v6;
	s18 =	sadd.s32 $0x80, s18  }
0x5e: {  	s22 =	sadd.s32 $0xFFFFFFFF, s21;
	p0 =	por $0x1, $0x1;
	s21 =	simm.s32 $0x0;
	[tilespmem:v0+s20+$0x20 ss:$0x1] =	vst.idx.msk $0xffff, v7;
	v1 =	vld [tilespmem:s18+$0x30]  }
.LBB1_7:
0x5f: {  	p1 =	sne.s32 s22, $0x1;
	v6 =	vld [tilespmem:s18+$0xFFFFFFC0];
	[tilespmem:v0+s20+$0x30 ss:$0x1] =	vst.idx.msk $0xffff, v2  }
0x60: {  	v7 =	vld [tilespmem:s18+$0xFFFFFFD0];
	[tilespmem:v0+s20+$0x40 ss:$0x1] =	vst.idx.msk $0xffff, v3  }
0x61: {  	s21 =	sadd.s32 $0x80, s21;
	v8 =	vld [tilespmem:s18+$0xFFFFFFE0];
	[tilespmem:v0+s20+$0x50 ss:$0x1] =	vst.idx.msk $0xffff, v5  }
.Ltmp6:
0x62: {  	v2 =	vld [tilespmem:s18+$0xFFFFFFF0];
	[tilespmem:v0+s20+$0x60 ss:$0x1] =	vst.idx.msk $0xffff, v4;
	s20 =	sand.u32 $0x3F80, s21;
	(pc) =	sbr.rel @p1 .LBB1_7-.Ltmp6, $4  }
0x63: {  	v3 =	vld [tilespmem:s18+$0x0];
	[tilespmem:v0+s20+$0x70 ss:$0x1] =	vst.idx.msk $0xffff, v1  }
0x64: {  	[tilespmem:v0+s20+$0x0 ss:$0x1] =	vst.idx.msk $0xffff, v6;
	v5 =	vld [tilespmem:s18+$0x10]  }
0x65: {  	[tilespmem:v0+s20+$0x10 ss:$0x1] =	vst.idx.msk $0xffff, v7;
	v4 =	vld [tilespmem:s18+$0x20];
	s18 =	sadd.s32 $0x80, s18  }
0x66: {  	s22 =	sadd.s32 $0xFFFFFFFF, s22;
	v1 =	vld [tilespmem:s18+$0x30];
	[tilespmem:v0+s20+$0x20 ss:$0x1] =	vst.idx.msk $0xffff, v8  }
.Ltmp7:
0x67: {  	_ = 	snop;
	(pc) =	sbr.rel .LBB1_8-.Ltmp7, $1  }
0x68: {  	_ =	sdelay $0x3  }
.LBB1_6:
.Ltmp8:
0x69: {  	(pc) =	sbr.rel .LBB1_8-.Ltmp8, $2  }
0x6a: {  	_ =	sdelay $0x2  }
0x6b: {  	s21 =	simm.s32 $0x0  }
.LBB1_11:
0x6c: {  	_ =	sfence.sel $0x180000  }
0x6d: {  	s2 =	simm.s32 $0x1;
	[bflag:$0x0] =	sbarrier.arrive $0xFFFF  }
0x6e: {  	s31 =	simm.s32 $0x2;
	[sflag:s2] =	ssyncpa.u1 $0x1  }
0x6f: {  	[sflag:s31] =	ssyncpa.u1 $0x1  }
0x70: {  	p0 =	sne.s32 s0, $0x0;
	_ =	strace $0x90000047  }
0x71: {  	s0 =	sadd.s32 @!p0 $0x100000, s1;
	[bflag:$0x2] =	sbarrier.arrive $0xFFFF  }
0x72: {  	[sflag:s0] =	ssyncadd.tile.s32 @!p0 $0x1;
	_ =	shalt  }
.Lfunc_end1:
_tile_overlayer_lowered:
.L_overlay_start_2:
0x73: {  	(tag) =	ssettag $0x2  }
0x74: {  	s0 =	rddreg [dreg:$0x0];
	s2 =	stileid.u32  }
0x75: {  	s1 =	rddreg [dreg:$0x1];
	p0 =	sne.s32 s2, $0x0  }
0x76: {  	s3 =	rddreg [dreg:$0x2];
	[bflag:$0x3] =	sbarrier.arrive $0xFFFF;
	s2 =	simm.s32 @!p0 $0x1C01  }
0x77: {  	[timem:s3], [sflag:s2] =	dma.local @!p0 [hbm:s0], s1  }
0x78: {  	s0 =	simm.s32 @!p0 $0x1  }
0x79: {  	_ =	swait.ge @!p0 [sflag:s0], s1  }
0x7a: {  	s1 =	ssub.s32 @!p0 $0x0, s1;
	[sflag:s0] =	ssyncset.done @!p0 $0x0  }
0x7b: {  	[sflag:s0] =	ssyncadd.s32 @!p0 s1  }
0x7c: {  	[bflag:$0x3] =	sbarrier.arrive $0xFFFF  }
0x7d: {  	_ =	shalt  }

</sc_bundles>
